<compile_context>
chip_gen: v7x
topology: tpu7x:2x2x1
jax: 0.10.2.dev20260603
libtpu: 0.0.44.dev20260713+nightly
codegen_flags: <defaults>
</compile_context>

<pallas_src>
import functools

import jax
import jax.numpy as jnp
from jax import lax
from jax.experimental import pallas as pl
from jax.experimental.pallas import tpu as pltpu
from jax.experimental.pallas import tpu_sc as plsc

_N = 10000
_E = 320000
_D = 128
_H = 64

_NC = 2
_NS = 16
_NW = _NC * _NS

_RPT = 640
_NPAD = _NS * _RPT
_CHUNK = 128
_EPT = 10240
_NCH = _EPT // _CHUNK
_EPAD = _NW * _EPT
_DEGW = 16

_mesh = plsc.VectorSubcoreMesh(
    core_axis_name="c", subcore_axis_name="s", num_cores=_NC, num_subcores=_NS
)


@functools.partial(
    pl.kernel,
    out_type=jax.ShapeDtypeStruct((_NC, _NPAD, 128), jnp.float32),
    mesh=_mesh,
    scratch_types=[
        pltpu.VMEM((_NCH, _CHUNK), jnp.int32),
        pltpu.VMEM((_CHUNK, _DEGW), jnp.float32),
        pltpu.VMEM((_CHUNK, _DEGW), jnp.float32),
        pltpu.VMEM_SHARED((_NPAD, _DEGW), jnp.float32),
    ],
    compiler_params=pltpu.CompilerParams(use_tc_tiling_on_sc=False),
)
def _sc_deg(dst_hbm, out_hbm, dst_v, ones_v, zeros_v, dacc_sh):
    c = lax.axis_index("c")
    s = lax.axis_index("s")
    wid = c * _NS + s
    pltpu.sync_copy(dst_hbm.at[wid], dst_v)

    def fill(i, carry):
        ones_v[i, :] = jnp.full((_DEGW,), 1.0, jnp.float32)
        zeros_v[i, :] = jnp.zeros((_DEGW,), jnp.float32)
        return carry

    lax.fori_loop(0, _CHUNK, fill, 0)
    r0 = s * _RPT
    for k in range(_RPT // _CHUNK):
        pltpu.sync_copy(zeros_v, dacc_sh.at[pl.ds(r0 + k * _CHUNK, _CHUNK)])
    plsc.subcore_barrier()

    def body(j, carry):
        pltpu.sync_copy(ones_v, dacc_sh.at[dst_v.at[j]], add=True)
        return carry

    lax.fori_loop(0, _NCH, body, 0)
    plsc.subcore_barrier()
    pltpu.sync_copy(
        dacc_sh.at[pl.ds(r0, _RPT)],
        out_hbm.at[c].at[pl.ds(r0, _RPT), pl.ds(0, _DEGW)],
    )


_K = 4
_NG = _NCH // _K


@functools.partial(
    pl.kernel,
    out_type=jax.ShapeDtypeStruct((_NC, _NPAD, 128), jnp.float32),
    mesh=_mesh,
    scratch_types=[
        pltpu.VMEM((_NCH, _CHUNK), jnp.int32),
        pltpu.VMEM((_NCH, _CHUNK), jnp.int32),
        pltpu.VMEM((2, _K, _CHUNK, _H), jnp.float32),
        pltpu.VMEM_SHARED((_NPAD, _H), jnp.float32),
        pltpu.SemaphoreType.DMA,
        pltpu.SemaphoreType.DMA,
        pltpu.SemaphoreType.DMA,
        pltpu.SemaphoreType.DMA,
    ],
    compiler_params=pltpu.CompilerParams(use_tc_tiling_on_sc=False),
)
def _sc_agg(
    g_hbm, src_hbm, dst_hbm, out_hbm, src_v, dst_v, bufs, acc_sh,
    gsem_a, gsem_b, ssem_a, ssem_b,
):
    c = lax.axis_index("c")
    s = lax.axis_index("s")
    wid = c * _NS + s
    pltpu.sync_copy(src_hbm.at[wid], src_v)
    pltpu.sync_copy(dst_hbm.at[wid], dst_v)
    r0 = s * _RPT
    pltpu.sync_copy(g_hbm.at[pl.ds(r0, _RPT)], acc_sh.at[pl.ds(r0, _RPT)])
    plsc.subcore_barrier()

    def gathers(h, grp, sem):
        for k in range(_K):
            pltpu.async_copy(g_hbm.at[src_v.at[grp * _K + k]], bufs.at[h, k], sem)

    def wait_gathers(h, grp, sem):
        for k in range(_K):
            pltpu.make_async_copy(
                g_hbm.at[src_v.at[grp * _K + k]], bufs.at[h, k], sem
            ).wait()

    def scatters(h, grp, sem):
        for k in range(_K):
            pltpu.async_copy(
                bufs.at[h, k], acc_sh.at[dst_v.at[grp * _K + k]], sem, add=True
            )

    def wait_scatters(h, grp, sem):
        for k in range(_K):
            pltpu.make_async_copy(
                bufs.at[h, k], acc_sh.at[dst_v.at[grp * _K + k]], sem
            ).wait()

    gathers(0, 0, gsem_a)

    def body(j, carry):
        ga = 2 * j
        gb = 2 * j + 1
        wait_gathers(0, ga, gsem_a)
        scatters(0, ga, ssem_a)

        @pl.when(j > 0)
        def _():
            wait_scatters(1, gb - 2, ssem_b)

        gathers(1, gb, gsem_b)
        wait_gathers(1, gb, gsem_b)
        scatters(1, gb, ssem_b)

        @pl.when(j < _NG // 2 - 1)
        def _():
            wait_scatters(0, ga, ssem_a)
            gathers(0, ga + 2, gsem_a)

        return carry

    lax.fori_loop(0, _NG // 2, body, 0)
    wait_scatters(0, _NG - 2, ssem_a)
    wait_scatters(1, _NG - 1, ssem_b)
    plsc.subcore_barrier()
    pltpu.sync_copy(
        acc_sh.at[pl.ds(r0, _RPT)],
        out_hbm.at[c].at[pl.ds(r0, _RPT), pl.ds(0, _H)],
    )


_BLK = 512
_GRID = _NPAD // _BLK


def _dis_blk(d0, d1, i):
    deg = d0[:, 0:1] + d1[:, 0:1] + 1.0
    rows = i * _BLK + lax.broadcasted_iota(jnp.int32, (_BLK, 1), 0)
    return jnp.where(rows < _N, lax.rsqrt(deg), 0.0)


def _tc_prologue_body(x_ref, w_ref, d0_ref, d1_ref, o_ref):
    i = pl.program_id(0)
    dis = _dis_blk(d0_ref[...], d1_ref[...], i)
    o_ref[...] = dis * jnp.dot(
        x_ref[...], w_ref[...], preferred_element_type=jnp.float32
    )


_tc_prologue = pl.pallas_call(
    _tc_prologue_body,
    out_shape=jax.ShapeDtypeStruct((_NPAD, _H), jnp.float32),
    grid=(_GRID,),
    in_specs=[
        pl.BlockSpec((_BLK, _D), lambda i: (i, 0)),
        pl.BlockSpec((_D, _H), lambda i: (0, 0)),
        pl.BlockSpec((_BLK, 128), lambda i: (i, 0)),
        pl.BlockSpec((_BLK, 128), lambda i: (i, 0)),
    ],
    out_specs=pl.BlockSpec((_BLK, _H), lambda i: (i, 0)),
)


def _tc_fuse_body(a0_ref, a1_ref, g_ref, d0_ref, d1_ref, b_ref, w_ref, o_ref):
    i = pl.program_id(0)
    dis = _dis_blk(d0_ref[...], d1_ref[...], i)
    h = dis * ((a0_ref[...] + a1_ref[...])[:, :_H] - g_ref[...]) + b_ref[...]
    h = jnp.maximum(h, 0.0)
    o_ref[...] = dis * jnp.dot(h, w_ref[...], preferred_element_type=jnp.float32)


_tc_fuse = pl.pallas_call(
    _tc_fuse_body,
    out_shape=jax.ShapeDtypeStruct((_NPAD, _H), jnp.float32),
    grid=(_GRID,),
    in_specs=[
        pl.BlockSpec((_BLK, 128), lambda i: (i, 0)),
        pl.BlockSpec((_BLK, 128), lambda i: (i, 0)),
        pl.BlockSpec((_BLK, _H), lambda i: (i, 0)),
        pl.BlockSpec((_BLK, 128), lambda i: (i, 0)),
        pl.BlockSpec((_BLK, 128), lambda i: (i, 0)),
        pl.BlockSpec((1, _H), lambda i: (0, 0)),
        pl.BlockSpec((_H, _H), lambda i: (0, 0)),
    ],
    out_specs=pl.BlockSpec((_BLK, _H), lambda i: (i, 0)),
)


def _tc_final_body(a0_ref, a1_ref, g_ref, d0_ref, d1_ref, b_ref, w_ref, bo_ref, o_ref):
    i = pl.program_id(0)
    dis = _dis_blk(d0_ref[...], d1_ref[...], i)
    h = dis * ((a0_ref[...] + a1_ref[...])[:, :_H] - g_ref[...]) + b_ref[...]
    o_ref[...] = (
        jnp.dot(h, w_ref[...], preferred_element_type=jnp.float32) + bo_ref[...]
    )


_tc_final = pl.pallas_call(
    _tc_final_body,
    out_shape=jax.ShapeDtypeStruct((_NPAD, _D), jnp.float32),
    grid=(_GRID,),
    in_specs=[
        pl.BlockSpec((_BLK, 128), lambda i: (i, 0)),
        pl.BlockSpec((_BLK, 128), lambda i: (i, 0)),
        pl.BlockSpec((_BLK, _H), lambda i: (i, 0)),
        pl.BlockSpec((_BLK, 128), lambda i: (i, 0)),
        pl.BlockSpec((_BLK, 128), lambda i: (i, 0)),
        pl.BlockSpec((1, _H), lambda i: (0, 0)),
        pl.BlockSpec((_H, _D), lambda i: (0, 0)),
        pl.BlockSpec((1, _D), lambda i: (0, 0)),
    ],
    out_specs=pl.BlockSpec((_BLK, _D), lambda i: (i, 0)),
)


def kernel(x, edge_index, W0, b0, W1, b1, W2, b2, W3, b3, Wout, bout):
    src = edge_index[0].astype(jnp.int32)
    dst = edge_index[1].astype(jnp.int32)
    npad = _EPAD - _E
    srcp = jnp.concatenate([src, jnp.full((npad,), _N, jnp.int32)]).reshape(
        _NW, _NCH, _CHUNK
    )
    dstp = jnp.concatenate([dst, jnp.full((npad,), _N, jnp.int32)]).reshape(
        _NW, _NCH, _CHUNK
    )
    xp = jnp.pad(x, ((0, _NPAD - _N), (0, 0)))

    degp = _sc_deg(dstp)
    d0, d1 = degp[0], degp[1]

    g = _tc_prologue(xp, W0, d0, d1)
    for bb, ww in ((b0, W1), (b1, W2), (b2, W3)):
        acc = _sc_agg(g, srcp, dstp)
        g = _tc_fuse(acc[0], acc[1], g, d0, d1, bb.reshape(1, _H), ww)
    acc = _sc_agg(g, srcp, dstp)
    out = _tc_final(
        acc[0], acc[1], g, d0, d1, b3.reshape(1, _H), Wout, bout.reshape(1, _D)
    )
    return out[:_N]

# --- scband reference (transcript-rebuilt; emitter-appended) ---
"""Pipeline reference for scband-gcn-55972013802295 (READ-ONLY COPY).

The authoritative reference and input builder live on the scoring server;
editing this copy changes nothing except your own understanding.
"""

import jax, jax.numpy as jnp
import numpy as np

N = 10000
E = 320000
D = 128
H = 64


def setup_inputs(seed: int = 0) -> dict:
    key = jax.random.key(seed)
    ks = jax.random.split(key, 12)
    x = jax.random.normal(ks[0], (N, D), dtype=jnp.float32)
    edge_index = jax.random.randint(ks[1], (2, E), 0, N)
    W0 = jax.random.normal(ks[2], (D, H), dtype=jnp.float32) * (1.0 / np.sqrt(D))
    b0 = jnp.zeros((H,), dtype=jnp.float32)
    W1 = jax.random.normal(ks[3], (H, H), dtype=jnp.float32) * (1.0 / np.sqrt(H))
    b1 = jnp.zeros((H,), dtype=jnp.float32)
    W2 = jax.random.normal(ks[4], (H, H), dtype=jnp.float32) * (1.0 / np.sqrt(H))
    b2 = jnp.zeros((H,), dtype=jnp.float32)
    W3 = jax.random.normal(ks[5], (H, H), dtype=jnp.float32) * (1.0 / np.sqrt(H))
    b3 = jnp.zeros((H,), dtype=jnp.float32)
    Wout = jax.random.normal(ks[6], (H, D), dtype=jnp.float32) * (1.0 / np.sqrt(H))
    bout = jnp.zeros((D,), dtype=jnp.float32)
    return {"x": x, "edge_index": edge_index, "W0": W0, "b0": b0, "W1": W1, "b1": b1,
            "W2": W2, "b2": b2, "W3": W3, "b3": b3, "Wout": Wout, "bout": bout}


def gcn_conv(x, src, dst, W, b):
    # PyG-style GCNConv: add self-loops, symmetric normalization, aggregate at dst
    h = x @ W
    loop = jnp.arange(N)
    s = jnp.concatenate([src, loop])
    d = jnp.concatenate([dst, loop])
    ew = jnp.ones(s.shape[0], dtype=x.dtype)
    deg = jnp.zeros((N,), dtype=x.dtype).at[d].add(ew)
    dis = jnp.where(deg > 0, deg ** -0.5, 0.0)
    norm = dis[s] * ew * dis[d]
    msg = h[s] * norm[:, None]
    out = jnp.zeros((N, W.shape[1]), dtype=x.dtype).at[d].add(msg)
    return out + b


def reference(x, edge_index, W0, b0, W1, b1, W2, b2, W3, b3, Wout, bout):
    src = edge_index[0]
    dst = edge_index[1]
    h = jax.nn.relu(gcn_conv(x, src, dst, W0, b0))
    h = jax.nn.relu(gcn_conv(h, src, dst, W1, b1))
    h = jax.nn.relu(gcn_conv(h, src, dst, W2, b2))
    h = gcn_conv(h, src, dst, W3, b3)
    return h @ Wout + bout

if __name__ == "__main__":
    import jax
    _d = setup_inputs()
    print(jax.jit(kernel)(*tuple(_d.values())))

</pallas_src>

<mosaic_0001>
#map = affine_map<(d0, d1) -> (0, 0)>
#map1 = affine_map<(d0, d1) -> (0, 0, 0)>
module attributes {stable_mosaic.version = 14 : i64} {
  func.func @_sc_agg(%arg0: i32, %arg1: i32, %arg2: memref<10240x64xf32, #tpu.memory_space<hbm>>, %arg3: memref<32x80x128xi32, #tpu.memory_space<hbm>>, %arg4: memref<32x80x128xi32, #tpu.memory_space<hbm>>, %arg5: memref<2x10240x128xf32, #tpu.memory_space<hbm>>, %arg6: memref<80x128xi32, #tpu.memory_space<vmem>>, %arg7: memref<80x128xi32, #tpu.memory_space<vmem>>, %arg8: memref<2x4x128x64xf32, #tpu.memory_space<vmem>>, %arg9: memref<10240x64xf32, #tpu.memory_space<vmem_shared>>, %arg10: memref<!tpu.dma_semaphore, #tpu.memory_space<semaphore_mem>>, %arg11: memref<!tpu.dma_semaphore, #tpu.memory_space<semaphore_mem>>, %arg12: memref<!tpu.dma_semaphore, #tpu.memory_space<semaphore_mem>>, %arg13: memref<!tpu.dma_semaphore, #tpu.memory_space<semaphore_mem>>) attributes {dimension_semantics = [#tpu.dimension_semantics<core_parallel>, #tpu.dimension_semantics<subcore_parallel>], iteration_bounds = array<i64: 2, 16>, scalar_prefetch = 0 : i64, scratch_operands = 8 : i64, tpu.core_type = #tpu.core_type<sc_vector_subcore>, window_params = [{transform_indices = #map}, {transform_indices = #map1}, {transform_indices = #map1}, {transform_indices = #map1}]} {
    %mul3A = arith.constant 16 : i32
    %mul3A_0 = arith.muli %arg0, %mul3A : i32
    %add3A = arith.addi %mul3A_0, %arg1 : i32
    "tpu.region"() ({
      %run_scoped3A = tpu.sem_alloc : memref<!tpu.dma_semaphore, #tpu.memory_space<semaphore_mem>>
      %dma_start3A_163 = arith.constant 0 : i32
      %dma_start3A_164 = arith.constant 0 : i32
      %dma_start3A_165 = tpu.memref_slice %arg3[%add3A, %dma_start3A_163, %dma_start3A_164] : memref<32x80x128xi32, #tpu.memory_space<hbm>> -> memref<1x80x128xi32, #tpu.memory_space<hbm>>
      %dma_start3A_166 = tpu.memref_squeeze %dma_start3A_165 : memref<1x80x128xi32, #tpu.memory_space<hbm>> -> memref<80x128xi32, #tpu.memory_space<hbm>>
      %dma_start3A_167 = arith.constant 0 : i32
      %dma_start3A_168 = arith.constant 0 : i32
      %dma_start3A_169 = tpu.memref_slice %arg3[%add3A, %dma_start3A_167, %dma_start3A_168] : memref<32x80x128xi32, #tpu.memory_space<hbm>> -> memref<1x80x128xi32, #tpu.memory_space<hbm>>
      %dma_start3A_170 = tpu.memref_squeeze %dma_start3A_169 : memref<1x80x128xi32, #tpu.memory_space<hbm>> -> memref<80x128xi32, #tpu.memory_space<hbm>>
      tpu.enqueue_dma source(%dma_start3A_170 : memref<80x128xi32, #tpu.memory_space<hbm>>) target(%arg6 : memref<80x128xi32, #tpu.memory_space<vmem>>) target_semaphore(%run_scoped3A : memref<!tpu.dma_semaphore, #tpu.memory_space<semaphore_mem>>)
      %dma_wait3A_171 = arith.constant 0 : i32
      %dma_wait3A_172 = arith.constant 0 : i32
      %dma_wait3A_173 = tpu.memref_slice %arg3[%add3A, %dma_wait3A_171, %dma_wait3A_172] : memref<32x80x128xi32, #tpu.memory_space<hbm>> -> memref<1x80x128xi32, #tpu.memory_space<hbm>>
      %dma_wait3A_174 = tpu.memref_squeeze %dma_wait3A_173 : memref<1x80x128xi32, #tpu.memory_space<hbm>> -> memref<80x128xi32, #tpu.memory_space<hbm>>
      %dma_wait3A_175 = arith.constant 0 : i32
      %dma_wait3A_176 = arith.constant 0 : i32
      %dma_wait3A_177 = tpu.memref_slice %arg3[%add3A, %dma_wait3A_175, %dma_wait3A_176] : memref<32x80x128xi32, #tpu.memory_space<hbm>> -> memref<1x80x128xi32, #tpu.memory_space<hbm>>
      %dma_wait3A_178 = tpu.memref_squeeze %dma_wait3A_177 : memref<1x80x128xi32, #tpu.memory_space<hbm>> -> memref<80x128xi32, #tpu.memory_space<hbm>>
      tpu.wait_dma2 semaphore(%run_scoped3A : memref<!tpu.dma_semaphore, #tpu.memory_space<semaphore_mem>>) src(%dma_wait3A_178 : memref<80x128xi32, #tpu.memory_space<hbm>>) dst(%arg6 : memref<80x128xi32, #tpu.memory_space<vmem>>)
      tpu.yield
    }) : () -> ()
    "tpu.region"() ({
      %run_scoped3A = tpu.sem_alloc : memref<!tpu.dma_semaphore, #tpu.memory_space<semaphore_mem>>
      %dma_start3A_163 = arith.constant 0 : i32
      %dma_start3A_164 = arith.constant 0 : i32
      %dma_start3A_165 = tpu.memref_slice %arg4[%add3A, %dma_start3A_163, %dma_start3A_164] : memref<32x80x128xi32, #tpu.memory_space<hbm>> -> memref<1x80x128xi32, #tpu.memory_space<hbm>>
      %dma_start3A_166 = tpu.memref_squeeze %dma_start3A_165 : memref<1x80x128xi32, #tpu.memory_space<hbm>> -> memref<80x128xi32, #tpu.memory_space<hbm>>
      %dma_start3A_167 = arith.constant 0 : i32
      %dma_start3A_168 = arith.constant 0 : i32
      %dma_start3A_169 = tpu.memref_slice %arg4[%add3A, %dma_start3A_167, %dma_start3A_168] : memref<32x80x128xi32, #tpu.memory_space<hbm>> -> memref<1x80x128xi32, #tpu.memory_space<hbm>>
      %dma_start3A_170 = tpu.memref_squeeze %dma_start3A_169 : memref<1x80x128xi32, #tpu.memory_space<hbm>> -> memref<80x128xi32, #tpu.memory_space<hbm>>
      tpu.enqueue_dma source(%dma_start3A_170 : memref<80x128xi32, #tpu.memory_space<hbm>>) target(%arg7 : memref<80x128xi32, #tpu.memory_space<vmem>>) target_semaphore(%run_scoped3A : memref<!tpu.dma_semaphore, #tpu.memory_space<semaphore_mem>>)
      %dma_wait3A_171 = arith.constant 0 : i32
      %dma_wait3A_172 = arith.constant 0 : i32
      %dma_wait3A_173 = tpu.memref_slice %arg4[%add3A, %dma_wait3A_171, %dma_wait3A_172] : memref<32x80x128xi32, #tpu.memory_space<hbm>> -> memref<1x80x128xi32, #tpu.memory_space<hbm>>
      %dma_wait3A_174 = tpu.memref_squeeze %dma_wait3A_173 : memref<1x80x128xi32, #tpu.memory_space<hbm>> -> memref<80x128xi32, #tpu.memory_space<hbm>>
      %dma_wait3A_175 = arith.constant 0 : i32
      %dma_wait3A_176 = arith.constant 0 : i32
      %dma_wait3A_177 = tpu.memref_slice %arg4[%add3A, %dma_wait3A_175, %dma_wait3A_176] : memref<32x80x128xi32, #tpu.memory_space<hbm>> -> memref<1x80x128xi32, #tpu.memory_space<hbm>>
      %dma_wait3A_178 = tpu.memref_squeeze %dma_wait3A_177 : memref<1x80x128xi32, #tpu.memory_space<hbm>> -> memref<80x128xi32, #tpu.memory_space<hbm>>
      tpu.wait_dma2 semaphore(%run_scoped3A : memref<!tpu.dma_semaphore, #tpu.memory_space<semaphore_mem>>) src(%dma_wait3A_178 : memref<80x128xi32, #tpu.memory_space<hbm>>) dst(%arg7 : memref<80x128xi32, #tpu.memory_space<vmem>>)
      tpu.yield
    }) : () -> ()
    %mul3A_1 = arith.constant 640 : i32
    %mul3A_2 = arith.muli %arg1, %mul3A_1 : i32
    "tpu.region"() ({
      %run_scoped3A = tpu.sem_alloc : memref<!tpu.dma_semaphore, #tpu.memory_space<semaphore_mem>>
      %dma_start3A_163 = arith.constant 0 : i32
      %dma_start3A_164 = tpu.memref_slice %arg9[%mul3A_2, %dma_start3A_163] : memref<10240x64xf32, #tpu.memory_space<vmem_shared>> -> memref<640x64xf32, #tpu.memory_space<vmem_shared>>
      %dma_start3A_165 = arith.constant 0 : i32
      %dma_start3A_166 = tpu.memref_slice %arg2[%mul3A_2, %dma_start3A_165] : memref<10240x64xf32, #tpu.memory_space<hbm>> -> memref<640x64xf32, #tpu.memory_space<hbm>>
      tpu.enqueue_dma source(%dma_start3A_166 : memref<640x64xf32, #tpu.memory_space<hbm>>) target(%dma_start3A_164 : memref<640x64xf32, #tpu.memory_space<vmem_shared>>) target_semaphore(%run_scoped3A : memref<!tpu.dma_semaphore, #tpu.memory_space<semaphore_mem>>)
      %dma_wait3A_167 = arith.constant 0 : i32
      %dma_wait3A_168 = tpu.memref_slice %arg9[%mul3A_2, %dma_wait3A_167] : memref<10240x64xf32, #tpu.memory_space<vmem_shared>> -> memref<640x64xf32, #tpu.memory_space<vmem_shared>>
      %dma_wait3A_169 = arith.constant 0 : i32
      %dma_wait3A_170 = tpu.memref_slice %arg2[%mul3A_2, %dma_wait3A_169] : memref<10240x64xf32, #tpu.memory_space<hbm>> -> memref<640x64xf32, #tpu.memory_space<hbm>>
      tpu.wait_dma2 semaphore(%run_scoped3A : memref<!tpu.dma_semaphore, #tpu.memory_space<semaphore_mem>>) src(%dma_wait3A_170 : memref<640x64xf32, #tpu.memory_space<hbm>>) dst(%dma_wait3A_168 : memref<640x64xf32, #tpu.memory_space<vmem_shared>>)
      tpu.yield
    }) : () -> ()
    %barrier3A = arith.constant 0 : index
    tpu.barrier barrier_id(%barrier3A)
    %dma_start3A = arith.constant 0 : i32
    %dma_start3A_3 = arith.constant 0 : i32
    %dma_start3A_4 = arith.constant 0 : i32
    %dma_start3A_5 = arith.constant 0 : i32
    %dma_start3A_6 = arith.constant 0 : i32
    %dma_start3A_7 = tpu.memref_slice %arg8[%dma_start3A_3, %dma_start3A_4, %dma_start3A_5, %dma_start3A_6] : memref<2x4x128x64xf32, #tpu.memory_space<vmem>> -> memref<1x1x128x64xf32, #tpu.memory_space<vmem>>
    %dma_start3A_8 = tpu.memref_squeeze %dma_start3A_7 : memref<1x1x128x64xf32, #tpu.memory_space<vmem>> -> memref<128x64xf32, #tpu.memory_space<vmem>>
    %dma_start3A_9 = arith.constant 0 : i32
    %dma_start3A_10 = tpu.memref_slice %arg6[%dma_start3A, %dma_start3A_9] : memref<80x128xi32, #tpu.memory_space<vmem>> -> memref<1x128xi32, #tpu.memory_space<vmem>>
    %dma_start3A_11 = tpu.memref_squeeze %dma_start3A_10 : memref<1x128xi32, #tpu.memory_space<vmem>> -> memref<128xi32, #tpu.memory_space<vmem>>
    %dma_start3A_12 = arith.constant 0 : i32
    %dma_start3A_13 = arith.constant 0 : i32
    %dma_start3A_14 = tpu.memref_slice %arg2[%dma_start3A_12, %dma_start3A_13] : memref<10240x64xf32, #tpu.memory_space<hbm>> -> memref<10240x64xf32, #tpu.memory_space<hbm>>
    tpu.enqueue_indirect_dma source(%dma_start3A_14 : memref<10240x64xf32, #tpu.memory_space<hbm>>) target(%dma_start3A_8 : memref<128x64xf32, #tpu.memory_space<vmem>>) offsets(%dma_start3A_11 : memref<128xi32, #tpu.memory_space<vmem>>) semaphore(%arg10 : memref<!tpu.dma_semaphore, #tpu.memory_space<semaphore_mem>>)
    %dma_start3A_15 = arith.constant 1 : i32
    %dma_start3A_16 = arith.constant 0 : i32
    %dma_start3A_17 = arith.constant 1 : i32
    %dma_start3A_18 = arith.constant 0 : i32
    %dma_start3A_19 = arith.constant 0 : i32
    %dma_start3A_20 = tpu.memref_slice %arg8[%dma_start3A_16, %dma_start3A_17, %dma_start3A_18, %dma_start3A_19] : memref<2x4x128x64xf32, #tpu.memory_space<vmem>> -> memref<1x1x128x64xf32, #tpu.memory_space<vmem>>
    %dma_start3A_21 = tpu.memref_squeeze %dma_start3A_20 : memref<1x1x128x64xf32, #tpu.memory_space<vmem>> -> memref<128x64xf32, #tpu.memory_space<vmem>>
    %dma_start3A_22 = arith.constant 0 : i32
    %dma_start3A_23 = tpu.memref_slice %arg6[%dma_start3A_15, %dma_start3A_22] : memref<80x128xi32, #tpu.memory_space<vmem>> -> memref<1x128xi32, #tpu.memory_space<vmem>>
    %dma_start3A_24 = tpu.memref_squeeze %dma_start3A_23 : memref<1x128xi32, #tpu.memory_space<vmem>> -> memref<128xi32, #tpu.memory_space<vmem>>
    %dma_start3A_25 = arith.constant 0 : i32
    %dma_start3A_26 = arith.constant 0 : i32
    %dma_start3A_27 = tpu.memref_slice %arg2[%dma_start3A_25, %dma_start3A_26] : memref<10240x64xf32, #tpu.memory_space<hbm>> -> memref<10240x64xf32, #tpu.memory_space<hbm>>
    tpu.enqueue_indirect_dma source(%dma_start3A_27 : memref<10240x64xf32, #tpu.memory_space<hbm>>) target(%dma_start3A_21 : memref<128x64xf32, #tpu.memory_space<vmem>>) offsets(%dma_start3A_24 : memref<128xi32, #tpu.memory_space<vmem>>) semaphore(%arg10 : memref<!tpu.dma_semaphore, #tpu.memory_space<semaphore_mem>>)
    %dma_start3A_28 = arith.constant 2 : i32
    %dma_start3A_29 = arith.constant 0 : i32
    %dma_start3A_30 = arith.constant 2 : i32
    %dma_start3A_31 = arith.constant 0 : i32
    %dma_start3A_32 = arith.constant 0 : i32
    %dma_start3A_33 = tpu.memref_slice %arg8[%dma_start3A_29, %dma_start3A_30, %dma_start3A_31, %dma_start3A_32] : memref<2x4x128x64xf32, #tpu.memory_space<vmem>> -> memref<1x1x128x64xf32, #tpu.memory_space<vmem>>
    %dma_start3A_34 = tpu.memref_squeeze %dma_start3A_33 : memref<1x1x128x64xf32, #tpu.memory_space<vmem>> -> memref<128x64xf32, #tpu.memory_space<vmem>>
    %dma_start3A_35 = arith.constant 0 : i32
    %dma_start3A_36 = tpu.memref_slice %arg6[%dma_start3A_28, %dma_start3A_35] : memref<80x128xi32, #tpu.memory_space<vmem>> -> memref<1x128xi32, #tpu.memory_space<vmem>>
    %dma_start3A_37 = tpu.memref_squeeze %dma_start3A_36 : memref<1x128xi32, #tpu.memory_space<vmem>> -> memref<128xi32, #tpu.memory_space<vmem>>
    %dma_start3A_38 = arith.constant 0 : i32
    %dma_start3A_39 = arith.constant 0 : i32
    %dma_start3A_40 = tpu.memref_slice %arg2[%dma_start3A_38, %dma_start3A_39] : memref<10240x64xf32, #tpu.memory_space<hbm>> -> memref<10240x64xf32, #tpu.memory_space<hbm>>
    tpu.enqueue_indirect_dma source(%dma_start3A_40 : memref<10240x64xf32, #tpu.memory_space<hbm>>) target(%dma_start3A_34 : memref<128x64xf32, #tpu.memory_space<vmem>>) offsets(%dma_start3A_37 : memref<128xi32, #tpu.memory_space<vmem>>) semaphore(%arg10 : memref<!tpu.dma_semaphore, #tpu.memory_space<semaphore_mem>>)
    %dma_start3A_41 = arith.constant 3 : i32
    %dma_start3A_42 = arith.constant 0 : i32
    %dma_start3A_43 = arith.constant 3 : i32
    %dma_start3A_44 = arith.constant 0 : i32
    %dma_start3A_45 = arith.constant 0 : i32
    %dma_start3A_46 = tpu.memref_slice %arg8[%dma_start3A_42, %dma_start3A_43, %dma_start3A_44, %dma_start3A_45] : memref<2x4x128x64xf32, #tpu.memory_space<vmem>> -> memref<1x1x128x64xf32, #tpu.memory_space<vmem>>
    %dma_start3A_47 = tpu.memref_squeeze %dma_start3A_46 : memref<1x1x128x64xf32, #tpu.memory_space<vmem>> -> memref<128x64xf32, #tpu.memory_space<vmem>>
    %dma_start3A_48 = arith.constant 0 : i32
    %dma_start3A_49 = tpu.memref_slice %arg6[%dma_start3A_41, %dma_start3A_48] : memref<80x128xi32, #tpu.memory_space<vmem>> -> memref<1x128xi32, #tpu.memory_space<vmem>>
    %dma_start3A_50 = tpu.memref_squeeze %dma_start3A_49 : memref<1x128xi32, #tpu.memory_space<vmem>> -> memref<128xi32, #tpu.memory_space<vmem>>
    %dma_start3A_51 = arith.constant 0 : i32
    %dma_start3A_52 = arith.constant 0 : i32
    %dma_start3A_53 = tpu.memref_slice %arg2[%dma_start3A_51, %dma_start3A_52] : memref<10240x64xf32, #tpu.memory_space<hbm>> -> memref<10240x64xf32, #tpu.memory_space<hbm>>
    tpu.enqueue_indirect_dma source(%dma_start3A_53 : memref<10240x64xf32, #tpu.memory_space<hbm>>) target(%dma_start3A_47 : memref<128x64xf32, #tpu.memory_space<vmem>>) offsets(%dma_start3A_50 : memref<128xi32, #tpu.memory_space<vmem>>) semaphore(%arg10 : memref<!tpu.dma_semaphore, #tpu.memory_space<semaphore_mem>>)
    %scan3A = arith.constant 0 : i32
    %scan3A_54 = arith.constant 0 : i32
    %scan3A_55 = arith.constant 10 : i32
    %scan3A_56 = arith.addi %scan3A_54, %scan3A_55 : i32
    %scan3A_57 = arith.constant 1 : i32
    scf.for %scan3A_163 = %scan3A_54 to %scan3A_56 step %scan3A_57  : i32 {
      %mul3A_164 = arith.constant 2 : i32
      %mul3A_165 = arith.muli %mul3A_164, %scan3A_163 : i32
      %mul3A_166 = arith.constant 2 : i32
      %mul3A_167 = arith.muli %mul3A_166, %scan3A_163 : i32
      %add3A_168 = arith.constant 1 : i32
      %add3A_169 = arith.addi %mul3A_167, %add3A_168 : i32
      %mul3A_170 = arith.constant 4 : i32
      %mul3A_171 = arith.muli %mul3A_165, %mul3A_170 : i32
      %add3A_172 = arith.constant 0 : i32
      %add3A_173 = arith.addi %mul3A_171, %add3A_172 : i32
      %dma_wait3A_174 = arith.constant 0 : i32
      %dma_wait3A_175 = arith.constant 0 : i32
      %dma_wait3A_176 = arith.constant 0 : i32
      %dma_wait3A_177 = arith.constant 0 : i32
      %dma_wait3A_178 = tpu.memref_slice %arg8[%dma_wait3A_174, %dma_wait3A_175, %dma_wait3A_176, %dma_wait3A_177] : memref<2x4x128x64xf32, #tpu.memory_space<vmem>> -> memref<1x1x128x64xf32, #tpu.memory_space<vmem>>
      %dma_wait3A_179 = tpu.memref_squeeze %dma_wait3A_178 : memref<1x1x128x64xf32, #tpu.memory_space<vmem>> -> memref<128x64xf32, #tpu.memory_space<vmem>>
      %dma_wait3A_180 = arith.constant 0 : i32
      %dma_wait3A_181 = tpu.memref_slice %arg6[%add3A_173, %dma_wait3A_180] : memref<80x128xi32, #tpu.memory_space<vmem>> -> memref<1x128xi32, #tpu.memory_space<vmem>>
      %dma_wait3A_182 = tpu.memref_squeeze %dma_wait3A_181 : memref<1x128xi32, #tpu.memory_space<vmem>> -> memref<128xi32, #tpu.memory_space<vmem>>
      %dma_wait3A_183 = arith.constant 0 : i32
      %dma_wait3A_184 = arith.constant 0 : i32
      %dma_wait3A_185 = tpu.memref_slice %arg2[%dma_wait3A_183, %dma_wait3A_184] : memref<10240x64xf32, #tpu.memory_space<hbm>> -> memref<10240x64xf32, #tpu.memory_space<hbm>>
      tpu.wait_indirect_dma semaphore(%arg10 : memref<!tpu.dma_semaphore, #tpu.memory_space<semaphore_mem>>) src(%dma_wait3A_185 : memref<10240x64xf32, #tpu.memory_space<hbm>>) dst(%dma_wait3A_179 : memref<128x64xf32, #tpu.memory_space<vmem>>)
      %mul3A_186 = arith.constant 4 : i32
      %mul3A_187 = arith.muli %mul3A_165, %mul3A_186 : i32
      %add3A_188 = arith.constant 1 : i32
      %add3A_189 = arith.addi %mul3A_187, %add3A_188 : i32
      %dma_wait3A_190 = arith.constant 0 : i32
      %dma_wait3A_191 = arith.constant 1 : i32
      %dma_wait3A_192 = arith.constant 0 : i32
      %dma_wait3A_193 = arith.constant 0 : i32
      %dma_wait3A_194 = tpu.memref_slice %arg8[%dma_wait3A_190, %dma_wait3A_191, %dma_wait3A_192, %dma_wait3A_193] : memref<2x4x128x64xf32, #tpu.memory_space<vmem>> -> memref<1x1x128x64xf32, #tpu.memory_space<vmem>>
      %dma_wait3A_195 = tpu.memref_squeeze %dma_wait3A_194 : memref<1x1x128x64xf32, #tpu.memory_space<vmem>> -> memref<128x64xf32, #tpu.memory_space<vmem>>
      %dma_wait3A_196 = arith.constant 0 : i32
      %dma_wait3A_197 = tpu.memref_slice %arg6[%add3A_189, %dma_wait3A_196] : memref<80x128xi32, #tpu.memory_space<vmem>> -> memref<1x128xi32, #tpu.memory_space<vmem>>
      %dma_wait3A_198 = tpu.memref_squeeze %dma_wait3A_197 : memref<1x128xi32, #tpu.memory_space<vmem>> -> memref<128xi32, #tpu.memory_space<vmem>>
      %dma_wait3A_199 = arith.constant 0 : i32
      %dma_wait3A_200 = arith.constant 0 : i32
      %dma_wait3A_201 = tpu.memref_slice %arg2[%dma_wait3A_199, %dma_wait3A_200] : memref<10240x64xf32, #tpu.memory_space<hbm>> -> memref<10240x64xf32, #tpu.memory_space<hbm>>
      tpu.wait_indirect_dma semaphore(%arg10 : memref<!tpu.dma_semaphore, #tpu.memory_space<semaphore_mem>>) src(%dma_wait3A_201 : memref<10240x64xf32, #tpu.memory_space<hbm>>) dst(%dma_wait3A_195 : memref<128x64xf32, #tpu.memory_space<vmem>>)
      %mul3A_202 = arith.constant 4 : i32
      %mul3A_203 = arith.muli %mul3A_165, %mul3A_202 : i32
      %add3A_204 = arith.constant 2 : i32
      %add3A_205 = arith.addi %mul3A_203, %add3A_204 : i32
      %dma_wait3A_206 = arith.constant 0 : i32
      %dma_wait3A_207 = arith.constant 2 : i32
      %dma_wait3A_208 = arith.constant 0 : i32
      %dma_wait3A_209 = arith.constant 0 : i32
      %dma_wait3A_210 = tpu.memref_slice %arg8[%dma_wait3A_206, %dma_wait3A_207, %dma_wait3A_208, %dma_wait3A_209] : memref<2x4x128x64xf32, #tpu.memory_space<vmem>> -> memref<1x1x128x64xf32, #tpu.memory_space<vmem>>
      %dma_wait3A_211 = tpu.memref_squeeze %dma_wait3A_210 : memref<1x1x128x64xf32, #tpu.memory_space<vmem>> -> memref<128x64xf32, #tpu.memory_space<vmem>>
      %dma_wait3A_212 = arith.constant 0 : i32
      %dma_wait3A_213 = tpu.memref_slice %arg6[%add3A_205, %dma_wait3A_212] : memref<80x128xi32, #tpu.memory_space<vmem>> -> memref<1x128xi32, #tpu.memory_space<vmem>>
      %dma_wait3A_214 = tpu.memref_squeeze %dma_wait3A_213 : memref<1x128xi32, #tpu.memory_space<vmem>> -> memref<128xi32, #tpu.memory_space<vmem>>
      %dma_wait3A_215 = arith.constant 0 : i32
      %dma_wait3A_216 = arith.constant 0 : i32
      %dma_wait3A_217 = tpu.memref_slice %arg2[%dma_wait3A_215, %dma_wait3A_216] : memref<10240x64xf32, #tpu.memory_space<hbm>> -> memref<10240x64xf32, #tpu.memory_space<hbm>>
      tpu.wait_indirect_dma semaphore(%arg10 : memref<!tpu.dma_semaphore, #tpu.memory_space<semaphore_mem>>) src(%dma_wait3A_217 : memref<10240x64xf32, #tpu.memory_space<hbm>>) dst(%dma_wait3A_211 : memref<128x64xf32, #tpu.memory_space<vmem>>)
      %mul3A_218 = arith.constant 4 : i32
      %mul3A_219 = arith.muli %mul3A_165, %mul3A_218 : i32
      %add3A_220 = arith.constant 3 : i32
      %add3A_221 = arith.addi %mul3A_219, %add3A_220 : i32
      %dma_wait3A_222 = arith.constant 0 : i32
      %dma_wait3A_223 = arith.constant 3 : i32
      %dma_wait3A_224 = arith.constant 0 : i32
      %dma_wait3A_225 = arith.constant 0 : i32
      %dma_wait3A_226 = tpu.memref_slice %arg8[%dma_wait3A_222, %dma_wait3A_223, %dma_wait3A_224, %dma_wait3A_225] : memref<2x4x128x64xf32, #tpu.memory_space<vmem>> -> memref<1x1x128x64xf32, #tpu.memory_space<vmem>>
      %dma_wait3A_227 = tpu.memref_squeeze %dma_wait3A_226 : memref<1x1x128x64xf32, #tpu.memory_space<vmem>> -> memref<128x64xf32, #tpu.memory_space<vmem>>
      %dma_wait3A_228 = arith.constant 0 : i32
      %dma_wait3A_229 = tpu.memref_slice %arg6[%add3A_221, %dma_wait3A_228] : memref<80x128xi32, #tpu.memory_space<vmem>> -> memref<1x128xi32, #tpu.memory_space<vmem>>
      %dma_wait3A_230 = tpu.memref_squeeze %dma_wait3A_229 : memref<1x128xi32, #tpu.memory_space<vmem>> -> memref<128xi32, #tpu.memory_space<vmem>>
      %dma_wait3A_231 = arith.constant 0 : i32
      %dma_wait3A_232 = arith.constant 0 : i32
      %dma_wait3A_233 = tpu.memref_slice %arg2[%dma_wait3A_231, %dma_wait3A_232] : memref<10240x64xf32, #tpu.memory_space<hbm>> -> memref<10240x64xf32, #tpu.memory_space<hbm>>
      tpu.wait_indirect_dma semaphore(%arg10 : memref<!tpu.dma_semaphore, #tpu.memory_space<semaphore_mem>>) src(%dma_wait3A_233 : memref<10240x64xf32, #tpu.memory_space<hbm>>) dst(%dma_wait3A_227 : memref<128x64xf32, #tpu.memory_space<vmem>>)
      %mul3A_234 = arith.constant 4 : i32
      %mul3A_235 = arith.muli %mul3A_165, %mul3A_234 : i32
      %add3A_236 = arith.constant 0 : i32
      %add3A_237 = arith.addi %mul3A_235, %add3A_236 : i32
      %dma_start3A_238 = arith.constant 0 : i32
      %dma_start3A_239 = arith.constant 0 : i32
      %dma_start3A_240 = arith.constant 0 : i32
      %dma_start3A_241 = arith.constant 0 : i32
      %dma_start3A_242 = tpu.memref_slice %arg8[%dma_start3A_238, %dma_start3A_239, %dma_start3A_240, %dma_start3A_241] : memref<2x4x128x64xf32, #tpu.memory_space<vmem>> -> memref<1x1x128x64xf32, #tpu.memory_space<vmem>>
      %dma_start3A_243 = tpu.memref_squeeze %dma_start3A_242 : memref<1x1x128x64xf32, #tpu.memory_space<vmem>> -> memref<128x64xf32, #tpu.memory_space<vmem>>
      %dma_start3A_244 = arith.constant 0 : i32
      %dma_start3A_245 = tpu.memref_slice %arg7[%add3A_237, %dma_start3A_244] : memref<80x128xi32, #tpu.memory_space<vmem>> -> memref<1x128xi32, #tpu.memory_space<vmem>>
      %dma_start3A_246 = tpu.memref_squeeze %dma_start3A_245 : memref<1x128xi32, #tpu.memory_space<vmem>> -> memref<128xi32, #tpu.memory_space<vmem>>
      %dma_start3A_247 = arith.constant 0 : i32
      %dma_start3A_248 = arith.constant 0 : i32
      %dma_start3A_249 = tpu.memref_slice %arg9[%dma_start3A_247, %dma_start3A_248] : memref<10240x64xf32, #tpu.memory_space<vmem_shared>> -> memref<10240x64xf32, #tpu.memory_space<vmem_shared>>
      tpu.enqueue_indirect_dma source(%dma_start3A_243 : memref<128x64xf32, #tpu.memory_space<vmem>>) target(%dma_start3A_249 : memref<10240x64xf32, #tpu.memory_space<vmem_shared>>) offsets(%dma_start3A_246 : memref<128xi32, #tpu.memory_space<vmem>>) semaphore(%arg12 : memref<!tpu.dma_semaphore, #tpu.memory_space<semaphore_mem>>) {add = true}
      %mul3A_250 = arith.constant 4 : i32
      %mul3A_251 = arith.muli %mul3A_165, %mul3A_250 : i32
      %add3A_252 = arith.constant 1 : i32
      %add3A_253 = arith.addi %mul3A_251, %add3A_252 : i32
      %dma_start3A_254 = arith.constant 0 : i32
      %dma_start3A_255 = arith.constant 1 : i32
      %dma_start3A_256 = arith.constant 0 : i32
      %dma_start3A_257 = arith.constant 0 : i32
      %dma_start3A_258 = tpu.memref_slice %arg8[%dma_start3A_254, %dma_start3A_255, %dma_start3A_256, %dma_start3A_257] : memref<2x4x128x64xf32, #tpu.memory_space<vmem>> -> memref<1x1x128x64xf32, #tpu.memory_space<vmem>>
      %dma_start3A_259 = tpu.memref_squeeze %dma_start3A_258 : memref<1x1x128x64xf32, #tpu.memory_space<vmem>> -> memref<128x64xf32, #tpu.memory_space<vmem>>
      %dma_start3A_260 = arith.constant 0 : i32
      %dma_start3A_261 = tpu.memref_slice %arg7[%add3A_253, %dma_start3A_260] : memref<80x128xi32, #tpu.memory_space<vmem>> -> memref<1x128xi32, #tpu.memory_space<vmem>>
      %dma_start3A_262 = tpu.memref_squeeze %dma_start3A_261 : memref<1x128xi32, #tpu.memory_space<vmem>> -> memref<128xi32, #tpu.memory_space<vmem>>
      %dma_start3A_263 = arith.constant 0 : i32
      %dma_start3A_264 = arith.constant 0 : i32
      %dma_start3A_265 = tpu.memref_slice %arg9[%dma_start3A_263, %dma_start3A_264] : memref<10240x64xf32, #tpu.memory_space<vmem_shared>> -> memref<10240x64xf32, #tpu.memory_space<vmem_shared>>
      tpu.enqueue_indirect_dma source(%dma_start3A_259 : memref<128x64xf32, #tpu.memory_space<vmem>>) target(%dma_start3A_265 : memref<10240x64xf32, #tpu.memory_space<vmem_shared>>) offsets(%dma_start3A_262 : memref<128xi32, #tpu.memory_space<vmem>>) semaphore(%arg12 : memref<!tpu.dma_semaphore, #tpu.memory_space<semaphore_mem>>) {add = true}
      %mul3A_266 = arith.constant 4 : i32
      %mul3A_267 = arith.muli %mul3A_165, %mul3A_266 : i32
      %add3A_268 = arith.constant 2 : i32
      %add3A_269 = arith.addi %mul3A_267, %add3A_268 : i32
      %dma_start3A_270 = arith.constant 0 : i32
      %dma_start3A_271 = arith.constant 2 : i32
      %dma_start3A_272 = arith.constant 0 : i32
      %dma_start3A_273 = arith.constant 0 : i32
      %dma_start3A_274 = tpu.memref_slice %arg8[%dma_start3A_270, %dma_start3A_271, %dma_start3A_272, %dma_start3A_273] : memref<2x4x128x64xf32, #tpu.memory_space<vmem>> -> memref<1x1x128x64xf32, #tpu.memory_space<vmem>>
      %dma_start3A_275 = tpu.memref_squeeze %dma_start3A_274 : memref<1x1x128x64xf32, #tpu.memory_space<vmem>> -> memref<128x64xf32, #tpu.memory_space<vmem>>
      %dma_start3A_276 = arith.constant 0 : i32
      %dma_start3A_277 = tpu.memref_slice %arg7[%add3A_269, %dma_start3A_276] : memref<80x128xi32, #tpu.memory_space<vmem>> -> memref<1x128xi32, #tpu.memory_space<vmem>>
      %dma_start3A_278 = tpu.memref_squeeze %dma_start3A_277 : memref<1x128xi32, #tpu.memory_space<vmem>> -> memref<128xi32, #tpu.memory_space<vmem>>
      %dma_start3A_279 = arith.constant 0 : i32
      %dma_start3A_280 = arith.constant 0 : i32
      %dma_start3A_281 = tpu.memref_slice %arg9[%dma_start3A_279, %dma_start3A_280] : memref<10240x64xf32, #tpu.memory_space<vmem_shared>> -> memref<10240x64xf32, #tpu.memory_space<vmem_shared>>
      tpu.enqueue_indirect_dma source(%dma_start3A_275 : memref<128x64xf32, #tpu.memory_space<vmem>>) target(%dma_start3A_281 : memref<10240x64xf32, #tpu.memory_space<vmem_shared>>) offsets(%dma_start3A_278 : memref<128xi32, #tpu.memory_space<vmem>>) semaphore(%arg12 : memref<!tpu.dma_semaphore, #tpu.memory_space<semaphore_mem>>) {add = true}
      %mul3A_282 = arith.constant 4 : i32
      %mul3A_283 = arith.muli %mul3A_165, %mul3A_282 : i32
      %add3A_284 = arith.constant 3 : i32
      %add3A_285 = arith.addi %mul3A_283, %add3A_284 : i32
      %dma_start3A_286 = arith.constant 0 : i32
      %dma_start3A_287 = arith.constant 3 : i32
      %dma_start3A_288 = arith.constant 0 : i32
      %dma_start3A_289 = arith.constant 0 : i32
      %dma_start3A_290 = tpu.memref_slice %arg8[%dma_start3A_286, %dma_start3A_287, %dma_start3A_288, %dma_start3A_289] : memref<2x4x128x64xf32, #tpu.memory_space<vmem>> -> memref<1x1x128x64xf32, #tpu.memory_space<vmem>>
      %dma_start3A_291 = tpu.memref_squeeze %dma_start3A_290 : memref<1x1x128x64xf32, #tpu.memory_space<vmem>> -> memref<128x64xf32, #tpu.memory_space<vmem>>
      %dma_start3A_292 = arith.constant 0 : i32
      %dma_start3A_293 = tpu.memref_slice %arg7[%add3A_285, %dma_start3A_292] : memref<80x128xi32, #tpu.memory_space<vmem>> -> memref<1x128xi32, #tpu.memory_space<vmem>>
      %dma_start3A_294 = tpu.memref_squeeze %dma_start3A_293 : memref<1x128xi32, #tpu.memory_space<vmem>> -> memref<128xi32, #tpu.memory_space<vmem>>
      %dma_start3A_295 = arith.constant 0 : i32
      %dma_start3A_296 = arith.constant 0 : i32
      %dma_start3A_297 = tpu.memref_slice %arg9[%dma_start3A_295, %dma_start3A_296] : memref<10240x64xf32, #tpu.memory_space<vmem_shared>> -> memref<10240x64xf32, #tpu.memory_space<vmem_shared>>
      tpu.enqueue_indirect_dma source(%dma_start3A_291 : memref<128x64xf32, #tpu.memory_space<vmem>>) target(%dma_start3A_297 : memref<10240x64xf32, #tpu.memory_space<vmem_shared>>) offsets(%dma_start3A_294 : memref<128xi32, #tpu.memory_space<vmem>>) semaphore(%arg12 : memref<!tpu.dma_semaphore, #tpu.memory_space<semaphore_mem>>) {add = true}
      %gt3A = arith.constant 0 : i32
      %gt3A_298 = arith.cmpi sgt, %scan3A_163, %gt3A : i32
      %convert_element_type3A = arith.extui %gt3A_298 : i1 to i32
      %cond3A = arith.constant 0 : i32
      %cond3A_299 = arith.cmpi ne, %convert_element_type3A, %cond3A : i32
      scf.if %cond3A_299 {
        %sub3A = arith.constant 2 : i32
        %sub3A_496 = arith.subi %add3A_169, %sub3A : i32
        %mul3A_497 = arith.constant 4 : i32
        %mul3A_498 = arith.muli %sub3A_496, %mul3A_497 : i32
        %add3A_499 = arith.constant 0 : i32
        %add3A_500 = arith.addi %mul3A_498, %add3A_499 : i32
        %dma_wait3A_501 = arith.constant 1 : i32
        %dma_wait3A_502 = arith.constant 0 : i32
        %dma_wait3A_503 = arith.constant 0 : i32
        %dma_wait3A_504 = arith.constant 0 : i32
        %dma_wait3A_505 = tpu.memref_slice %arg8[%dma_wait3A_501, %dma_wait3A_502, %dma_wait3A_503, %dma_wait3A_504] : memref<2x4x128x64xf32, #tpu.memory_space<vmem>> -> memref<1x1x128x64xf32, #tpu.memory_space<vmem>>
        %dma_wait3A_506 = tpu.memref_squeeze %dma_wait3A_505 : memref<1x1x128x64xf32, #tpu.memory_space<vmem>> -> memref<128x64xf32, #tpu.memory_space<vmem>>
        %dma_wait3A_507 = arith.constant 0 : i32
        %dma_wait3A_508 = tpu.memref_slice %arg7[%add3A_500, %dma_wait3A_507] : memref<80x128xi32, #tpu.memory_space<vmem>> -> memref<1x128xi32, #tpu.memory_space<vmem>>
        %dma_wait3A_509 = tpu.memref_squeeze %dma_wait3A_508 : memref<1x128xi32, #tpu.memory_space<vmem>> -> memref<128xi32, #tpu.memory_space<vmem>>
        %dma_wait3A_510 = arith.constant 0 : i32
        %dma_wait3A_511 = arith.constant 0 : i32
        %dma_wait3A_512 = tpu.memref_slice %arg9[%dma_wait3A_510, %dma_wait3A_511] : memref<10240x64xf32, #tpu.memory_space<vmem_shared>> -> memref<10240x64xf32, #tpu.memory_space<vmem_shared>>
        tpu.wait_indirect_dma semaphore(%arg13 : memref<!tpu.dma_semaphore, #tpu.memory_space<semaphore_mem>>) src(%dma_wait3A_506 : memref<128x64xf32, #tpu.memory_space<vmem>>) dst(%dma_wait3A_512 : memref<10240x64xf32, #tpu.memory_space<vmem_shared>>)
        %mul3A_513 = arith.constant 4 : i32
        %mul3A_514 = arith.muli %sub3A_496, %mul3A_513 : i32
        %add3A_515 = arith.constant 1 : i32
        %add3A_516 = arith.addi %mul3A_514, %add3A_515 : i32
        %dma_wait3A_517 = arith.constant 1 : i32
        %dma_wait3A_518 = arith.constant 1 : i32
        %dma_wait3A_519 = arith.constant 0 : i32
        %dma_wait3A_520 = arith.constant 0 : i32
        %dma_wait3A_521 = tpu.memref_slice %arg8[%dma_wait3A_517, %dma_wait3A_518, %dma_wait3A_519, %dma_wait3A_520] : memref<2x4x128x64xf32, #tpu.memory_space<vmem>> -> memref<1x1x128x64xf32, #tpu.memory_space<vmem>>
        %dma_wait3A_522 = tpu.memref_squeeze %dma_wait3A_521 : memref<1x1x128x64xf32, #tpu.memory_space<vmem>> -> memref<128x64xf32, #tpu.memory_space<vmem>>
        %dma_wait3A_523 = arith.constant 0 : i32
        %dma_wait3A_524 = tpu.memref_slice %arg7[%add3A_516, %dma_wait3A_523] : memref<80x128xi32, #tpu.memory_space<vmem>> -> memref<1x128xi32, #tpu.memory_space<vmem>>
        %dma_wait3A_525 = tpu.memref_squeeze %dma_wait3A_524 : memref<1x128xi32, #tpu.memory_space<vmem>> -> memref<128xi32, #tpu.memory_space<vmem>>
        %dma_wait3A_526 = arith.constant 0 : i32
        %dma_wait3A_527 = arith.constant 0 : i32
        %dma_wait3A_528 = tpu.memref_slice %arg9[%dma_wait3A_526, %dma_wait3A_527] : memref<10240x64xf32, #tpu.memory_space<vmem_shared>> -> memref<10240x64xf32, #tpu.memory_space<vmem_shared>>
        tpu.wait_indirect_dma semaphore(%arg13 : memref<!tpu.dma_semaphore, #tpu.memory_space<semaphore_mem>>) src(%dma_wait3A_522 : memref<128x64xf32, #tpu.memory_space<vmem>>) dst(%dma_wait3A_528 : memref<10240x64xf32, #tpu.memory_space<vmem_shared>>)
        %mul3A_529 = arith.constant 4 : i32
        %mul3A_530 = arith.muli %sub3A_496, %mul3A_529 : i32
        %add3A_531 = arith.constant 2 : i32
        %add3A_532 = arith.addi %mul3A_530, %add3A_531 : i32
        %dma_wait3A_533 = arith.constant 1 : i32
        %dma_wait3A_534 = arith.constant 2 : i32
        %dma_wait3A_535 = arith.constant 0 : i32
        %dma_wait3A_536 = arith.constant 0 : i32
        %dma_wait3A_537 = tpu.memref_slice %arg8[%dma_wait3A_533, %dma_wait3A_534, %dma_wait3A_535, %dma_wait3A_536] : memref<2x4x128x64xf32, #tpu.memory_space<vmem>> -> memref<1x1x128x64xf32, #tpu.memory_space<vmem>>
        %dma_wait3A_538 = tpu.memref_squeeze %dma_wait3A_537 : memref<1x1x128x64xf32, #tpu.memory_space<vmem>> -> memref<128x64xf32, #tpu.memory_space<vmem>>
        %dma_wait3A_539 = arith.constant 0 : i32
        %dma_wait3A_540 = tpu.memref_slice %arg7[%add3A_532, %dma_wait3A_539] : memref<80x128xi32, #tpu.memory_space<vmem>> -> memref<1x128xi32, #tpu.memory_space<vmem>>
        %dma_wait3A_541 = tpu.memref_squeeze %dma_wait3A_540 : memref<1x128xi32, #tpu.memory_space<vmem>> -> memref<128xi32, #tpu.memory_space<vmem>>
        %dma_wait3A_542 = arith.constant 0 : i32
        %dma_wait3A_543 = arith.constant 0 : i32
        %dma_wait3A_544 = tpu.memref_slice %arg9[%dma_wait3A_542, %dma_wait3A_543] : memref<10240x64xf32, #tpu.memory_space<vmem_shared>> -> memref<10240x64xf32, #tpu.memory_space<vmem_shared>>
        tpu.wait_indirect_dma semaphore(%arg13 : memref<!tpu.dma_semaphore, #tpu.memory_space<semaphore_mem>>) src(%dma_wait3A_538 : memref<128x64xf32, #tpu.memory_space<vmem>>) dst(%dma_wait3A_544 : memref<10240x64xf32, #tpu.memory_space<vmem_shared>>)
        %mul3A_545 = arith.constant 4 : i32
        %mul3A_546 = arith.muli %sub3A_496, %mul3A_545 : i32
        %add3A_547 = arith.constant 3 : i32
        %add3A_548 = arith.addi %mul3A_546, %add3A_547 : i32
        %dma_wait3A_549 = arith.constant 1 : i32
        %dma_wait3A_550 = arith.constant 3 : i32
        %dma_wait3A_551 = arith.constant 0 : i32
        %dma_wait3A_552 = arith.constant 0 : i32
        %dma_wait3A_553 = tpu.memref_slice %arg8[%dma_wait3A_549, %dma_wait3A_550, %dma_wait3A_551, %dma_wait3A_552] : memref<2x4x128x64xf32, #tpu.memory_space<vmem>> -> memref<1x1x128x64xf32, #tpu.memory_space<vmem>>
        %dma_wait3A_554 = tpu.memref_squeeze %dma_wait3A_553 : memref<1x1x128x64xf32, #tpu.memory_space<vmem>> -> memref<128x64xf32, #tpu.memory_space<vmem>>
        %dma_wait3A_555 = arith.constant 0 : i32
        %dma_wait3A_556 = tpu.memref_slice %arg7[%add3A_548, %dma_wait3A_555] : memref<80x128xi32, #tpu.memory_space<vmem>> -> memref<1x128xi32, #tpu.memory_space<vmem>>
        %dma_wait3A_557 = tpu.memref_squeeze %dma_wait3A_556 : memref<1x128xi32, #tpu.memory_space<vmem>> -> memref<128xi32, #tpu.memory_space<vmem>>
        %dma_wait3A_558 = arith.constant 0 : i32
        %dma_wait3A_559 = arith.constant 0 : i32
        %dma_wait3A_560 = tpu.memref_slice %arg9[%dma_wait3A_558, %dma_wait3A_559] : memref<10240x64xf32, #tpu.memory_space<vmem_shared>> -> memref<10240x64xf32, #tpu.memory_space<vmem_shared>>
        tpu.wait_indirect_dma semaphore(%arg13 : memref<!tpu.dma_semaphore, #tpu.memory_space<semaphore_mem>>) src(%dma_wait3A_554 : memref<128x64xf32, #tpu.memory_space<vmem>>) dst(%dma_wait3A_560 : memref<10240x64xf32, #tpu.memory_space<vmem_shared>>)
      } else {
      }
      %mul3A_300 = arith.constant 4 : i32
      %mul3A_301 = arith.muli %add3A_169, %mul3A_300 : i32
      %add3A_302 = arith.constant 0 : i32
      %add3A_303 = arith.addi %mul3A_301, %add3A_302 : i32
      %dma_start3A_304 = arith.constant 1 : i32
      %dma_start3A_305 = arith.constant 0 : i32
      %dma_start3A_306 = arith.constant 0 : i32
      %dma_start3A_307 = arith.constant 0 : i32
      %dma_start3A_308 = tpu.memref_slice %arg8[%dma_start3A_304, %dma_start3A_305, %dma_start3A_306, %dma_start3A_307] : memref<2x4x128x64xf32, #tpu.memory_space<vmem>> -> memref<1x1x128x64xf32, #tpu.memory_space<vmem>>
      %dma_start3A_309 = tpu.memref_squeeze %dma_start3A_308 : memref<1x1x128x64xf32, #tpu.memory_space<vmem>> -> memref<128x64xf32, #tpu.memory_space<vmem>>
      %dma_start3A_310 = arith.constant 0 : i32
      %dma_start3A_311 = tpu.memref_slice %arg6[%add3A_303, %dma_start3A_310] : memref<80x128xi32, #tpu.memory_space<vmem>> -> memref<1x128xi32, #tpu.memory_space<vmem>>
      %dma_start3A_312 = tpu.memref_squeeze %dma_start3A_311 : memref<1x128xi32, #tpu.memory_space<vmem>> -> memref<128xi32, #tpu.memory_space<vmem>>
      %dma_start3A_313 = arith.constant 0 : i32
      %dma_start3A_314 = arith.constant 0 : i32
      %dma_start3A_315 = tpu.memref_slice %arg2[%dma_start3A_313, %dma_start3A_314] : memref<10240x64xf32, #tpu.memory_space<hbm>> -> memref<10240x64xf32, #tpu.memory_space<hbm>>
      tpu.enqueue_indirect_dma source(%dma_start3A_315 : memref<10240x64xf32, #tpu.memory_space<hbm>>) target(%dma_start3A_309 : memref<128x64xf32, #tpu.memory_space<vmem>>) offsets(%dma_start3A_312 : memref<128xi32, #tpu.memory_space<vmem>>) semaphore(%arg11 : memref<!tpu.dma_semaphore, #tpu.memory_space<semaphore_mem>>)
      %mul3A_316 = arith.constant 4 : i32
      %mul3A_317 = arith.muli %add3A_169, %mul3A_316 : i32
      %add3A_318 = arith.constant 1 : i32
      %add3A_319 = arith.addi %mul3A_317, %add3A_318 : i32
      %dma_start3A_320 = arith.constant 1 : i32
      %dma_start3A_321 = arith.constant 1 : i32
      %dma_start3A_322 = arith.constant 0 : i32
      %dma_start3A_323 = arith.constant 0 : i32
      %dma_start3A_324 = tpu.memref_slice %arg8[%dma_start3A_320, %dma_start3A_321, %dma_start3A_322, %dma_start3A_323] : memref<2x4x128x64xf32, #tpu.memory_space<vmem>> -> memref<1x1x128x64xf32, #tpu.memory_space<vmem>>
      %dma_start3A_325 = tpu.memref_squeeze %dma_start3A_324 : memref<1x1x128x64xf32, #tpu.memory_space<vmem>> -> memref<128x64xf32, #tpu.memory_space<vmem>>
      %dma_start3A_326 = arith.constant 0 : i32
      %dma_start3A_327 = tpu.memref_slice %arg6[%add3A_319, %dma_start3A_326] : memref<80x128xi32, #tpu.memory_space<vmem>> -> memref<1x128xi32, #tpu.memory_space<vmem>>
      %dma_start3A_328 = tpu.memref_squeeze %dma_start3A_327 : memref<1x128xi32, #tpu.memory_space<vmem>> -> memref<128xi32, #tpu.memory_space<vmem>>
      %dma_start3A_329 = arith.constant 0 : i32
      %dma_start3A_330 = arith.constant 0 : i32
      %dma_start3A_331 = tpu.memref_slice %arg2[%dma_start3A_329, %dma_start3A_330] : memref<10240x64xf32, #tpu.memory_space<hbm>> -> memref<10240x64xf32, #tpu.memory_space<hbm>>
      tpu.enqueue_indirect_dma source(%dma_start3A_331 : memref<10240x64xf32, #tpu.memory_space<hbm>>) target(%dma_start3A_325 : memref<128x64xf32, #tpu.memory_space<vmem>>) offsets(%dma_start3A_328 : memref<128xi32, #tpu.memory_space<vmem>>) semaphore(%arg11 : memref<!tpu.dma_semaphore, #tpu.memory_space<semaphore_mem>>)
      %mul3A_332 = arith.constant 4 : i32
      %mul3A_333 = arith.muli %add3A_169, %mul3A_332 : i32
      %add3A_334 = arith.constant 2 : i32
      %add3A_335 = arith.addi %mul3A_333, %add3A_334 : i32
      %dma_start3A_336 = arith.constant 1 : i32
      %dma_start3A_337 = arith.constant 2 : i32
      %dma_start3A_338 = arith.constant 0 : i32
      %dma_start3A_339 = arith.constant 0 : i32
      %dma_start3A_340 = tpu.memref_slice %arg8[%dma_start3A_336, %dma_start3A_337, %dma_start3A_338, %dma_start3A_339] : memref<2x4x128x64xf32, #tpu.memory_space<vmem>> -> memref<1x1x128x64xf32, #tpu.memory_space<vmem>>
      %dma_start3A_341 = tpu.memref_squeeze %dma_start3A_340 : memref<1x1x128x64xf32, #tpu.memory_space<vmem>> -> memref<128x64xf32, #tpu.memory_space<vmem>>
      %dma_start3A_342 = arith.constant 0 : i32
      %dma_start3A_343 = tpu.memref_slice %arg6[%add3A_335, %dma_start3A_342] : memref<80x128xi32, #tpu.memory_space<vmem>> -> memref<1x128xi32, #tpu.memory_space<vmem>>
      %dma_start3A_344 = tpu.memref_squeeze %dma_start3A_343 : memref<1x128xi32, #tpu.memory_space<vmem>> -> memref<128xi32, #tpu.memory_space<vmem>>
      %dma_start3A_345 = arith.constant 0 : i32
      %dma_start3A_346 = arith.constant 0 : i32
      %dma_start3A_347 = tpu.memref_slice %arg2[%dma_start3A_345, %dma_start3A_346] : memref<10240x64xf32, #tpu.memory_space<hbm>> -> memref<10240x64xf32, #tpu.memory_space<hbm>>
      tpu.enqueue_indirect_dma source(%dma_start3A_347 : memref<10240x64xf32, #tpu.memory_space<hbm>>) target(%dma_start3A_341 : memref<128x64xf32, #tpu.memory_space<vmem>>) offsets(%dma_start3A_344 : memref<128xi32, #tpu.memory_space<vmem>>) semaphore(%arg11 : memref<!tpu.dma_semaphore, #tpu.memory_space<semaphore_mem>>)
      %mul3A_348 = arith.constant 4 : i32
      %mul3A_349 = arith.muli %add3A_169, %mul3A_348 : i32
      %add3A_350 = arith.constant 3 : i32
      %add3A_351 = arith.addi %mul3A_349, %add3A_350 : i32
      %dma_start3A_352 = arith.constant 1 : i32
      %dma_start3A_353 = arith.constant 3 : i32
      %dma_start3A_354 = arith.constant 0 : i32
      %dma_start3A_355 = arith.constant 0 : i32
      %dma_start3A_356 = tpu.memref_slice %arg8[%dma_start3A_352, %dma_start3A_353, %dma_start3A_354, %dma_start3A_355] : memref<2x4x128x64xf32, #tpu.memory_space<vmem>> -> memref<1x1x128x64xf32, #tpu.memory_space<vmem>>
      %dma_start3A_357 = tpu.memref_squeeze %dma_start3A_356 : memref<1x1x128x64xf32, #tpu.memory_space<vmem>> -> memref<128x64xf32, #tpu.memory_space<vmem>>
      %dma_start3A_358 = arith.constant 0 : i32
      %dma_start3A_359 = tpu.memref_slice %arg6[%add3A_351, %dma_start3A_358] : memref<80x128xi32, #tpu.memory_space<vmem>> -> memref<1x128xi32, #tpu.memory_space<vmem>>
      %dma_start3A_360 = tpu.memref_squeeze %dma_start3A_359 : memref<1x128xi32, #tpu.memory_space<vmem>> -> memref<128xi32, #tpu.memory_space<vmem>>
      %dma_start3A_361 = arith.constant 0 : i32
      %dma_start3A_362 = arith.constant 0 : i32
      %dma_start3A_363 = tpu.memref_slice %arg2[%dma_start3A_361, %dma_start3A_362] : memref<10240x64xf32, #tpu.memory_space<hbm>> -> memref<10240x64xf32, #tpu.memory_space<hbm>>
      tpu.enqueue_indirect_dma source(%dma_start3A_363 : memref<10240x64xf32, #tpu.memory_space<hbm>>) target(%dma_start3A_357 : memref<128x64xf32, #tpu.memory_space<vmem>>) offsets(%dma_start3A_360 : memref<128xi32, #tpu.memory_space<vmem>>) semaphore(%arg11 : memref<!tpu.dma_semaphore, #tpu.memory_space<semaphore_mem>>)
      %mul3A_364 = arith.constant 4 : i32
      %mul3A_365 = arith.muli %add3A_169, %mul3A_364 : i32
      %add3A_366 = arith.constant 0 : i32
      %add3A_367 = arith.addi %mul3A_365, %add3A_366 : i32
      %dma_wait3A_368 = arith.constant 1 : i32
      %dma_wait3A_369 = arith.constant 0 : i32
      %dma_wait3A_370 = arith.constant 0 : i32
      %dma_wait3A_371 = arith.constant 0 : i32
      %dma_wait3A_372 = tpu.memref_slice %arg8[%dma_wait3A_368, %dma_wait3A_369, %dma_wait3A_370, %dma_wait3A_371] : memref<2x4x128x64xf32, #tpu.memory_space<vmem>> -> memref<1x1x128x64xf32, #tpu.memory_space<vmem>>
      %dma_wait3A_373 = tpu.memref_squeeze %dma_wait3A_372 : memref<1x1x128x64xf32, #tpu.memory_space<vmem>> -> memref<128x64xf32, #tpu.memory_space<vmem>>
      %dma_wait3A_374 = arith.constant 0 : i32
      %dma_wait3A_375 = tpu.memref_slice %arg6[%add3A_367, %dma_wait3A_374] : memref<80x128xi32, #tpu.memory_space<vmem>> -> memref<1x128xi32, #tpu.memory_space<vmem>>
      %dma_wait3A_376 = tpu.memref_squeeze %dma_wait3A_375 : memref<1x128xi32, #tpu.memory_space<vmem>> -> memref<128xi32, #tpu.memory_space<vmem>>
      %dma_wait3A_377 = arith.constant 0 : i32
      %dma_wait3A_378 = arith.constant 0 : i32
      %dma_wait3A_379 = tpu.memref_slice %arg2[%dma_wait3A_377, %dma_wait3A_378] : memref<10240x64xf32, #tpu.memory_space<hbm>> -> memref<10240x64xf32, #tpu.memory_space<hbm>>
      tpu.wait_indirect_dma semaphore(%arg11 : memref<!tpu.dma_semaphore, #tpu.memory_space<semaphore_mem>>) src(%dma_wait3A_379 : memref<10240x64xf32, #tpu.memory_space<hbm>>) dst(%dma_wait3A_373 : memref<128x64xf32, #tpu.memory_space<vmem>>)
      %mul3A_380 = arith.constant 4 : i32
      %mul3A_381 = arith.muli %add3A_169, %mul3A_380 : i32
      %add3A_382 = arith.constant 1 : i32
      %add3A_383 = arith.addi %mul3A_381, %add3A_382 : i32
      %dma_wait3A_384 = arith.constant 1 : i32
      %dma_wait3A_385 = arith.constant 1 : i32
      %dma_wait3A_386 = arith.constant 0 : i32
      %dma_wait3A_387 = arith.constant 0 : i32
      %dma_wait3A_388 = tpu.memref_slice %arg8[%dma_wait3A_384, %dma_wait3A_385, %dma_wait3A_386, %dma_wait3A_387] : memref<2x4x128x64xf32, #tpu.memory_space<vmem>> -> memref<1x1x128x64xf32, #tpu.memory_space<vmem>>
      %dma_wait3A_389 = tpu.memref_squeeze %dma_wait3A_388 : memref<1x1x128x64xf32, #tpu.memory_space<vmem>> -> memref<128x64xf32, #tpu.memory_space<vmem>>
      %dma_wait3A_390 = arith.constant 0 : i32
      %dma_wait3A_391 = tpu.memref_slice %arg6[%add3A_383, %dma_wait3A_390] : memref<80x128xi32, #tpu.memory_space<vmem>> -> memref<1x128xi32, #tpu.memory_space<vmem>>
      %dma_wait3A_392 = tpu.memref_squeeze %dma_wait3A_391 : memref<1x128xi32, #tpu.memory_space<vmem>> -> memref<128xi32, #tpu.memory_space<vmem>>
      %dma_wait3A_393 = arith.constant 0 : i32
      %dma_wait3A_394 = arith.constant 0 : i32
      %dma_wait3A_395 = tpu.memref_slice %arg2[%dma_wait3A_393, %dma_wait3A_394] : memref<10240x64xf32, #tpu.memory_space<hbm>> -> memref<10240x64xf32, #tpu.memory_space<hbm>>
      tpu.wait_indirect_dma semaphore(%arg11 : memref<!tpu.dma_semaphore, #tpu.memory_space<semaphore_mem>>) src(%dma_wait3A_395 : memref<10240x64xf32, #tpu.memory_space<hbm>>) dst(%dma_wait3A_389 : memref<128x64xf32, #tpu.memory_space<vmem>>)
      %mul3A_396 = arith.constant 4 : i32
      %mul3A_397 = arith.muli %add3A_169, %mul3A_396 : i32
      %add3A_398 = arith.constant 2 : i32
      %add3A_399 = arith.addi %mul3A_397, %add3A_398 : i32
      %dma_wait3A_400 = arith.constant 1 : i32
      %dma_wait3A_401 = arith.constant 2 : i32
      %dma_wait3A_402 = arith.constant 0 : i32
      %dma_wait3A_403 = arith.constant 0 : i32
      %dma_wait3A_404 = tpu.memref_slice %arg8[%dma_wait3A_400, %dma_wait3A_401, %dma_wait3A_402, %dma_wait3A_403] : memref<2x4x128x64xf32, #tpu.memory_space<vmem>> -> memref<1x1x128x64xf32, #tpu.memory_space<vmem>>
      %dma_wait3A_405 = tpu.memref_squeeze %dma_wait3A_404 : memref<1x1x128x64xf32, #tpu.memory_space<vmem>> -> memref<128x64xf32, #tpu.memory_space<vmem>>
      %dma_wait3A_406 = arith.constant 0 : i32
      %dma_wait3A_407 = tpu.memref_slice %arg6[%add3A_399, %dma_wait3A_406] : memref<80x128xi32, #tpu.memory_space<vmem>> -> memref<1x128xi32, #tpu.memory_space<vmem>>
      %dma_wait3A_408 = tpu.memref_squeeze %dma_wait3A_407 : memref<1x128xi32, #tpu.memory_space<vmem>> -> memref<128xi32, #tpu.memory_space<vmem>>
      %dma_wait3A_409 = arith.constant 0 : i32
      %dma_wait3A_410 = arith.constant 0 : i32
      %dma_wait3A_411 = tpu.memref_slice %arg2[%dma_wait3A_409, %dma_wait3A_410] : memref<10240x64xf32, #tpu.memory_space<hbm>> -> memref<10240x64xf32, #tpu.memory_space<hbm>>
      tpu.wait_indirect_dma semaphore(%arg11 : memref<!tpu.dma_semaphore, #tpu.memory_space<semaphore_mem>>) src(%dma_wait3A_411 : memref<10240x64xf32, #tpu.memory_space<hbm>>) dst(%dma_wait3A_405 : memref<128x64xf32, #tpu.memory_space<vmem>>)
      %mul3A_412 = arith.constant 4 : i32
      %mul3A_413 = arith.muli %add3A_169, %mul3A_412 : i32
      %add3A_414 = arith.constant 3 : i32
      %add3A_415 = arith.addi %mul3A_413, %add3A_414 : i32
      %dma_wait3A_416 = arith.constant 1 : i32
      %dma_wait3A_417 = arith.constant 3 : i32
      %dma_wait3A_418 = arith.constant 0 : i32
      %dma_wait3A_419 = arith.constant 0 : i32
      %dma_wait3A_420 = tpu.memref_slice %arg8[%dma_wait3A_416, %dma_wait3A_417, %dma_wait3A_418, %dma_wait3A_419] : memref<2x4x128x64xf32, #tpu.memory_space<vmem>> -> memref<1x1x128x64xf32, #tpu.memory_space<vmem>>
      %dma_wait3A_421 = tpu.memref_squeeze %dma_wait3A_420 : memref<1x1x128x64xf32, #tpu.memory_space<vmem>> -> memref<128x64xf32, #tpu.memory_space<vmem>>
      %dma_wait3A_422 = arith.constant 0 : i32
      %dma_wait3A_423 = tpu.memref_slice %arg6[%add3A_415, %dma_wait3A_422] : memref<80x128xi32, #tpu.memory_space<vmem>> -> memref<1x128xi32, #tpu.memory_space<vmem>>
      %dma_wait3A_424 = tpu.memref_squeeze %dma_wait3A_423 : memref<1x128xi32, #tpu.memory_space<vmem>> -> memref<128xi32, #tpu.memory_space<vmem>>
      %dma_wait3A_425 = arith.constant 0 : i32
      %dma_wait3A_426 = arith.constant 0 : i32
      %dma_wait3A_427 = tpu.memref_slice %arg2[%dma_wait3A_425, %dma_wait3A_426] : memref<10240x64xf32, #tpu.memory_space<hbm>> -> memref<10240x64xf32, #tpu.memory_space<hbm>>
      tpu.wait_indirect_dma semaphore(%arg11 : memref<!tpu.dma_semaphore, #tpu.memory_space<semaphore_mem>>) src(%dma_wait3A_427 : memref<10240x64xf32, #tpu.memory_space<hbm>>) dst(%dma_wait3A_421 : memref<128x64xf32, #tpu.memory_space<vmem>>)
      %mul3A_428 = arith.constant 4 : i32
      %mul3A_429 = arith.muli %add3A_169, %mul3A_428 : i32
      %add3A_430 = arith.constant 0 : i32
      %add3A_431 = arith.addi %mul3A_429, %add3A_430 : i32
      %dma_start3A_432 = arith.constant 1 : i32
      %dma_start3A_433 = arith.constant 0 : i32
      %dma_start3A_434 = arith.constant 0 : i32
      %dma_start3A_435 = arith.constant 0 : i32
      %dma_start3A_436 = tpu.memref_slice %arg8[%dma_start3A_432, %dma_start3A_433, %dma_start3A_434, %dma_start3A_435] : memref<2x4x128x64xf32, #tpu.memory_space<vmem>> -> memref<1x1x128x64xf32, #tpu.memory_space<vmem>>
      %dma_start3A_437 = tpu.memref_squeeze %dma_start3A_436 : memref<1x1x128x64xf32, #tpu.memory_space<vmem>> -> memref<128x64xf32, #tpu.memory_space<vmem>>
      %dma_start3A_438 = arith.constant 0 : i32
      %dma_start3A_439 = tpu.memref_slice %arg7[%add3A_431, %dma_start3A_438] : memref<80x128xi32, #tpu.memory_space<vmem>> -> memref<1x128xi32, #tpu.memory_space<vmem>>
      %dma_start3A_440 = tpu.memref_squeeze %dma_start3A_439 : memref<1x128xi32, #tpu.memory_space<vmem>> -> memref<128xi32, #tpu.memory_space<vmem>>
      %dma_start3A_441 = arith.constant 0 : i32
      %dma_start3A_442 = arith.constant 0 : i32
      %dma_start3A_443 = tpu.memref_slice %arg9[%dma_start3A_441, %dma_start3A_442] : memref<10240x64xf32, #tpu.memory_space<vmem_shared>> -> memref<10240x64xf32, #tpu.memory_space<vmem_shared>>
      tpu.enqueue_indirect_dma source(%dma_start3A_437 : memref<128x64xf32, #tpu.memory_space<vmem>>) target(%dma_start3A_443 : memref<10240x64xf32, #tpu.memory_space<vmem_shared>>) offsets(%dma_start3A_440 : memref<128xi32, #tpu.memory_space<vmem>>) semaphore(%arg13 : memref<!tpu.dma_semaphore, #tpu.memory_space<semaphore_mem>>) {add = true}
      %mul3A_444 = arith.constant 4 : i32
      %mul3A_445 = arith.muli %add3A_169, %mul3A_444 : i32
      %add3A_446 = arith.constant 1 : i32
      %add3A_447 = arith.addi %mul3A_445, %add3A_446 : i32
      %dma_start3A_448 = arith.constant 1 : i32
      %dma_start3A_449 = arith.constant 1 : i32
      %dma_start3A_450 = arith.constant 0 : i32
      %dma_start3A_451 = arith.constant 0 : i32
      %dma_start3A_452 = tpu.memref_slice %arg8[%dma_start3A_448, %dma_start3A_449, %dma_start3A_450, %dma_start3A_451] : memref<2x4x128x64xf32, #tpu.memory_space<vmem>> -> memref<1x1x128x64xf32, #tpu.memory_space<vmem>>
      %dma_start3A_453 = tpu.memref_squeeze %dma_start3A_452 : memref<1x1x128x64xf32, #tpu.memory_space<vmem>> -> memref<128x64xf32, #tpu.memory_space<vmem>>
      %dma_start3A_454 = arith.constant 0 : i32
      %dma_start3A_455 = tpu.memref_slice %arg7[%add3A_447, %dma_start3A_454] : memref<80x128xi32, #tpu.memory_space<vmem>> -> memref<1x128xi32, #tpu.memory_space<vmem>>
      %dma_start3A_456 = tpu.memref_squeeze %dma_start3A_455 : memref<1x128xi32, #tpu.memory_space<vmem>> -> memref<128xi32, #tpu.memory_space<vmem>>
      %dma_start3A_457 = arith.constant 0 : i32
      %dma_start3A_458 = arith.constant 0 : i32
      %dma_start3A_459 = tpu.memref_slice %arg9[%dma_start3A_457, %dma_start3A_458] : memref<10240x64xf32, #tpu.memory_space<vmem_shared>> -> memref<10240x64xf32, #tpu.memory_space<vmem_shared>>
      tpu.enqueue_indirect_dma source(%dma_start3A_453 : memref<128x64xf32, #tpu.memory_space<vmem>>) target(%dma_start3A_459 : memref<10240x64xf32, #tpu.memory_space<vmem_shared>>) offsets(%dma_start3A_456 : memref<128xi32, #tpu.memory_space<vmem>>) semaphore(%arg13 : memref<!tpu.dma_semaphore, #tpu.memory_space<semaphore_mem>>) {add = true}
      %mul3A_460 = arith.constant 4 : i32
      %mul3A_461 = arith.muli %add3A_169, %mul3A_460 : i32
      %add3A_462 = arith.constant 2 : i32
      %add3A_463 = arith.addi %mul3A_461, %add3A_462 : i32
      %dma_start3A_464 = arith.constant 1 : i32
      %dma_start3A_465 = arith.constant 2 : i32
      %dma_start3A_466 = arith.constant 0 : i32
      %dma_start3A_467 = arith.constant 0 : i32
      %dma_start3A_468 = tpu.memref_slice %arg8[%dma_start3A_464, %dma_start3A_465, %dma_start3A_466, %dma_start3A_467] : memref<2x4x128x64xf32, #tpu.memory_space<vmem>> -> memref<1x1x128x64xf32, #tpu.memory_space<vmem>>
      %dma_start3A_469 = tpu.memref_squeeze %dma_start3A_468 : memref<1x1x128x64xf32, #tpu.memory_space<vmem>> -> memref<128x64xf32, #tpu.memory_space<vmem>>
      %dma_start3A_470 = arith.constant 0 : i32
      %dma_start3A_471 = tpu.memref_slice %arg7[%add3A_463, %dma_start3A_470] : memref<80x128xi32, #tpu.memory_space<vmem>> -> memref<1x128xi32, #tpu.memory_space<vmem>>
      %dma_start3A_472 = tpu.memref_squeeze %dma_start3A_471 : memref<1x128xi32, #tpu.memory_space<vmem>> -> memref<128xi32, #tpu.memory_space<vmem>>
      %dma_start3A_473 = arith.constant 0 : i32
      %dma_start3A_474 = arith.constant 0 : i32
      %dma_start3A_475 = tpu.memref_slice %arg9[%dma_start3A_473, %dma_start3A_474] : memref<10240x64xf32, #tpu.memory_space<vmem_shared>> -> memref<10240x64xf32, #tpu.memory_space<vmem_shared>>
      tpu.enqueue_indirect_dma source(%dma_start3A_469 : memref<128x64xf32, #tpu.memory_space<vmem>>) target(%dma_start3A_475 : memref<10240x64xf32, #tpu.memory_space<vmem_shared>>) offsets(%dma_start3A_472 : memref<128xi32, #tpu.memory_space<vmem>>) semaphore(%arg13 : memref<!tpu.dma_semaphore, #tpu.memory_space<semaphore_mem>>) {add = true}
      %mul3A_476 = arith.constant 4 : i32
      %mul3A_477 = arith.muli %add3A_169, %mul3A_476 : i32
      %add3A_478 = arith.constant 3 : i32
      %add3A_479 = arith.addi %mul3A_477, %add3A_478 : i32
      %dma_start3A_480 = arith.constant 1 : i32
      %dma_start3A_481 = arith.constant 3 : i32
      %dma_start3A_482 = arith.constant 0 : i32
      %dma_start3A_483 = arith.constant 0 : i32
      %dma_start3A_484 = tpu.memref_slice %arg8[%dma_start3A_480, %dma_start3A_481, %dma_start3A_482, %dma_start3A_483] : memref<2x4x128x64xf32, #tpu.memory_space<vmem>> -> memref<1x1x128x64xf32, #tpu.memory_space<vmem>>
      %dma_start3A_485 = tpu.memref_squeeze %dma_start3A_484 : memref<1x1x128x64xf32, #tpu.memory_space<vmem>> -> memref<128x64xf32, #tpu.memory_space<vmem>>
      %dma_start3A_486 = arith.constant 0 : i32
      %dma_start3A_487 = tpu.memref_slice %arg7[%add3A_479, %dma_start3A_486] : memref<80x128xi32, #tpu.memory_space<vmem>> -> memref<1x128xi32, #tpu.memory_space<vmem>>
      %dma_start3A_488 = tpu.memref_squeeze %dma_start3A_487 : memref<1x128xi32, #tpu.memory_space<vmem>> -> memref<128xi32, #tpu.memory_space<vmem>>
      %dma_start3A_489 = arith.constant 0 : i32
      %dma_start3A_490 = arith.constant 0 : i32
      %dma_start3A_491 = tpu.memref_slice %arg9[%dma_start3A_489, %dma_start3A_490] : memref<10240x64xf32, #tpu.memory_space<vmem_shared>> -> memref<10240x64xf32, #tpu.memory_space<vmem_shared>>
      tpu.enqueue_indirect_dma source(%dma_start3A_485 : memref<128x64xf32, #tpu.memory_space<vmem>>) target(%dma_start3A_491 : memref<10240x64xf32, #tpu.memory_space<vmem_shared>>) offsets(%dma_start3A_488 : memref<128xi32, #tpu.memory_space<vmem>>) semaphore(%arg13 : memref<!tpu.dma_semaphore, #tpu.memory_space<semaphore_mem>>) {add = true}
      %lt3A = arith.constant 9 : i32
      %lt3A_492 = arith.cmpi slt, %scan3A_163, %lt3A : i32
      %convert_element_type3A_493 = arith.extui %lt3A_492 : i1 to i32
      %cond3A_494 = arith.constant 0 : i32
      %cond3A_495 = arith.cmpi ne, %convert_element_type3A_493, %cond3A_494 : i32
      scf.if %cond3A_495 {
        %mul3A_496 = arith.constant 4 : i32
        %mul3A_497 = arith.muli %mul3A_165, %mul3A_496 : i32
        %add3A_498 = arith.constant 0 : i32
        %add3A_499 = arith.addi %mul3A_497, %add3A_498 : i32
        %dma_wait3A_500 = arith.constant 0 : i32
        %dma_wait3A_501 = arith.constant 0 : i32
        %dma_wait3A_502 = arith.constant 0 : i32
        %dma_wait3A_503 = arith.constant 0 : i32
        %dma_wait3A_504 = tpu.memref_slice %arg8[%dma_wait3A_500, %dma_wait3A_501, %dma_wait3A_502, %dma_wait3A_503] : memref<2x4x128x64xf32, #tpu.memory_space<vmem>> -> memref<1x1x128x64xf32, #tpu.memory_space<vmem>>
        %dma_wait3A_505 = tpu.memref_squeeze %dma_wait3A_504 : memref<1x1x128x64xf32, #tpu.memory_space<vmem>> -> memref<128x64xf32, #tpu.memory_space<vmem>>
        %dma_wait3A_506 = arith.constant 0 : i32
        %dma_wait3A_507 = tpu.memref_slice %arg7[%add3A_499, %dma_wait3A_506] : memref<80x128xi32, #tpu.memory_space<vmem>> -> memref<1x128xi32, #tpu.memory_space<vmem>>
        %dma_wait3A_508 = tpu.memref_squeeze %dma_wait3A_507 : memref<1x128xi32, #tpu.memory_space<vmem>> -> memref<128xi32, #tpu.memory_space<vmem>>
        %dma_wait3A_509 = arith.constant 0 : i32
        %dma_wait3A_510 = arith.constant 0 : i32
        %dma_wait3A_511 = tpu.memref_slice %arg9[%dma_wait3A_509, %dma_wait3A_510] : memref<10240x64xf32, #tpu.memory_space<vmem_shared>> -> memref<10240x64xf32, #tpu.memory_space<vmem_shared>>
        tpu.wait_indirect_dma semaphore(%arg12 : memref<!tpu.dma_semaphore, #tpu.memory_space<semaphore_mem>>) src(%dma_wait3A_505 : memref<128x64xf32, #tpu.memory_space<vmem>>) dst(%dma_wait3A_511 : memref<10240x64xf32, #tpu.memory_space<vmem_shared>>)
        %mul3A_512 = arith.constant 4 : i32
        %mul3A_513 = arith.muli %mul3A_165, %mul3A_512 : i32
        %add3A_514 = arith.constant 1 : i32
        %add3A_515 = arith.addi %mul3A_513, %add3A_514 : i32
        %dma_wait3A_516 = arith.constant 0 : i32
        %dma_wait3A_517 = arith.constant 1 : i32
        %dma_wait3A_518 = arith.constant 0 : i32
        %dma_wait3A_519 = arith.constant 0 : i32
        %dma_wait3A_520 = tpu.memref_slice %arg8[%dma_wait3A_516, %dma_wait3A_517, %dma_wait3A_518, %dma_wait3A_519] : memref<2x4x128x64xf32, #tpu.memory_space<vmem>> -> memref<1x1x128x64xf32, #tpu.memory_space<vmem>>
        %dma_wait3A_521 = tpu.memref_squeeze %dma_wait3A_520 : memref<1x1x128x64xf32, #tpu.memory_space<vmem>> -> memref<128x64xf32, #tpu.memory_space<vmem>>
        %dma_wait3A_522 = arith.constant 0 : i32
        %dma_wait3A_523 = tpu.memref_slice %arg7[%add3A_515, %dma_wait3A_522] : memref<80x128xi32, #tpu.memory_space<vmem>> -> memref<1x128xi32, #tpu.memory_space<vmem>>
        %dma_wait3A_524 = tpu.memref_squeeze %dma_wait3A_523 : memref<1x128xi32, #tpu.memory_space<vmem>> -> memref<128xi32, #tpu.memory_space<vmem>>
        %dma_wait3A_525 = arith.constant 0 : i32
        %dma_wait3A_526 = arith.constant 0 : i32
        %dma_wait3A_527 = tpu.memref_slice %arg9[%dma_wait3A_525, %dma_wait3A_526] : memref<10240x64xf32, #tpu.memory_space<vmem_shared>> -> memref<10240x64xf32, #tpu.memory_space<vmem_shared>>
        tpu.wait_indirect_dma semaphore(%arg12 : memref<!tpu.dma_semaphore, #tpu.memory_space<semaphore_mem>>) src(%dma_wait3A_521 : memref<128x64xf32, #tpu.memory_space<vmem>>) dst(%dma_wait3A_527 : memref<10240x64xf32, #tpu.memory_space<vmem_shared>>)
        %mul3A_528 = arith.constant 4 : i32
        %mul3A_529 = arith.muli %mul3A_165, %mul3A_528 : i32
        %add3A_530 = arith.constant 2 : i32
        %add3A_531 = arith.addi %mul3A_529, %add3A_530 : i32
        %dma_wait3A_532 = arith.constant 0 : i32
        %dma_wait3A_533 = arith.constant 2 : i32
        %dma_wait3A_534 = arith.constant 0 : i32
        %dma_wait3A_535 = arith.constant 0 : i32
        %dma_wait3A_536 = tpu.memref_slice %arg8[%dma_wait3A_532, %dma_wait3A_533, %dma_wait3A_534, %dma_wait3A_535] : memref<2x4x128x64xf32, #tpu.memory_space<vmem>> -> memref<1x1x128x64xf32, #tpu.memory_space<vmem>>
        %dma_wait3A_537 = tpu.memref_squeeze %dma_wait3A_536 : memref<1x1x128x64xf32, #tpu.memory_space<vmem>> -> memref<128x64xf32, #tpu.memory_space<vmem>>
        %dma_wait3A_538 = arith.constant 0 : i32
        %dma_wait3A_539 = tpu.memref_slice %arg7[%add3A_531, %dma_wait3A_538] : memref<80x128xi32, #tpu.memory_space<vmem>> -> memref<1x128xi32, #tpu.memory_space<vmem>>
        %dma_wait3A_540 = tpu.memref_squeeze %dma_wait3A_539 : memref<1x128xi32, #tpu.memory_space<vmem>> -> memref<128xi32, #tpu.memory_space<vmem>>
        %dma_wait3A_541 = arith.constant 0 : i32
        %dma_wait3A_542 = arith.constant 0 : i32
        %dma_wait3A_543 = tpu.memref_slice %arg9[%dma_wait3A_541, %dma_wait3A_542] : memref<10240x64xf32, #tpu.memory_space<vmem_shared>> -> memref<10240x64xf32, #tpu.memory_space<vmem_shared>>
        tpu.wait_indirect_dma semaphore(%arg12 : memref<!tpu.dma_semaphore, #tpu.memory_space<semaphore_mem>>) src(%dma_wait3A_537 : memref<128x64xf32, #tpu.memory_space<vmem>>) dst(%dma_wait3A_543 : memref<10240x64xf32, #tpu.memory_space<vmem_shared>>)
        %mul3A_544 = arith.constant 4 : i32
        %mul3A_545 = arith.muli %mul3A_165, %mul3A_544 : i32
        %add3A_546 = arith.constant 3 : i32
        %add3A_547 = arith.addi %mul3A_545, %add3A_546 : i32
        %dma_wait3A_548 = arith.constant 0 : i32
        %dma_wait3A_549 = arith.constant 3 : i32
        %dma_wait3A_550 = arith.constant 0 : i32
        %dma_wait3A_551 = arith.constant 0 : i32
        %dma_wait3A_552 = tpu.memref_slice %arg8[%dma_wait3A_548, %dma_wait3A_549, %dma_wait3A_550, %dma_wait3A_551] : memref<2x4x128x64xf32, #tpu.memory_space<vmem>> -> memref<1x1x128x64xf32, #tpu.memory_space<vmem>>
        %dma_wait3A_553 = tpu.memref_squeeze %dma_wait3A_552 : memref<1x1x128x64xf32, #tpu.memory_space<vmem>> -> memref<128x64xf32, #tpu.memory_space<vmem>>
        %dma_wait3A_554 = arith.constant 0 : i32
        %dma_wait3A_555 = tpu.memref_slice %arg7[%add3A_547, %dma_wait3A_554] : memref<80x128xi32, #tpu.memory_space<vmem>> -> memref<1x128xi32, #tpu.memory_space<vmem>>
        %dma_wait3A_556 = tpu.memref_squeeze %dma_wait3A_555 : memref<1x128xi32, #tpu.memory_space<vmem>> -> memref<128xi32, #tpu.memory_space<vmem>>
        %dma_wait3A_557 = arith.constant 0 : i32
        %dma_wait3A_558 = arith.constant 0 : i32
        %dma_wait3A_559 = tpu.memref_slice %arg9[%dma_wait3A_557, %dma_wait3A_558] : memref<10240x64xf32, #tpu.memory_space<vmem_shared>> -> memref<10240x64xf32, #tpu.memory_space<vmem_shared>>
        tpu.wait_indirect_dma semaphore(%arg12 : memref<!tpu.dma_semaphore, #tpu.memory_space<semaphore_mem>>) src(%dma_wait3A_553 : memref<128x64xf32, #tpu.memory_space<vmem>>) dst(%dma_wait3A_559 : memref<10240x64xf32, #tpu.memory_space<vmem_shared>>)
        %add3A_560 = arith.constant 2 : i32
        %add3A_561 = arith.addi %mul3A_165, %add3A_560 : i32
        %mul3A_562 = arith.constant 4 : i32
        %mul3A_563 = arith.muli %add3A_561, %mul3A_562 : i32
        %add3A_564 = arith.constant 0 : i32
        %add3A_565 = arith.addi %mul3A_563, %add3A_564 : i32
        %dma_start3A_566 = arith.constant 0 : i32
        %dma_start3A_567 = arith.constant 0 : i32
        %dma_start3A_568 = arith.constant 0 : i32
        %dma_start3A_569 = arith.constant 0 : i32
        %dma_start3A_570 = tpu.memref_slice %arg8[%dma_start3A_566, %dma_start3A_567, %dma_start3A_568, %dma_start3A_569] : memref<2x4x128x64xf32, #tpu.memory_space<vmem>> -> memref<1x1x128x64xf32, #tpu.memory_space<vmem>>
        %dma_start3A_571 = tpu.memref_squeeze %dma_start3A_570 : memref<1x1x128x64xf32, #tpu.memory_space<vmem>> -> memref<128x64xf32, #tpu.memory_space<vmem>>
        %dma_start3A_572 = arith.constant 0 : i32
        %dma_start3A_573 = tpu.memref_slice %arg6[%add3A_565, %dma_start3A_572] : memref<80x128xi32, #tpu.memory_space<vmem>> -> memref<1x128xi32, #tpu.memory_space<vmem>>
        %dma_start3A_574 = tpu.memref_squeeze %dma_start3A_573 : memref<1x128xi32, #tpu.memory_space<vmem>> -> memref<128xi32, #tpu.memory_space<vmem>>
        %dma_start3A_575 = arith.constant 0 : i32
        %dma_start3A_576 = arith.constant 0 : i32
        %dma_start3A_577 = tpu.memref_slice %arg2[%dma_start3A_575, %dma_start3A_576] : memref<10240x64xf32, #tpu.memory_space<hbm>> -> memref<10240x64xf32, #tpu.memory_space<hbm>>
        tpu.enqueue_indirect_dma source(%dma_start3A_577 : memref<10240x64xf32, #tpu.memory_space<hbm>>) target(%dma_start3A_571 : memref<128x64xf32, #tpu.memory_space<vmem>>) offsets(%dma_start3A_574 : memref<128xi32, #tpu.memory_space<vmem>>) semaphore(%arg10 : memref<!tpu.dma_semaphore, #tpu.memory_space<semaphore_mem>>)
        %mul3A_578 = arith.constant 4 : i32
        %mul3A_579 = arith.muli %add3A_561, %mul3A_578 : i32
        %add3A_580 = arith.constant 1 : i32
        %add3A_581 = arith.addi %mul3A_579, %add3A_580 : i32
        %dma_start3A_582 = arith.constant 0 : i32
        %dma_start3A_583 = arith.constant 1 : i32
        %dma_start3A_584 = arith.constant 0 : i32
        %dma_start3A_585 = arith.constant 0 : i32
        %dma_start3A_586 = tpu.memref_slice %arg8[%dma_start3A_582, %dma_start3A_583, %dma_start3A_584, %dma_start3A_585] : memref<2x4x128x64xf32, #tpu.memory_space<vmem>> -> memref<1x1x128x64xf32, #tpu.memory_space<vmem>>
        %dma_start3A_587 = tpu.memref_squeeze %dma_start3A_586 : memref<1x1x128x64xf32, #tpu.memory_space<vmem>> -> memref<128x64xf32, #tpu.memory_space<vmem>>
        %dma_start3A_588 = arith.constant 0 : i32
        %dma_start3A_589 = tpu.memref_slice %arg6[%add3A_581, %dma_start3A_588] : memref<80x128xi32, #tpu.memory_space<vmem>> -> memref<1x128xi32, #tpu.memory_space<vmem>>
        %dma_start3A_590 = tpu.memref_squeeze %dma_start3A_589 : memref<1x128xi32, #tpu.memory_space<vmem>> -> memref<128xi32, #tpu.memory_space<vmem>>
        %dma_start3A_591 = arith.constant 0 : i32
        %dma_start3A_592 = arith.constant 0 : i32
        %dma_start3A_593 = tpu.memref_slice %arg2[%dma_start3A_591, %dma_start3A_592] : memref<10240x64xf32, #tpu.memory_space<hbm>> -> memref<10240x64xf32, #tpu.memory_space<hbm>>
        tpu.enqueue_indirect_dma source(%dma_start3A_593 : memref<10240x64xf32, #tpu.memory_space<hbm>>) target(%dma_start3A_587 : memref<128x64xf32, #tpu.memory_space<vmem>>) offsets(%dma_start3A_590 : memref<128xi32, #tpu.memory_space<vmem>>) semaphore(%arg10 : memref<!tpu.dma_semaphore, #tpu.memory_space<semaphore_mem>>)
        %mul3A_594 = arith.constant 4 : i32
        %mul3A_595 = arith.muli %add3A_561, %mul3A_594 : i32
        %add3A_596 = arith.constant 2 : i32
        %add3A_597 = arith.addi %mul3A_595, %add3A_596 : i32
        %dma_start3A_598 = arith.constant 0 : i32
        %dma_start3A_599 = arith.constant 2 : i32
        %dma_start3A_600 = arith.constant 0 : i32
        %dma_start3A_601 = arith.constant 0 : i32
        %dma_start3A_602 = tpu.memref_slice %arg8[%dma_start3A_598, %dma_start3A_599, %dma_start3A_600, %dma_start3A_601] : memref<2x4x128x64xf32, #tpu.memory_space<vmem>> -> memref<1x1x128x64xf32, #tpu.memory_space<vmem>>
        %dma_start3A_603 = tpu.memref_squeeze %dma_start3A_602 : memref<1x1x128x64xf32, #tpu.memory_space<vmem>> -> memref<128x64xf32, #tpu.memory_space<vmem>>
        %dma_start3A_604 = arith.constant 0 : i32
        %dma_start3A_605 = tpu.memref_slice %arg6[%add3A_597, %dma_start3A_604] : memref<80x128xi32, #tpu.memory_space<vmem>> -> memref<1x128xi32, #tpu.memory_space<vmem>>
        %dma_start3A_606 = tpu.memref_squeeze %dma_start3A_605 : memref<1x128xi32, #tpu.memory_space<vmem>> -> memref<128xi32, #tpu.memory_space<vmem>>
        %dma_start3A_607 = arith.constant 0 : i32
        %dma_start3A_608 = arith.constant 0 : i32
        %dma_start3A_609 = tpu.memref_slice %arg2[%dma_start3A_607, %dma_start3A_608] : memref<10240x64xf32, #tpu.memory_space<hbm>> -> memref<10240x64xf32, #tpu.memory_space<hbm>>
        tpu.enqueue_indirect_dma source(%dma_start3A_609 : memref<10240x64xf32, #tpu.memory_space<hbm>>) target(%dma_start3A_603 : memref<128x64xf32, #tpu.memory_space<vmem>>) offsets(%dma_start3A_606 : memref<128xi32, #tpu.memory_space<vmem>>) semaphore(%arg10 : memref<!tpu.dma_semaphore, #tpu.memory_space<semaphore_mem>>)
        %mul3A_610 = arith.constant 4 : i32
        %mul3A_611 = arith.muli %add3A_561, %mul3A_610 : i32
        %add3A_612 = arith.constant 3 : i32
        %add3A_613 = arith.addi %mul3A_611, %add3A_612 : i32
        %dma_start3A_614 = arith.constant 0 : i32
        %dma_start3A_615 = arith.constant 3 : i32
        %dma_start3A_616 = arith.constant 0 : i32
        %dma_start3A_617 = arith.constant 0 : i32
        %dma_start3A_618 = tpu.memref_slice %arg8[%dma_start3A_614, %dma_start3A_615, %dma_start3A_616, %dma_start3A_617] : memref<2x4x128x64xf32, #tpu.memory_space<vmem>> -> memref<1x1x128x64xf32, #tpu.memory_space<vmem>>
        %dma_start3A_619 = tpu.memref_squeeze %dma_start3A_618 : memref<1x1x128x64xf32, #tpu.memory_space<vmem>> -> memref<128x64xf32, #tpu.memory_space<vmem>>
        %dma_start3A_620 = arith.constant 0 : i32
        %dma_start3A_621 = tpu.memref_slice %arg6[%add3A_613, %dma_start3A_620] : memref<80x128xi32, #tpu.memory_space<vmem>> -> memref<1x128xi32, #tpu.memory_space<vmem>>
        %dma_start3A_622 = tpu.memref_squeeze %dma_start3A_621 : memref<1x128xi32, #tpu.memory_space<vmem>> -> memref<128xi32, #tpu.memory_space<vmem>>
        %dma_start3A_623 = arith.constant 0 : i32
        %dma_start3A_624 = arith.constant 0 : i32
        %dma_start3A_625 = tpu.memref_slice %arg2[%dma_start3A_623, %dma_start3A_624] : memref<10240x64xf32, #tpu.memory_space<hbm>> -> memref<10240x64xf32, #tpu.memory_space<hbm>>
        tpu.enqueue_indirect_dma source(%dma_start3A_625 : memref<10240x64xf32, #tpu.memory_space<hbm>>) target(%dma_start3A_619 : memref<128x64xf32, #tpu.memory_space<vmem>>) offsets(%dma_start3A_622 : memref<128xi32, #tpu.memory_space<vmem>>) semaphore(%arg10 : memref<!tpu.dma_semaphore, #tpu.memory_space<semaphore_mem>>)
      } else {
      }
    }
    %scan3A_58 = arith.constant 10 : i32
    %dma_wait3A = arith.constant 0 : i32
    %dma_wait3A_59 = arith.constant 0 : i32
    %dma_wait3A_60 = arith.constant 72 : i32
    %dma_wait3A_61 = arith.constant 0 : i32
    %dma_wait3A_62 = arith.constant 0 : i32
    %dma_wait3A_63 = tpu.memref_slice %arg8[%dma_wait3A, %dma_wait3A_59, %dma_wait3A_61, %dma_wait3A_62] : memref<2x4x128x64xf32, #tpu.memory_space<vmem>> -> memref<1x1x128x64xf32, #tpu.memory_space<vmem>>
    %dma_wait3A_64 = tpu.memref_squeeze %dma_wait3A_63 : memref<1x1x128x64xf32, #tpu.memory_space<vmem>> -> memref<128x64xf32, #tpu.memory_space<vmem>>
    %dma_wait3A_65 = arith.constant 0 : i32
    %dma_wait3A_66 = tpu.memref_slice %arg7[%dma_wait3A_60, %dma_wait3A_65] : memref<80x128xi32, #tpu.memory_space<vmem>> -> memref<1x128xi32, #tpu.memory_space<vmem>>
    %dma_wait3A_67 = tpu.memref_squeeze %dma_wait3A_66 : memref<1x128xi32, #tpu.memory_space<vmem>> -> memref<128xi32, #tpu.memory_space<vmem>>
    %dma_wait3A_68 = arith.constant 0 : i32
    %dma_wait3A_69 = arith.constant 0 : i32
    %dma_wait3A_70 = tpu.memref_slice %arg9[%dma_wait3A_68, %dma_wait3A_69] : memref<10240x64xf32, #tpu.memory_space<vmem_shared>> -> memref<10240x64xf32, #tpu.memory_space<vmem_shared>>
    tpu.wait_indirect_dma semaphore(%arg12 : memref<!tpu.dma_semaphore, #tpu.memory_space<semaphore_mem>>) src(%dma_wait3A_64 : memref<128x64xf32, #tpu.memory_space<vmem>>) dst(%dma_wait3A_70 : memref<10240x64xf32, #tpu.memory_space<vmem_shared>>)
    %dma_wait3A_71 = arith.constant 0 : i32
    %dma_wait3A_72 = arith.constant 1 : i32
    %dma_wait3A_73 = arith.constant 73 : i32
    %dma_wait3A_74 = arith.constant 0 : i32
    %dma_wait3A_75 = arith.constant 0 : i32
    %dma_wait3A_76 = tpu.memref_slice %arg8[%dma_wait3A_71, %dma_wait3A_72, %dma_wait3A_74, %dma_wait3A_75] : memref<2x4x128x64xf32, #tpu.memory_space<vmem>> -> memref<1x1x128x64xf32, #tpu.memory_space<vmem>>
    %dma_wait3A_77 = tpu.memref_squeeze %dma_wait3A_76 : memref<1x1x128x64xf32, #tpu.memory_space<vmem>> -> memref<128x64xf32, #tpu.memory_space<vmem>>
    %dma_wait3A_78 = arith.constant 0 : i32
    %dma_wait3A_79 = tpu.memref_slice %arg7[%dma_wait3A_73, %dma_wait3A_78] : memref<80x128xi32, #tpu.memory_space<vmem>> -> memref<1x128xi32, #tpu.memory_space<vmem>>
    %dma_wait3A_80 = tpu.memref_squeeze %dma_wait3A_79 : memref<1x128xi32, #tpu.memory_space<vmem>> -> memref<128xi32, #tpu.memory_space<vmem>>
    %dma_wait3A_81 = arith.constant 0 : i32
    %dma_wait3A_82 = arith.constant 0 : i32
    %dma_wait3A_83 = tpu.memref_slice %arg9[%dma_wait3A_81, %dma_wait3A_82] : memref<10240x64xf32, #tpu.memory_space<vmem_shared>> -> memref<10240x64xf32, #tpu.memory_space<vmem_shared>>
    tpu.wait_indirect_dma semaphore(%arg12 : memref<!tpu.dma_semaphore, #tpu.memory_space<semaphore_mem>>) src(%dma_wait3A_77 : memref<128x64xf32, #tpu.memory_space<vmem>>) dst(%dma_wait3A_83 : memref<10240x64xf32, #tpu.memory_space<vmem_shared>>)
    %dma_wait3A_84 = arith.constant 0 : i32
    %dma_wait3A_85 = arith.constant 2 : i32
    %dma_wait3A_86 = arith.constant 74 : i32
    %dma_wait3A_87 = arith.constant 0 : i32
    %dma_wait3A_88 = arith.constant 0 : i32
    %dma_wait3A_89 = tpu.memref_slice %arg8[%dma_wait3A_84, %dma_wait3A_85, %dma_wait3A_87, %dma_wait3A_88] : memref<2x4x128x64xf32, #tpu.memory_space<vmem>> -> memref<1x1x128x64xf32, #tpu.memory_space<vmem>>
    %dma_wait3A_90 = tpu.memref_squeeze %dma_wait3A_89 : memref<1x1x128x64xf32, #tpu.memory_space<vmem>> -> memref<128x64xf32, #tpu.memory_space<vmem>>
    %dma_wait3A_91 = arith.constant 0 : i32
    %dma_wait3A_92 = tpu.memref_slice %arg7[%dma_wait3A_86, %dma_wait3A_91] : memref<80x128xi32, #tpu.memory_space<vmem>> -> memref<1x128xi32, #tpu.memory_space<vmem>>
    %dma_wait3A_93 = tpu.memref_squeeze %dma_wait3A_92 : memref<1x128xi32, #tpu.memory_space<vmem>> -> memref<128xi32, #tpu.memory_space<vmem>>
    %dma_wait3A_94 = arith.constant 0 : i32
    %dma_wait3A_95 = arith.constant 0 : i32
    %dma_wait3A_96 = tpu.memref_slice %arg9[%dma_wait3A_94, %dma_wait3A_95] : memref<10240x64xf32, #tpu.memory_space<vmem_shared>> -> memref<10240x64xf32, #tpu.memory_space<vmem_shared>>
    tpu.wait_indirect_dma semaphore(%arg12 : memref<!tpu.dma_semaphore, #tpu.memory_space<semaphore_mem>>) src(%dma_wait3A_90 : memref<128x64xf32, #tpu.memory_space<vmem>>) dst(%dma_wait3A_96 : memref<10240x64xf32, #tpu.memory_space<vmem_shared>>)
    %dma_wait3A_97 = arith.constant 0 : i32
    %dma_wait3A_98 = arith.constant 3 : i32
    %dma_wait3A_99 = arith.constant 75 : i32
    %dma_wait3A_100 = arith.constant 0 : i32
    %dma_wait3A_101 = arith.constant 0 : i32
    %dma_wait3A_102 = tpu.memref_slice %arg8[%dma_wait3A_97, %dma_wait3A_98, %dma_wait3A_100, %dma_wait3A_101] : memref<2x4x128x64xf32, #tpu.memory_space<vmem>> -> memref<1x1x128x64xf32, #tpu.memory_space<vmem>>
    %dma_wait3A_103 = tpu.memref_squeeze %dma_wait3A_102 : memref<1x1x128x64xf32, #tpu.memory_space<vmem>> -> memref<128x64xf32, #tpu.memory_space<vmem>>
    %dma_wait3A_104 = arith.constant 0 : i32
    %dma_wait3A_105 = tpu.memref_slice %arg7[%dma_wait3A_99, %dma_wait3A_104] : memref<80x128xi32, #tpu.memory_space<vmem>> -> memref<1x128xi32, #tpu.memory_space<vmem>>
    %dma_wait3A_106 = tpu.memref_squeeze %dma_wait3A_105 : memref<1x128xi32, #tpu.memory_space<vmem>> -> memref<128xi32, #tpu.memory_space<vmem>>
    %dma_wait3A_107 = arith.constant 0 : i32
    %dma_wait3A_108 = arith.constant 0 : i32
    %dma_wait3A_109 = tpu.memref_slice %arg9[%dma_wait3A_107, %dma_wait3A_108] : memref<10240x64xf32, #tpu.memory_space<vmem_shared>> -> memref<10240x64xf32, #tpu.memory_space<vmem_shared>>
    tpu.wait_indirect_dma semaphore(%arg12 : memref<!tpu.dma_semaphore, #tpu.memory_space<semaphore_mem>>) src(%dma_wait3A_103 : memref<128x64xf32, #tpu.memory_space<vmem>>) dst(%dma_wait3A_109 : memref<10240x64xf32, #tpu.memory_space<vmem_shared>>)
    %dma_wait3A_110 = arith.constant 1 : i32
    %dma_wait3A_111 = arith.constant 0 : i32
    %dma_wait3A_112 = arith.constant 76 : i32
    %dma_wait3A_113 = arith.constant 0 : i32
    %dma_wait3A_114 = arith.constant 0 : i32
    %dma_wait3A_115 = tpu.memref_slice %arg8[%dma_wait3A_110, %dma_wait3A_111, %dma_wait3A_113, %dma_wait3A_114] : memref<2x4x128x64xf32, #tpu.memory_space<vmem>> -> memref<1x1x128x64xf32, #tpu.memory_space<vmem>>
    %dma_wait3A_116 = tpu.memref_squeeze %dma_wait3A_115 : memref<1x1x128x64xf32, #tpu.memory_space<vmem>> -> memref<128x64xf32, #tpu.memory_space<vmem>>
    %dma_wait3A_117 = arith.constant 0 : i32
    %dma_wait3A_118 = tpu.memref_slice %arg7[%dma_wait3A_112, %dma_wait3A_117] : memref<80x128xi32, #tpu.memory_space<vmem>> -> memref<1x128xi32, #tpu.memory_space<vmem>>
    %dma_wait3A_119 = tpu.memref_squeeze %dma_wait3A_118 : memref<1x128xi32, #tpu.memory_space<vmem>> -> memref<128xi32, #tpu.memory_space<vmem>>
    %dma_wait3A_120 = arith.constant 0 : i32
    %dma_wait3A_121 = arith.constant 0 : i32
    %dma_wait3A_122 = tpu.memref_slice %arg9[%dma_wait3A_120, %dma_wait3A_121] : memref<10240x64xf32, #tpu.memory_space<vmem_shared>> -> memref<10240x64xf32, #tpu.memory_space<vmem_shared>>
    tpu.wait_indirect_dma semaphore(%arg13 : memref<!tpu.dma_semaphore, #tpu.memory_space<semaphore_mem>>) src(%dma_wait3A_116 : memref<128x64xf32, #tpu.memory_space<vmem>>) dst(%dma_wait3A_122 : memref<10240x64xf32, #tpu.memory_space<vmem_shared>>)
    %dma_wait3A_123 = arith.constant 1 : i32
    %dma_wait3A_124 = arith.constant 1 : i32
    %dma_wait3A_125 = arith.constant 77 : i32
    %dma_wait3A_126 = arith.constant 0 : i32
    %dma_wait3A_127 = arith.constant 0 : i32
    %dma_wait3A_128 = tpu.memref_slice %arg8[%dma_wait3A_123, %dma_wait3A_124, %dma_wait3A_126, %dma_wait3A_127] : memref<2x4x128x64xf32, #tpu.memory_space<vmem>> -> memref<1x1x128x64xf32, #tpu.memory_space<vmem>>
    %dma_wait3A_129 = tpu.memref_squeeze %dma_wait3A_128 : memref<1x1x128x64xf32, #tpu.memory_space<vmem>> -> memref<128x64xf32, #tpu.memory_space<vmem>>
    %dma_wait3A_130 = arith.constant 0 : i32
    %dma_wait3A_131 = tpu.memref_slice %arg7[%dma_wait3A_125, %dma_wait3A_130] : memref<80x128xi32, #tpu.memory_space<vmem>> -> memref<1x128xi32, #tpu.memory_space<vmem>>
    %dma_wait3A_132 = tpu.memref_squeeze %dma_wait3A_131 : memref<1x128xi32, #tpu.memory_space<vmem>> -> memref<128xi32, #tpu.memory_space<vmem>>
    %dma_wait3A_133 = arith.constant 0 : i32
    %dma_wait3A_134 = arith.constant 0 : i32
    %dma_wait3A_135 = tpu.memref_slice %arg9[%dma_wait3A_133, %dma_wait3A_134] : memref<10240x64xf32, #tpu.memory_space<vmem_shared>> -> memref<10240x64xf32, #tpu.memory_space<vmem_shared>>
    tpu.wait_indirect_dma semaphore(%arg13 : memref<!tpu.dma_semaphore, #tpu.memory_space<semaphore_mem>>) src(%dma_wait3A_129 : memref<128x64xf32, #tpu.memory_space<vmem>>) dst(%dma_wait3A_135 : memref<10240x64xf32, #tpu.memory_space<vmem_shared>>)
    %dma_wait3A_136 = arith.constant 1 : i32
    %dma_wait3A_137 = arith.constant 2 : i32
    %dma_wait3A_138 = arith.constant 78 : i32
    %dma_wait3A_139 = arith.constant 0 : i32
    %dma_wait3A_140 = arith.constant 0 : i32
    %dma_wait3A_141 = tpu.memref_slice %arg8[%dma_wait3A_136, %dma_wait3A_137, %dma_wait3A_139, %dma_wait3A_140] : memref<2x4x128x64xf32, #tpu.memory_space<vmem>> -> memref<1x1x128x64xf32, #tpu.memory_space<vmem>>
    %dma_wait3A_142 = tpu.memref_squeeze %dma_wait3A_141 : memref<1x1x128x64xf32, #tpu.memory_space<vmem>> -> memref<128x64xf32, #tpu.memory_space<vmem>>
    %dma_wait3A_143 = arith.constant 0 : i32
    %dma_wait3A_144 = tpu.memref_slice %arg7[%dma_wait3A_138, %dma_wait3A_143] : memref<80x128xi32, #tpu.memory_space<vmem>> -> memref<1x128xi32, #tpu.memory_space<vmem>>
    %dma_wait3A_145 = tpu.memref_squeeze %dma_wait3A_144 : memref<1x128xi32, #tpu.memory_space<vmem>> -> memref<128xi32, #tpu.memory_space<vmem>>
    %dma_wait3A_146 = arith.constant 0 : i32
    %dma_wait3A_147 = arith.constant 0 : i32
    %dma_wait3A_148 = tpu.memref_slice %arg9[%dma_wait3A_146, %dma_wait3A_147] : memref<10240x64xf32, #tpu.memory_space<vmem_shared>> -> memref<10240x64xf32, #tpu.memory_space<vmem_shared>>
    tpu.wait_indirect_dma semaphore(%arg13 : memref<!tpu.dma_semaphore, #tpu.memory_space<semaphore_mem>>) src(%dma_wait3A_142 : memref<128x64xf32, #tpu.memory_space<vmem>>) dst(%dma_wait3A_148 : memref<10240x64xf32, #tpu.memory_space<vmem_shared>>)
    %dma_wait3A_149 = arith.constant 1 : i32
    %dma_wait3A_150 = arith.constant 3 : i32
    %dma_wait3A_151 = arith.constant 79 : i32
    %dma_wait3A_152 = arith.constant 0 : i32
    %dma_wait3A_153 = arith.constant 0 : i32
    %dma_wait3A_154 = tpu.memref_slice %arg8[%dma_wait3A_149, %dma_wait3A_150, %dma_wait3A_152, %dma_wait3A_153] : memref<2x4x128x64xf32, #tpu.memory_space<vmem>> -> memref<1x1x128x64xf32, #tpu.memory_space<vmem>>
    %dma_wait3A_155 = tpu.memref_squeeze %dma_wait3A_154 : memref<1x1x128x64xf32, #tpu.memory_space<vmem>> -> memref<128x64xf32, #tpu.memory_space<vmem>>
    %dma_wait3A_156 = arith.constant 0 : i32
    %dma_wait3A_157 = tpu.memref_slice %arg7[%dma_wait3A_151, %dma_wait3A_156] : memref<80x128xi32, #tpu.memory_space<vmem>> -> memref<1x128xi32, #tpu.memory_space<vmem>>
    %dma_wait3A_158 = tpu.memref_squeeze %dma_wait3A_157 : memref<1x128xi32, #tpu.memory_space<vmem>> -> memref<128xi32, #tpu.memory_space<vmem>>
    %dma_wait3A_159 = arith.constant 0 : i32
    %dma_wait3A_160 = arith.constant 0 : i32
    %dma_wait3A_161 = tpu.memref_slice %arg9[%dma_wait3A_159, %dma_wait3A_160] : memref<10240x64xf32, #tpu.memory_space<vmem_shared>> -> memref<10240x64xf32, #tpu.memory_space<vmem_shared>>
    tpu.wait_indirect_dma semaphore(%arg13 : memref<!tpu.dma_semaphore, #tpu.memory_space<semaphore_mem>>) src(%dma_wait3A_155 : memref<128x64xf32, #tpu.memory_space<vmem>>) dst(%dma_wait3A_161 : memref<10240x64xf32, #tpu.memory_space<vmem_shared>>)
    %barrier3A_162 = arith.constant 0 : index
    tpu.barrier barrier_id(%barrier3A_162)
    "tpu.region"() ({
      %run_scoped3A = tpu.sem_alloc : memref<!tpu.dma_semaphore, #tpu.memory_space<semaphore_mem>>
      %dma_start3A_163 = arith.constant 0 : i32
      %dma_start3A_164 = arith.constant 0 : i32
      %dma_start3A_165 = tpu.memref_slice %arg5[%arg0, %dma_start3A_163, %dma_start3A_164] : memref<2x10240x128xf32, #tpu.memory_space<hbm>> -> memref<1x10240x128xf32, #tpu.memory_space<hbm>>
      %dma_start3A_166 = tpu.memref_squeeze %dma_start3A_165 : memref<1x10240x128xf32, #tpu.memory_space<hbm>> -> memref<10240x128xf32, #tpu.memory_space<hbm>>
      %dma_start3A_167 = arith.constant 0 : i32
      %dma_start3A_168 = tpu.memref_slice %dma_start3A_166[%mul3A_2, %dma_start3A_167] : memref<10240x128xf32, #tpu.memory_space<hbm>> -> memref<640x64xf32, #tpu.memory_space<hbm>>
      %dma_start3A_169 = arith.constant 0 : i32
      %dma_start3A_170 = tpu.memref_slice %arg9[%mul3A_2, %dma_start3A_169] : memref<10240x64xf32, #tpu.memory_space<vmem_shared>> -> memref<640x64xf32, #tpu.memory_space<vmem_shared>>
      tpu.enqueue_dma source(%dma_start3A_170 : memref<640x64xf32, #tpu.memory_space<vmem_shared>>) target(%dma_start3A_168 : memref<640x64xf32, #tpu.memory_space<hbm>>) target_semaphore(%run_scoped3A : memref<!tpu.dma_semaphore, #tpu.memory_space<semaphore_mem>>)
      %dma_wait3A_171 = arith.constant 0 : i32
      %dma_wait3A_172 = arith.constant 0 : i32
      %dma_wait3A_173 = tpu.memref_slice %arg5[%arg0, %dma_wait3A_171, %dma_wait3A_172] : memref<2x10240x128xf32, #tpu.memory_space<hbm>> -> memref<1x10240x128xf32, #tpu.memory_space<hbm>>
      %dma_wait3A_174 = tpu.memref_squeeze %dma_wait3A_173 : memref<1x10240x128xf32, #tpu.memory_space<hbm>> -> memref<10240x128xf32, #tpu.memory_space<hbm>>
      %dma_wait3A_175 = arith.constant 0 : i32
      %dma_wait3A_176 = tpu.memref_slice %dma_wait3A_174[%mul3A_2, %dma_wait3A_175] : memref<10240x128xf32, #tpu.memory_space<hbm>> -> memref<640x64xf32, #tpu.memory_space<hbm>>
      %dma_wait3A_177 = arith.constant 0 : i32
      %dma_wait3A_178 = tpu.memref_slice %arg9[%mul3A_2, %dma_wait3A_177] : memref<10240x64xf32, #tpu.memory_space<vmem_shared>> -> memref<640x64xf32, #tpu.memory_space<vmem_shared>>
      tpu.wait_dma2 semaphore(%run_scoped3A : memref<!tpu.dma_semaphore, #tpu.memory_space<semaphore_mem>>) src(%dma_wait3A_178 : memref<640x64xf32, #tpu.memory_space<vmem_shared>>) dst(%dma_wait3A_176 : memref<640x64xf32, #tpu.memory_space<hbm>>)
      tpu.yield
    }) : () -> ()
    return
  }
}

#map = affine_map<(d0, d1) -> (0, 0, 0)>
module attributes {stable_mosaic.version = 14 : i64} {
  func.func @_sc_deg(%arg0: i32, %arg1: i32, %arg2: memref<32x80x128xi32, #tpu.memory_space<hbm>>, %arg3: memref<2x10240x128xf32, #tpu.memory_space<hbm>>, %arg4: memref<80x128xi32, #tpu.memory_space<vmem>>, %arg5: memref<128x16xf32, #tpu.memory_space<vmem>>, %arg6: memref<128x16xf32, #tpu.memory_space<vmem>>, %arg7: memref<10240x16xf32, #tpu.memory_space<vmem_shared>>) attributes {dimension_semantics = [#tpu.dimension_semantics<core_parallel>, #tpu.dimension_semantics<subcore_parallel>], iteration_bounds = array<i64: 2, 16>, scalar_prefetch = 0 : i64, scratch_operands = 4 : i64, tpu.core_type = #tpu.core_type<sc_vector_subcore>, window_params = [{transform_indices = #map}, {transform_indices = #map}]} {
    %mul3A = arith.constant 16 : i32
    %mul3A_0 = arith.muli %arg0, %mul3A : i32
    %add3A = arith.addi %mul3A_0, %arg1 : i32
    "tpu.region"() ({
      %run_scoped3A = tpu.sem_alloc : memref<!tpu.dma_semaphore, #tpu.memory_space<semaphore_mem>>
      %dma_start3A = arith.constant 0 : i32
      %dma_start3A_25 = arith.constant 0 : i32
      %dma_start3A_26 = tpu.memref_slice %arg2[%add3A, %dma_start3A, %dma_start3A_25] : memref<32x80x128xi32, #tpu.memory_space<hbm>> -> memref<1x80x128xi32, #tpu.memory_space<hbm>>
      %dma_start3A_27 = tpu.memref_squeeze %dma_start3A_26 : memref<1x80x128xi32, #tpu.memory_space<hbm>> -> memref<80x128xi32, #tpu.memory_space<hbm>>
      %dma_start3A_28 = arith.constant 0 : i32
      %dma_start3A_29 = arith.constant 0 : i32
      %dma_start3A_30 = tpu.memref_slice %arg2[%add3A, %dma_start3A_28, %dma_start3A_29] : memref<32x80x128xi32, #tpu.memory_space<hbm>> -> memref<1x80x128xi32, #tpu.memory_space<hbm>>
      %dma_start3A_31 = tpu.memref_squeeze %dma_start3A_30 : memref<1x80x128xi32, #tpu.memory_space<hbm>> -> memref<80x128xi32, #tpu.memory_space<hbm>>
      tpu.enqueue_dma source(%dma_start3A_31 : memref<80x128xi32, #tpu.memory_space<hbm>>) target(%arg4 : memref<80x128xi32, #tpu.memory_space<vmem>>) target_semaphore(%run_scoped3A : memref<!tpu.dma_semaphore, #tpu.memory_space<semaphore_mem>>)
      %dma_wait3A = arith.constant 0 : i32
      %dma_wait3A_32 = arith.constant 0 : i32
      %dma_wait3A_33 = tpu.memref_slice %arg2[%add3A, %dma_wait3A, %dma_wait3A_32] : memref<32x80x128xi32, #tpu.memory_space<hbm>> -> memref<1x80x128xi32, #tpu.memory_space<hbm>>
      %dma_wait3A_34 = tpu.memref_squeeze %dma_wait3A_33 : memref<1x80x128xi32, #tpu.memory_space<hbm>> -> memref<80x128xi32, #tpu.memory_space<hbm>>
      %dma_wait3A_35 = arith.constant 0 : i32
      %dma_wait3A_36 = arith.constant 0 : i32
      %dma_wait3A_37 = tpu.memref_slice %arg2[%add3A, %dma_wait3A_35, %dma_wait3A_36] : memref<32x80x128xi32, #tpu.memory_space<hbm>> -> memref<1x80x128xi32, #tpu.memory_space<hbm>>
      %dma_wait3A_38 = tpu.memref_squeeze %dma_wait3A_37 : memref<1x80x128xi32, #tpu.memory_space<hbm>> -> memref<80x128xi32, #tpu.memory_space<hbm>>
      tpu.wait_dma2 semaphore(%run_scoped3A : memref<!tpu.dma_semaphore, #tpu.memory_space<semaphore_mem>>) src(%dma_wait3A_38 : memref<80x128xi32, #tpu.memory_space<hbm>>) dst(%arg4 : memref<80x128xi32, #tpu.memory_space<vmem>>)
      tpu.yield
    }) : () -> ()
    %scan3A = arith.constant 0 : i32
    %scan3A_1 = arith.constant 0 : i32
    %scan3A_2 = arith.constant 128 : i32
    %scan3A_3 = arith.addi %scan3A_1, %scan3A_2 : i32
    %scan3A_4 = arith.constant 1 : i32
    scf.for %scan3A_25 = %scan3A_1 to %scan3A_3 step %scan3A_4  : i32 {
      %broadcast_in_dim3A = arith.constant 1.000000e+00 : f32
      %broadcast_in_dim3A_26 = vector.broadcast %broadcast_in_dim3A : f32 to vector<16xf32>
      %swap3A = arith.index_cast %scan3A_25 : i32 to index
      %swap3A_27 = arith.constant 0 : index
      %swap3A_28 = tpu.vector_load %arg5[%swap3A, %swap3A_27] {strides = array<i32>} : memref<128x16xf32, #tpu.memory_space<vmem>>, vector<1x16xf32>,
      %swap3A_29 = vector.shape_cast %swap3A_28 : vector<1x16xf32> to vector<16xf32>
      %swap3A_30 = vector.shape_cast %broadcast_in_dim3A_26 : vector<16xf32> to vector<1x16xf32>
      tpu.vector_store %arg5[%swap3A, %swap3A_27], %swap3A_30 {strides = array<i32>} : memref<128x16xf32, #tpu.memory_space<vmem>>, vector<1x16xf32>,
      %broadcast_in_dim3A_31 = arith.constant 0.000000e+00 : f32
      %broadcast_in_dim3A_32 = vector.broadcast %broadcast_in_dim3A_31 : f32 to vector<16xf32>
      %swap3A_33 = arith.index_cast %scan3A_25 : i32 to index
      %swap3A_34 = arith.constant 0 : index
      %swap3A_35 = tpu.vector_load %arg6[%swap3A_33, %swap3A_34] {strides = array<i32>} : memref<128x16xf32, #tpu.memory_space<vmem>>, vector<1x16xf32>,
      %swap3A_36 = vector.shape_cast %swap3A_35 : vector<1x16xf32> to vector<16xf32>
      %swap3A_37 = vector.shape_cast %broadcast_in_dim3A_32 : vector<16xf32> to vector<1x16xf32>
      tpu.vector_store %arg6[%swap3A_33, %swap3A_34], %swap3A_37 {strides = array<i32>} : memref<128x16xf32, #tpu.memory_space<vmem>>, vector<1x16xf32>,
    }
    %scan3A_5 = arith.constant 128 : i32
    %mul3A_6 = arith.constant 640 : i32
    %mul3A_7 = arith.muli %arg1, %mul3A_6 : i32
    %add3A_8 = arith.constant 0 : i32
    %add3A_9 = arith.addi %mul3A_7, %add3A_8 : i32
    "tpu.region"() ({
      %run_scoped3A = tpu.sem_alloc : memref<!tpu.dma_semaphore, #tpu.memory_space<semaphore_mem>>
      %dma_start3A = arith.constant 0 : i32
      %dma_start3A_25 = tpu.memref_slice %arg7[%add3A_9, %dma_start3A] : memref<10240x16xf32, #tpu.memory_space<vmem_shared>> -> memref<128x16xf32, #tpu.memory_space<vmem_shared>>
      %dma_start3A_26 = arith.constant 0 : i32
      %dma_start3A_27 = tpu.memref_slice %arg7[%add3A_9, %dma_start3A_26] : memref<10240x16xf32, #tpu.memory_space<vmem_shared>> -> memref<128x16xf32, #tpu.memory_space<vmem_shared>>
      tpu.enqueue_dma source(%arg6 : memref<128x16xf32, #tpu.memory_space<vmem>>) target(%dma_start3A_27 : memref<128x16xf32, #tpu.memory_space<vmem_shared>>) target_semaphore(%run_scoped3A : memref<!tpu.dma_semaphore, #tpu.memory_space<semaphore_mem>>)
      %dma_wait3A = arith.constant 0 : i32
      %dma_wait3A_28 = tpu.memref_slice %arg7[%add3A_9, %dma_wait3A] : memref<10240x16xf32, #tpu.memory_space<vmem_shared>> -> memref<128x16xf32, #tpu.memory_space<vmem_shared>>
      %dma_wait3A_29 = arith.constant 0 : i32
      %dma_wait3A_30 = tpu.memref_slice %arg7[%add3A_9, %dma_wait3A_29] : memref<10240x16xf32, #tpu.memory_space<vmem_shared>> -> memref<128x16xf32, #tpu.memory_space<vmem_shared>>
      tpu.wait_dma2 semaphore(%run_scoped3A : memref<!tpu.dma_semaphore, #tpu.memory_space<semaphore_mem>>) src(%arg6 : memref<128x16xf32, #tpu.memory_space<vmem>>) dst(%dma_wait3A_30 : memref<128x16xf32, #tpu.memory_space<vmem_shared>>)
      tpu.yield
    }) : () -> ()
    %add3A_10 = arith.constant 128 : i32
    %add3A_11 = arith.addi %mul3A_7, %add3A_10 : i32
    "tpu.region"() ({
      %run_scoped3A = tpu.sem_alloc : memref<!tpu.dma_semaphore, #tpu.memory_space<semaphore_mem>>
      %dma_start3A = arith.constant 0 : i32
      %dma_start3A_25 = tpu.memref_slice %arg7[%add3A_11, %dma_start3A] : memref<10240x16xf32, #tpu.memory_space<vmem_shared>> -> memref<128x16xf32, #tpu.memory_space<vmem_shared>>
      %dma_start3A_26 = arith.constant 0 : i32
      %dma_start3A_27 = tpu.memref_slice %arg7[%add3A_11, %dma_start3A_26] : memref<10240x16xf32, #tpu.memory_space<vmem_shared>> -> memref<128x16xf32, #tpu.memory_space<vmem_shared>>
      tpu.enqueue_dma source(%arg6 : memref<128x16xf32, #tpu.memory_space<vmem>>) target(%dma_start3A_27 : memref<128x16xf32, #tpu.memory_space<vmem_shared>>) target_semaphore(%run_scoped3A : memref<!tpu.dma_semaphore, #tpu.memory_space<semaphore_mem>>)
      %dma_wait3A = arith.constant 0 : i32
      %dma_wait3A_28 = tpu.memref_slice %arg7[%add3A_11, %dma_wait3A] : memref<10240x16xf32, #tpu.memory_space<vmem_shared>> -> memref<128x16xf32, #tpu.memory_space<vmem_shared>>
      %dma_wait3A_29 = arith.constant 0 : i32
      %dma_wait3A_30 = tpu.memref_slice %arg7[%add3A_11, %dma_wait3A_29] : memref<10240x16xf32, #tpu.memory_space<vmem_shared>> -> memref<128x16xf32, #tpu.memory_space<vmem_shared>>
      tpu.wait_dma2 semaphore(%run_scoped3A : memref<!tpu.dma_semaphore, #tpu.memory_space<semaphore_mem>>) src(%arg6 : memref<128x16xf32, #tpu.memory_space<vmem>>) dst(%dma_wait3A_30 : memref<128x16xf32, #tpu.memory_space<vmem_shared>>)
      tpu.yield
    }) : () -> ()
    %add3A_12 = arith.constant 256 : i32
    %add3A_13 = arith.addi %mul3A_7, %add3A_12 : i32
    "tpu.region"() ({
      %run_scoped3A = tpu.sem_alloc : memref<!tpu.dma_semaphore, #tpu.memory_space<semaphore_mem>>
      %dma_start3A = arith.constant 0 : i32
      %dma_start3A_25 = tpu.memref_slice %arg7[%add3A_13, %dma_start3A] : memref<10240x16xf32, #tpu.memory_space<vmem_shared>> -> memref<128x16xf32, #tpu.memory_space<vmem_shared>>
      %dma_start3A_26 = arith.constant 0 : i32
      %dma_start3A_27 = tpu.memref_slice %arg7[%add3A_13, %dma_start3A_26] : memref<10240x16xf32, #tpu.memory_space<vmem_shared>> -> memref<128x16xf32, #tpu.memory_space<vmem_shared>>
      tpu.enqueue_dma source(%arg6 : memref<128x16xf32, #tpu.memory_space<vmem>>) target(%dma_start3A_27 : memref<128x16xf32, #tpu.memory_space<vmem_shared>>) target_semaphore(%run_scoped3A : memref<!tpu.dma_semaphore, #tpu.memory_space<semaphore_mem>>)
      %dma_wait3A = arith.constant 0 : i32
      %dma_wait3A_28 = tpu.memref_slice %arg7[%add3A_13, %dma_wait3A] : memref<10240x16xf32, #tpu.memory_space<vmem_shared>> -> memref<128x16xf32, #tpu.memory_space<vmem_shared>>
      %dma_wait3A_29 = arith.constant 0 : i32
      %dma_wait3A_30 = tpu.memref_slice %arg7[%add3A_13, %dma_wait3A_29] : memref<10240x16xf32, #tpu.memory_space<vmem_shared>> -> memref<128x16xf32, #tpu.memory_space<vmem_shared>>
      tpu.wait_dma2 semaphore(%run_scoped3A : memref<!tpu.dma_semaphore, #tpu.memory_space<semaphore_mem>>) src(%arg6 : memref<128x16xf32, #tpu.memory_space<vmem>>) dst(%dma_wait3A_30 : memref<128x16xf32, #tpu.memory_space<vmem_shared>>)
      tpu.yield
    }) : () -> ()
    %add3A_14 = arith.constant 384 : i32
    %add3A_15 = arith.addi %mul3A_7, %add3A_14 : i32
    "tpu.region"() ({
      %run_scoped3A = tpu.sem_alloc : memref<!tpu.dma_semaphore, #tpu.memory_space<semaphore_mem>>
      %dma_start3A = arith.constant 0 : i32
      %dma_start3A_25 = tpu.memref_slice %arg7[%add3A_15, %dma_start3A] : memref<10240x16xf32, #tpu.memory_space<vmem_shared>> -> memref<128x16xf32, #tpu.memory_space<vmem_shared>>
      %dma_start3A_26 = arith.constant 0 : i32
      %dma_start3A_27 = tpu.memref_slice %arg7[%add3A_15, %dma_start3A_26] : memref<10240x16xf32, #tpu.memory_space<vmem_shared>> -> memref<128x16xf32, #tpu.memory_space<vmem_shared>>
      tpu.enqueue_dma source(%arg6 : memref<128x16xf32, #tpu.memory_space<vmem>>) target(%dma_start3A_27 : memref<128x16xf32, #tpu.memory_space<vmem_shared>>) target_semaphore(%run_scoped3A : memref<!tpu.dma_semaphore, #tpu.memory_space<semaphore_mem>>)
      %dma_wait3A = arith.constant 0 : i32
      %dma_wait3A_28 = tpu.memref_slice %arg7[%add3A_15, %dma_wait3A] : memref<10240x16xf32, #tpu.memory_space<vmem_shared>> -> memref<128x16xf32, #tpu.memory_space<vmem_shared>>
      %dma_wait3A_29 = arith.constant 0 : i32
      %dma_wait3A_30 = tpu.memref_slice %arg7[%add3A_15, %dma_wait3A_29] : memref<10240x16xf32, #tpu.memory_space<vmem_shared>> -> memref<128x16xf32, #tpu.memory_space<vmem_shared>>
      tpu.wait_dma2 semaphore(%run_scoped3A : memref<!tpu.dma_semaphore, #tpu.memory_space<semaphore_mem>>) src(%arg6 : memref<128x16xf32, #tpu.memory_space<vmem>>) dst(%dma_wait3A_30 : memref<128x16xf32, #tpu.memory_space<vmem_shared>>)
      tpu.yield
    }) : () -> ()
    %add3A_16 = arith.constant 512 : i32
    %add3A_17 = arith.addi %mul3A_7, %add3A_16 : i32
    "tpu.region"() ({
      %run_scoped3A = tpu.sem_alloc : memref<!tpu.dma_semaphore, #tpu.memory_space<semaphore_mem>>
      %dma_start3A = arith.constant 0 : i32
      %dma_start3A_25 = tpu.memref_slice %arg7[%add3A_17, %dma_start3A] : memref<10240x16xf32, #tpu.memory_space<vmem_shared>> -> memref<128x16xf32, #tpu.memory_space<vmem_shared>>
      %dma_start3A_26 = arith.constant 0 : i32
      %dma_start3A_27 = tpu.memref_slice %arg7[%add3A_17, %dma_start3A_26] : memref<10240x16xf32, #tpu.memory_space<vmem_shared>> -> memref<128x16xf32, #tpu.memory_space<vmem_shared>>
      tpu.enqueue_dma source(%arg6 : memref<128x16xf32, #tpu.memory_space<vmem>>) target(%dma_start3A_27 : memref<128x16xf32, #tpu.memory_space<vmem_shared>>) target_semaphore(%run_scoped3A : memref<!tpu.dma_semaphore, #tpu.memory_space<semaphore_mem>>)
      %dma_wait3A = arith.constant 0 : i32
      %dma_wait3A_28 = tpu.memref_slice %arg7[%add3A_17, %dma_wait3A] : memref<10240x16xf32, #tpu.memory_space<vmem_shared>> -> memref<128x16xf32, #tpu.memory_space<vmem_shared>>
      %dma_wait3A_29 = arith.constant 0 : i32
      %dma_wait3A_30 = tpu.memref_slice %arg7[%add3A_17, %dma_wait3A_29] : memref<10240x16xf32, #tpu.memory_space<vmem_shared>> -> memref<128x16xf32, #tpu.memory_space<vmem_shared>>
      tpu.wait_dma2 semaphore(%run_scoped3A : memref<!tpu.dma_semaphore, #tpu.memory_space<semaphore_mem>>) src(%arg6 : memref<128x16xf32, #tpu.memory_space<vmem>>) dst(%dma_wait3A_30 : memref<128x16xf32, #tpu.memory_space<vmem_shared>>)
      tpu.yield
    }) : () -> ()
    %barrier3A = arith.constant 0 : index
    tpu.barrier barrier_id(%barrier3A)
    %scan3A_18 = arith.constant 0 : i32
    %scan3A_19 = arith.constant 0 : i32
    %scan3A_20 = arith.constant 80 : i32
    %scan3A_21 = arith.addi %scan3A_19, %scan3A_20 : i32
    %scan3A_22 = arith.constant 1 : i32
    scf.for %scan3A_25 = %scan3A_19 to %scan3A_21 step %scan3A_22  : i32 {
      "tpu.region"() ({
        %run_scoped3A = tpu.sem_alloc : memref<!tpu.dma_semaphore, #tpu.memory_space<semaphore_mem>>
        %dma_start3A = arith.constant 0 : i32
        %dma_start3A_26 = tpu.memref_slice %arg4[%scan3A_25, %dma_start3A] : memref<80x128xi32, #tpu.memory_space<vmem>> -> memref<1x128xi32, #tpu.memory_space<vmem>>
        %dma_start3A_27 = tpu.memref_squeeze %dma_start3A_26 : memref<1x128xi32, #tpu.memory_space<vmem>> -> memref<128xi32, #tpu.memory_space<vmem>>
        %dma_start3A_28 = arith.constant 0 : i32
        %dma_start3A_29 = arith.constant 0 : i32
        %dma_start3A_30 = tpu.memref_slice %arg7[%dma_start3A_28, %dma_start3A_29] : memref<10240x16xf32, #tpu.memory_space<vmem_shared>> -> memref<10240x16xf32, #tpu.memory_space<vmem_shared>>
        tpu.enqueue_indirect_dma source(%arg5 : memref<128x16xf32, #tpu.memory_space<vmem>>) target(%dma_start3A_30 : memref<10240x16xf32, #tpu.memory_space<vmem_shared>>) offsets(%dma_start3A_27 : memref<128xi32, #tpu.memory_space<vmem>>) semaphore(%run_scoped3A : memref<!tpu.dma_semaphore, #tpu.memory_space<semaphore_mem>>) {add = true}
        %dma_wait3A = arith.constant 0 : i32
        %dma_wait3A_31 = tpu.memref_slice %arg4[%scan3A_25, %dma_wait3A] : memref<80x128xi32, #tpu.memory_space<vmem>> -> memref<1x128xi32, #tpu.memory_space<vmem>>
        %dma_wait3A_32 = tpu.memref_squeeze %dma_wait3A_31 : memref<1x128xi32, #tpu.memory_space<vmem>> -> memref<128xi32, #tpu.memory_space<vmem>>
        %dma_wait3A_33 = arith.constant 0 : i32
        %dma_wait3A_34 = arith.constant 0 : i32
        %dma_wait3A_35 = tpu.memref_slice %arg7[%dma_wait3A_33, %dma_wait3A_34] : memref<10240x16xf32, #tpu.memory_space<vmem_shared>> -> memref<10240x16xf32, #tpu.memory_space<vmem_shared>>
        tpu.wait_indirect_dma semaphore(%run_scoped3A : memref<!tpu.dma_semaphore, #tpu.memory_space<semaphore_mem>>) src(%arg5 : memref<128x16xf32, #tpu.memory_space<vmem>>) dst(%dma_wait3A_35 : memref<10240x16xf32, #tpu.memory_space<vmem_shared>>)
        tpu.yield
      }) : () -> ()
    }
    %scan3A_23 = arith.constant 80 : i32
    %barrier3A_24 = arith.constant 0 : index
    tpu.barrier barrier_id(%barrier3A_24)
    "tpu.region"() ({
      %run_scoped3A = tpu.sem_alloc : memref<!tpu.dma_semaphore, #tpu.memory_space<semaphore_mem>>
      %dma_start3A = arith.constant 0 : i32
      %dma_start3A_25 = arith.constant 0 : i32
      %dma_start3A_26 = tpu.memref_slice %arg3[%arg0, %dma_start3A, %dma_start3A_25] : memref<2x10240x128xf32, #tpu.memory_space<hbm>> -> memref<1x10240x128xf32, #tpu.memory_space<hbm>>
      %dma_start3A_27 = tpu.memref_squeeze %dma_start3A_26 : memref<1x10240x128xf32, #tpu.memory_space<hbm>> -> memref<10240x128xf32, #tpu.memory_space<hbm>>
      %dma_start3A_28 = arith.constant 0 : i32
      %dma_start3A_29 = tpu.memref_slice %dma_start3A_27[%mul3A_7, %dma_start3A_28] : memref<10240x128xf32, #tpu.memory_space<hbm>> -> memref<640x16xf32, #tpu.memory_space<hbm>>
      %dma_start3A_30 = arith.constant 0 : i32
      %dma_start3A_31 = tpu.memref_slice %arg7[%mul3A_7, %dma_start3A_30] : memref<10240x16xf32, #tpu.memory_space<vmem_shared>> -> memref<640x16xf32, #tpu.memory_space<vmem_shared>>
      tpu.enqueue_dma source(%dma_start3A_31 : memref<640x16xf32, #tpu.memory_space<vmem_shared>>) target(%dma_start3A_29 : memref<640x16xf32, #tpu.memory_space<hbm>>) target_semaphore(%run_scoped3A : memref<!tpu.dma_semaphore, #tpu.memory_space<semaphore_mem>>)
      %dma_wait3A = arith.constant 0 : i32
      %dma_wait3A_32 = arith.constant 0 : i32
      %dma_wait3A_33 = tpu.memref_slice %arg3[%arg0, %dma_wait3A, %dma_wait3A_32] : memref<2x10240x128xf32, #tpu.memory_space<hbm>> -> memref<1x10240x128xf32, #tpu.memory_space<hbm>>
      %dma_wait3A_34 = tpu.memref_squeeze %dma_wait3A_33 : memref<1x10240x128xf32, #tpu.memory_space<hbm>> -> memref<10240x128xf32, #tpu.memory_space<hbm>>
      %dma_wait3A_35 = arith.constant 0 : i32
      %dma_wait3A_36 = tpu.memref_slice %dma_wait3A_34[%mul3A_7, %dma_wait3A_35] : memref<10240x128xf32, #tpu.memory_space<hbm>> -> memref<640x16xf32, #tpu.memory_space<hbm>>
      %dma_wait3A_37 = arith.constant 0 : i32
      %dma_wait3A_38 = tpu.memref_slice %arg7[%mul3A_7, %dma_wait3A_37] : memref<10240x16xf32, #tpu.memory_space<vmem_shared>> -> memref<640x16xf32, #tpu.memory_space<vmem_shared>>
      tpu.wait_dma2 semaphore(%run_scoped3A : memref<!tpu.dma_semaphore, #tpu.memory_space<semaphore_mem>>) src(%dma_wait3A_38 : memref<640x16xf32, #tpu.memory_space<vmem_shared>>) dst(%dma_wait3A_36 : memref<640x16xf32, #tpu.memory_space<hbm>>)
      tpu.yield
    }) : () -> ()
    return
  }
}

#map = affine_map<(d0, d1) -> (0, 0)>
#map1 = affine_map<(d0, d1) -> (0, 0, 0)>
module attributes {stable_mosaic.version = 14 : i64} {
  func.func @_sc_agg(%arg0: i32, %arg1: i32, %arg2: memref<10240x64xf32, #tpu.memory_space<hbm>>, %arg3: memref<32x80x128xi32, #tpu.memory_space<hbm>>, %arg4: memref<32x80x128xi32, #tpu.memory_space<hbm>>, %arg5: memref<2x10240x128xf32, #tpu.memory_space<hbm>>, %arg6: memref<80x128xi32, #tpu.memory_space<vmem>>, %arg7: memref<80x128xi32, #tpu.memory_space<vmem>>, %arg8: memref<2x4x128x64xf32, #tpu.memory_space<vmem>>, %arg9: memref<10240x64xf32, #tpu.memory_space<vmem_shared>>, %arg10: memref<!tpu.dma_semaphore, #tpu.memory_space<semaphore_mem>>, %arg11: memref<!tpu.dma_semaphore, #tpu.memory_space<semaphore_mem>>, %arg12: memref<!tpu.dma_semaphore, #tpu.memory_space<semaphore_mem>>, %arg13: memref<!tpu.dma_semaphore, #tpu.memory_space<semaphore_mem>>) attributes {dimension_semantics = [#tpu.dimension_semantics<core_parallel>, #tpu.dimension_semantics<subcore_parallel>], iteration_bounds = array<i64: 2, 16>, scalar_prefetch = 0 : i64, scratch_operands = 8 : i64, tpu.core_type = #tpu.core_type<sc_vector_subcore>, window_params = [{transform_indices = #map}, {transform_indices = #map1}, {transform_indices = #map1}, {transform_indices = #map1}]} {
    %mul3A = arith.constant 16 : i32
    %mul3A_0 = arith.muli %arg0, %mul3A : i32
    %add3A = arith.addi %mul3A_0, %arg1 : i32
    "tpu.region"() ({
      %run_scoped3A = tpu.sem_alloc : memref<!tpu.dma_semaphore, #tpu.memory_space<semaphore_mem>>
      %dma_start3A_163 = arith.constant 0 : i32
      %dma_start3A_164 = arith.constant 0 : i32
      %dma_start3A_165 = tpu.memref_slice %arg3[%add3A, %dma_start3A_163, %dma_start3A_164] : memref<32x80x128xi32, #tpu.memory_space<hbm>> -> memref<1x80x128xi32, #tpu.memory_space<hbm>>
      %dma_start3A_166 = tpu.memref_squeeze %dma_start3A_165 : memref<1x80x128xi32, #tpu.memory_space<hbm>> -> memref<80x128xi32, #tpu.memory_space<hbm>>
      %dma_start3A_167 = arith.constant 0 : i32
      %dma_start3A_168 = arith.constant 0 : i32
      %dma_start3A_169 = tpu.memref_slice %arg3[%add3A, %dma_start3A_167, %dma_start3A_168] : memref<32x80x128xi32, #tpu.memory_space<hbm>> -> memref<1x80x128xi32, #tpu.memory_space<hbm>>
      %dma_start3A_170 = tpu.memref_squeeze %dma_start3A_169 : memref<1x80x128xi32, #tpu.memory_space<hbm>> -> memref<80x128xi32, #tpu.memory_space<hbm>>
      tpu.enqueue_dma source(%dma_start3A_170 : memref<80x128xi32, #tpu.memory_space<hbm>>) target(%arg6 : memref<80x128xi32, #tpu.memory_space<vmem>>) target_semaphore(%run_scoped3A : memref<!tpu.dma_semaphore, #tpu.memory_space<semaphore_mem>>)
      %dma_wait3A_171 = arith.constant 0 : i32
      %dma_wait3A_172 = arith.constant 0 : i32
      %dma_wait3A_173 = tpu.memref_slice %arg3[%add3A, %dma_wait3A_171, %dma_wait3A_172] : memref<32x80x128xi32, #tpu.memory_space<hbm>> -> memref<1x80x128xi32, #tpu.memory_space<hbm>>
      %dma_wait3A_174 = tpu.memref_squeeze %dma_wait3A_173 : memref<1x80x128xi32, #tpu.memory_space<hbm>> -> memref<80x128xi32, #tpu.memory_space<hbm>>
      %dma_wait3A_175 = arith.constant 0 : i32
      %dma_wait3A_176 = arith.constant 0 : i32
      %dma_wait3A_177 = tpu.memref_slice %arg3[%add3A, %dma_wait3A_175, %dma_wait3A_176] : memref<32x80x128xi32, #tpu.memory_space<hbm>> -> memref<1x80x128xi32, #tpu.memory_space<hbm>>
      %dma_wait3A_178 = tpu.memref_squeeze %dma_wait3A_177 : memref<1x80x128xi32, #tpu.memory_space<hbm>> -> memref<80x128xi32, #tpu.memory_space<hbm>>
      tpu.wait_dma2 semaphore(%run_scoped3A : memref<!tpu.dma_semaphore, #tpu.memory_space<semaphore_mem>>) src(%dma_wait3A_178 : memref<80x128xi32, #tpu.memory_space<hbm>>) dst(%arg6 : memref<80x128xi32, #tpu.memory_space<vmem>>)
      tpu.yield
    }) : () -> ()
    "tpu.region"() ({
      %run_scoped3A = tpu.sem_alloc : memref<!tpu.dma_semaphore, #tpu.memory_space<semaphore_mem>>
      %dma_start3A_163 = arith.constant 0 : i32
      %dma_start3A_164 = arith.constant 0 : i32
      %dma_start3A_165 = tpu.memref_slice %arg4[%add3A, %dma_start3A_163, %dma_start3A_164] : memref<32x80x128xi32, #tpu.memory_space<hbm>> -> memref<1x80x128xi32, #tpu.memory_space<hbm>>
      %dma_start3A_166 = tpu.memref_squeeze %dma_start3A_165 : memref<1x80x128xi32, #tpu.memory_space<hbm>> -> memref<80x128xi32, #tpu.memory_space<hbm>>
      %dma_start3A_167 = arith.constant 0 : i32
      %dma_start3A_168 = arith.constant 0 : i32
      %dma_start3A_169 = tpu.memref_slice %arg4[%add3A, %dma_start3A_167, %dma_start3A_168] : memref<32x80x128xi32, #tpu.memory_space<hbm>> -> memref<1x80x128xi32, #tpu.memory_space<hbm>>
      %dma_start3A_170 = tpu.memref_squeeze %dma_start3A_169 : memref<1x80x128xi32, #tpu.memory_space<hbm>> -> memref<80x128xi32, #tpu.memory_space<hbm>>
      tpu.enqueue_dma source(%dma_start3A_170 : memref<80x128xi32, #tpu.memory_space<hbm>>) target(%arg7 : memref<80x128xi32, #tpu.memory_space<vmem>>) target_semaphore(%run_scoped3A : memref<!tpu.dma_semaphore, #tpu.memory_space<semaphore_mem>>)
      %dma_wait3A_171 = arith.constant 0 : i32
      %dma_wait3A_172 = arith.constant 0 : i32
      %dma_wait3A_173 = tpu.memref_slice %arg4[%add3A, %dma_wait3A_171, %dma_wait3A_172] : memref<32x80x128xi32, #tpu.memory_space<hbm>> -> memref<1x80x128xi32, #tpu.memory_space<hbm>>
      %dma_wait3A_174 = tpu.memref_squeeze %dma_wait3A_173 : memref<1x80x128xi32, #tpu.memory_space<hbm>> -> memref<80x128xi32, #tpu.memory_space<hbm>>
      %dma_wait3A_175 = arith.constant 0 : i32
      %dma_wait3A_176 = arith.constant 0 : i32
      %dma_wait3A_177 = tpu.memref_slice %arg4[%add3A, %dma_wait3A_175, %dma_wait3A_176] : memref<32x80x128xi32, #tpu.memory_space<hbm>> -> memref<1x80x128xi32, #tpu.memory_space<hbm>>
      %dma_wait3A_178 = tpu.memref_squeeze %dma_wait3A_177 : memref<1x80x128xi32, #tpu.memory_space<hbm>> -> memref<80x128xi32, #tpu.memory_space<hbm>>
      tpu.wait_dma2 semaphore(%run_scoped3A : memref<!tpu.dma_semaphore, #tpu.memory_space<semaphore_mem>>) src(%dma_wait3A_178 : memref<80x128xi32, #tpu.memory_space<hbm>>) dst(%arg7 : memref<80x128xi32, #tpu.memory_space<vmem>>)
      tpu.yield
    }) : () -> ()
    %mul3A_1 = arith.constant 640 : i32
    %mul3A_2 = arith.muli %arg1, %mul3A_1 : i32
    "tpu.region"() ({
      %run_scoped3A = tpu.sem_alloc : memref<!tpu.dma_semaphore, #tpu.memory_space<semaphore_mem>>
      %dma_start3A_163 = arith.constant 0 : i32
      %dma_start3A_164 = tpu.memref_slice %arg9[%mul3A_2, %dma_start3A_163] : memref<10240x64xf32, #tpu.memory_space<vmem_shared>> -> memref<640x64xf32, #tpu.memory_space<vmem_shared>>
      %dma_start3A_165 = arith.constant 0 : i32
      %dma_start3A_166 = tpu.memref_slice %arg2[%mul3A_2, %dma_start3A_165] : memref<10240x64xf32, #tpu.memory_space<hbm>> -> memref<640x64xf32, #tpu.memory_space<hbm>>
      tpu.enqueue_dma source(%dma_start3A_166 : memref<640x64xf32, #tpu.memory_space<hbm>>) target(%dma_start3A_164 : memref<640x64xf32, #tpu.memory_space<vmem_shared>>) target_semaphore(%run_scoped3A : memref<!tpu.dma_semaphore, #tpu.memory_space<semaphore_mem>>)
      %dma_wait3A_167 = arith.constant 0 : i32
      %dma_wait3A_168 = tpu.memref_slice %arg9[%mul3A_2, %dma_wait3A_167] : memref<10240x64xf32, #tpu.memory_space<vmem_shared>> -> memref<640x64xf32, #tpu.memory_space<vmem_shared>>
      %dma_wait3A_169 = arith.constant 0 : i32
      %dma_wait3A_170 = tpu.memref_slice %arg2[%mul3A_2, %dma_wait3A_169] : memref<10240x64xf32, #tpu.memory_space<hbm>> -> memref<640x64xf32, #tpu.memory_space<hbm>>
      tpu.wait_dma2 semaphore(%run_scoped3A : memref<!tpu.dma_semaphore, #tpu.memory_space<semaphore_mem>>) src(%dma_wait3A_170 : memref<640x64xf32, #tpu.memory_space<hbm>>) dst(%dma_wait3A_168 : memref<640x64xf32, #tpu.memory_space<vmem_shared>>)
      tpu.yield
    }) : () -> ()
    %barrier3A = arith.constant 0 : index
    tpu.barrier barrier_id(%barrier3A)
    %dma_start3A = arith.constant 0 : i32
    %dma_start3A_3 = arith.constant 0 : i32
    %dma_start3A_4 = arith.constant 0 : i32
    %dma_start3A_5 = arith.constant 0 : i32
    %dma_start3A_6 = arith.constant 0 : i32
    %dma_start3A_7 = tpu.memref_slice %arg8[%dma_start3A_3, %dma_start3A_4, %dma_start3A_5, %dma_start3A_6] : memref<2x4x128x64xf32, #tpu.memory_space<vmem>> -> memref<1x1x128x64xf32, #tpu.memory_space<vmem>>
    %dma_start3A_8 = tpu.memref_squeeze %dma_start3A_7 : memref<1x1x128x64xf32, #tpu.memory_space<vmem>> -> memref<128x64xf32, #tpu.memory_space<vmem>>
    %dma_start3A_9 = arith.constant 0 : i32
    %dma_start3A_10 = tpu.memref_slice %arg6[%dma_start3A, %dma_start3A_9] : memref<80x128xi32, #tpu.memory_space<vmem>> -> memref<1x128xi32, #tpu.memory_space<vmem>>
    %dma_start3A_11 = tpu.memref_squeeze %dma_start3A_10 : memref<1x128xi32, #tpu.memory_space<vmem>> -> memref<128xi32, #tpu.memory_space<vmem>>
    %dma_start3A_12 = arith.constant 0 : i32
    %dma_start3A_13 = arith.constant 0 : i32
    %dma_start3A_14 = tpu.memref_slice %arg2[%dma_start3A_12, %dma_start3A_13] : memref<10240x64xf32, #tpu.memory_space<hbm>> -> memref<10240x64xf32, #tpu.memory_space<hbm>>
    tpu.enqueue_indirect_dma source(%dma_start3A_14 : memref<10240x64xf32, #tpu.memory_space<hbm>>) target(%dma_start3A_8 : memref<128x64xf32, #tpu.memory_space<vmem>>) offsets(%dma_start3A_11 : memref<128xi32, #tpu.memory_space<vmem>>) semaphore(%arg10 : memref<!tpu.dma_semaphore, #tpu.memory_space<semaphore_mem>>)
    %dma_start3A_15 = arith.constant 1 : i32
    %dma_start3A_16 = arith.constant 0 : i32
    %dma_start3A_17 = arith.constant 1 : i32
    %dma_start3A_18 = arith.constant 0 : i32
    %dma_start3A_19 = arith.constant 0 : i32
    %dma_start3A_20 = tpu.memref_slice %arg8[%dma_start3A_16, %dma_start3A_17, %dma_start3A_18, %dma_start3A_19] : memref<2x4x128x64xf32, #tpu.memory_space<vmem>> -> memref<1x1x128x64xf32, #tpu.memory_space<vmem>>
    %dma_start3A_21 = tpu.memref_squeeze %dma_start3A_20 : memref<1x1x128x64xf32, #tpu.memory_space<vmem>> -> memref<128x64xf32, #tpu.memory_space<vmem>>
    %dma_start3A_22 = arith.constant 0 : i32
    %dma_start3A_23 = tpu.memref_slice %arg6[%dma_start3A_15, %dma_start3A_22] : memref<80x128xi32, #tpu.memory_space<vmem>> -> memref<1x128xi32, #tpu.memory_space<vmem>>
    %dma_start3A_24 = tpu.memref_squeeze %dma_start3A_23 : memref<1x128xi32, #tpu.memory_space<vmem>> -> memref<128xi32, #tpu.memory_space<vmem>>
    %dma_start3A_25 = arith.constant 0 : i32
    %dma_start3A_26 = arith.constant 0 : i32
    %dma_start3A_27 = tpu.memref_slice %arg2[%dma_start3A_25, %dma_start3A_26] : memref<10240x64xf32, #tpu.memory_space<hbm>> -> memref<10240x64xf32, #tpu.memory_space<hbm>>
    tpu.enqueue_indirect_dma source(%dma_start3A_27 : memref<10240x64xf32, #tpu.memory_space<hbm>>) target(%dma_start3A_21 : memref<128x64xf32, #tpu.memory_space<vmem>>) offsets(%dma_start3A_24 : memref<128xi32, #tpu.memory_space<vmem>>) semaphore(%arg10 : memref<!tpu.dma_semaphore, #tpu.memory_space<semaphore_mem>>)
    %dma_start3A_28 = arith.constant 2 : i32
    %dma_start3A_29 = arith.constant 0 : i32
    %dma_start3A_30 = arith.constant 2 : i32
    %dma_start3A_31 = arith.constant 0 : i32
    %dma_start3A_32 = arith.constant 0 : i32
    %dma_start3A_33 = tpu.memref_slice %arg8[%dma_start3A_29, %dma_start3A_30, %dma_start3A_31, %dma_start3A_32] : memref<2x4x128x64xf32, #tpu.memory_space<vmem>> -> memref<1x1x128x64xf32, #tpu.memory_space<vmem>>
    %dma_start3A_34 = tpu.memref_squeeze %dma_start3A_33 : memref<1x1x128x64xf32, #tpu.memory_space<vmem>> -> memref<128x64xf32, #tpu.memory_space<vmem>>
    %dma_start3A_35 = arith.constant 0 : i32
    %dma_start3A_36 = tpu.memref_slice %arg6[%dma_start3A_28, %dma_start3A_35] : memref<80x128xi32, #tpu.memory_space<vmem>> -> memref<1x128xi32, #tpu.memory_space<vmem>>
    %dma_start3A_37 = tpu.memref_squeeze %dma_start3A_36 : memref<1x128xi32, #tpu.memory_space<vmem>> -> memref<128xi32, #tpu.memory_space<vmem>>
    %dma_start3A_38 = arith.constant 0 : i32
    %dma_start3A_39 = arith.constant 0 : i32
    %dma_start3A_40 = tpu.memref_slice %arg2[%dma_start3A_38, %dma_start3A_39] : memref<10240x64xf32, #tpu.memory_space<hbm>> -> memref<10240x64xf32, #tpu.memory_space<hbm>>
    tpu.enqueue_indirect_dma source(%dma_start3A_40 : memref<10240x64xf32, #tpu.memory_space<hbm>>) target(%dma_start3A_34 : memref<128x64xf32, #tpu.memory_space<vmem>>) offsets(%dma_start3A_37 : memref<128xi32, #tpu.memory_space<vmem>>) semaphore(%arg10 : memref<!tpu.dma_semaphore, #tpu.memory_space<semaphore_mem>>)
    %dma_start3A_41 = arith.constant 3 : i32
    %dma_start3A_42 = arith.constant 0 : i32
    %dma_start3A_43 = arith.constant 3 : i32
    %dma_start3A_44 = arith.constant 0 : i32
    %dma_start3A_45 = arith.constant 0 : i32
    %dma_start3A_46 = tpu.memref_slice %arg8[%dma_start3A_42, %dma_start3A_43, %dma_start3A_44, %dma_start3A_45] : memref<2x4x128x64xf32, #tpu.memory_space<vmem>> -> memref<1x1x128x64xf32, #tpu.memory_space<vmem>>
    %dma_start3A_47 = tpu.memref_squeeze %dma_start3A_46 : memref<1x1x128x64xf32, #tpu.memory_space<vmem>> -> memref<128x64xf32, #tpu.memory_space<vmem>>
    %dma_start3A_48 = arith.constant 0 : i32
    %dma_start3A_49 = tpu.memref_slice %arg6[%dma_start3A_41, %dma_start3A_48] : memref<80x128xi32, #tpu.memory_space<vmem>> -> memref<1x128xi32, #tpu.memory_space<vmem>>
    %dma_start3A_50 = tpu.memref_squeeze %dma_start3A_49 : memref<1x128xi32, #tpu.memory_space<vmem>> -> memref<128xi32, #tpu.memory_space<vmem>>
    %dma_start3A_51 = arith.constant 0 : i32
    %dma_start3A_52 = arith.constant 0 : i32
    %dma_start3A_53 = tpu.memref_slice %arg2[%dma_start3A_51, %dma_start3A_52] : memref<10240x64xf32, #tpu.memory_space<hbm>> -> memref<10240x64xf32, #tpu.memory_space<hbm>>
    tpu.enqueue_indirect_dma source(%dma_start3A_53 : memref<10240x64xf32, #tpu.memory_space<hbm>>) target(%dma_start3A_47 : memref<128x64xf32, #tpu.memory_space<vmem>>) offsets(%dma_start3A_50 : memref<128xi32, #tpu.memory_space<vmem>>) semaphore(%arg10 : memref<!tpu.dma_semaphore, #tpu.memory_space<semaphore_mem>>)
    %scan3A = arith.constant 0 : i32
    %scan3A_54 = arith.constant 0 : i32
    %scan3A_55 = arith.constant 10 : i32
    %scan3A_56 = arith.addi %scan3A_54, %scan3A_55 : i32
    %scan3A_57 = arith.constant 1 : i32
    scf.for %scan3A_163 = %scan3A_54 to %scan3A_56 step %scan3A_57  : i32 {
      %mul3A_164 = arith.constant 2 : i32
      %mul3A_165 = arith.muli %mul3A_164, %scan3A_163 : i32
      %mul3A_166 = arith.constant 2 : i32
      %mul3A_167 = arith.muli %mul3A_166, %scan3A_163 : i32
      %add3A_168 = arith.constant 1 : i32
      %add3A_169 = arith.addi %mul3A_167, %add3A_168 : i32
      %mul3A_170 = arith.constant 4 : i32
      %mul3A_171 = arith.muli %mul3A_165, %mul3A_170 : i32
      %add3A_172 = arith.constant 0 : i32
      %add3A_173 = arith.addi %mul3A_171, %add3A_172 : i32
      %dma_wait3A_174 = arith.constant 0 : i32
      %dma_wait3A_175 = arith.constant 0 : i32
      %dma_wait3A_176 = arith.constant 0 : i32
      %dma_wait3A_177 = arith.constant 0 : i32
      %dma_wait3A_178 = tpu.memref_slice %arg8[%dma_wait3A_174, %dma_wait3A_175, %dma_wait3A_176, %dma_wait3A_177] : memref<2x4x128x64xf32, #tpu.memory_space<vmem>> -> memref<1x1x128x64xf32, #tpu.memory_space<vmem>>
      %dma_wait3A_179 = tpu.memref_squeeze %dma_wait3A_178 : memref<1x1x128x64xf32, #tpu.memory_space<vmem>> -> memref<128x64xf32, #tpu.memory_space<vmem>>
      %dma_wait3A_180 = arith.constant 0 : i32
      %dma_wait3A_181 = tpu.memref_slice %arg6[%add3A_173, %dma_wait3A_180] : memref<80x128xi32, #tpu.memory_space<vmem>> -> memref<1x128xi32, #tpu.memory_space<vmem>>
      %dma_wait3A_182 = tpu.memref_squeeze %dma_wait3A_181 : memref<1x128xi32, #tpu.memory_space<vmem>> -> memref<128xi32, #tpu.memory_space<vmem>>
      %dma_wait3A_183 = arith.constant 0 : i32
      %dma_wait3A_184 = arith.constant 0 : i32
      %dma_wait3A_185 = tpu.memref_slice %arg2[%dma_wait3A_183, %dma_wait3A_184] : memref<10240x64xf32, #tpu.memory_space<hbm>> -> memref<10240x64xf32, #tpu.memory_space<hbm>>
      tpu.wait_indirect_dma semaphore(%arg10 : memref<!tpu.dma_semaphore, #tpu.memory_space<semaphore_mem>>) src(%dma_wait3A_185 : memref<10240x64xf32, #tpu.memory_space<hbm>>) dst(%dma_wait3A_179 : memref<128x64xf32, #tpu.memory_space<vmem>>)
      %mul3A_186 = arith.constant 4 : i32
      %mul3A_187 = arith.muli %mul3A_165, %mul3A_186 : i32
      %add3A_188 = arith.constant 1 : i32
      %add3A_189 = arith.addi %mul3A_187, %add3A_188 : i32
      %dma_wait3A_190 = arith.constant 0 : i32
      %dma_wait3A_191 = arith.constant 1 : i32
      %dma_wait3A_192 = arith.constant 0 : i32
      %dma_wait3A_193 = arith.constant 0 : i32
      %dma_wait3A_194 = tpu.memref_slice %arg8[%dma_wait3A_190, %dma_wait3A_191, %dma_wait3A_192, %dma_wait3A_193] : memref<2x4x128x64xf32, #tpu.memory_space<vmem>> -> memref<1x1x128x64xf32, #tpu.memory_space<vmem>>
      %dma_wait3A_195 = tpu.memref_squeeze %dma_wait3A_194 : memref<1x1x128x64xf32, #tpu.memory_space<vmem>> -> memref<128x64xf32, #tpu.memory_space<vmem>>
      %dma_wait3A_196 = arith.constant 0 : i32
      %dma_wait3A_197 = tpu.memref_slice %arg6[%add3A_189, %dma_wait3A_196] : memref<80x128xi32, #tpu.memory_space<vmem>> -> memref<1x128xi32, #tpu.memory_space<vmem>>
      %dma_wait3A_198 = tpu.memref_squeeze %dma_wait3A_197 : memref<1x128xi32, #tpu.memory_space<vmem>> -> memref<128xi32, #tpu.memory_space<vmem>>
      %dma_wait3A_199 = arith.constant 0 : i32
      %dma_wait3A_200 = arith.constant 0 : i32
      %dma_wait3A_201 = tpu.memref_slice %arg2[%dma_wait3A_199, %dma_wait3A_200] : memref<10240x64xf32, #tpu.memory_space<hbm>> -> memref<10240x64xf32, #tpu.memory_space<hbm>>
      tpu.wait_indirect_dma semaphore(%arg10 : memref<!tpu.dma_semaphore, #tpu.memory_space<semaphore_mem>>) src(%dma_wait3A_201 : memref<10240x64xf32, #tpu.memory_space<hbm>>) dst(%dma_wait3A_195 : memref<128x64xf32, #tpu.memory_space<vmem>>)
      %mul3A_202 = arith.constant 4 : i32
      %mul3A_203 = arith.muli %mul3A_165, %mul3A_202 : i32
      %add3A_204 = arith.constant 2 : i32
      %add3A_205 = arith.addi %mul3A_203, %add3A_204 : i32
      %dma_wait3A_206 = arith.constant 0 : i32
      %dma_wait3A_207 = arith.constant 2 : i32
      %dma_wait3A_208 = arith.constant 0 : i32
      %dma_wait3A_209 = arith.constant 0 : i32
      %dma_wait3A_210 = tpu.memref_slice %arg8[%dma_wait3A_206, %dma_wait3A_207, %dma_wait3A_208, %dma_wait3A_209] : memref<2x4x128x64xf32, #tpu.memory_space<vmem>> -> memref<1x1x128x64xf32, #tpu.memory_space<vmem>>
      %dma_wait3A_211 = tpu.memref_squeeze %dma_wait3A_210 : memref<1x1x128x64xf32, #tpu.memory_space<vmem>> -> memref<128x64xf32, #tpu.memory_space<vmem>>
      %dma_wait3A_212 = arith.constant 0 : i32
      %dma_wait3A_213 = tpu.memref_slice %arg6[%add3A_205, %dma_wait3A_212] : memref<80x128xi32, #tpu.memory_space<vmem>> -> memref<1x128xi32, #tpu.memory_space<vmem>>
      %dma_wait3A_214 = tpu.memref_squeeze %dma_wait3A_213 : memref<1x128xi32, #tpu.memory_space<vmem>> -> memref<128xi32, #tpu.memory_space<vmem>>
      %dma_wait3A_215 = arith.constant 0 : i32
      %dma_wait3A_216 = arith.constant 0 : i32
      %dma_wait3A_217 = tpu.memref_slice %arg2[%dma_wait3A_215, %dma_wait3A_216] : memref<10240x64xf32, #tpu.memory_space<hbm>> -> memref<10240x64xf32, #tpu.memory_space<hbm>>
      tpu.wait_indirect_dma semaphore(%arg10 : memref<!tpu.dma_semaphore, #tpu.memory_space<semaphore_mem>>) src(%dma_wait3A_217 : memref<10240x64xf32, #tpu.memory_space<hbm>>) dst(%dma_wait3A_211 : memref<128x64xf32, #tpu.memory_space<vmem>>)
      %mul3A_218 = arith.constant 4 : i32
      %mul3A_219 = arith.muli %mul3A_165, %mul3A_218 : i32
      %add3A_220 = arith.constant 3 : i32
      %add3A_221 = arith.addi %mul3A_219, %add3A_220 : i32
      %dma_wait3A_222 = arith.constant 0 : i32
      %dma_wait3A_223 = arith.constant 3 : i32
      %dma_wait3A_224 = arith.constant 0 : i32
      %dma_wait3A_225 = arith.constant 0 : i32
      %dma_wait3A_226 = tpu.memref_slice %arg8[%dma_wait3A_222, %dma_wait3A_223, %dma_wait3A_224, %dma_wait3A_225] : memref<2x4x128x64xf32, #tpu.memory_space<vmem>> -> memref<1x1x128x64xf32, #tpu.memory_space<vmem>>
      %dma_wait3A_227 = tpu.memref_squeeze %dma_wait3A_226 : memref<1x1x128x64xf32, #tpu.memory_space<vmem>> -> memref<128x64xf32, #tpu.memory_space<vmem>>
      %dma_wait3A_228 = arith.constant 0 : i32
      %dma_wait3A_229 = tpu.memref_slice %arg6[%add3A_221, %dma_wait3A_228] : memref<80x128xi32, #tpu.memory_space<vmem>> -> memref<1x128xi32, #tpu.memory_space<vmem>>
      %dma_wait3A_230 = tpu.memref_squeeze %dma_wait3A_229 : memref<1x128xi32, #tpu.memory_space<vmem>> -> memref<128xi32, #tpu.memory_space<vmem>>
      %dma_wait3A_231 = arith.constant 0 : i32
      %dma_wait3A_232 = arith.constant 0 : i32
      %dma_wait3A_233 = tpu.memref_slice %arg2[%dma_wait3A_231, %dma_wait3A_232] : memref<10240x64xf32, #tpu.memory_space<hbm>> -> memref<10240x64xf32, #tpu.memory_space<hbm>>
      tpu.wait_indirect_dma semaphore(%arg10 : memref<!tpu.dma_semaphore, #tpu.memory_space<semaphore_mem>>) src(%dma_wait3A_233 : memref<10240x64xf32, #tpu.memory_space<hbm>>) dst(%dma_wait3A_227 : memref<128x64xf32, #tpu.memory_space<vmem>>)
      %mul3A_234 = arith.constant 4 : i32
      %mul3A_235 = arith.muli %mul3A_165, %mul3A_234 : i32
      %add3A_236 = arith.constant 0 : i32
      %add3A_237 = arith.addi %mul3A_235, %add3A_236 : i32
      %dma_start3A_238 = arith.constant 0 : i32
      %dma_start3A_239 = arith.constant 0 : i32
      %dma_start3A_240 = arith.constant 0 : i32
      %dma_start3A_241 = arith.constant 0 : i32
      %dma_start3A_242 = tpu.memref_slice %arg8[%dma_start3A_238, %dma_start3A_239, %dma_start3A_240, %dma_start3A_241] : memref<2x4x128x64xf32, #tpu.memory_space<vmem>> -> memref<1x1x128x64xf32, #tpu.memory_space<vmem>>
      %dma_start3A_243 = tpu.memref_squeeze %dma_start3A_242 : memref<1x1x128x64xf32, #tpu.memory_space<vmem>> -> memref<128x64xf32, #tpu.memory_space<vmem>>
      %dma_start3A_244 = arith.constant 0 : i32
      %dma_start3A_245 = tpu.memref_slice %arg7[%add3A_237, %dma_start3A_244] : memref<80x128xi32, #tpu.memory_space<vmem>> -> memref<1x128xi32, #tpu.memory_space<vmem>>
      %dma_start3A_246 = tpu.memref_squeeze %dma_start3A_245 : memref<1x128xi32, #tpu.memory_space<vmem>> -> memref<128xi32, #tpu.memory_space<vmem>>
      %dma_start3A_247 = arith.constant 0 : i32
      %dma_start3A_248 = arith.constant 0 : i32
      %dma_start3A_249 = tpu.memref_slice %arg9[%dma_start3A_247, %dma_start3A_248] : memref<10240x64xf32, #tpu.memory_space<vmem_shared>> -> memref<10240x64xf32, #tpu.memory_space<vmem_shared>>
      tpu.enqueue_indirect_dma source(%dma_start3A_243 : memref<128x64xf32, #tpu.memory_space<vmem>>) target(%dma_start3A_249 : memref<10240x64xf32, #tpu.memory_space<vmem_shared>>) offsets(%dma_start3A_246 : memref<128xi32, #tpu.memory_space<vmem>>) semaphore(%arg12 : memref<!tpu.dma_semaphore, #tpu.memory_space<semaphore_mem>>) {add = true}
      %mul3A_250 = arith.constant 4 : i32
      %mul3A_251 = arith.muli %mul3A_165, %mul3A_250 : i32
      %add3A_252 = arith.constant 1 : i32
      %add3A_253 = arith.addi %mul3A_251, %add3A_252 : i32
      %dma_start3A_254 = arith.constant 0 : i32
      %dma_start3A_255 = arith.constant 1 : i32
      %dma_start3A_256 = arith.constant 0 : i32
      %dma_start3A_257 = arith.constant 0 : i32
      %dma_start3A_258 = tpu.memref_slice %arg8[%dma_start3A_254, %dma_start3A_255, %dma_start3A_256, %dma_start3A_257] : memref<2x4x128x64xf32, #tpu.memory_space<vmem>> -> memref<1x1x128x64xf32, #tpu.memory_space<vmem>>
      %dma_start3A_259 = tpu.memref_squeeze %dma_start3A_258 : memref<1x1x128x64xf32, #tpu.memory_space<vmem>> -> memref<128x64xf32, #tpu.memory_space<vmem>>
      %dma_start3A_260 = arith.constant 0 : i32
      %dma_start3A_261 = tpu.memref_slice %arg7[%add3A_253, %dma_start3A_260] : memref<80x128xi32, #tpu.memory_space<vmem>> -> memref<1x128xi32, #tpu.memory_space<vmem>>
      %dma_start3A_262 = tpu.memref_squeeze %dma_start3A_261 : memref<1x128xi32, #tpu.memory_space<vmem>> -> memref<128xi32, #tpu.memory_space<vmem>>
      %dma_start3A_263 = arith.constant 0 : i32
      %dma_start3A_264 = arith.constant 0 : i32
      %dma_start3A_265 = tpu.memref_slice %arg9[%dma_start3A_263, %dma_start3A_264] : memref<10240x64xf32, #tpu.memory_space<vmem_shared>> -> memref<10240x64xf32, #tpu.memory_space<vmem_shared>>
      tpu.enqueue_indirect_dma source(%dma_start3A_259 : memref<128x64xf32, #tpu.memory_space<vmem>>) target(%dma_start3A_265 : memref<10240x64xf32, #tpu.memory_space<vmem_shared>>) offsets(%dma_start3A_262 : memref<128xi32, #tpu.memory_space<vmem>>) semaphore(%arg12 : memref<!tpu.dma_semaphore, #tpu.memory_space<semaphore_mem>>) {add = true}
      %mul3A_266 = arith.constant 4 : i32
      %mul3A_267 = arith.muli %mul3A_165, %mul3A_266 : i32
      %add3A_268 = arith.constant 2 : i32
      %add3A_269 = arith.addi %mul3A_267, %add3A_268 : i32
      %dma_start3A_270 = arith.constant 0 : i32
      %dma_start3A_271 = arith.constant 2 : i32
      %dma_start3A_272 = arith.constant 0 : i32
      %dma_start3A_273 = arith.constant 0 : i32
      %dma_start3A_274 = tpu.memref_slice %arg8[%dma_start3A_270, %dma_start3A_271, %dma_start3A_272, %dma_start3A_273] : memref<2x4x128x64xf32, #tpu.memory_space<vmem>> -> memref<1x1x128x64xf32, #tpu.memory_space<vmem>>
      %dma_start3A_275 = tpu.memref_squeeze %dma_start3A_274 : memref<1x1x128x64xf32, #tpu.memory_space<vmem>> -> memref<128x64xf32, #tpu.memory_space<vmem>>
      %dma_start3A_276 = arith.constant 0 : i32
      %dma_start3A_277 = tpu.memref_slice %arg7[%add3A_269, %dma_start3A_276] : memref<80x128xi32, #tpu.memory_space<vmem>> -> memref<1x128xi32, #tpu.memory_space<vmem>>
      %dma_start3A_278 = tpu.memref_squeeze %dma_start3A_277 : memref<1x128xi32, #tpu.memory_space<vmem>> -> memref<128xi32, #tpu.memory_space<vmem>>
      %dma_start3A_279 = arith.constant 0 : i32
      %dma_start3A_280 = arith.constant 0 : i32
      %dma_start3A_281 = tpu.memref_slice %arg9[%dma_start3A_279, %dma_start3A_280] : memref<10240x64xf32, #tpu.memory_space<vmem_shared>> -> memref<10240x64xf32, #tpu.memory_space<vmem_shared>>
      tpu.enqueue_indirect_dma source(%dma_start3A_275 : memref<128x64xf32, #tpu.memory_space<vmem>>) target(%dma_start3A_281 : memref<10240x64xf32, #tpu.memory_space<vmem_shared>>) offsets(%dma_start3A_278 : memref<128xi32, #tpu.memory_space<vmem>>) semaphore(%arg12 : memref<!tpu.dma_semaphore, #tpu.memory_space<semaphore_mem>>) {add = true}
      %mul3A_282 = arith.constant 4 : i32
      %mul3A_283 = arith.muli %mul3A_165, %mul3A_282 : i32
      %add3A_284 = arith.constant 3 : i32
      %add3A_285 = arith.addi %mul3A_283, %add3A_284 : i32
      %dma_start3A_286 = arith.constant 0 : i32
      %dma_start3A_287 = arith.constant 3 : i32
      %dma_start3A_288 = arith.constant 0 : i32
      %dma_start3A_289 = arith.constant 0 : i32
      %dma_start3A_290 = tpu.memref_slice %arg8[%dma_start3A_286, %dma_start3A_287, %dma_start3A_288, %dma_start3A_289] : memref<2x4x128x64xf32, #tpu.memory_space<vmem>> -> memref<1x1x128x64xf32, #tpu.memory_space<vmem>>
      %dma_start3A_291 = tpu.memref_squeeze %dma_start3A_290 : memref<1x1x128x64xf32, #tpu.memory_space<vmem>> -> memref<128x64xf32, #tpu.memory_space<vmem>>
      %dma_start3A_292 = arith.constant 0 : i32
      %dma_start3A_293 = tpu.memref_slice %arg7[%add3A_285, %dma_start3A_292] : memref<80x128xi32, #tpu.memory_space<vmem>> -> memref<1x128xi32, #tpu.memory_space<vmem>>
      %dma_start3A_294 = tpu.memref_squeeze %dma_start3A_293 : memref<1x128xi32, #tpu.memory_space<vmem>> -> memref<128xi32, #tpu.memory_space<vmem>>
      %dma_start3A_295 = arith.constant 0 : i32
      %dma_start3A_296 = arith.constant 0 : i32
      %dma_start3A_297 = tpu.memref_slice %arg9[%dma_start3A_295, %dma_start3A_296] : memref<10240x64xf32, #tpu.memory_space<vmem_shared>> -> memref<10240x64xf32, #tpu.memory_space<vmem_shared>>
      tpu.enqueue_indirect_dma source(%dma_start3A_291 : memref<128x64xf32, #tpu.memory_space<vmem>>) target(%dma_start3A_297 : memref<10240x64xf32, #tpu.memory_space<vmem_shared>>) offsets(%dma_start3A_294 : memref<128xi32, #tpu.memory_space<vmem>>) semaphore(%arg12 : memref<!tpu.dma_semaphore, #tpu.memory_space<semaphore_mem>>) {add = true}
      %gt3A = arith.constant 0 : i32
      %gt3A_298 = arith.cmpi sgt, %scan3A_163, %gt3A : i32
      %convert_element_type3A = arith.extui %gt3A_298 : i1 to i32
      %cond3A = arith.constant 0 : i32
      %cond3A_299 = arith.cmpi ne, %convert_element_type3A, %cond3A : i32
      scf.if %cond3A_299 {
        %sub3A = arith.constant 2 : i32
        %sub3A_496 = arith.subi %add3A_169, %sub3A : i32
        %mul3A_497 = arith.constant 4 : i32
        %mul3A_498 = arith.muli %sub3A_496, %mul3A_497 : i32
        %add3A_499 = arith.constant 0 : i32
        %add3A_500 = arith.addi %mul3A_498, %add3A_499 : i32
        %dma_wait3A_501 = arith.constant 1 : i32
        %dma_wait3A_502 = arith.constant 0 : i32
        %dma_wait3A_503 = arith.constant 0 : i32
        %dma_wait3A_504 = arith.constant 0 : i32
        %dma_wait3A_505 = tpu.memref_slice %arg8[%dma_wait3A_501, %dma_wait3A_502, %dma_wait3A_503, %dma_wait3A_504] : memref<2x4x128x64xf32, #tpu.memory_space<vmem>> -> memref<1x1x128x64xf32, #tpu.memory_space<vmem>>
        %dma_wait3A_506 = tpu.memref_squeeze %dma_wait3A_505 : memref<1x1x128x64xf32, #tpu.memory_space<vmem>> -> memref<128x64xf32, #tpu.memory_space<vmem>>
        %dma_wait3A_507 = arith.constant 0 : i32
        %dma_wait3A_508 = tpu.memref_slice %arg7[%add3A_500, %dma_wait3A_507] : memref<80x128xi32, #tpu.memory_space<vmem>> -> memref<1x128xi32, #tpu.memory_space<vmem>>
        %dma_wait3A_509 = tpu.memref_squeeze %dma_wait3A_508 : memref<1x128xi32, #tpu.memory_space<vmem>> -> memref<128xi32, #tpu.memory_space<vmem>>
        %dma_wait3A_510 = arith.constant 0 : i32
        %dma_wait3A_511 = arith.constant 0 : i32
        %dma_wait3A_512 = tpu.memref_slice %arg9[%dma_wait3A_510, %dma_wait3A_511] : memref<10240x64xf32, #tpu.memory_space<vmem_shared>> -> memref<10240x64xf32, #tpu.memory_space<vmem_shared>>
        tpu.wait_indirect_dma semaphore(%arg13 : memref<!tpu.dma_semaphore, #tpu.memory_space<semaphore_mem>>) src(%dma_wait3A_506 : memref<128x64xf32, #tpu.memory_space<vmem>>) dst(%dma_wait3A_512 : memref<10240x64xf32, #tpu.memory_space<vmem_shared>>)
        %mul3A_513 = arith.constant 4 : i32
        %mul3A_514 = arith.muli %sub3A_496, %mul3A_513 : i32
        %add3A_515 = arith.constant 1 : i32
        %add3A_516 = arith.addi %mul3A_514, %add3A_515 : i32
        %dma_wait3A_517 = arith.constant 1 : i32
        %dma_wait3A_518 = arith.constant 1 : i32
        %dma_wait3A_519 = arith.constant 0 : i32
        %dma_wait3A_520 = arith.constant 0 : i32
        %dma_wait3A_521 = tpu.memref_slice %arg8[%dma_wait3A_517, %dma_wait3A_518, %dma_wait3A_519, %dma_wait3A_520] : memref<2x4x128x64xf32, #tpu.memory_space<vmem>> -> memref<1x1x128x64xf32, #tpu.memory_space<vmem>>
        %dma_wait3A_522 = tpu.memref_squeeze %dma_wait3A_521 : memref<1x1x128x64xf32, #tpu.memory_space<vmem>> -> memref<128x64xf32, #tpu.memory_space<vmem>>
        %dma_wait3A_523 = arith.constant 0 : i32
        %dma_wait3A_524 = tpu.memref_slice %arg7[%add3A_516, %dma_wait3A_523] : memref<80x128xi32, #tpu.memory_space<vmem>> -> memref<1x128xi32, #tpu.memory_space<vmem>>
        %dma_wait3A_525 = tpu.memref_squeeze %dma_wait3A_524 : memref<1x128xi32, #tpu.memory_space<vmem>> -> memref<128xi32, #tpu.memory_space<vmem>>
        %dma_wait3A_526 = arith.constant 0 : i32
        %dma_wait3A_527 = arith.constant 0 : i32
        %dma_wait3A_528 = tpu.memref_slice %arg9[%dma_wait3A_526, %dma_wait3A_527] : memref<10240x64xf32, #tpu.memory_space<vmem_shared>> -> memref<10240x64xf32, #tpu.memory_space<vmem_shared>>
        tpu.wait_indirect_dma semaphore(%arg13 : memref<!tpu.dma_semaphore, #tpu.memory_space<semaphore_mem>>) src(%dma_wait3A_522 : memref<128x64xf32, #tpu.memory_space<vmem>>) dst(%dma_wait3A_528 : memref<10240x64xf32, #tpu.memory_space<vmem_shared>>)
        %mul3A_529 = arith.constant 4 : i32
        %mul3A_530 = arith.muli %sub3A_496, %mul3A_529 : i32
        %add3A_531 = arith.constant 2 : i32
        %add3A_532 = arith.addi %mul3A_530, %add3A_531 : i32
        %dma_wait3A_533 = arith.constant 1 : i32
        %dma_wait3A_534 = arith.constant 2 : i32
        %dma_wait3A_535 = arith.constant 0 : i32
        %dma_wait3A_536 = arith.constant 0 : i32
        %dma_wait3A_537 = tpu.memref_slice %arg8[%dma_wait3A_533, %dma_wait3A_534, %dma_wait3A_535, %dma_wait3A_536] : memref<2x4x128x64xf32, #tpu.memory_space<vmem>> -> memref<1x1x128x64xf32, #tpu.memory_space<vmem>>
        %dma_wait3A_538 = tpu.memref_squeeze %dma_wait3A_537 : memref<1x1x128x64xf32, #tpu.memory_space<vmem>> -> memref<128x64xf32, #tpu.memory_space<vmem>>
        %dma_wait3A_539 = arith.constant 0 : i32
        %dma_wait3A_540 = tpu.memref_slice %arg7[%add3A_532, %dma_wait3A_539] : memref<80x128xi32, #tpu.memory_space<vmem>> -> memref<1x128xi32, #tpu.memory_space<vmem>>
        %dma_wait3A_541 = tpu.memref_squeeze %dma_wait3A_540 : memref<1x128xi32, #tpu.memory_space<vmem>> -> memref<128xi32, #tpu.memory_space<vmem>>
        %dma_wait3A_542 = arith.constant 0 : i32
        %dma_wait3A_543 = arith.constant 0 : i32
        %dma_wait3A_544 = tpu.memref_slice %arg9[%dma_wait3A_542, %dma_wait3A_543] : memref<10240x64xf32, #tpu.memory_space<vmem_shared>> -> memref<10240x64xf32, #tpu.memory_space<vmem_shared>>
        tpu.wait_indirect_dma semaphore(%arg13 : memref<!tpu.dma_semaphore, #tpu.memory_space<semaphore_mem>>) src(%dma_wait3A_538 : memref<128x64xf32, #tpu.memory_space<vmem>>) dst(%dma_wait3A_544 : memref<10240x64xf32, #tpu.memory_space<vmem_shared>>)
        %mul3A_545 = arith.constant 4 : i32
        %mul3A_546 = arith.muli %sub3A_496, %mul3A_545 : i32
        %add3A_547 = arith.constant 3 : i32
        %add3A_548 = arith.addi %mul3A_546, %add3A_547 : i32
        %dma_wait3A_549 = arith.constant 1 : i32
        %dma_wait3A_550 = arith.constant 3 : i32
        %dma_wait3A_551 = arith.constant 0 : i32
        %dma_wait3A_552 = arith.constant 0 : i32
        %dma_wait3A_553 = tpu.memref_slice %arg8[%dma_wait3A_549, %dma_wait3A_550, %dma_wait3A_551, %dma_wait3A_552] : memref<2x4x128x64xf32, #tpu.memory_space<vmem>> -> memref<1x1x128x64xf32, #tpu.memory_space<vmem>>
        %dma_wait3A_554 = tpu.memref_squeeze %dma_wait3A_553 : memref<1x1x128x64xf32, #tpu.memory_space<vmem>> -> memref<128x64xf32, #tpu.memory_space<vmem>>
        %dma_wait3A_555 = arith.constant 0 : i32
        %dma_wait3A_556 = tpu.memref_slice %arg7[%add3A_548, %dma_wait3A_555] : memref<80x128xi32, #tpu.memory_space<vmem>> -> memref<1x128xi32, #tpu.memory_space<vmem>>
        %dma_wait3A_557 = tpu.memref_squeeze %dma_wait3A_556 : memref<1x128xi32, #tpu.memory_space<vmem>> -> memref<128xi32, #tpu.memory_space<vmem>>
        %dma_wait3A_558 = arith.constant 0 : i32
        %dma_wait3A_559 = arith.constant 0 : i32
        %dma_wait3A_560 = tpu.memref_slice %arg9[%dma_wait3A_558, %dma_wait3A_559] : memref<10240x64xf32, #tpu.memory_space<vmem_shared>> -> memref<10240x64xf32, #tpu.memory_space<vmem_shared>>
        tpu.wait_indirect_dma semaphore(%arg13 : memref<!tpu.dma_semaphore, #tpu.memory_space<semaphore_mem>>) src(%dma_wait3A_554 : memref<128x64xf32, #tpu.memory_space<vmem>>) dst(%dma_wait3A_560 : memref<10240x64xf32, #tpu.memory_space<vmem_shared>>)
      } else {
      }
      %mul3A_300 = arith.constant 4 : i32
      %mul3A_301 = arith.muli %add3A_169, %mul3A_300 : i32
      %add3A_302 = arith.constant 0 : i32
      %add3A_303 = arith.addi %mul3A_301, %add3A_302 : i32
      %dma_start3A_304 = arith.constant 1 : i32
      %dma_start3A_305 = arith.constant 0 : i32
      %dma_start3A_306 = arith.constant 0 : i32
      %dma_start3A_307 = arith.constant 0 : i32
      %dma_start3A_308 = tpu.memref_slice %arg8[%dma_start3A_304, %dma_start3A_305, %dma_start3A_306, %dma_start3A_307] : memref<2x4x128x64xf32, #tpu.memory_space<vmem>> -> memref<1x1x128x64xf32, #tpu.memory_space<vmem>>
      %dma_start3A_309 = tpu.memref_squeeze %dma_start3A_308 : memref<1x1x128x64xf32, #tpu.memory_space<vmem>> -> memref<128x64xf32, #tpu.memory_space<vmem>>
      %dma_start3A_310 = arith.constant 0 : i32
      %dma_start3A_311 = tpu.memref_slice %arg6[%add3A_303, %dma_start3A_310] : memref<80x128xi32, #tpu.memory_space<vmem>> -> memref<1x128xi32, #tpu.memory_space<vmem>>
      %dma_start3A_312 = tpu.memref_squeeze %dma_start3A_311 : memref<1x128xi32, #tpu.memory_space<vmem>> -> memref<128xi32, #tpu.memory_space<vmem>>
      %dma_start3A_313 = arith.constant 0 : i32
      %dma_start3A_314 = arith.constant 0 : i32
      %dma_start3A_315 = tpu.memref_slice %arg2[%dma_start3A_313, %dma_start3A_314] : memref<10240x64xf32, #tpu.memory_space<hbm>> -> memref<10240x64xf32, #tpu.memory_space<hbm>>
      tpu.enqueue_indirect_dma source(%dma_start3A_315 : memref<10240x64xf32, #tpu.memory_space<hbm>>) target(%dma_start3A_309 : memref<128x64xf32, #tpu.memory_space<vmem>>) offsets(%dma_start3A_312 : memref<128xi32, #tpu.memory_space<vmem>>) semaphore(%arg11 : memref<!tpu.dma_semaphore, #tpu.memory_space<semaphore_mem>>)
      %mul3A_316 = arith.constant 4 : i32
      %mul3A_317 = arith.muli %add3A_169, %mul3A_316 : i32
      %add3A_318 = arith.constant 1 : i32
      %add3A_319 = arith.addi %mul3A_317, %add3A_318 : i32
      %dma_start3A_320 = arith.constant 1 : i32
      %dma_start3A_321 = arith.constant 1 : i32
      %dma_start3A_322 = arith.constant 0 : i32
      %dma_start3A_323 = arith.constant 0 : i32
      %dma_start3A_324 = tpu.memref_slice %arg8[%dma_start3A_320, %dma_start3A_321, %dma_start3A_322, %dma_start3A_323] : memref<2x4x128x64xf32, #tpu.memory_space<vmem>> -> memref<1x1x128x64xf32, #tpu.memory_space<vmem>>
      %dma_start3A_325 = tpu.memref_squeeze %dma_start3A_324 : memref<1x1x128x64xf32, #tpu.memory_space<vmem>> -> memref<128x64xf32, #tpu.memory_space<vmem>>
      %dma_start3A_326 = arith.constant 0 : i32
      %dma_start3A_327 = tpu.memref_slice %arg6[%add3A_319, %dma_start3A_326] : memref<80x128xi32, #tpu.memory_space<vmem>> -> memref<1x128xi32, #tpu.memory_space<vmem>>
      %dma_start3A_328 = tpu.memref_squeeze %dma_start3A_327 : memref<1x128xi32, #tpu.memory_space<vmem>> -> memref<128xi32, #tpu.memory_space<vmem>>
      %dma_start3A_329 = arith.constant 0 : i32
      %dma_start3A_330 = arith.constant 0 : i32
      %dma_start3A_331 = tpu.memref_slice %arg2[%dma_start3A_329, %dma_start3A_330] : memref<10240x64xf32, #tpu.memory_space<hbm>> -> memref<10240x64xf32, #tpu.memory_space<hbm>>
      tpu.enqueue_indirect_dma source(%dma_start3A_331 : memref<10240x64xf32, #tpu.memory_space<hbm>>) target(%dma_start3A_325 : memref<128x64xf32, #tpu.memory_space<vmem>>) offsets(%dma_start3A_328 : memref<128xi32, #tpu.memory_space<vmem>>) semaphore(%arg11 : memref<!tpu.dma_semaphore, #tpu.memory_space<semaphore_mem>>)
      %mul3A_332 = arith.constant 4 : i32
      %mul3A_333 = arith.muli %add3A_169, %mul3A_332 : i32
      %add3A_334 = arith.constant 2 : i32
      %add3A_335 = arith.addi %mul3A_333, %add3A_334 : i32
      %dma_start3A_336 = arith.constant 1 : i32
      %dma_start3A_337 = arith.constant 2 : i32
      %dma_start3A_338 = arith.constant 0 : i32
      %dma_start3A_339 = arith.constant 0 : i32
      %dma_start3A_340 = tpu.memref_slice %arg8[%dma_start3A_336, %dma_start3A_337, %dma_start3A_338, %dma_start3A_339] : memref<2x4x128x64xf32, #tpu.memory_space<vmem>> -> memref<1x1x128x64xf32, #tpu.memory_space<vmem>>
      %dma_start3A_341 = tpu.memref_squeeze %dma_start3A_340 : memref<1x1x128x64xf32, #tpu.memory_space<vmem>> -> memref<128x64xf32, #tpu.memory_space<vmem>>
      %dma_start3A_342 = arith.constant 0 : i32
      %dma_start3A_343 = tpu.memref_slice %arg6[%add3A_335, %dma_start3A_342] : memref<80x128xi32, #tpu.memory_space<vmem>> -> memref<1x128xi32, #tpu.memory_space<vmem>>
      %dma_start3A_344 = tpu.memref_squeeze %dma_start3A_343 : memref<1x128xi32, #tpu.memory_space<vmem>> -> memref<128xi32, #tpu.memory_space<vmem>>
      %dma_start3A_345 = arith.constant 0 : i32
      %dma_start3A_346 = arith.constant 0 : i32
      %dma_start3A_347 = tpu.memref_slice %arg2[%dma_start3A_345, %dma_start3A_346] : memref<10240x64xf32, #tpu.memory_space<hbm>> -> memref<10240x64xf32, #tpu.memory_space<hbm>>
      tpu.enqueue_indirect_dma source(%dma_start3A_347 : memref<10240x64xf32, #tpu.memory_space<hbm>>) target(%dma_start3A_341 : memref<128x64xf32, #tpu.memory_space<vmem>>) offsets(%dma_start3A_344 : memref<128xi32, #tpu.memory_space<vmem>>) semaphore(%arg11 : memref<!tpu.dma_semaphore, #tpu.memory_space<semaphore_mem>>)
      %mul3A_348 = arith.constant 4 : i32
      %mul3A_349 = arith.muli %add3A_169, %mul3A_348 : i32
      %add3A_350 = arith.constant 3 : i32
      %add3A_351 = arith.addi %mul3A_349, %add3A_350 : i32
      %dma_start3A_352 = arith.constant 1 : i32
      %dma_start3A_353 = arith.constant 3 : i32
      %dma_start3A_354 = arith.constant 0 : i32
      %dma_start3A_355 = arith.constant 0 : i32
      %dma_start3A_356 = tpu.memref_slice %arg8[%dma_start3A_352, %dma_start3A_353, %dma_start3A_354, %dma_start3A_355] : memref<2x4x128x64xf32, #tpu.memory_space<vmem>> -> memref<1x1x128x64xf32, #tpu.memory_space<vmem>>
      %dma_start3A_357 = tpu.memref_squeeze %dma_start3A_356 : memref<1x1x128x64xf32, #tpu.memory_space<vmem>> -> memref<128x64xf32, #tpu.memory_space<vmem>>
      %dma_start3A_358 = arith.constant 0 : i32
      %dma_start3A_359 = tpu.memref_slice %arg6[%add3A_351, %dma_start3A_358] : memref<80x128xi32, #tpu.memory_space<vmem>> -> memref<1x128xi32, #tpu.memory_space<vmem>>
      %dma_start3A_360 = tpu.memref_squeeze %dma_start3A_359 : memref<1x128xi32, #tpu.memory_space<vmem>> -> memref<128xi32, #tpu.memory_space<vmem>>
      %dma_start3A_361 = arith.constant 0 : i32
      %dma_start3A_362 = arith.constant 0 : i32
      %dma_start3A_363 = tpu.memref_slice %arg2[%dma_start3A_361, %dma_start3A_362] : memref<10240x64xf32, #tpu.memory_space<hbm>> -> memref<10240x64xf32, #tpu.memory_space<hbm>>
      tpu.enqueue_indirect_dma source(%dma_start3A_363 : memref<10240x64xf32, #tpu.memory_space<hbm>>) target(%dma_start3A_357 : memref<128x64xf32, #tpu.memory_space<vmem>>) offsets(%dma_start3A_360 : memref<128xi32, #tpu.memory_space<vmem>>) semaphore(%arg11 : memref<!tpu.dma_semaphore, #tpu.memory_space<semaphore_mem>>)
      %mul3A_364 = arith.constant 4 : i32
      %mul3A_365 = arith.muli %add3A_169, %mul3A_364 : i32
      %add3A_366 = arith.constant 0 : i32
      %add3A_367 = arith.addi %mul3A_365, %add3A_366 : i32
      %dma_wait3A_368 = arith.constant 1 : i32
      %dma_wait3A_369 = arith.constant 0 : i32
      %dma_wait3A_370 = arith.constant 0 : i32
      %dma_wait3A_371 = arith.constant 0 : i32
      %dma_wait3A_372 = tpu.memref_slice %arg8[%dma_wait3A_368, %dma_wait3A_369, %dma_wait3A_370, %dma_wait3A_371] : memref<2x4x128x64xf32, #tpu.memory_space<vmem>> -> memref<1x1x128x64xf32, #tpu.memory_space<vmem>>
      %dma_wait3A_373 = tpu.memref_squeeze %dma_wait3A_372 : memref<1x1x128x64xf32, #tpu.memory_space<vmem>> -> memref<128x64xf32, #tpu.memory_space<vmem>>
      %dma_wait3A_374 = arith.constant 0 : i32
      %dma_wait3A_375 = tpu.memref_slice %arg6[%add3A_367, %dma_wait3A_374] : memref<80x128xi32, #tpu.memory_space<vmem>> -> memref<1x128xi32, #tpu.memory_space<vmem>>
      %dma_wait3A_376 = tpu.memref_squeeze %dma_wait3A_375 : memref<1x128xi32, #tpu.memory_space<vmem>> -> memref<128xi32, #tpu.memory_space<vmem>>
      %dma_wait3A_377 = arith.constant 0 : i32
      %dma_wait3A_378 = arith.constant 0 : i32
      %dma_wait3A_379 = tpu.memref_slice %arg2[%dma_wait3A_377, %dma_wait3A_378] : memref<10240x64xf32, #tpu.memory_space<hbm>> -> memref<10240x64xf32, #tpu.memory_space<hbm>>
      tpu.wait_indirect_dma semaphore(%arg11 : memref<!tpu.dma_semaphore, #tpu.memory_space<semaphore_mem>>) src(%dma_wait3A_379 : memref<10240x64xf32, #tpu.memory_space<hbm>>) dst(%dma_wait3A_373 : memref<128x64xf32, #tpu.memory_space<vmem>>)
      %mul3A_380 = arith.constant 4 : i32
      %mul3A_381 = arith.muli %add3A_169, %mul3A_380 : i32
      %add3A_382 = arith.constant 1 : i32
      %add3A_383 = arith.addi %mul3A_381, %add3A_382 : i32
      %dma_wait3A_384 = arith.constant 1 : i32
      %dma_wait3A_385 = arith.constant 1 : i32
      %dma_wait3A_386 = arith.constant 0 : i32
      %dma_wait3A_387 = arith.constant 0 : i32
      %dma_wait3A_388 = tpu.memref_slice %arg8[%dma_wait3A_384, %dma_wait3A_385, %dma_wait3A_386, %dma_wait3A_387] : memref<2x4x128x64xf32, #tpu.memory_space<vmem>> -> memref<1x1x128x64xf32, #tpu.memory_space<vmem>>
      %dma_wait3A_389 = tpu.memref_squeeze %dma_wait3A_388 : memref<1x1x128x64xf32, #tpu.memory_space<vmem>> -> memref<128x64xf32, #tpu.memory_space<vmem>>
      %dma_wait3A_390 = arith.constant 0 : i32
      %dma_wait3A_391 = tpu.memref_slice %arg6[%add3A_383, %dma_wait3A_390] : memref<80x128xi32, #tpu.memory_space<vmem>> -> memref<1x128xi32, #tpu.memory_space<vmem>>
      %dma_wait3A_392 = tpu.memref_squeeze %dma_wait3A_391 : memref<1x128xi32, #tpu.memory_space<vmem>> -> memref<128xi32, #tpu.memory_space<vmem>>
      %dma_wait3A_393 = arith.constant 0 : i32
      %dma_wait3A_394 = arith.constant 0 : i32
      %dma_wait3A_395 = tpu.memref_slice %arg2[%dma_wait3A_393, %dma_wait3A_394] : memref<10240x64xf32, #tpu.memory_space<hbm>> -> memref<10240x64xf32, #tpu.memory_space<hbm>>
      tpu.wait_indirect_dma semaphore(%arg11 : memref<!tpu.dma_semaphore, #tpu.memory_space<semaphore_mem>>) src(%dma_wait3A_395 : memref<10240x64xf32, #tpu.memory_space<hbm>>) dst(%dma_wait3A_389 : memref<128x64xf32, #tpu.memory_space<vmem>>)
      %mul3A_396 = arith.constant 4 : i32
      %mul3A_397 = arith.muli %add3A_169, %mul3A_396 : i32
      %add3A_398 = arith.constant 2 : i32
      %add3A_399 = arith.addi %mul3A_397, %add3A_398 : i32
      %dma_wait3A_400 = arith.constant 1 : i32
      %dma_wait3A_401 = arith.constant 2 : i32
      %dma_wait3A_402 = arith.constant 0 : i32
      %dma_wait3A_403 = arith.constant 0 : i32
      %dma_wait3A_404 = tpu.memref_slice %arg8[%dma_wait3A_400, %dma_wait3A_401, %dma_wait3A_402, %dma_wait3A_403] : memref<2x4x128x64xf32, #tpu.memory_space<vmem>> -> memref<1x1x128x64xf32, #tpu.memory_space<vmem>>
      %dma_wait3A_405 = tpu.memref_squeeze %dma_wait3A_404 : memref<1x1x128x64xf32, #tpu.memory_space<vmem>> -> memref<128x64xf32, #tpu.memory_space<vmem>>
      %dma_wait3A_406 = arith.constant 0 : i32
      %dma_wait3A_407 = tpu.memref_slice %arg6[%add3A_399, %dma_wait3A_406] : memref<80x128xi32, #tpu.memory_space<vmem>> -> memref<1x128xi32, #tpu.memory_space<vmem>>
      %dma_wait3A_408 = tpu.memref_squeeze %dma_wait3A_407 : memref<1x128xi32, #tpu.memory_space<vmem>> -> memref<128xi32, #tpu.memory_space<vmem>>
      %dma_wait3A_409 = arith.constant 0 : i32
      %dma_wait3A_410 = arith.constant 0 : i32
      %dma_wait3A_411 = tpu.memref_slice %arg2[%dma_wait3A_409, %dma_wait3A_410] : memref<10240x64xf32, #tpu.memory_space<hbm>> -> memref<10240x64xf32, #tpu.memory_space<hbm>>
      tpu.wait_indirect_dma semaphore(%arg11 : memref<!tpu.dma_semaphore, #tpu.memory_space<semaphore_mem>>) src(%dma_wait3A_411 : memref<10240x64xf32, #tpu.memory_space<hbm>>) dst(%dma_wait3A_405 : memref<128x64xf32, #tpu.memory_space<vmem>>)
      %mul3A_412 = arith.constant 4 : i32
      %mul3A_413 = arith.muli %add3A_169, %mul3A_412 : i32
      %add3A_414 = arith.constant 3 : i32
      %add3A_415 = arith.addi %mul3A_413, %add3A_414 : i32
      %dma_wait3A_416 = arith.constant 1 : i32
      %dma_wait3A_417 = arith.constant 3 : i32
      %dma_wait3A_418 = arith.constant 0 : i32
      %dma_wait3A_419 = arith.constant 0 : i32
      %dma_wait3A_420 = tpu.memref_slice %arg8[%dma_wait3A_416, %dma_wait3A_417, %dma_wait3A_418, %dma_wait3A_419] : memref<2x4x128x64xf32, #tpu.memory_space<vmem>> -> memref<1x1x128x64xf32, #tpu.memory_space<vmem>>
      %dma_wait3A_421 = tpu.memref_squeeze %dma_wait3A_420 : memref<1x1x128x64xf32, #tpu.memory_space<vmem>> -> memref<128x64xf32, #tpu.memory_space<vmem>>
      %dma_wait3A_422 = arith.constant 0 : i32
      %dma_wait3A_423 = tpu.memref_slice %arg6[%add3A_415, %dma_wait3A_422] : memref<80x128xi32, #tpu.memory_space<vmem>> -> memref<1x128xi32, #tpu.memory_space<vmem>>
      %dma_wait3A_424 = tpu.memref_squeeze %dma_wait3A_423 : memref<1x128xi32, #tpu.memory_space<vmem>> -> memref<128xi32, #tpu.memory_space<vmem>>
      %dma_wait3A_425 = arith.constant 0 : i32
      %dma_wait3A_426 = arith.constant 0 : i32
      %dma_wait3A_427 = tpu.memref_slice %arg2[%dma_wait3A_425, %dma_wait3A_426] : memref<10240x64xf32, #tpu.memory_space<hbm>> -> memref<10240x64xf32, #tpu.memory_space<hbm>>
      tpu.wait_indirect_dma semaphore(%arg11 : memref<!tpu.dma_semaphore, #tpu.memory_space<semaphore_mem>>) src(%dma_wait3A_427 : memref<10240x64xf32, #tpu.memory_space<hbm>>) dst(%dma_wait3A_421 : memref<128x64xf32, #tpu.memory_space<vmem>>)
      %mul3A_428 = arith.constant 4 : i32
      %mul3A_429 = arith.muli %add3A_169, %mul3A_428 : i32
      %add3A_430 = arith.constant 0 : i32
      %add3A_431 = arith.addi %mul3A_429, %add3A_430 : i32
      %dma_start3A_432 = arith.constant 1 : i32
      %dma_start3A_433 = arith.constant 0 : i32
      %dma_start3A_434 = arith.constant 0 : i32
      %dma_start3A_435 = arith.constant 0 : i32
      %dma_start3A_436 = tpu.memref_slice %arg8[%dma_start3A_432, %dma_start3A_433, %dma_start3A_434, %dma_start3A_435] : memref<2x4x128x64xf32, #tpu.memory_space<vmem>> -> memref<1x1x128x64xf32, #tpu.memory_space<vmem>>
      %dma_start3A_437 = tpu.memref_squeeze %dma_start3A_436 : memref<1x1x128x64xf32, #tpu.memory_space<vmem>> -> memref<128x64xf32, #tpu.memory_space<vmem>>
      %dma_start3A_438 = arith.constant 0 : i32
      %dma_start3A_439 = tpu.memref_slice %arg7[%add3A_431, %dma_start3A_438] : memref<80x128xi32, #tpu.memory_space<vmem>> -> memref<1x128xi32, #tpu.memory_space<vmem>>
      %dma_start3A_440 = tpu.memref_squeeze %dma_start3A_439 : memref<1x128xi32, #tpu.memory_space<vmem>> -> memref<128xi32, #tpu.memory_space<vmem>>
      %dma_start3A_441 = arith.constant 0 : i32
      %dma_start3A_442 = arith.constant 0 : i32
      %dma_start3A_443 = tpu.memref_slice %arg9[%dma_start3A_441, %dma_start3A_442] : memref<10240x64xf32, #tpu.memory_space<vmem_shared>> -> memref<10240x64xf32, #tpu.memory_space<vmem_shared>>
      tpu.enqueue_indirect_dma source(%dma_start3A_437 : memref<128x64xf32, #tpu.memory_space<vmem>>) target(%dma_start3A_443 : memref<10240x64xf32, #tpu.memory_space<vmem_shared>>) offsets(%dma_start3A_440 : memref<128xi32, #tpu.memory_space<vmem>>) semaphore(%arg13 : memref<!tpu.dma_semaphore, #tpu.memory_space<semaphore_mem>>) {add = true}
      %mul3A_444 = arith.constant 4 : i32
      %mul3A_445 = arith.muli %add3A_169, %mul3A_444 : i32
      %add3A_446 = arith.constant 1 : i32
      %add3A_447 = arith.addi %mul3A_445, %add3A_446 : i32
      %dma_start3A_448 = arith.constant 1 : i32
      %dma_start3A_449 = arith.constant 1 : i32
      %dma_start3A_450 = arith.constant 0 : i32
      %dma_start3A_451 = arith.constant 0 : i32
      %dma_start3A_452 = tpu.memref_slice %arg8[%dma_start3A_448, %dma_start3A_449, %dma_start3A_450, %dma_start3A_451] : memref<2x4x128x64xf32, #tpu.memory_space<vmem>> -> memref<1x1x128x64xf32, #tpu.memory_space<vmem>>
      %dma_start3A_453 = tpu.memref_squeeze %dma_start3A_452 : memref<1x1x128x64xf32, #tpu.memory_space<vmem>> -> memref<128x64xf32, #tpu.memory_space<vmem>>
      %dma_start3A_454 = arith.constant 0 : i32
      %dma_start3A_455 = tpu.memref_slice %arg7[%add3A_447, %dma_start3A_454] : memref<80x128xi32, #tpu.memory_space<vmem>> -> memref<1x128xi32, #tpu.memory_space<vmem>>
      %dma_start3A_456 = tpu.memref_squeeze %dma_start3A_455 : memref<1x128xi32, #tpu.memory_space<vmem>> -> memref<128xi32, #tpu.memory_space<vmem>>
      %dma_start3A_457 = arith.constant 0 : i32
      %dma_start3A_458 = arith.constant 0 : i32
      %dma_start3A_459 = tpu.memref_slice %arg9[%dma_start3A_457, %dma_start3A_458] : memref<10240x64xf32, #tpu.memory_space<vmem_shared>> -> memref<10240x64xf32, #tpu.memory_space<vmem_shared>>
      tpu.enqueue_indirect_dma source(%dma_start3A_453 : memref<128x64xf32, #tpu.memory_space<vmem>>) target(%dma_start3A_459 : memref<10240x64xf32, #tpu.memory_space<vmem_shared>>) offsets(%dma_start3A_456 : memref<128xi32, #tpu.memory_space<vmem>>) semaphore(%arg13 : memref<!tpu.dma_semaphore, #tpu.memory_space<semaphore_mem>>) {add = true}
      %mul3A_460 = arith.constant 4 : i32
      %mul3A_461 = arith.muli %add3A_169, %mul3A_460 : i32
      %add3A_462 = arith.constant 2 : i32
      %add3A_463 = arith.addi %mul3A_461, %add3A_462 : i32
      %dma_start3A_464 = arith.constant 1 : i32
      %dma_start3A_465 = arith.constant 2 : i32
      %dma_start3A_466 = arith.constant 0 : i32
      %dma_start3A_467 = arith.constant 0 : i32
      %dma_start3A_468 = tpu.memref_slice %arg8[%dma_start3A_464, %dma_start3A_465, %dma_start3A_466, %dma_start3A_467] : memref<2x4x128x64xf32, #tpu.memory_space<vmem>> -> memref<1x1x128x64xf32, #tpu.memory_space<vmem>>
      %dma_start3A_469 = tpu.memref_squeeze %dma_start3A_468 : memref<1x1x128x64xf32, #tpu.memory_space<vmem>> -> memref<128x64xf32, #tpu.memory_space<vmem>>
      %dma_start3A_470 = arith.constant 0 : i32
      %dma_start3A_471 = tpu.memref_slice %arg7[%add3A_463, %dma_start3A_470] : memref<80x128xi32, #tpu.memory_space<vmem>> -> memref<1x128xi32, #tpu.memory_space<vmem>>
      %dma_start3A_472 = tpu.memref_squeeze %dma_start3A_471 : memref<1x128xi32, #tpu.memory_space<vmem>> -> memref<128xi32, #tpu.memory_space<vmem>>
      %dma_start3A_473 = arith.constant 0 : i32
      %dma_start3A_474 = arith.constant 0 : i32
      %dma_start3A_475 = tpu.memref_slice %arg9[%dma_start3A_473, %dma_start3A_474] : memref<10240x64xf32, #tpu.memory_space<vmem_shared>> -> memref<10240x64xf32, #tpu.memory_space<vmem_shared>>
      tpu.enqueue_indirect_dma source(%dma_start3A_469 : memref<128x64xf32, #tpu.memory_space<vmem>>) target(%dma_start3A_475 : memref<10240x64xf32, #tpu.memory_space<vmem_shared>>) offsets(%dma_start3A_472 : memref<128xi32, #tpu.memory_space<vmem>>) semaphore(%arg13 : memref<!tpu.dma_semaphore, #tpu.memory_space<semaphore_mem>>) {add = true}
      %mul3A_476 = arith.constant 4 : i32
      %mul3A_477 = arith.muli %add3A_169, %mul3A_476 : i32
      %add3A_478 = arith.constant 3 : i32
      %add3A_479 = arith.addi %mul3A_477, %add3A_478 : i32
      %dma_start3A_480 = arith.constant 1 : i32
      %dma_start3A_481 = arith.constant 3 : i32
      %dma_start3A_482 = arith.constant 0 : i32
      %dma_start3A_483 = arith.constant 0 : i32
      %dma_start3A_484 = tpu.memref_slice %arg8[%dma_start3A_480, %dma_start3A_481, %dma_start3A_482, %dma_start3A_483] : memref<2x4x128x64xf32, #tpu.memory_space<vmem>> -> memref<1x1x128x64xf32, #tpu.memory_space<vmem>>
      %dma_start3A_485 = tpu.memref_squeeze %dma_start3A_484 : memref<1x1x128x64xf32, #tpu.memory_space<vmem>> -> memref<128x64xf32, #tpu.memory_space<vmem>>
      %dma_start3A_486 = arith.constant 0 : i32
      %dma_start3A_487 = tpu.memref_slice %arg7[%add3A_479, %dma_start3A_486] : memref<80x128xi32, #tpu.memory_space<vmem>> -> memref<1x128xi32, #tpu.memory_space<vmem>>
      %dma_start3A_488 = tpu.memref_squeeze %dma_start3A_487 : memref<1x128xi32, #tpu.memory_space<vmem>> -> memref<128xi32, #tpu.memory_space<vmem>>
      %dma_start3A_489 = arith.constant 0 : i32
      %dma_start3A_490 = arith.constant 0 : i32
      %dma_start3A_491 = tpu.memref_slice %arg9[%dma_start3A_489, %dma_start3A_490] : memref<10240x64xf32, #tpu.memory_space<vmem_shared>> -> memref<10240x64xf32, #tpu.memory_space<vmem_shared>>
      tpu.enqueue_indirect_dma source(%dma_start3A_485 : memref<128x64xf32, #tpu.memory_space<vmem>>) target(%dma_start3A_491 : memref<10240x64xf32, #tpu.memory_space<vmem_shared>>) offsets(%dma_start3A_488 : memref<128xi32, #tpu.memory_space<vmem>>) semaphore(%arg13 : memref<!tpu.dma_semaphore, #tpu.memory_space<semaphore_mem>>) {add = true}
      %lt3A = arith.constant 9 : i32
      %lt3A_492 = arith.cmpi slt, %scan3A_163, %lt3A : i32
      %convert_element_type3A_493 = arith.extui %lt3A_492 : i1 to i32
      %cond3A_494 = arith.constant 0 : i32
      %cond3A_495 = arith.cmpi ne, %convert_element_type3A_493, %cond3A_494 : i32
      scf.if %cond3A_495 {
        %mul3A_496 = arith.constant 4 : i32
        %mul3A_497 = arith.muli %mul3A_165, %mul3A_496 : i32
        %add3A_498 = arith.constant 0 : i32
        %add3A_499 = arith.addi %mul3A_497, %add3A_498 : i32
        %dma_wait3A_500 = arith.constant 0 : i32
        %dma_wait3A_501 = arith.constant 0 : i32
        %dma_wait3A_502 = arith.constant 0 : i32
        %dma_wait3A_503 = arith.constant 0 : i32
        %dma_wait3A_504 = tpu.memref_slice %arg8[%dma_wait3A_500, %dma_wait3A_501, %dma_wait3A_502, %dma_wait3A_503] : memref<2x4x128x64xf32, #tpu.memory_space<vmem>> -> memref<1x1x128x64xf32, #tpu.memory_space<vmem>>
        %dma_wait3A_505 = tpu.memref_squeeze %dma_wait3A_504 : memref<1x1x128x64xf32, #tpu.memory_space<vmem>> -> memref<128x64xf32, #tpu.memory_space<vmem>>
        %dma_wait3A_506 = arith.constant 0 : i32
        %dma_wait3A_507 = tpu.memref_slice %arg7[%add3A_499, %dma_wait3A_506] : memref<80x128xi32, #tpu.memory_space<vmem>> -> memref<1x128xi32, #tpu.memory_space<vmem>>
        %dma_wait3A_508 = tpu.memref_squeeze %dma_wait3A_507 : memref<1x128xi32, #tpu.memory_space<vmem>> -> memref<128xi32, #tpu.memory_space<vmem>>
        %dma_wait3A_509 = arith.constant 0 : i32
        %dma_wait3A_510 = arith.constant 0 : i32
        %dma_wait3A_511 = tpu.memref_slice %arg9[%dma_wait3A_509, %dma_wait3A_510] : memref<10240x64xf32, #tpu.memory_space<vmem_shared>> -> memref<10240x64xf32, #tpu.memory_space<vmem_shared>>
        tpu.wait_indirect_dma semaphore(%arg12 : memref<!tpu.dma_semaphore, #tpu.memory_space<semaphore_mem>>) src(%dma_wait3A_505 : memref<128x64xf32, #tpu.memory_space<vmem>>) dst(%dma_wait3A_511 : memref<10240x64xf32, #tpu.memory_space<vmem_shared>>)
        %mul3A_512 = arith.constant 4 : i32
        %mul3A_513 = arith.muli %mul3A_165, %mul3A_512 : i32
        %add3A_514 = arith.constant 1 : i32
        %add3A_515 = arith.addi %mul3A_513, %add3A_514 : i32
        %dma_wait3A_516 = arith.constant 0 : i32
        %dma_wait3A_517 = arith.constant 1 : i32
        %dma_wait3A_518 = arith.constant 0 : i32
        %dma_wait3A_519 = arith.constant 0 : i32
        %dma_wait3A_520 = tpu.memref_slice %arg8[%dma_wait3A_516, %dma_wait3A_517, %dma_wait3A_518, %dma_wait3A_519] : memref<2x4x128x64xf32, #tpu.memory_space<vmem>> -> memref<1x1x128x64xf32, #tpu.memory_space<vmem>>
        %dma_wait3A_521 = tpu.memref_squeeze %dma_wait3A_520 : memref<1x1x128x64xf32, #tpu.memory_space<vmem>> -> memref<128x64xf32, #tpu.memory_space<vmem>>
        %dma_wait3A_522 = arith.constant 0 : i32
        %dma_wait3A_523 = tpu.memref_slice %arg7[%add3A_515, %dma_wait3A_522] : memref<80x128xi32, #tpu.memory_space<vmem>> -> memref<1x128xi32, #tpu.memory_space<vmem>>
        %dma_wait3A_524 = tpu.memref_squeeze %dma_wait3A_523 : memref<1x128xi32, #tpu.memory_space<vmem>> -> memref<128xi32, #tpu.memory_space<vmem>>
        %dma_wait3A_525 = arith.constant 0 : i32
        %dma_wait3A_526 = arith.constant 0 : i32
        %dma_wait3A_527 = tpu.memref_slice %arg9[%dma_wait3A_525, %dma_wait3A_526] : memref<10240x64xf32, #tpu.memory_space<vmem_shared>> -> memref<10240x64xf32, #tpu.memory_space<vmem_shared>>
        tpu.wait_indirect_dma semaphore(%arg12 : memref<!tpu.dma_semaphore, #tpu.memory_space<semaphore_mem>>) src(%dma_wait3A_521 : memref<128x64xf32, #tpu.memory_space<vmem>>) dst(%dma_wait3A_527 : memref<10240x64xf32, #tpu.memory_space<vmem_shared>>)
        %mul3A_528 = arith.constant 4 : i32
        %mul3A_529 = arith.muli %mul3A_165, %mul3A_528 : i32
        %add3A_530 = arith.constant 2 : i32
        %add3A_531 = arith.addi %mul3A_529, %add3A_530 : i32
        %dma_wait3A_532 = arith.constant 0 : i32
        %dma_wait3A_533 = arith.constant 2 : i32
        %dma_wait3A_534 = arith.constant 0 : i32
        %dma_wait3A_535 = arith.constant 0 : i32
        %dma_wait3A_536 = tpu.memref_slice %arg8[%dma_wait3A_532, %dma_wait3A_533, %dma_wait3A_534, %dma_wait3A_535] : memref<2x4x128x64xf32, #tpu.memory_space<vmem>> -> memref<1x1x128x64xf32, #tpu.memory_space<vmem>>
        %dma_wait3A_537 = tpu.memref_squeeze %dma_wait3A_536 : memref<1x1x128x64xf32, #tpu.memory_space<vmem>> -> memref<128x64xf32, #tpu.memory_space<vmem>>
        %dma_wait3A_538 = arith.constant 0 : i32
        %dma_wait3A_539 = tpu.memref_slice %arg7[%add3A_531, %dma_wait3A_538] : memref<80x128xi32, #tpu.memory_space<vmem>> -> memref<1x128xi32, #tpu.memory_space<vmem>>
        %dma_wait3A_540 = tpu.memref_squeeze %dma_wait3A_539 : memref<1x128xi32, #tpu.memory_space<vmem>> -> memref<128xi32, #tpu.memory_space<vmem>>
        %dma_wait3A_541 = arith.constant 0 : i32
        %dma_wait3A_542 = arith.constant 0 : i32
        %dma_wait3A_543 = tpu.memref_slice %arg9[%dma_wait3A_541, %dma_wait3A_542] : memref<10240x64xf32, #tpu.memory_space<vmem_shared>> -> memref<10240x64xf32, #tpu.memory_space<vmem_shared>>
        tpu.wait_indirect_dma semaphore(%arg12 : memref<!tpu.dma_semaphore, #tpu.memory_space<semaphore_mem>>) src(%dma_wait3A_537 : memref<128x64xf32, #tpu.memory_space<vmem>>) dst(%dma_wait3A_543 : memref<10240x64xf32, #tpu.memory_space<vmem_shared>>)
        %mul3A_544 = arith.constant 4 : i32
        %mul3A_545 = arith.muli %mul3A_165, %mul3A_544 : i32
        %add3A_546 = arith.constant 3 : i32
        %add3A_547 = arith.addi %mul3A_545, %add3A_546 : i32
        %dma_wait3A_548 = arith.constant 0 : i32
        %dma_wait3A_549 = arith.constant 3 : i32
        %dma_wait3A_550 = arith.constant 0 : i32
        %dma_wait3A_551 = arith.constant 0 : i32
        %dma_wait3A_552 = tpu.memref_slice %arg8[%dma_wait3A_548, %dma_wait3A_549, %dma_wait3A_550, %dma_wait3A_551] : memref<2x4x128x64xf32, #tpu.memory_space<vmem>> -> memref<1x1x128x64xf32, #tpu.memory_space<vmem>>
        %dma_wait3A_553 = tpu.memref_squeeze %dma_wait3A_552 : memref<1x1x128x64xf32, #tpu.memory_space<vmem>> -> memref<128x64xf32, #tpu.memory_space<vmem>>
        %dma_wait3A_554 = arith.constant 0 : i32
        %dma_wait3A_555 = tpu.memref_slice %arg7[%add3A_547, %dma_wait3A_554] : memref<80x128xi32, #tpu.memory_space<vmem>> -> memref<1x128xi32, #tpu.memory_space<vmem>>
        %dma_wait3A_556 = tpu.memref_squeeze %dma_wait3A_555 : memref<1x128xi32, #tpu.memory_space<vmem>> -> memref<128xi32, #tpu.memory_space<vmem>>
        %dma_wait3A_557 = arith.constant 0 : i32
        %dma_wait3A_558 = arith.constant 0 : i32
        %dma_wait3A_559 = tpu.memref_slice %arg9[%dma_wait3A_557, %dma_wait3A_558] : memref<10240x64xf32, #tpu.memory_space<vmem_shared>> -> memref<10240x64xf32, #tpu.memory_space<vmem_shared>>
        tpu.wait_indirect_dma semaphore(%arg12 : memref<!tpu.dma_semaphore, #tpu.memory_space<semaphore_mem>>) src(%dma_wait3A_553 : memref<128x64xf32, #tpu.memory_space<vmem>>) dst(%dma_wait3A_559 : memref<10240x64xf32, #tpu.memory_space<vmem_shared>>)
        %add3A_560 = arith.constant 2 : i32
        %add3A_561 = arith.addi %mul3A_165, %add3A_560 : i32
        %mul3A_562 = arith.constant 4 : i32
        %mul3A_563 = arith.muli %add3A_561, %mul3A_562 : i32
        %add3A_564 = arith.constant 0 : i32
        %add3A_565 = arith.addi %mul3A_563, %add3A_564 : i32
        %dma_start3A_566 = arith.constant 0 : i32
        %dma_start3A_567 = arith.constant 0 : i32
        %dma_start3A_568 = arith.constant 0 : i32
        %dma_start3A_569 = arith.constant 0 : i32
        %dma_start3A_570 = tpu.memref_slice %arg8[%dma_start3A_566, %dma_start3A_567, %dma_start3A_568, %dma_start3A_569] : memref<2x4x128x64xf32, #tpu.memory_space<vmem>> -> memref<1x1x128x64xf32, #tpu.memory_space<vmem>>
        %dma_start3A_571 = tpu.memref_squeeze %dma_start3A_570 : memref<1x1x128x64xf32, #tpu.memory_space<vmem>> -> memref<128x64xf32, #tpu.memory_space<vmem>>
        %dma_start3A_572 = arith.constant 0 : i32
        %dma_start3A_573 = tpu.memref_slice %arg6[%add3A_565, %dma_start3A_572] : memref<80x128xi32, #tpu.memory_space<vmem>> -> memref<1x128xi32, #tpu.memory_space<vmem>>
        %dma_start3A_574 = tpu.memref_squeeze %dma_start3A_573 : memref<1x128xi32, #tpu.memory_space<vmem>> -> memref<128xi32, #tpu.memory_space<vmem>>
        %dma_start3A_575 = arith.constant 0 : i32
        %dma_start3A_576 = arith.constant 0 : i32
        %dma_start3A_577 = tpu.memref_slice %arg2[%dma_start3A_575, %dma_start3A_576] : memref<10240x64xf32, #tpu.memory_space<hbm>> -> memref<10240x64xf32, #tpu.memory_space<hbm>>
        tpu.enqueue_indirect_dma source(%dma_start3A_577 : memref<10240x64xf32, #tpu.memory_space<hbm>>) target(%dma_start3A_571 : memref<128x64xf32, #tpu.memory_space<vmem>>) offsets(%dma_start3A_574 : memref<128xi32, #tpu.memory_space<vmem>>) semaphore(%arg10 : memref<!tpu.dma_semaphore, #tpu.memory_space<semaphore_mem>>)
        %mul3A_578 = arith.constant 4 : i32
        %mul3A_579 = arith.muli %add3A_561, %mul3A_578 : i32
        %add3A_580 = arith.constant 1 : i32
        %add3A_581 = arith.addi %mul3A_579, %add3A_580 : i32
        %dma_start3A_582 = arith.constant 0 : i32
        %dma_start3A_583 = arith.constant 1 : i32
        %dma_start3A_584 = arith.constant 0 : i32
        %dma_start3A_585 = arith.constant 0 : i32
        %dma_start3A_586 = tpu.memref_slice %arg8[%dma_start3A_582, %dma_start3A_583, %dma_start3A_584, %dma_start3A_585] : memref<2x4x128x64xf32, #tpu.memory_space<vmem>> -> memref<1x1x128x64xf32, #tpu.memory_space<vmem>>
        %dma_start3A_587 = tpu.memref_squeeze %dma_start3A_586 : memref<1x1x128x64xf32, #tpu.memory_space<vmem>> -> memref<128x64xf32, #tpu.memory_space<vmem>>
        %dma_start3A_588 = arith.constant 0 : i32
        %dma_start3A_589 = tpu.memref_slice %arg6[%add3A_581, %dma_start3A_588] : memref<80x128xi32, #tpu.memory_space<vmem>> -> memref<1x128xi32, #tpu.memory_space<vmem>>
        %dma_start3A_590 = tpu.memref_squeeze %dma_start3A_589 : memref<1x128xi32, #tpu.memory_space<vmem>> -> memref<128xi32, #tpu.memory_space<vmem>>
        %dma_start3A_591 = arith.constant 0 : i32
        %dma_start3A_592 = arith.constant 0 : i32
        %dma_start3A_593 = tpu.memref_slice %arg2[%dma_start3A_591, %dma_start3A_592] : memref<10240x64xf32, #tpu.memory_space<hbm>> -> memref<10240x64xf32, #tpu.memory_space<hbm>>
        tpu.enqueue_indirect_dma source(%dma_start3A_593 : memref<10240x64xf32, #tpu.memory_space<hbm>>) target(%dma_start3A_587 : memref<128x64xf32, #tpu.memory_space<vmem>>) offsets(%dma_start3A_590 : memref<128xi32, #tpu.memory_space<vmem>>) semaphore(%arg10 : memref<!tpu.dma_semaphore, #tpu.memory_space<semaphore_mem>>)
        %mul3A_594 = arith.constant 4 : i32
        %mul3A_595 = arith.muli %add3A_561, %mul3A_594 : i32
        %add3A_596 = arith.constant 2 : i32
        %add3A_597 = arith.addi %mul3A_595, %add3A_596 : i32
        %dma_start3A_598 = arith.constant 0 : i32
        %dma_start3A_599 = arith.constant 2 : i32
        %dma_start3A_600 = arith.constant 0 : i32
        %dma_start3A_601 = arith.constant 0 : i32
        %dma_start3A_602 = tpu.memref_slice %arg8[%dma_start3A_598, %dma_start3A_599, %dma_start3A_600, %dma_start3A_601] : memref<2x4x128x64xf32, #tpu.memory_space<vmem>> -> memref<1x1x128x64xf32, #tpu.memory_space<vmem>>
        %dma_start3A_603 = tpu.memref_squeeze %dma_start3A_602 : memref<1x1x128x64xf32, #tpu.memory_space<vmem>> -> memref<128x64xf32, #tpu.memory_space<vmem>>
        %dma_start3A_604 = arith.constant 0 : i32
        %dma_start3A_605 = tpu.memref_slice %arg6[%add3A_597, %dma_start3A_604] : memref<80x128xi32, #tpu.memory_space<vmem>> -> memref<1x128xi32, #tpu.memory_space<vmem>>
        %dma_start3A_606 = tpu.memref_squeeze %dma_start3A_605 : memref<1x128xi32, #tpu.memory_space<vmem>> -> memref<128xi32, #tpu.memory_space<vmem>>
        %dma_start3A_607 = arith.constant 0 : i32
        %dma_start3A_608 = arith.constant 0 : i32
        %dma_start3A_609 = tpu.memref_slice %arg2[%dma_start3A_607, %dma_start3A_608] : memref<10240x64xf32, #tpu.memory_space<hbm>> -> memref<10240x64xf32, #tpu.memory_space<hbm>>
        tpu.enqueue_indirect_dma source(%dma_start3A_609 : memref<10240x64xf32, #tpu.memory_space<hbm>>) target(%dma_start3A_603 : memref<128x64xf32, #tpu.memory_space<vmem>>) offsets(%dma_start3A_606 : memref<128xi32, #tpu.memory_space<vmem>>) semaphore(%arg10 : memref<!tpu.dma_semaphore, #tpu.memory_space<semaphore_mem>>)
        %mul3A_610 = arith.constant 4 : i32
        %mul3A_611 = arith.muli %add3A_561, %mul3A_610 : i32
        %add3A_612 = arith.constant 3 : i32
        %add3A_613 = arith.addi %mul3A_611, %add3A_612 : i32
        %dma_start3A_614 = arith.constant 0 : i32
        %dma_start3A_615 = arith.constant 3 : i32
        %dma_start3A_616 = arith.constant 0 : i32
        %dma_start3A_617 = arith.constant 0 : i32
        %dma_start3A_618 = tpu.memref_slice %arg8[%dma_start3A_614, %dma_start3A_615, %dma_start3A_616, %dma_start3A_617] : memref<2x4x128x64xf32, #tpu.memory_space<vmem>> -> memref<1x1x128x64xf32, #tpu.memory_space<vmem>>
        %dma_start3A_619 = tpu.memref_squeeze %dma_start3A_618 : memref<1x1x128x64xf32, #tpu.memory_space<vmem>> -> memref<128x64xf32, #tpu.memory_space<vmem>>
        %dma_start3A_620 = arith.constant 0 : i32
        %dma_start3A_621 = tpu.memref_slice %arg6[%add3A_613, %dma_start3A_620] : memref<80x128xi32, #tpu.memory_space<vmem>> -> memref<1x128xi32, #tpu.memory_space<vmem>>
        %dma_start3A_622 = tpu.memref_squeeze %dma_start3A_621 : memref<1x128xi32, #tpu.memory_space<vmem>> -> memref<128xi32, #tpu.memory_space<vmem>>
        %dma_start3A_623 = arith.constant 0 : i32
        %dma_start3A_624 = arith.constant 0 : i32
        %dma_start3A_625 = tpu.memref_slice %arg2[%dma_start3A_623, %dma_start3A_624] : memref<10240x64xf32, #tpu.memory_space<hbm>> -> memref<10240x64xf32, #tpu.memory_space<hbm>>
        tpu.enqueue_indirect_dma source(%dma_start3A_625 : memref<10240x64xf32, #tpu.memory_space<hbm>>) target(%dma_start3A_619 : memref<128x64xf32, #tpu.memory_space<vmem>>) offsets(%dma_start3A_622 : memref<128xi32, #tpu.memory_space<vmem>>) semaphore(%arg10 : memref<!tpu.dma_semaphore, #tpu.memory_space<semaphore_mem>>)
      } else {
      }
    }
    %scan3A_58 = arith.constant 10 : i32
    %dma_wait3A = arith.constant 0 : i32
    %dma_wait3A_59 = arith.constant 0 : i32
    %dma_wait3A_60 = arith.constant 72 : i32
    %dma_wait3A_61 = arith.constant 0 : i32
    %dma_wait3A_62 = arith.constant 0 : i32
    %dma_wait3A_63 = tpu.memref_slice %arg8[%dma_wait3A, %dma_wait3A_59, %dma_wait3A_61, %dma_wait3A_62] : memref<2x4x128x64xf32, #tpu.memory_space<vmem>> -> memref<1x1x128x64xf32, #tpu.memory_space<vmem>>
    %dma_wait3A_64 = tpu.memref_squeeze %dma_wait3A_63 : memref<1x1x128x64xf32, #tpu.memory_space<vmem>> -> memref<128x64xf32, #tpu.memory_space<vmem>>
    %dma_wait3A_65 = arith.constant 0 : i32
    %dma_wait3A_66 = tpu.memref_slice %arg7[%dma_wait3A_60, %dma_wait3A_65] : memref<80x128xi32, #tpu.memory_space<vmem>> -> memref<1x128xi32, #tpu.memory_space<vmem>>
    %dma_wait3A_67 = tpu.memref_squeeze %dma_wait3A_66 : memref<1x128xi32, #tpu.memory_space<vmem>> -> memref<128xi32, #tpu.memory_space<vmem>>
    %dma_wait3A_68 = arith.constant 0 : i32
    %dma_wait3A_69 = arith.constant 0 : i32
    %dma_wait3A_70 = tpu.memref_slice %arg9[%dma_wait3A_68, %dma_wait3A_69] : memref<10240x64xf32, #tpu.memory_space<vmem_shared>> -> memref<10240x64xf32, #tpu.memory_space<vmem_shared>>
    tpu.wait_indirect_dma semaphore(%arg12 : memref<!tpu.dma_semaphore, #tpu.memory_space<semaphore_mem>>) src(%dma_wait3A_64 : memref<128x64xf32, #tpu.memory_space<vmem>>) dst(%dma_wait3A_70 : memref<10240x64xf32, #tpu.memory_space<vmem_shared>>)
    %dma_wait3A_71 = arith.constant 0 : i32
    %dma_wait3A_72 = arith.constant 1 : i32
    %dma_wait3A_73 = arith.constant 73 : i32
    %dma_wait3A_74 = arith.constant 0 : i32
    %dma_wait3A_75 = arith.constant 0 : i32
    %dma_wait3A_76 = tpu.memref_slice %arg8[%dma_wait3A_71, %dma_wait3A_72, %dma_wait3A_74, %dma_wait3A_75] : memref<2x4x128x64xf32, #tpu.memory_space<vmem>> -> memref<1x1x128x64xf32, #tpu.memory_space<vmem>>
    %dma_wait3A_77 = tpu.memref_squeeze %dma_wait3A_76 : memref<1x1x128x64xf32, #tpu.memory_space<vmem>> -> memref<128x64xf32, #tpu.memory_space<vmem>>
    %dma_wait3A_78 = arith.constant 0 : i32
    %dma_wait3A_79 = tpu.memref_slice %arg7[%dma_wait3A_73, %dma_wait3A_78] : memref<80x128xi32, #tpu.memory_space<vmem>> -> memref<1x128xi32, #tpu.memory_space<vmem>>
    %dma_wait3A_80 = tpu.memref_squeeze %dma_wait3A_79 : memref<1x128xi32, #tpu.memory_space<vmem>> -> memref<128xi32, #tpu.memory_space<vmem>>
    %dma_wait3A_81 = arith.constant 0 : i32
    %dma_wait3A_82 = arith.constant 0 : i32
    %dma_wait3A_83 = tpu.memref_slice %arg9[%dma_wait3A_81, %dma_wait3A_82] : memref<10240x64xf32, #tpu.memory_space<vmem_shared>> -> memref<10240x64xf32, #tpu.memory_space<vmem_shared>>
    tpu.wait_indirect_dma semaphore(%arg12 : memref<!tpu.dma_semaphore, #tpu.memory_space<semaphore_mem>>) src(%dma_wait3A_77 : memref<128x64xf32, #tpu.memory_space<vmem>>) dst(%dma_wait3A_83 : memref<10240x64xf32, #tpu.memory_space<vmem_shared>>)
    %dma_wait3A_84 = arith.constant 0 : i32
    %dma_wait3A_85 = arith.constant 2 : i32
    %dma_wait3A_86 = arith.constant 74 : i32
    %dma_wait3A_87 = arith.constant 0 : i32
    %dma_wait3A_88 = arith.constant 0 : i32
    %dma_wait3A_89 = tpu.memref_slice %arg8[%dma_wait3A_84, %dma_wait3A_85, %dma_wait3A_87, %dma_wait3A_88] : memref<2x4x128x64xf32, #tpu.memory_space<vmem>> -> memref<1x1x128x64xf32, #tpu.memory_space<vmem>>
    %dma_wait3A_90 = tpu.memref_squeeze %dma_wait3A_89 : memref<1x1x128x64xf32, #tpu.memory_space<vmem>> -> memref<128x64xf32, #tpu.memory_space<vmem>>
    %dma_wait3A_91 = arith.constant 0 : i32
    %dma_wait3A_92 = tpu.memref_slice %arg7[%dma_wait3A_86, %dma_wait3A_91] : memref<80x128xi32, #tpu.memory_space<vmem>> -> memref<1x128xi32, #tpu.memory_space<vmem>>
    %dma_wait3A_93 = tpu.memref_squeeze %dma_wait3A_92 : memref<1x128xi32, #tpu.memory_space<vmem>> -> memref<128xi32, #tpu.memory_space<vmem>>
    %dma_wait3A_94 = arith.constant 0 : i32
    %dma_wait3A_95 = arith.constant 0 : i32
    %dma_wait3A_96 = tpu.memref_slice %arg9[%dma_wait3A_94, %dma_wait3A_95] : memref<10240x64xf32, #tpu.memory_space<vmem_shared>> -> memref<10240x64xf32, #tpu.memory_space<vmem_shared>>
    tpu.wait_indirect_dma semaphore(%arg12 : memref<!tpu.dma_semaphore, #tpu.memory_space<semaphore_mem>>) src(%dma_wait3A_90 : memref<128x64xf32, #tpu.memory_space<vmem>>) dst(%dma_wait3A_96 : memref<10240x64xf32, #tpu.memory_space<vmem_shared>>)
    %dma_wait3A_97 = arith.constant 0 : i32
    %dma_wait3A_98 = arith.constant 3 : i32
    %dma_wait3A_99 = arith.constant 75 : i32
    %dma_wait3A_100 = arith.constant 0 : i32
    %dma_wait3A_101 = arith.constant 0 : i32
    %dma_wait3A_102 = tpu.memref_slice %arg8[%dma_wait3A_97, %dma_wait3A_98, %dma_wait3A_100, %dma_wait3A_101] : memref<2x4x128x64xf32, #tpu.memory_space<vmem>> -> memref<1x1x128x64xf32, #tpu.memory_space<vmem>>
    %dma_wait3A_103 = tpu.memref_squeeze %dma_wait3A_102 : memref<1x1x128x64xf32, #tpu.memory_space<vmem>> -> memref<128x64xf32, #tpu.memory_space<vmem>>
    %dma_wait3A_104 = arith.constant 0 : i32
    %dma_wait3A_105 = tpu.memref_slice %arg7[%dma_wait3A_99, %dma_wait3A_104] : memref<80x128xi32, #tpu.memory_space<vmem>> -> memref<1x128xi32, #tpu.memory_space<vmem>>
    %dma_wait3A_106 = tpu.memref_squeeze %dma_wait3A_105 : memref<1x128xi32, #tpu.memory_space<vmem>> -> memref<128xi32, #tpu.memory_space<vmem>>
    %dma_wait3A_107 = arith.constant 0 : i32
    %dma_wait3A_108 = arith.constant 0 : i32
    %dma_wait3A_109 = tpu.memref_slice %arg9[%dma_wait3A_107, %dma_wait3A_108] : memref<10240x64xf32, #tpu.memory_space<vmem_shared>> -> memref<10240x64xf32, #tpu.memory_space<vmem_shared>>
    tpu.wait_indirect_dma semaphore(%arg12 : memref<!tpu.dma_semaphore, #tpu.memory_space<semaphore_mem>>) src(%dma_wait3A_103 : memref<128x64xf32, #tpu.memory_space<vmem>>) dst(%dma_wait3A_109 : memref<10240x64xf32, #tpu.memory_space<vmem_shared>>)
    %dma_wait3A_110 = arith.constant 1 : i32
    %dma_wait3A_111 = arith.constant 0 : i32
    %dma_wait3A_112 = arith.constant 76 : i32
    %dma_wait3A_113 = arith.constant 0 : i32
    %dma_wait3A_114 = arith.constant 0 : i32
    %dma_wait3A_115 = tpu.memref_slice %arg8[%dma_wait3A_110, %dma_wait3A_111, %dma_wait3A_113, %dma_wait3A_114] : memref<2x4x128x64xf32, #tpu.memory_space<vmem>> -> memref<1x1x128x64xf32, #tpu.memory_space<vmem>>
    %dma_wait3A_116 = tpu.memref_squeeze %dma_wait3A_115 : memref<1x1x128x64xf32, #tpu.memory_space<vmem>> -> memref<128x64xf32, #tpu.memory_space<vmem>>
    %dma_wait3A_117 = arith.constant 0 : i32
    %dma_wait3A_118 = tpu.memref_slice %arg7[%dma_wait3A_112, %dma_wait3A_117] : memref<80x128xi32, #tpu.memory_space<vmem>> -> memref<1x128xi32, #tpu.memory_space<vmem>>
    %dma_wait3A_119 = tpu.memref_squeeze %dma_wait3A_118 : memref<1x128xi32, #tpu.memory_space<vmem>> -> memref<128xi32, #tpu.memory_space<vmem>>
    %dma_wait3A_120 = arith.constant 0 : i32
    %dma_wait3A_121 = arith.constant 0 : i32
    %dma_wait3A_122 = tpu.memref_slice %arg9[%dma_wait3A_120, %dma_wait3A_121] : memref<10240x64xf32, #tpu.memory_space<vmem_shared>> -> memref<10240x64xf32, #tpu.memory_space<vmem_shared>>
    tpu.wait_indirect_dma semaphore(%arg13 : memref<!tpu.dma_semaphore, #tpu.memory_space<semaphore_mem>>) src(%dma_wait3A_116 : memref<128x64xf32, #tpu.memory_space<vmem>>) dst(%dma_wait3A_122 : memref<10240x64xf32, #tpu.memory_space<vmem_shared>>)
    %dma_wait3A_123 = arith.constant 1 : i32
    %dma_wait3A_124 = arith.constant 1 : i32
    %dma_wait3A_125 = arith.constant 77 : i32
    %dma_wait3A_126 = arith.constant 0 : i32
    %dma_wait3A_127 = arith.constant 0 : i32
    %dma_wait3A_128 = tpu.memref_slice %arg8[%dma_wait3A_123, %dma_wait3A_124, %dma_wait3A_126, %dma_wait3A_127] : memref<2x4x128x64xf32, #tpu.memory_space<vmem>> -> memref<1x1x128x64xf32, #tpu.memory_space<vmem>>
    %dma_wait3A_129 = tpu.memref_squeeze %dma_wait3A_128 : memref<1x1x128x64xf32, #tpu.memory_space<vmem>> -> memref<128x64xf32, #tpu.memory_space<vmem>>
    %dma_wait3A_130 = arith.constant 0 : i32
    %dma_wait3A_131 = tpu.memref_slice %arg7[%dma_wait3A_125, %dma_wait3A_130] : memref<80x128xi32, #tpu.memory_space<vmem>> -> memref<1x128xi32, #tpu.memory_space<vmem>>
    %dma_wait3A_132 = tpu.memref_squeeze %dma_wait3A_131 : memref<1x128xi32, #tpu.memory_space<vmem>> -> memref<128xi32, #tpu.memory_space<vmem>>
    %dma_wait3A_133 = arith.constant 0 : i32
    %dma_wait3A_134 = arith.constant 0 : i32
    %dma_wait3A_135 = tpu.memref_slice %arg9[%dma_wait3A_133, %dma_wait3A_134] : memref<10240x64xf32, #tpu.memory_space<vmem_shared>> -> memref<10240x64xf32, #tpu.memory_space<vmem_shared>>
    tpu.wait_indirect_dma semaphore(%arg13 : memref<!tpu.dma_semaphore, #tpu.memory_space<semaphore_mem>>) src(%dma_wait3A_129 : memref<128x64xf32, #tpu.memory_space<vmem>>) dst(%dma_wait3A_135 : memref<10240x64xf32, #tpu.memory_space<vmem_shared>>)
    %dma_wait3A_136 = arith.constant 1 : i32
    %dma_wait3A_137 = arith.constant 2 : i32
    %dma_wait3A_138 = arith.constant 78 : i32
    %dma_wait3A_139 = arith.constant 0 : i32
    %dma_wait3A_140 = arith.constant 0 : i32
    %dma_wait3A_141 = tpu.memref_slice %arg8[%dma_wait3A_136, %dma_wait3A_137, %dma_wait3A_139, %dma_wait3A_140] : memref<2x4x128x64xf32, #tpu.memory_space<vmem>> -> memref<1x1x128x64xf32, #tpu.memory_space<vmem>>
    %dma_wait3A_142 = tpu.memref_squeeze %dma_wait3A_141 : memref<1x1x128x64xf32, #tpu.memory_space<vmem>> -> memref<128x64xf32, #tpu.memory_space<vmem>>
    %dma_wait3A_143 = arith.constant 0 : i32
    %dma_wait3A_144 = tpu.memref_slice %arg7[%dma_wait3A_138, %dma_wait3A_143] : memref<80x128xi32, #tpu.memory_space<vmem>> -> memref<1x128xi32, #tpu.memory_space<vmem>>
    %dma_wait3A_145 = tpu.memref_squeeze %dma_wait3A_144 : memref<1x128xi32, #tpu.memory_space<vmem>> -> memref<128xi32, #tpu.memory_space<vmem>>
    %dma_wait3A_146 = arith.constant 0 : i32
    %dma_wait3A_147 = arith.constant 0 : i32
    %dma_wait3A_148 = tpu.memref_slice %arg9[%dma_wait3A_146, %dma_wait3A_147] : memref<10240x64xf32, #tpu.memory_space<vmem_shared>> -> memref<10240x64xf32, #tpu.memory_space<vmem_shared>>
    tpu.wait_indirect_dma semaphore(%arg13 : memref<!tpu.dma_semaphore, #tpu.memory_space<semaphore_mem>>) src(%dma_wait3A_142 : memref<128x64xf32, #tpu.memory_space<vmem>>) dst(%dma_wait3A_148 : memref<10240x64xf32, #tpu.memory_space<vmem_shared>>)
    %dma_wait3A_149 = arith.constant 1 : i32
    %dma_wait3A_150 = arith.constant 3 : i32
    %dma_wait3A_151 = arith.constant 79 : i32
    %dma_wait3A_152 = arith.constant 0 : i32
    %dma_wait3A_153 = arith.constant 0 : i32
    %dma_wait3A_154 = tpu.memref_slice %arg8[%dma_wait3A_149, %dma_wait3A_150, %dma_wait3A_152, %dma_wait3A_153] : memref<2x4x128x64xf32, #tpu.memory_space<vmem>> -> memref<1x1x128x64xf32, #tpu.memory_space<vmem>>
    %dma_wait3A_155 = tpu.memref_squeeze %dma_wait3A_154 : memref<1x1x128x64xf32, #tpu.memory_space<vmem>> -> memref<128x64xf32, #tpu.memory_space<vmem>>
    %dma_wait3A_156 = arith.constant 0 : i32
    %dma_wait3A_157 = tpu.memref_slice %arg7[%dma_wait3A_151, %dma_wait3A_156] : memref<80x128xi32, #tpu.memory_space<vmem>> -> memref<1x128xi32, #tpu.memory_space<vmem>>
    %dma_wait3A_158 = tpu.memref_squeeze %dma_wait3A_157 : memref<1x128xi32, #tpu.memory_space<vmem>> -> memref<128xi32, #tpu.memory_space<vmem>>
    %dma_wait3A_159 = arith.constant 0 : i32
    %dma_wait3A_160 = arith.constant 0 : i32
    %dma_wait3A_161 = tpu.memref_slice %arg9[%dma_wait3A_159, %dma_wait3A_160] : memref<10240x64xf32, #tpu.memory_space<vmem_shared>> -> memref<10240x64xf32, #tpu.memory_space<vmem_shared>>
    tpu.wait_indirect_dma semaphore(%arg13 : memref<!tpu.dma_semaphore, #tpu.memory_space<semaphore_mem>>) src(%dma_wait3A_155 : memref<128x64xf32, #tpu.memory_space<vmem>>) dst(%dma_wait3A_161 : memref<10240x64xf32, #tpu.memory_space<vmem_shared>>)
    %barrier3A_162 = arith.constant 0 : index
    tpu.barrier barrier_id(%barrier3A_162)
    "tpu.region"() ({
      %run_scoped3A = tpu.sem_alloc : memref<!tpu.dma_semaphore, #tpu.memory_space<semaphore_mem>>
      %dma_start3A_163 = arith.constant 0 : i32
      %dma_start3A_164 = arith.constant 0 : i32
      %dma_start3A_165 = tpu.memref_slice %arg5[%arg0, %dma_start3A_163, %dma_start3A_164] : memref<2x10240x128xf32, #tpu.memory_space<hbm>> -> memref<1x10240x128xf32, #tpu.memory_space<hbm>>
      %dma_start3A_166 = tpu.memref_squeeze %dma_start3A_165 : memref<1x10240x128xf32, #tpu.memory_space<hbm>> -> memref<10240x128xf32, #tpu.memory_space<hbm>>
      %dma_start3A_167 = arith.constant 0 : i32
      %dma_start3A_168 = tpu.memref_slice %dma_start3A_166[%mul3A_2, %dma_start3A_167] : memref<10240x128xf32, #tpu.memory_space<hbm>> -> memref<640x64xf32, #tpu.memory_space<hbm>>
      %dma_start3A_169 = arith.constant 0 : i32
      %dma_start3A_170 = tpu.memref_slice %arg9[%mul3A_2, %dma_start3A_169] : memref<10240x64xf32, #tpu.memory_space<vmem_shared>> -> memref<640x64xf32, #tpu.memory_space<vmem_shared>>
      tpu.enqueue_dma source(%dma_start3A_170 : memref<640x64xf32, #tpu.memory_space<vmem_shared>>) target(%dma_start3A_168 : memref<640x64xf32, #tpu.memory_space<hbm>>) target_semaphore(%run_scoped3A : memref<!tpu.dma_semaphore, #tpu.memory_space<semaphore_mem>>)
      %dma_wait3A_171 = arith.constant 0 : i32
      %dma_wait3A_172 = arith.constant 0 : i32
      %dma_wait3A_173 = tpu.memref_slice %arg5[%arg0, %dma_wait3A_171, %dma_wait3A_172] : memref<2x10240x128xf32, #tpu.memory_space<hbm>> -> memref<1x10240x128xf32, #tpu.memory_space<hbm>>
      %dma_wait3A_174 = tpu.memref_squeeze %dma_wait3A_173 : memref<1x10240x128xf32, #tpu.memory_space<hbm>> -> memref<10240x128xf32, #tpu.memory_space<hbm>>
      %dma_wait3A_175 = arith.constant 0 : i32
      %dma_wait3A_176 = tpu.memref_slice %dma_wait3A_174[%mul3A_2, %dma_wait3A_175] : memref<10240x128xf32, #tpu.memory_space<hbm>> -> memref<640x64xf32, #tpu.memory_space<hbm>>
      %dma_wait3A_177 = arith.constant 0 : i32
      %dma_wait3A_178 = tpu.memref_slice %arg9[%mul3A_2, %dma_wait3A_177] : memref<10240x64xf32, #tpu.memory_space<vmem_shared>> -> memref<640x64xf32, #tpu.memory_space<vmem_shared>>
      tpu.wait_dma2 semaphore(%run_scoped3A : memref<!tpu.dma_semaphore, #tpu.memory_space<semaphore_mem>>) src(%dma_wait3A_178 : memref<640x64xf32, #tpu.memory_space<vmem_shared>>) dst(%dma_wait3A_176 : memref<640x64xf32, #tpu.memory_space<hbm>>)
      tpu.yield
    }) : () -> ()
    return
  }
}

#map = affine_map<(d0, d1) -> (0, 0)>
#map1 = affine_map<(d0, d1) -> (0, 0, 0)>
module attributes {stable_mosaic.version = 14 : i64} {
  func.func @_sc_agg(%arg0: i32, %arg1: i32, %arg2: memref<10240x64xf32, #tpu.memory_space<hbm>>, %arg3: memref<32x80x128xi32, #tpu.memory_space<hbm>>, %arg4: memref<32x80x128xi32, #tpu.memory_space<hbm>>, %arg5: memref<2x10240x128xf32, #tpu.memory_space<hbm>>, %arg6: memref<80x128xi32, #tpu.memory_space<vmem>>, %arg7: memref<80x128xi32, #tpu.memory_space<vmem>>, %arg8: memref<2x4x128x64xf32, #tpu.memory_space<vmem>>, %arg9: memref<10240x64xf32, #tpu.memory_space<vmem_shared>>, %arg10: memref<!tpu.dma_semaphore, #tpu.memory_space<semaphore_mem>>, %arg11: memref<!tpu.dma_semaphore, #tpu.memory_space<semaphore_mem>>, %arg12: memref<!tpu.dma_semaphore, #tpu.memory_space<semaphore_mem>>, %arg13: memref<!tpu.dma_semaphore, #tpu.memory_space<semaphore_mem>>) attributes {dimension_semantics = [#tpu.dimension_semantics<core_parallel>, #tpu.dimension_semantics<subcore_parallel>], iteration_bounds = array<i64: 2, 16>, scalar_prefetch = 0 : i64, scratch_operands = 8 : i64, tpu.core_type = #tpu.core_type<sc_vector_subcore>, window_params = [{transform_indices = #map}, {transform_indices = #map1}, {transform_indices = #map1}, {transform_indices = #map1}]} {
    %mul3A = arith.constant 16 : i32
    %mul3A_0 = arith.muli %arg0, %mul3A : i32
    %add3A = arith.addi %mul3A_0, %arg1 : i32
    "tpu.region"() ({
      %run_scoped3A = tpu.sem_alloc : memref<!tpu.dma_semaphore, #tpu.memory_space<semaphore_mem>>
      %dma_start3A_163 = arith.constant 0 : i32
      %dma_start3A_164 = arith.constant 0 : i32
      %dma_start3A_165 = tpu.memref_slice %arg3[%add3A, %dma_start3A_163, %dma_start3A_164] : memref<32x80x128xi32, #tpu.memory_space<hbm>> -> memref<1x80x128xi32, #tpu.memory_space<hbm>>
      %dma_start3A_166 = tpu.memref_squeeze %dma_start3A_165 : memref<1x80x128xi32, #tpu.memory_space<hbm>> -> memref<80x128xi32, #tpu.memory_space<hbm>>
      %dma_start3A_167 = arith.constant 0 : i32
      %dma_start3A_168 = arith.constant 0 : i32
      %dma_start3A_169 = tpu.memref_slice %arg3[%add3A, %dma_start3A_167, %dma_start3A_168] : memref<32x80x128xi32, #tpu.memory_space<hbm>> -> memref<1x80x128xi32, #tpu.memory_space<hbm>>
      %dma_start3A_170 = tpu.memref_squeeze %dma_start3A_169 : memref<1x80x128xi32, #tpu.memory_space<hbm>> -> memref<80x128xi32, #tpu.memory_space<hbm>>
      tpu.enqueue_dma source(%dma_start3A_170 : memref<80x128xi32, #tpu.memory_space<hbm>>) target(%arg6 : memref<80x128xi32, #tpu.memory_space<vmem>>) target_semaphore(%run_scoped3A : memref<!tpu.dma_semaphore, #tpu.memory_space<semaphore_mem>>)
      %dma_wait3A_171 = arith.constant 0 : i32
      %dma_wait3A_172 = arith.constant 0 : i32
      %dma_wait3A_173 = tpu.memref_slice %arg3[%add3A, %dma_wait3A_171, %dma_wait3A_172] : memref<32x80x128xi32, #tpu.memory_space<hbm>> -> memref<1x80x128xi32, #tpu.memory_space<hbm>>
      %dma_wait3A_174 = tpu.memref_squeeze %dma_wait3A_173 : memref<1x80x128xi32, #tpu.memory_space<hbm>> -> memref<80x128xi32, #tpu.memory_space<hbm>>
      %dma_wait3A_175 = arith.constant 0 : i32
      %dma_wait3A_176 = arith.constant 0 : i32
      %dma_wait3A_177 = tpu.memref_slice %arg3[%add3A, %dma_wait3A_175, %dma_wait3A_176] : memref<32x80x128xi32, #tpu.memory_space<hbm>> -> memref<1x80x128xi32, #tpu.memory_space<hbm>>
      %dma_wait3A_178 = tpu.memref_squeeze %dma_wait3A_177 : memref<1x80x128xi32, #tpu.memory_space<hbm>> -> memref<80x128xi32, #tpu.memory_space<hbm>>
      tpu.wait_dma2 semaphore(%run_scoped3A : memref<!tpu.dma_semaphore, #tpu.memory_space<semaphore_mem>>) src(%dma_wait3A_178 : memref<80x128xi32, #tpu.memory_space<hbm>>) dst(%arg6 : memref<80x128xi32, #tpu.memory_space<vmem>>)
      tpu.yield
    }) : () -> ()
    "tpu.region"() ({
      %run_scoped3A = tpu.sem_alloc : memref<!tpu.dma_semaphore, #tpu.memory_space<semaphore_mem>>
      %dma_start3A_163 = arith.constant 0 : i32
      %dma_start3A_164 = arith.constant 0 : i32
      %dma_start3A_165 = tpu.memref_slice %arg4[%add3A, %dma_start3A_163, %dma_start3A_164] : memref<32x80x128xi32, #tpu.memory_space<hbm>> -> memref<1x80x128xi32, #tpu.memory_space<hbm>>
      %dma_start3A_166 = tpu.memref_squeeze %dma_start3A_165 : memref<1x80x128xi32, #tpu.memory_space<hbm>> -> memref<80x128xi32, #tpu.memory_space<hbm>>
      %dma_start3A_167 = arith.constant 0 : i32
      %dma_start3A_168 = arith.constant 0 : i32
      %dma_start3A_169 = tpu.memref_slice %arg4[%add3A, %dma_start3A_167, %dma_start3A_168] : memref<32x80x128xi32, #tpu.memory_space<hbm>> -> memref<1x80x128xi32, #tpu.memory_space<hbm>>
      %dma_start3A_170 = tpu.memref_squeeze %dma_start3A_169 : memref<1x80x128xi32, #tpu.memory_space<hbm>> -> memref<80x128xi32, #tpu.memory_space<hbm>>
      tpu.enqueue_dma source(%dma_start3A_170 : memref<80x128xi32, #tpu.memory_space<hbm>>) target(%arg7 : memref<80x128xi32, #tpu.memory_space<vmem>>) target_semaphore(%run_scoped3A : memref<!tpu.dma_semaphore, #tpu.memory_space<semaphore_mem>>)
      %dma_wait3A_171 = arith.constant 0 : i32
      %dma_wait3A_172 = arith.constant 0 : i32
      %dma_wait3A_173 = tpu.memref_slice %arg4[%add3A, %dma_wait3A_171, %dma_wait3A_172] : memref<32x80x128xi32, #tpu.memory_space<hbm>> -> memref<1x80x128xi32, #tpu.memory_space<hbm>>
      %dma_wait3A_174 = tpu.memref_squeeze %dma_wait3A_173 : memref<1x80x128xi32, #tpu.memory_space<hbm>> -> memref<80x128xi32, #tpu.memory_space<hbm>>
      %dma_wait3A_175 = arith.constant 0 : i32
      %dma_wait3A_176 = arith.constant 0 : i32
      %dma_wait3A_177 = tpu.memref_slice %arg4[%add3A, %dma_wait3A_175, %dma_wait3A_176] : memref<32x80x128xi32, #tpu.memory_space<hbm>> -> memref<1x80x128xi32, #tpu.memory_space<hbm>>
      %dma_wait3A_178 = tpu.memref_squeeze %dma_wait3A_177 : memref<1x80x128xi32, #tpu.memory_space<hbm>> -> memref<80x128xi32, #tpu.memory_space<hbm>>
      tpu.wait_dma2 semaphore(%run_scoped3A : memref<!tpu.dma_semaphore, #tpu.memory_space<semaphore_mem>>) src(%dma_wait3A_178 : memref<80x128xi32, #tpu.memory_space<hbm>>) dst(%arg7 : memref<80x128xi32, #tpu.memory_space<vmem>>)
      tpu.yield
    }) : () -> ()
    %mul3A_1 = arith.constant 640 : i32
    %mul3A_2 = arith.muli %arg1, %mul3A_1 : i32
    "tpu.region"() ({
      %run_scoped3A = tpu.sem_alloc : memref<!tpu.dma_semaphore, #tpu.memory_space<semaphore_mem>>
      %dma_start3A_163 = arith.constant 0 : i32
      %dma_start3A_164 = tpu.memref_slice %arg9[%mul3A_2, %dma_start3A_163] : memref<10240x64xf32, #tpu.memory_space<vmem_shared>> -> memref<640x64xf32, #tpu.memory_space<vmem_shared>>
      %dma_start3A_165 = arith.constant 0 : i32
      %dma_start3A_166 = tpu.memref_slice %arg2[%mul3A_2, %dma_start3A_165] : memref<10240x64xf32, #tpu.memory_space<hbm>> -> memref<640x64xf32, #tpu.memory_space<hbm>>
      tpu.enqueue_dma source(%dma_start3A_166 : memref<640x64xf32, #tpu.memory_space<hbm>>) target(%dma_start3A_164 : memref<640x64xf32, #tpu.memory_space<vmem_shared>>) target_semaphore(%run_scoped3A : memref<!tpu.dma_semaphore, #tpu.memory_space<semaphore_mem>>)
      %dma_wait3A_167 = arith.constant 0 : i32
      %dma_wait3A_168 = tpu.memref_slice %arg9[%mul3A_2, %dma_wait3A_167] : memref<10240x64xf32, #tpu.memory_space<vmem_shared>> -> memref<640x64xf32, #tpu.memory_space<vmem_shared>>
      %dma_wait3A_169 = arith.constant 0 : i32
      %dma_wait3A_170 = tpu.memref_slice %arg2[%mul3A_2, %dma_wait3A_169] : memref<10240x64xf32, #tpu.memory_space<hbm>> -> memref<640x64xf32, #tpu.memory_space<hbm>>
      tpu.wait_dma2 semaphore(%run_scoped3A : memref<!tpu.dma_semaphore, #tpu.memory_space<semaphore_mem>>) src(%dma_wait3A_170 : memref<640x64xf32, #tpu.memory_space<hbm>>) dst(%dma_wait3A_168 : memref<640x64xf32, #tpu.memory_space<vmem_shared>>)
      tpu.yield
    }) : () -> ()
    %barrier3A = arith.constant 0 : index
    tpu.barrier barrier_id(%barrier3A)
    %dma_start3A = arith.constant 0 : i32
    %dma_start3A_3 = arith.constant 0 : i32
    %dma_start3A_4 = arith.constant 0 : i32
    %dma_start3A_5 = arith.constant 0 : i32
    %dma_start3A_6 = arith.constant 0 : i32
    %dma_start3A_7 = tpu.memref_slice %arg8[%dma_start3A_3, %dma_start3A_4, %dma_start3A_5, %dma_start3A_6] : memref<2x4x128x64xf32, #tpu.memory_space<vmem>> -> memref<1x1x128x64xf32, #tpu.memory_space<vmem>>
    %dma_start3A_8 = tpu.memref_squeeze %dma_start3A_7 : memref<1x1x128x64xf32, #tpu.memory_space<vmem>> -> memref<128x64xf32, #tpu.memory_space<vmem>>
    %dma_start3A_9 = arith.constant 0 : i32
    %dma_start3A_10 = tpu.memref_slice %arg6[%dma_start3A, %dma_start3A_9] : memref<80x128xi32, #tpu.memory_space<vmem>> -> memref<1x128xi32, #tpu.memory_space<vmem>>
    %dma_start3A_11 = tpu.memref_squeeze %dma_start3A_10 : memref<1x128xi32, #tpu.memory_space<vmem>> -> memref<128xi32, #tpu.memory_space<vmem>>
    %dma_start3A_12 = arith.constant 0 : i32
    %dma_start3A_13 = arith.constant 0 : i32
    %dma_start3A_14 = tpu.memref_slice %arg2[%dma_start3A_12, %dma_start3A_13] : memref<10240x64xf32, #tpu.memory_space<hbm>> -> memref<10240x64xf32, #tpu.memory_space<hbm>>
    tpu.enqueue_indirect_dma source(%dma_start3A_14 : memref<10240x64xf32, #tpu.memory_space<hbm>>) target(%dma_start3A_8 : memref<128x64xf32, #tpu.memory_space<vmem>>) offsets(%dma_start3A_11 : memref<128xi32, #tpu.memory_space<vmem>>) semaphore(%arg10 : memref<!tpu.dma_semaphore, #tpu.memory_space<semaphore_mem>>)
    %dma_start3A_15 = arith.constant 1 : i32
    %dma_start3A_16 = arith.constant 0 : i32
    %dma_start3A_17 = arith.constant 1 : i32
    %dma_start3A_18 = arith.constant 0 : i32
    %dma_start3A_19 = arith.constant 0 : i32
    %dma_start3A_20 = tpu.memref_slice %arg8[%dma_start3A_16, %dma_start3A_17, %dma_start3A_18, %dma_start3A_19] : memref<2x4x128x64xf32, #tpu.memory_space<vmem>> -> memref<1x1x128x64xf32, #tpu.memory_space<vmem>>
    %dma_start3A_21 = tpu.memref_squeeze %dma_start3A_20 : memref<1x1x128x64xf32, #tpu.memory_space<vmem>> -> memref<128x64xf32, #tpu.memory_space<vmem>>
    %dma_start3A_22 = arith.constant 0 : i32
    %dma_start3A_23 = tpu.memref_slice %arg6[%dma_start3A_15, %dma_start3A_22] : memref<80x128xi32, #tpu.memory_space<vmem>> -> memref<1x128xi32, #tpu.memory_space<vmem>>
    %dma_start3A_24 = tpu.memref_squeeze %dma_start3A_23 : memref<1x128xi32, #tpu.memory_space<vmem>> -> memref<128xi32, #tpu.memory_space<vmem>>
    %dma_start3A_25 = arith.constant 0 : i32
    %dma_start3A_26 = arith.constant 0 : i32
    %dma_start3A_27 = tpu.memref_slice %arg2[%dma_start3A_25, %dma_start3A_26] : memref<10240x64xf32, #tpu.memory_space<hbm>> -> memref<10240x64xf32, #tpu.memory_space<hbm>>
    tpu.enqueue_indirect_dma source(%dma_start3A_27 : memref<10240x64xf32, #tpu.memory_space<hbm>>) target(%dma_start3A_21 : memref<128x64xf32, #tpu.memory_space<vmem>>) offsets(%dma_start3A_24 : memref<128xi32, #tpu.memory_space<vmem>>) semaphore(%arg10 : memref<!tpu.dma_semaphore, #tpu.memory_space<semaphore_mem>>)
    %dma_start3A_28 = arith.constant 2 : i32
    %dma_start3A_29 = arith.constant 0 : i32
    %dma_start3A_30 = arith.constant 2 : i32
    %dma_start3A_31 = arith.constant 0 : i32
    %dma_start3A_32 = arith.constant 0 : i32
    %dma_start3A_33 = tpu.memref_slice %arg8[%dma_start3A_29, %dma_start3A_30, %dma_start3A_31, %dma_start3A_32] : memref<2x4x128x64xf32, #tpu.memory_space<vmem>> -> memref<1x1x128x64xf32, #tpu.memory_space<vmem>>
    %dma_start3A_34 = tpu.memref_squeeze %dma_start3A_33 : memref<1x1x128x64xf32, #tpu.memory_space<vmem>> -> memref<128x64xf32, #tpu.memory_space<vmem>>
    %dma_start3A_35 = arith.constant 0 : i32
    %dma_start3A_36 = tpu.memref_slice %arg6[%dma_start3A_28, %dma_start3A_35] : memref<80x128xi32, #tpu.memory_space<vmem>> -> memref<1x128xi32, #tpu.memory_space<vmem>>
    %dma_start3A_37 = tpu.memref_squeeze %dma_start3A_36 : memref<1x128xi32, #tpu.memory_space<vmem>> -> memref<128xi32, #tpu.memory_space<vmem>>
    %dma_start3A_38 = arith.constant 0 : i32
    %dma_start3A_39 = arith.constant 0 : i32
    %dma_start3A_40 = tpu.memref_slice %arg2[%dma_start3A_38, %dma_start3A_39] : memref<10240x64xf32, #tpu.memory_space<hbm>> -> memref<10240x64xf32, #tpu.memory_space<hbm>>
    tpu.enqueue_indirect_dma source(%dma_start3A_40 : memref<10240x64xf32, #tpu.memory_space<hbm>>) target(%dma_start3A_34 : memref<128x64xf32, #tpu.memory_space<vmem>>) offsets(%dma_start3A_37 : memref<128xi32, #tpu.memory_space<vmem>>) semaphore(%arg10 : memref<!tpu.dma_semaphore, #tpu.memory_space<semaphore_mem>>)
    %dma_start3A_41 = arith.constant 3 : i32
    %dma_start3A_42 = arith.constant 0 : i32
    %dma_start3A_43 = arith.constant 3 : i32
    %dma_start3A_44 = arith.constant 0 : i32
    %dma_start3A_45 = arith.constant 0 : i32
    %dma_start3A_46 = tpu.memref_slice %arg8[%dma_start3A_42, %dma_start3A_43, %dma_start3A_44, %dma_start3A_45] : memref<2x4x128x64xf32, #tpu.memory_space<vmem>> -> memref<1x1x128x64xf32, #tpu.memory_space<vmem>>
    %dma_start3A_47 = tpu.memref_squeeze %dma_start3A_46 : memref<1x1x128x64xf32, #tpu.memory_space<vmem>> -> memref<128x64xf32, #tpu.memory_space<vmem>>
    %dma_start3A_48 = arith.constant 0 : i32
    %dma_start3A_49 = tpu.memref_slice %arg6[%dma_start3A_41, %dma_start3A_48] : memref<80x128xi32, #tpu.memory_space<vmem>> -> memref<1x128xi32, #tpu.memory_space<vmem>>
    %dma_start3A_50 = tpu.memref_squeeze %dma_start3A_49 : memref<1x128xi32, #tpu.memory_space<vmem>> -> memref<128xi32, #tpu.memory_space<vmem>>
    %dma_start3A_51 = arith.constant 0 : i32
    %dma_start3A_52 = arith.constant 0 : i32
    %dma_start3A_53 = tpu.memref_slice %arg2[%dma_start3A_51, %dma_start3A_52] : memref<10240x64xf32, #tpu.memory_space<hbm>> -> memref<10240x64xf32, #tpu.memory_space<hbm>>
    tpu.enqueue_indirect_dma source(%dma_start3A_53 : memref<10240x64xf32, #tpu.memory_space<hbm>>) target(%dma_start3A_47 : memref<128x64xf32, #tpu.memory_space<vmem>>) offsets(%dma_start3A_50 : memref<128xi32, #tpu.memory_space<vmem>>) semaphore(%arg10 : memref<!tpu.dma_semaphore, #tpu.memory_space<semaphore_mem>>)
    %scan3A = arith.constant 0 : i32
    %scan3A_54 = arith.constant 0 : i32
    %scan3A_55 = arith.constant 10 : i32
    %scan3A_56 = arith.addi %scan3A_54, %scan3A_55 : i32
    %scan3A_57 = arith.constant 1 : i32
    scf.for %scan3A_163 = %scan3A_54 to %scan3A_56 step %scan3A_57  : i32 {
      %mul3A_164 = arith.constant 2 : i32
      %mul3A_165 = arith.muli %mul3A_164, %scan3A_163 : i32
      %mul3A_166 = arith.constant 2 : i32
      %mul3A_167 = arith.muli %mul3A_166, %scan3A_163 : i32
      %add3A_168 = arith.constant 1 : i32
      %add3A_169 = arith.addi %mul3A_167, %add3A_168 : i32
      %mul3A_170 = arith.constant 4 : i32
      %mul3A_171 = arith.muli %mul3A_165, %mul3A_170 : i32
      %add3A_172 = arith.constant 0 : i32
      %add3A_173 = arith.addi %mul3A_171, %add3A_172 : i32
      %dma_wait3A_174 = arith.constant 0 : i32
      %dma_wait3A_175 = arith.constant 0 : i32
      %dma_wait3A_176 = arith.constant 0 : i32
      %dma_wait3A_177 = arith.constant 0 : i32
      %dma_wait3A_178 = tpu.memref_slice %arg8[%dma_wait3A_174, %dma_wait3A_175, %dma_wait3A_176, %dma_wait3A_177] : memref<2x4x128x64xf32, #tpu.memory_space<vmem>> -> memref<1x1x128x64xf32, #tpu.memory_space<vmem>>
      %dma_wait3A_179 = tpu.memref_squeeze %dma_wait3A_178 : memref<1x1x128x64xf32, #tpu.memory_space<vmem>> -> memref<128x64xf32, #tpu.memory_space<vmem>>
      %dma_wait3A_180 = arith.constant 0 : i32
      %dma_wait3A_181 = tpu.memref_slice %arg6[%add3A_173, %dma_wait3A_180] : memref<80x128xi32, #tpu.memory_space<vmem>> -> memref<1x128xi32, #tpu.memory_space<vmem>>
      %dma_wait3A_182 = tpu.memref_squeeze %dma_wait3A_181 : memref<1x128xi32, #tpu.memory_space<vmem>> -> memref<128xi32, #tpu.memory_space<vmem>>
      %dma_wait3A_183 = arith.constant 0 : i32
      %dma_wait3A_184 = arith.constant 0 : i32
      %dma_wait3A_185 = tpu.memref_slice %arg2[%dma_wait3A_183, %dma_wait3A_184] : memref<10240x64xf32, #tpu.memory_space<hbm>> -> memref<10240x64xf32, #tpu.memory_space<hbm>>
      tpu.wait_indirect_dma semaphore(%arg10 : memref<!tpu.dma_semaphore, #tpu.memory_space<semaphore_mem>>) src(%dma_wait3A_185 : memref<10240x64xf32, #tpu.memory_space<hbm>>) dst(%dma_wait3A_179 : memref<128x64xf32, #tpu.memory_space<vmem>>)
      %mul3A_186 = arith.constant 4 : i32
      %mul3A_187 = arith.muli %mul3A_165, %mul3A_186 : i32
      %add3A_188 = arith.constant 1 : i32
      %add3A_189 = arith.addi %mul3A_187, %add3A_188 : i32
      %dma_wait3A_190 = arith.constant 0 : i32
      %dma_wait3A_191 = arith.constant 1 : i32
      %dma_wait3A_192 = arith.constant 0 : i32
      %dma_wait3A_193 = arith.constant 0 : i32
      %dma_wait3A_194 = tpu.memref_slice %arg8[%dma_wait3A_190, %dma_wait3A_191, %dma_wait3A_192, %dma_wait3A_193] : memref<2x4x128x64xf32, #tpu.memory_space<vmem>> -> memref<1x1x128x64xf32, #tpu.memory_space<vmem>>
      %dma_wait3A_195 = tpu.memref_squeeze %dma_wait3A_194 : memref<1x1x128x64xf32, #tpu.memory_space<vmem>> -> memref<128x64xf32, #tpu.memory_space<vmem>>
      %dma_wait3A_196 = arith.constant 0 : i32
      %dma_wait3A_197 = tpu.memref_slice %arg6[%add3A_189, %dma_wait3A_196] : memref<80x128xi32, #tpu.memory_space<vmem>> -> memref<1x128xi32, #tpu.memory_space<vmem>>
      %dma_wait3A_198 = tpu.memref_squeeze %dma_wait3A_197 : memref<1x128xi32, #tpu.memory_space<vmem>> -> memref<128xi32, #tpu.memory_space<vmem>>
      %dma_wait3A_199 = arith.constant 0 : i32
      %dma_wait3A_200 = arith.constant 0 : i32
      %dma_wait3A_201 = tpu.memref_slice %arg2[%dma_wait3A_199, %dma_wait3A_200] : memref<10240x64xf32, #tpu.memory_space<hbm>> -> memref<10240x64xf32, #tpu.memory_space<hbm>>
      tpu.wait_indirect_dma semaphore(%arg10 : memref<!tpu.dma_semaphore, #tpu.memory_space<semaphore_mem>>) src(%dma_wait3A_201 : memref<10240x64xf32, #tpu.memory_space<hbm>>) dst(%dma_wait3A_195 : memref<128x64xf32, #tpu.memory_space<vmem>>)
      %mul3A_202 = arith.constant 4 : i32
      %mul3A_203 = arith.muli %mul3A_165, %mul3A_202 : i32
      %add3A_204 = arith.constant 2 : i32
      %add3A_205 = arith.addi %mul3A_203, %add3A_204 : i32
      %dma_wait3A_206 = arith.constant 0 : i32
      %dma_wait3A_207 = arith.constant 2 : i32
      %dma_wait3A_208 = arith.constant 0 : i32
      %dma_wait3A_209 = arith.constant 0 : i32
      %dma_wait3A_210 = tpu.memref_slice %arg8[%dma_wait3A_206, %dma_wait3A_207, %dma_wait3A_208, %dma_wait3A_209] : memref<2x4x128x64xf32, #tpu.memory_space<vmem>> -> memref<1x1x128x64xf32, #tpu.memory_space<vmem>>
      %dma_wait3A_211 = tpu.memref_squeeze %dma_wait3A_210 : memref<1x1x128x64xf32, #tpu.memory_space<vmem>> -> memref<128x64xf32, #tpu.memory_space<vmem>>
      %dma_wait3A_212 = arith.constant 0 : i32
      %dma_wait3A_213 = tpu.memref_slice %arg6[%add3A_205, %dma_wait3A_212] : memref<80x128xi32, #tpu.memory_space<vmem>> -> memref<1x128xi32, #tpu.memory_space<vmem>>
      %dma_wait3A_214 = tpu.memref_squeeze %dma_wait3A_213 : memref<1x128xi32, #tpu.memory_space<vmem>> -> memref<128xi32, #tpu.memory_space<vmem>>
      %dma_wait3A_215 = arith.constant 0 : i32
      %dma_wait3A_216 = arith.constant 0 : i32
      %dma_wait3A_217 = tpu.memref_slice %arg2[%dma_wait3A_215, %dma_wait3A_216] : memref<10240x64xf32, #tpu.memory_space<hbm>> -> memref<10240x64xf32, #tpu.memory_space<hbm>>
      tpu.wait_indirect_dma semaphore(%arg10 : memref<!tpu.dma_semaphore, #tpu.memory_space<semaphore_mem>>) src(%dma_wait3A_217 : memref<10240x64xf32, #tpu.memory_space<hbm>>) dst(%dma_wait3A_211 : memref<128x64xf32, #tpu.memory_space<vmem>>)
      %mul3A_218 = arith.constant 4 : i32
      %mul3A_219 = arith.muli %mul3A_165, %mul3A_218 : i32
      %add3A_220 = arith.constant 3 : i32
      %add3A_221 = arith.addi %mul3A_219, %add3A_220 : i32
      %dma_wait3A_222 = arith.constant 0 : i32
      %dma_wait3A_223 = arith.constant 3 : i32
      %dma_wait3A_224 = arith.constant 0 : i32
      %dma_wait3A_225 = arith.constant 0 : i32
      %dma_wait3A_226 = tpu.memref_slice %arg8[%dma_wait3A_222, %dma_wait3A_223, %dma_wait3A_224, %dma_wait3A_225] : memref<2x4x128x64xf32, #tpu.memory_space<vmem>> -> memref<1x1x128x64xf32, #tpu.memory_space<vmem>>
      %dma_wait3A_227 = tpu.memref_squeeze %dma_wait3A_226 : memref<1x1x128x64xf32, #tpu.memory_space<vmem>> -> memref<128x64xf32, #tpu.memory_space<vmem>>
      %dma_wait3A_228 = arith.constant 0 : i32
      %dma_wait3A_229 = tpu.memref_slice %arg6[%add3A_221, %dma_wait3A_228] : memref<80x128xi32, #tpu.memory_space<vmem>> -> memref<1x128xi32, #tpu.memory_space<vmem>>
      %dma_wait3A_230 = tpu.memref_squeeze %dma_wait3A_229 : memref<1x128xi32, #tpu.memory_space<vmem>> -> memref<128xi32, #tpu.memory_space<vmem>>
      %dma_wait3A_231 = arith.constant 0 : i32
      %dma_wait3A_232 = arith.constant 0 : i32
      %dma_wait3A_233 = tpu.memref_slice %arg2[%dma_wait3A_231, %dma_wait3A_232] : memref<10240x64xf32, #tpu.memory_space<hbm>> -> memref<10240x64xf32, #tpu.memory_space<hbm>>
      tpu.wait_indirect_dma semaphore(%arg10 : memref<!tpu.dma_semaphore, #tpu.memory_space<semaphore_mem>>) src(%dma_wait3A_233 : memref<10240x64xf32, #tpu.memory_space<hbm>>) dst(%dma_wait3A_227 : memref<128x64xf32, #tpu.memory_space<vmem>>)
      %mul3A_234 = arith.constant 4 : i32
      %mul3A_235 = arith.muli %mul3A_165, %mul3A_234 : i32
      %add3A_236 = arith.constant 0 : i32
      %add3A_237 = arith.addi %mul3A_235, %add3A_236 : i32
      %dma_start3A_238 = arith.constant 0 : i32
      %dma_start3A_239 = arith.constant 0 : i32
      %dma_start3A_240 = arith.constant 0 : i32
      %dma_start3A_241 = arith.constant 0 : i32
      %dma_start3A_242 = tpu.memref_slice %arg8[%dma_start3A_238, %dma_start3A_239, %dma_start3A_240, %dma_start3A_241] : memref<2x4x128x64xf32, #tpu.memory_space<vmem>> -> memref<1x1x128x64xf32, #tpu.memory_space<vmem>>
      %dma_start3A_243 = tpu.memref_squeeze %dma_start3A_242 : memref<1x1x128x64xf32, #tpu.memory_space<vmem>> -> memref<128x64xf32, #tpu.memory_space<vmem>>
      %dma_start3A_244 = arith.constant 0 : i32
      %dma_start3A_245 = tpu.memref_slice %arg7[%add3A_237, %dma_start3A_244] : memref<80x128xi32, #tpu.memory_space<vmem>> -> memref<1x128xi32, #tpu.memory_space<vmem>>
      %dma_start3A_246 = tpu.memref_squeeze %dma_start3A_245 : memref<1x128xi32, #tpu.memory_space<vmem>> -> memref<128xi32, #tpu.memory_space<vmem>>
      %dma_start3A_247 = arith.constant 0 : i32
      %dma_start3A_248 = arith.constant 0 : i32
      %dma_start3A_249 = tpu.memref_slice %arg9[%dma_start3A_247, %dma_start3A_248] : memref<10240x64xf32, #tpu.memory_space<vmem_shared>> -> memref<10240x64xf32, #tpu.memory_space<vmem_shared>>
      tpu.enqueue_indirect_dma source(%dma_start3A_243 : memref<128x64xf32, #tpu.memory_space<vmem>>) target(%dma_start3A_249 : memref<10240x64xf32, #tpu.memory_space<vmem_shared>>) offsets(%dma_start3A_246 : memref<128xi32, #tpu.memory_space<vmem>>) semaphore(%arg12 : memref<!tpu.dma_semaphore, #tpu.memory_space<semaphore_mem>>) {add = true}
      %mul3A_250 = arith.constant 4 : i32
      %mul3A_251 = arith.muli %mul3A_165, %mul3A_250 : i32
      %add3A_252 = arith.constant 1 : i32
      %add3A_253 = arith.addi %mul3A_251, %add3A_252 : i32
      %dma_start3A_254 = arith.constant 0 : i32
      %dma_start3A_255 = arith.constant 1 : i32
      %dma_start3A_256 = arith.constant 0 : i32
      %dma_start3A_257 = arith.constant 0 : i32
      %dma_start3A_258 = tpu.memref_slice %arg8[%dma_start3A_254, %dma_start3A_255, %dma_start3A_256, %dma_start3A_257] : memref<2x4x128x64xf32, #tpu.memory_space<vmem>> -> memref<1x1x128x64xf32, #tpu.memory_space<vmem>>
      %dma_start3A_259 = tpu.memref_squeeze %dma_start3A_258 : memref<1x1x128x64xf32, #tpu.memory_space<vmem>> -> memref<128x64xf32, #tpu.memory_space<vmem>>
      %dma_start3A_260 = arith.constant 0 : i32
      %dma_start3A_261 = tpu.memref_slice %arg7[%add3A_253, %dma_start3A_260] : memref<80x128xi32, #tpu.memory_space<vmem>> -> memref<1x128xi32, #tpu.memory_space<vmem>>
      %dma_start3A_262 = tpu.memref_squeeze %dma_start3A_261 : memref<1x128xi32, #tpu.memory_space<vmem>> -> memref<128xi32, #tpu.memory_space<vmem>>
      %dma_start3A_263 = arith.constant 0 : i32
      %dma_start3A_264 = arith.constant 0 : i32
      %dma_start3A_265 = tpu.memref_slice %arg9[%dma_start3A_263, %dma_start3A_264] : memref<10240x64xf32, #tpu.memory_space<vmem_shared>> -> memref<10240x64xf32, #tpu.memory_space<vmem_shared>>
      tpu.enqueue_indirect_dma source(%dma_start3A_259 : memref<128x64xf32, #tpu.memory_space<vmem>>) target(%dma_start3A_265 : memref<10240x64xf32, #tpu.memory_space<vmem_shared>>) offsets(%dma_start3A_262 : memref<128xi32, #tpu.memory_space<vmem>>) semaphore(%arg12 : memref<!tpu.dma_semaphore, #tpu.memory_space<semaphore_mem>>) {add = true}
      %mul3A_266 = arith.constant 4 : i32
      %mul3A_267 = arith.muli %mul3A_165, %mul3A_266 : i32
      %add3A_268 = arith.constant 2 : i32
      %add3A_269 = arith.addi %mul3A_267, %add3A_268 : i32
      %dma_start3A_270 = arith.constant 0 : i32
      %dma_start3A_271 = arith.constant 2 : i32
      %dma_start3A_272 = arith.constant 0 : i32
      %dma_start3A_273 = arith.constant 0 : i32
      %dma_start3A_274 = tpu.memref_slice %arg8[%dma_start3A_270, %dma_start3A_271, %dma_start3A_272, %dma_start3A_273] : memref<2x4x128x64xf32, #tpu.memory_space<vmem>> -> memref<1x1x128x64xf32, #tpu.memory_space<vmem>>
      %dma_start3A_275 = tpu.memref_squeeze %dma_start3A_274 : memref<1x1x128x64xf32, #tpu.memory_space<vmem>> -> memref<128x64xf32, #tpu.memory_space<vmem>>
      %dma_start3A_276 = arith.constant 0 : i32
      %dma_start3A_277 = tpu.memref_slice %arg7[%add3A_269, %dma_start3A_276] : memref<80x128xi32, #tpu.memory_space<vmem>> -> memref<1x128xi32, #tpu.memory_space<vmem>>
      %dma_start3A_278 = tpu.memref_squeeze %dma_start3A_277 : memref<1x128xi32, #tpu.memory_space<vmem>> -> memref<128xi32, #tpu.memory_space<vmem>>
      %dma_start3A_279 = arith.constant 0 : i32
      %dma_start3A_280 = arith.constant 0 : i32
      %dma_start3A_281 = tpu.memref_slice %arg9[%dma_start3A_279, %dma_start3A_280] : memref<10240x64xf32, #tpu.memory_space<vmem_shared>> -> memref<10240x64xf32, #tpu.memory_space<vmem_shared>>
      tpu.enqueue_indirect_dma source(%dma_start3A_275 : memref<128x64xf32, #tpu.memory_space<vmem>>) target(%dma_start3A_281 : memref<10240x64xf32, #tpu.memory_space<vmem_shared>>) offsets(%dma_start3A_278 : memref<128xi32, #tpu.memory_space<vmem>>) semaphore(%arg12 : memref<!tpu.dma_semaphore, #tpu.memory_space<semaphore_mem>>) {add = true}
      %mul3A_282 = arith.constant 4 : i32
      %mul3A_283 = arith.muli %mul3A_165, %mul3A_282 : i32
      %add3A_284 = arith.constant 3 : i32
      %add3A_285 = arith.addi %mul3A_283, %add3A_284 : i32
      %dma_start3A_286 = arith.constant 0 : i32
      %dma_start3A_287 = arith.constant 3 : i32
      %dma_start3A_288 = arith.constant 0 : i32
      %dma_start3A_289 = arith.constant 0 : i32
      %dma_start3A_290 = tpu.memref_slice %arg8[%dma_start3A_286, %dma_start3A_287, %dma_start3A_288, %dma_start3A_289] : memref<2x4x128x64xf32, #tpu.memory_space<vmem>> -> memref<1x1x128x64xf32, #tpu.memory_space<vmem>>
      %dma_start3A_291 = tpu.memref_squeeze %dma_start3A_290 : memref<1x1x128x64xf32, #tpu.memory_space<vmem>> -> memref<128x64xf32, #tpu.memory_space<vmem>>
      %dma_start3A_292 = arith.constant 0 : i32
      %dma_start3A_293 = tpu.memref_slice %arg7[%add3A_285, %dma_start3A_292] : memref<80x128xi32, #tpu.memory_space<vmem>> -> memref<1x128xi32, #tpu.memory_space<vmem>>
      %dma_start3A_294 = tpu.memref_squeeze %dma_start3A_293 : memref<1x128xi32, #tpu.memory_space<vmem>> -> memref<128xi32, #tpu.memory_space<vmem>>
      %dma_start3A_295 = arith.constant 0 : i32
      %dma_start3A_296 = arith.constant 0 : i32
      %dma_start3A_297 = tpu.memref_slice %arg9[%dma_start3A_295, %dma_start3A_296] : memref<10240x64xf32, #tpu.memory_space<vmem_shared>> -> memref<10240x64xf32, #tpu.memory_space<vmem_shared>>
      tpu.enqueue_indirect_dma source(%dma_start3A_291 : memref<128x64xf32, #tpu.memory_space<vmem>>) target(%dma_start3A_297 : memref<10240x64xf32, #tpu.memory_space<vmem_shared>>) offsets(%dma_start3A_294 : memref<128xi32, #tpu.memory_space<vmem>>) semaphore(%arg12 : memref<!tpu.dma_semaphore, #tpu.memory_space<semaphore_mem>>) {add = true}
      %gt3A = arith.constant 0 : i32
      %gt3A_298 = arith.cmpi sgt, %scan3A_163, %gt3A : i32
      %convert_element_type3A = arith.extui %gt3A_298 : i1 to i32
      %cond3A = arith.constant 0 : i32
      %cond3A_299 = arith.cmpi ne, %convert_element_type3A, %cond3A : i32
      scf.if %cond3A_299 {
        %sub3A = arith.constant 2 : i32
        %sub3A_496 = arith.subi %add3A_169, %sub3A : i32
        %mul3A_497 = arith.constant 4 : i32
        %mul3A_498 = arith.muli %sub3A_496, %mul3A_497 : i32
        %add3A_499 = arith.constant 0 : i32
        %add3A_500 = arith.addi %mul3A_498, %add3A_499 : i32
        %dma_wait3A_501 = arith.constant 1 : i32
        %dma_wait3A_502 = arith.constant 0 : i32
        %dma_wait3A_503 = arith.constant 0 : i32
        %dma_wait3A_504 = arith.constant 0 : i32
        %dma_wait3A_505 = tpu.memref_slice %arg8[%dma_wait3A_501, %dma_wait3A_502, %dma_wait3A_503, %dma_wait3A_504] : memref<2x4x128x64xf32, #tpu.memory_space<vmem>> -> memref<1x1x128x64xf32, #tpu.memory_space<vmem>>
        %dma_wait3A_506 = tpu.memref_squeeze %dma_wait3A_505 : memref<1x1x128x64xf32, #tpu.memory_space<vmem>> -> memref<128x64xf32, #tpu.memory_space<vmem>>
        %dma_wait3A_507 = arith.constant 0 : i32
        %dma_wait3A_508 = tpu.memref_slice %arg7[%add3A_500, %dma_wait3A_507] : memref<80x128xi32, #tpu.memory_space<vmem>> -> memref<1x128xi32, #tpu.memory_space<vmem>>
        %dma_wait3A_509 = tpu.memref_squeeze %dma_wait3A_508 : memref<1x128xi32, #tpu.memory_space<vmem>> -> memref<128xi32, #tpu.memory_space<vmem>>
        %dma_wait3A_510 = arith.constant 0 : i32
        %dma_wait3A_511 = arith.constant 0 : i32
        %dma_wait3A_512 = tpu.memref_slice %arg9[%dma_wait3A_510, %dma_wait3A_511] : memref<10240x64xf32, #tpu.memory_space<vmem_shared>> -> memref<10240x64xf32, #tpu.memory_space<vmem_shared>>
        tpu.wait_indirect_dma semaphore(%arg13 : memref<!tpu.dma_semaphore, #tpu.memory_space<semaphore_mem>>) src(%dma_wait3A_506 : memref<128x64xf32, #tpu.memory_space<vmem>>) dst(%dma_wait3A_512 : memref<10240x64xf32, #tpu.memory_space<vmem_shared>>)
        %mul3A_513 = arith.constant 4 : i32
        %mul3A_514 = arith.muli %sub3A_496, %mul3A_513 : i32
        %add3A_515 = arith.constant 1 : i32
        %add3A_516 = arith.addi %mul3A_514, %add3A_515 : i32
        %dma_wait3A_517 = arith.constant 1 : i32
        %dma_wait3A_518 = arith.constant 1 : i32
        %dma_wait3A_519 = arith.constant 0 : i32
        %dma_wait3A_520 = arith.constant 0 : i32
        %dma_wait3A_521 = tpu.memref_slice %arg8[%dma_wait3A_517, %dma_wait3A_518, %dma_wait3A_519, %dma_wait3A_520] : memref<2x4x128x64xf32, #tpu.memory_space<vmem>> -> memref<1x1x128x64xf32, #tpu.memory_space<vmem>>
        %dma_wait3A_522 = tpu.memref_squeeze %dma_wait3A_521 : memref<1x1x128x64xf32, #tpu.memory_space<vmem>> -> memref<128x64xf32, #tpu.memory_space<vmem>>
        %dma_wait3A_523 = arith.constant 0 : i32
        %dma_wait3A_524 = tpu.memref_slice %arg7[%add3A_516, %dma_wait3A_523] : memref<80x128xi32, #tpu.memory_space<vmem>> -> memref<1x128xi32, #tpu.memory_space<vmem>>
        %dma_wait3A_525 = tpu.memref_squeeze %dma_wait3A_524 : memref<1x128xi32, #tpu.memory_space<vmem>> -> memref<128xi32, #tpu.memory_space<vmem>>
        %dma_wait3A_526 = arith.constant 0 : i32
        %dma_wait3A_527 = arith.constant 0 : i32
        %dma_wait3A_528 = tpu.memref_slice %arg9[%dma_wait3A_526, %dma_wait3A_527] : memref<10240x64xf32, #tpu.memory_space<vmem_shared>> -> memref<10240x64xf32, #tpu.memory_space<vmem_shared>>
        tpu.wait_indirect_dma semaphore(%arg13 : memref<!tpu.dma_semaphore, #tpu.memory_space<semaphore_mem>>) src(%dma_wait3A_522 : memref<128x64xf32, #tpu.memory_space<vmem>>) dst(%dma_wait3A_528 : memref<10240x64xf32, #tpu.memory_space<vmem_shared>>)
        %mul3A_529 = arith.constant 4 : i32
        %mul3A_530 = arith.muli %sub3A_496, %mul3A_529 : i32
        %add3A_531 = arith.constant 2 : i32
        %add3A_532 = arith.addi %mul3A_530, %add3A_531 : i32
        %dma_wait3A_533 = arith.constant 1 : i32
        %dma_wait3A_534 = arith.constant 2 : i32
        %dma_wait3A_535 = arith.constant 0 : i32
        %dma_wait3A_536 = arith.constant 0 : i32
        %dma_wait3A_537 = tpu.memref_slice %arg8[%dma_wait3A_533, %dma_wait3A_534, %dma_wait3A_535, %dma_wait3A_536] : memref<2x4x128x64xf32, #tpu.memory_space<vmem>> -> memref<1x1x128x64xf32, #tpu.memory_space<vmem>>
        %dma_wait3A_538 = tpu.memref_squeeze %dma_wait3A_537 : memref<1x1x128x64xf32, #tpu.memory_space<vmem>> -> memref<128x64xf32, #tpu.memory_space<vmem>>
        %dma_wait3A_539 = arith.constant 0 : i32
        %dma_wait3A_540 = tpu.memref_slice %arg7[%add3A_532, %dma_wait3A_539] : memref<80x128xi32, #tpu.memory_space<vmem>> -> memref<1x128xi32, #tpu.memory_space<vmem>>
        %dma_wait3A_541 = tpu.memref_squeeze %dma_wait3A_540 : memref<1x128xi32, #tpu.memory_space<vmem>> -> memref<128xi32, #tpu.memory_space<vmem>>
        %dma_wait3A_542 = arith.constant 0 : i32
        %dma_wait3A_543 = arith.constant 0 : i32
        %dma_wait3A_544 = tpu.memref_slice %arg9[%dma_wait3A_542, %dma_wait3A_543] : memref<10240x64xf32, #tpu.memory_space<vmem_shared>> -> memref<10240x64xf32, #tpu.memory_space<vmem_shared>>
        tpu.wait_indirect_dma semaphore(%arg13 : memref<!tpu.dma_semaphore, #tpu.memory_space<semaphore_mem>>) src(%dma_wait3A_538 : memref<128x64xf32, #tpu.memory_space<vmem>>) dst(%dma_wait3A_544 : memref<10240x64xf32, #tpu.memory_space<vmem_shared>>)
        %mul3A_545 = arith.constant 4 : i32
        %mul3A_546 = arith.muli %sub3A_496, %mul3A_545 : i32
        %add3A_547 = arith.constant 3 : i32
        %add3A_548 = arith.addi %mul3A_546, %add3A_547 : i32
        %dma_wait3A_549 = arith.constant 1 : i32
        %dma_wait3A_550 = arith.constant 3 : i32
        %dma_wait3A_551 = arith.constant 0 : i32
        %dma_wait3A_552 = arith.constant 0 : i32
        %dma_wait3A_553 = tpu.memref_slice %arg8[%dma_wait3A_549, %dma_wait3A_550, %dma_wait3A_551, %dma_wait3A_552] : memref<2x4x128x64xf32, #tpu.memory_space<vmem>> -> memref<1x1x128x64xf32, #tpu.memory_space<vmem>>
        %dma_wait3A_554 = tpu.memref_squeeze %dma_wait3A_553 : memref<1x1x128x64xf32, #tpu.memory_space<vmem>> -> memref<128x64xf32, #tpu.memory_space<vmem>>
        %dma_wait3A_555 = arith.constant 0 : i32
        %dma_wait3A_556 = tpu.memref_slice %arg7[%add3A_548, %dma_wait3A_555] : memref<80x128xi32, #tpu.memory_space<vmem>> -> memref<1x128xi32, #tpu.memory_space<vmem>>
        %dma_wait3A_557 = tpu.memref_squeeze %dma_wait3A_556 : memref<1x128xi32, #tpu.memory_space<vmem>> -> memref<128xi32, #tpu.memory_space<vmem>>
        %dma_wait3A_558 = arith.constant 0 : i32
        %dma_wait3A_559 = arith.constant 0 : i32
        %dma_wait3A_560 = tpu.memref_slice %arg9[%dma_wait3A_558, %dma_wait3A_559] : memref<10240x64xf32, #tpu.memory_space<vmem_shared>> -> memref<10240x64xf32, #tpu.memory_space<vmem_shared>>
        tpu.wait_indirect_dma semaphore(%arg13 : memref<!tpu.dma_semaphore, #tpu.memory_space<semaphore_mem>>) src(%dma_wait3A_554 : memref<128x64xf32, #tpu.memory_space<vmem>>) dst(%dma_wait3A_560 : memref<10240x64xf32, #tpu.memory_space<vmem_shared>>)
      } else {
      }
      %mul3A_300 = arith.constant 4 : i32
      %mul3A_301 = arith.muli %add3A_169, %mul3A_300 : i32
      %add3A_302 = arith.constant 0 : i32
      %add3A_303 = arith.addi %mul3A_301, %add3A_302 : i32
      %dma_start3A_304 = arith.constant 1 : i32
      %dma_start3A_305 = arith.constant 0 : i32
      %dma_start3A_306 = arith.constant 0 : i32
      %dma_start3A_307 = arith.constant 0 : i32
      %dma_start3A_308 = tpu.memref_slice %arg8[%dma_start3A_304, %dma_start3A_305, %dma_start3A_306, %dma_start3A_307] : memref<2x4x128x64xf32, #tpu.memory_space<vmem>> -> memref<1x1x128x64xf32, #tpu.memory_space<vmem>>
      %dma_start3A_309 = tpu.memref_squeeze %dma_start3A_308 : memref<1x1x128x64xf32, #tpu.memory_space<vmem>> -> memref<128x64xf32, #tpu.memory_space<vmem>>
      %dma_start3A_310 = arith.constant 0 : i32
      %dma_start3A_311 = tpu.memref_slice %arg6[%add3A_303, %dma_start3A_310] : memref<80x128xi32, #tpu.memory_space<vmem>> -> memref<1x128xi32, #tpu.memory_space<vmem>>
      %dma_start3A_312 = tpu.memref_squeeze %dma_start3A_311 : memref<1x128xi32, #tpu.memory_space<vmem>> -> memref<128xi32, #tpu.memory_space<vmem>>
      %dma_start3A_313 = arith.constant 0 : i32
      %dma_start3A_314 = arith.constant 0 : i32
      %dma_start3A_315 = tpu.memref_slice %arg2[%dma_start3A_313, %dma_start3A_314] : memref<10240x64xf32, #tpu.memory_space<hbm>> -> memref<10240x64xf32, #tpu.memory_space<hbm>>
      tpu.enqueue_indirect_dma source(%dma_start3A_315 : memref<10240x64xf32, #tpu.memory_space<hbm>>) target(%dma_start3A_309 : memref<128x64xf32, #tpu.memory_space<vmem>>) offsets(%dma_start3A_312 : memref<128xi32, #tpu.memory_space<vmem>>) semaphore(%arg11 : memref<!tpu.dma_semaphore, #tpu.memory_space<semaphore_mem>>)
      %mul3A_316 = arith.constant 4 : i32
      %mul3A_317 = arith.muli %add3A_169, %mul3A_316 : i32
      %add3A_318 = arith.constant 1 : i32
      %add3A_319 = arith.addi %mul3A_317, %add3A_318 : i32
      %dma_start3A_320 = arith.constant 1 : i32
      %dma_start3A_321 = arith.constant 1 : i32
      %dma_start3A_322 = arith.constant 0 : i32
      %dma_start3A_323 = arith.constant 0 : i32
      %dma_start3A_324 = tpu.memref_slice %arg8[%dma_start3A_320, %dma_start3A_321, %dma_start3A_322, %dma_start3A_323] : memref<2x4x128x64xf32, #tpu.memory_space<vmem>> -> memref<1x1x128x64xf32, #tpu.memory_space<vmem>>
      %dma_start3A_325 = tpu.memref_squeeze %dma_start3A_324 : memref<1x1x128x64xf32, #tpu.memory_space<vmem>> -> memref<128x64xf32, #tpu.memory_space<vmem>>
      %dma_start3A_326 = arith.constant 0 : i32
      %dma_start3A_327 = tpu.memref_slice %arg6[%add3A_319, %dma_start3A_326] : memref<80x128xi32, #tpu.memory_space<vmem>> -> memref<1x128xi32, #tpu.memory_space<vmem>>
      %dma_start3A_328 = tpu.memref_squeeze %dma_start3A_327 : memref<1x128xi32, #tpu.memory_space<vmem>> -> memref<128xi32, #tpu.memory_space<vmem>>
      %dma_start3A_329 = arith.constant 0 : i32
      %dma_start3A_330 = arith.constant 0 : i32
      %dma_start3A_331 = tpu.memref_slice %arg2[%dma_start3A_329, %dma_start3A_330] : memref<10240x64xf32, #tpu.memory_space<hbm>> -> memref<10240x64xf32, #tpu.memory_space<hbm>>
      tpu.enqueue_indirect_dma source(%dma_start3A_331 : memref<10240x64xf32, #tpu.memory_space<hbm>>) target(%dma_start3A_325 : memref<128x64xf32, #tpu.memory_space<vmem>>) offsets(%dma_start3A_328 : memref<128xi32, #tpu.memory_space<vmem>>) semaphore(%arg11 : memref<!tpu.dma_semaphore, #tpu.memory_space<semaphore_mem>>)
      %mul3A_332 = arith.constant 4 : i32
      %mul3A_333 = arith.muli %add3A_169, %mul3A_332 : i32
      %add3A_334 = arith.constant 2 : i32
      %add3A_335 = arith.addi %mul3A_333, %add3A_334 : i32
      %dma_start3A_336 = arith.constant 1 : i32
      %dma_start3A_337 = arith.constant 2 : i32
      %dma_start3A_338 = arith.constant 0 : i32
      %dma_start3A_339 = arith.constant 0 : i32
      %dma_start3A_340 = tpu.memref_slice %arg8[%dma_start3A_336, %dma_start3A_337, %dma_start3A_338, %dma_start3A_339] : memref<2x4x128x64xf32, #tpu.memory_space<vmem>> -> memref<1x1x128x64xf32, #tpu.memory_space<vmem>>
      %dma_start3A_341 = tpu.memref_squeeze %dma_start3A_340 : memref<1x1x128x64xf32, #tpu.memory_space<vmem>> -> memref<128x64xf32, #tpu.memory_space<vmem>>
      %dma_start3A_342 = arith.constant 0 : i32
      %dma_start3A_343 = tpu.memref_slice %arg6[%add3A_335, %dma_start3A_342] : memref<80x128xi32, #tpu.memory_space<vmem>> -> memref<1x128xi32, #tpu.memory_space<vmem>>
      %dma_start3A_344 = tpu.memref_squeeze %dma_start3A_343 : memref<1x128xi32, #tpu.memory_space<vmem>> -> memref<128xi32, #tpu.memory_space<vmem>>
      %dma_start3A_345 = arith.constant 0 : i32
      %dma_start3A_346 = arith.constant 0 : i32
      %dma_start3A_347 = tpu.memref_slice %arg2[%dma_start3A_345, %dma_start3A_346] : memref<10240x64xf32, #tpu.memory_space<hbm>> -> memref<10240x64xf32, #tpu.memory_space<hbm>>
      tpu.enqueue_indirect_dma source(%dma_start3A_347 : memref<10240x64xf32, #tpu.memory_space<hbm>>) target(%dma_start3A_341 : memref<128x64xf32, #tpu.memory_space<vmem>>) offsets(%dma_start3A_344 : memref<128xi32, #tpu.memory_space<vmem>>) semaphore(%arg11 : memref<!tpu.dma_semaphore, #tpu.memory_space<semaphore_mem>>)
      %mul3A_348 = arith.constant 4 : i32
      %mul3A_349 = arith.muli %add3A_169, %mul3A_348 : i32
      %add3A_350 = arith.constant 3 : i32
      %add3A_351 = arith.addi %mul3A_349, %add3A_350 : i32
      %dma_start3A_352 = arith.constant 1 : i32
      %dma_start3A_353 = arith.constant 3 : i32
      %dma_start3A_354 = arith.constant 0 : i32
      %dma_start3A_355 = arith.constant 0 : i32
      %dma_start3A_356 = tpu.memref_slice %arg8[%dma_start3A_352, %dma_start3A_353, %dma_start3A_354, %dma_start3A_355] : memref<2x4x128x64xf32, #tpu.memory_space<vmem>> -> memref<1x1x128x64xf32, #tpu.memory_space<vmem>>
      %dma_start3A_357 = tpu.memref_squeeze %dma_start3A_356 : memref<1x1x128x64xf32, #tpu.memory_space<vmem>> -> memref<128x64xf32, #tpu.memory_space<vmem>>
      %dma_start3A_358 = arith.constant 0 : i32
      %dma_start3A_359 = tpu.memref_slice %arg6[%add3A_351, %dma_start3A_358] : memref<80x128xi32, #tpu.memory_space<vmem>> -> memref<1x128xi32, #tpu.memory_space<vmem>>
      %dma_start3A_360 = tpu.memref_squeeze %dma_start3A_359 : memref<1x128xi32, #tpu.memory_space<vmem>> -> memref<128xi32, #tpu.memory_space<vmem>>
      %dma_start3A_361 = arith.constant 0 : i32
      %dma_start3A_362 = arith.constant 0 : i32
      %dma_start3A_363 = tpu.memref_slice %arg2[%dma_start3A_361, %dma_start3A_362] : memref<10240x64xf32, #tpu.memory_space<hbm>> -> memref<10240x64xf32, #tpu.memory_space<hbm>>
      tpu.enqueue_indirect_dma source(%dma_start3A_363 : memref<10240x64xf32, #tpu.memory_space<hbm>>) target(%dma_start3A_357 : memref<128x64xf32, #tpu.memory_space<vmem>>) offsets(%dma_start3A_360 : memref<128xi32, #tpu.memory_space<vmem>>) semaphore(%arg11 : memref<!tpu.dma_semaphore, #tpu.memory_space<semaphore_mem>>)
      %mul3A_364 = arith.constant 4 : i32
      %mul3A_365 = arith.muli %add3A_169, %mul3A_364 : i32
      %add3A_366 = arith.constant 0 : i32
      %add3A_367 = arith.addi %mul3A_365, %add3A_366 : i32
      %dma_wait3A_368 = arith.constant 1 : i32
      %dma_wait3A_369 = arith.constant 0 : i32
      %dma_wait3A_370 = arith.constant 0 : i32
      %dma_wait3A_371 = arith.constant 0 : i32
      %dma_wait3A_372 = tpu.memref_slice %arg8[%dma_wait3A_368, %dma_wait3A_369, %dma_wait3A_370, %dma_wait3A_371] : memref<2x4x128x64xf32, #tpu.memory_space<vmem>> -> memref<1x1x128x64xf32, #tpu.memory_space<vmem>>
      %dma_wait3A_373 = tpu.memref_squeeze %dma_wait3A_372 : memref<1x1x128x64xf32, #tpu.memory_space<vmem>> -> memref<128x64xf32, #tpu.memory_space<vmem>>
      %dma_wait3A_374 = arith.constant 0 : i32
      %dma_wait3A_375 = tpu.memref_slice %arg6[%add3A_367, %dma_wait3A_374] : memref<80x128xi32, #tpu.memory_space<vmem>> -> memref<1x128xi32, #tpu.memory_space<vmem>>
      %dma_wait3A_376 = tpu.memref_squeeze %dma_wait3A_375 : memref<1x128xi32, #tpu.memory_space<vmem>> -> memref<128xi32, #tpu.memory_space<vmem>>
      %dma_wait3A_377 = arith.constant 0 : i32
      %dma_wait3A_378 = arith.constant 0 : i32
      %dma_wait3A_379 = tpu.memref_slice %arg2[%dma_wait3A_377, %dma_wait3A_378] : memref<10240x64xf32, #tpu.memory_space<hbm>> -> memref<10240x64xf32, #tpu.memory_space<hbm>>
      tpu.wait_indirect_dma semaphore(%arg11 : memref<!tpu.dma_semaphore, #tpu.memory_space<semaphore_mem>>) src(%dma_wait3A_379 : memref<10240x64xf32, #tpu.memory_space<hbm>>) dst(%dma_wait3A_373 : memref<128x64xf32, #tpu.memory_space<vmem>>)
      %mul3A_380 = arith.constant 4 : i32
      %mul3A_381 = arith.muli %add3A_169, %mul3A_380 : i32
      %add3A_382 = arith.constant 1 : i32
      %add3A_383 = arith.addi %mul3A_381, %add3A_382 : i32
      %dma_wait3A_384 = arith.constant 1 : i32
      %dma_wait3A_385 = arith.constant 1 : i32
      %dma_wait3A_386 = arith.constant 0 : i32
      %dma_wait3A_387 = arith.constant 0 : i32
      %dma_wait3A_388 = tpu.memref_slice %arg8[%dma_wait3A_384, %dma_wait3A_385, %dma_wait3A_386, %dma_wait3A_387] : memref<2x4x128x64xf32, #tpu.memory_space<vmem>> -> memref<1x1x128x64xf32, #tpu.memory_space<vmem>>
      %dma_wait3A_389 = tpu.memref_squeeze %dma_wait3A_388 : memref<1x1x128x64xf32, #tpu.memory_space<vmem>> -> memref<128x64xf32, #tpu.memory_space<vmem>>
      %dma_wait3A_390 = arith.constant 0 : i32
      %dma_wait3A_391 = tpu.memref_slice %arg6[%add3A_383, %dma_wait3A_390] : memref<80x128xi32, #tpu.memory_space<vmem>> -> memref<1x128xi32, #tpu.memory_space<vmem>>
      %dma_wait3A_392 = tpu.memref_squeeze %dma_wait3A_391 : memref<1x128xi32, #tpu.memory_space<vmem>> -> memref<128xi32, #tpu.memory_space<vmem>>
      %dma_wait3A_393 = arith.constant 0 : i32
      %dma_wait3A_394 = arith.constant 0 : i32
      %dma_wait3A_395 = tpu.memref_slice %arg2[%dma_wait3A_393, %dma_wait3A_394] : memref<10240x64xf32, #tpu.memory_space<hbm>> -> memref<10240x64xf32, #tpu.memory_space<hbm>>
      tpu.wait_indirect_dma semaphore(%arg11 : memref<!tpu.dma_semaphore, #tpu.memory_space<semaphore_mem>>) src(%dma_wait3A_395 : memref<10240x64xf32, #tpu.memory_space<hbm>>) dst(%dma_wait3A_389 : memref<128x64xf32, #tpu.memory_space<vmem>>)
      %mul3A_396 = arith.constant 4 : i32
      %mul3A_397 = arith.muli %add3A_169, %mul3A_396 : i32
      %add3A_398 = arith.constant 2 : i32
      %add3A_399 = arith.addi %mul3A_397, %add3A_398 : i32
      %dma_wait3A_400 = arith.constant 1 : i32
      %dma_wait3A_401 = arith.constant 2 : i32
      %dma_wait3A_402 = arith.constant 0 : i32
      %dma_wait3A_403 = arith.constant 0 : i32
      %dma_wait3A_404 = tpu.memref_slice %arg8[%dma_wait3A_400, %dma_wait3A_401, %dma_wait3A_402, %dma_wait3A_403] : memref<2x4x128x64xf32, #tpu.memory_space<vmem>> -> memref<1x1x128x64xf32, #tpu.memory_space<vmem>>
      %dma_wait3A_405 = tpu.memref_squeeze %dma_wait3A_404 : memref<1x1x128x64xf32, #tpu.memory_space<vmem>> -> memref<128x64xf32, #tpu.memory_space<vmem>>
      %dma_wait3A_406 = arith.constant 0 : i32
      %dma_wait3A_407 = tpu.memref_slice %arg6[%add3A_399, %dma_wait3A_406] : memref<80x128xi32, #tpu.memory_space<vmem>> -> memref<1x128xi32, #tpu.memory_space<vmem>>
      %dma_wait3A_408 = tpu.memref_squeeze %dma_wait3A_407 : memref<1x128xi32, #tpu.memory_space<vmem>> -> memref<128xi32, #tpu.memory_space<vmem>>
      %dma_wait3A_409 = arith.constant 0 : i32
      %dma_wait3A_410 = arith.constant 0 : i32
      %dma_wait3A_411 = tpu.memref_slice %arg2[%dma_wait3A_409, %dma_wait3A_410] : memref<10240x64xf32, #tpu.memory_space<hbm>> -> memref<10240x64xf32, #tpu.memory_space<hbm>>
      tpu.wait_indirect_dma semaphore(%arg11 : memref<!tpu.dma_semaphore, #tpu.memory_space<semaphore_mem>>) src(%dma_wait3A_411 : memref<10240x64xf32, #tpu.memory_space<hbm>>) dst(%dma_wait3A_405 : memref<128x64xf32, #tpu.memory_space<vmem>>)
      %mul3A_412 = arith.constant 4 : i32
      %mul3A_413 = arith.muli %add3A_169, %mul3A_412 : i32
      %add3A_414 = arith.constant 3 : i32
      %add3A_415 = arith.addi %mul3A_413, %add3A_414 : i32
      %dma_wait3A_416 = arith.constant 1 : i32
      %dma_wait3A_417 = arith.constant 3 : i32
      %dma_wait3A_418 = arith.constant 0 : i32
      %dma_wait3A_419 = arith.constant 0 : i32
      %dma_wait3A_420 = tpu.memref_slice %arg8[%dma_wait3A_416, %dma_wait3A_417, %dma_wait3A_418, %dma_wait3A_419] : memref<2x4x128x64xf32, #tpu.memory_space<vmem>> -> memref<1x1x128x64xf32, #tpu.memory_space<vmem>>
      %dma_wait3A_421 = tpu.memref_squeeze %dma_wait3A_420 : memref<1x1x128x64xf32, #tpu.memory_space<vmem>> -> memref<128x64xf32, #tpu.memory_space<vmem>>
      %dma_wait3A_422 = arith.constant 0 : i32
      %dma_wait3A_423 = tpu.memref_slice %arg6[%add3A_415, %dma_wait3A_422] : memref<80x128xi32, #tpu.memory_space<vmem>> -> memref<1x128xi32, #tpu.memory_space<vmem>>
      %dma_wait3A_424 = tpu.memref_squeeze %dma_wait3A_423 : memref<1x128xi32, #tpu.memory_space<vmem>> -> memref<128xi32, #tpu.memory_space<vmem>>
      %dma_wait3A_425 = arith.constant 0 : i32
      %dma_wait3A_426 = arith.constant 0 : i32
      %dma_wait3A_427 = tpu.memref_slice %arg2[%dma_wait3A_425, %dma_wait3A_426] : memref<10240x64xf32, #tpu.memory_space<hbm>> -> memref<10240x64xf32, #tpu.memory_space<hbm>>
      tpu.wait_indirect_dma semaphore(%arg11 : memref<!tpu.dma_semaphore, #tpu.memory_space<semaphore_mem>>) src(%dma_wait3A_427 : memref<10240x64xf32, #tpu.memory_space<hbm>>) dst(%dma_wait3A_421 : memref<128x64xf32, #tpu.memory_space<vmem>>)
      %mul3A_428 = arith.constant 4 : i32
      %mul3A_429 = arith.muli %add3A_169, %mul3A_428 : i32
      %add3A_430 = arith.constant 0 : i32
      %add3A_431 = arith.addi %mul3A_429, %add3A_430 : i32
      %dma_start3A_432 = arith.constant 1 : i32
      %dma_start3A_433 = arith.constant 0 : i32
      %dma_start3A_434 = arith.constant 0 : i32
      %dma_start3A_435 = arith.constant 0 : i32
      %dma_start3A_436 = tpu.memref_slice %arg8[%dma_start3A_432, %dma_start3A_433, %dma_start3A_434, %dma_start3A_435] : memref<2x4x128x64xf32, #tpu.memory_space<vmem>> -> memref<1x1x128x64xf32, #tpu.memory_space<vmem>>
      %dma_start3A_437 = tpu.memref_squeeze %dma_start3A_436 : memref<1x1x128x64xf32, #tpu.memory_space<vmem>> -> memref<128x64xf32, #tpu.memory_space<vmem>>
      %dma_start3A_438 = arith.constant 0 : i32
      %dma_start3A_439 = tpu.memref_slice %arg7[%add3A_431, %dma_start3A_438] : memref<80x128xi32, #tpu.memory_space<vmem>> -> memref<1x128xi32, #tpu.memory_space<vmem>>
      %dma_start3A_440 = tpu.memref_squeeze %dma_start3A_439 : memref<1x128xi32, #tpu.memory_space<vmem>> -> memref<128xi32, #tpu.memory_space<vmem>>
      %dma_start3A_441 = arith.constant 0 : i32
      %dma_start3A_442 = arith.constant 0 : i32
      %dma_start3A_443 = tpu.memref_slice %arg9[%dma_start3A_441, %dma_start3A_442] : memref<10240x64xf32, #tpu.memory_space<vmem_shared>> -> memref<10240x64xf32, #tpu.memory_space<vmem_shared>>
      tpu.enqueue_indirect_dma source(%dma_start3A_437 : memref<128x64xf32, #tpu.memory_space<vmem>>) target(%dma_start3A_443 : memref<10240x64xf32, #tpu.memory_space<vmem_shared>>) offsets(%dma_start3A_440 : memref<128xi32, #tpu.memory_space<vmem>>) semaphore(%arg13 : memref<!tpu.dma_semaphore, #tpu.memory_space<semaphore_mem>>) {add = true}
      %mul3A_444 = arith.constant 4 : i32
      %mul3A_445 = arith.muli %add3A_169, %mul3A_444 : i32
      %add3A_446 = arith.constant 1 : i32
      %add3A_447 = arith.addi %mul3A_445, %add3A_446 : i32
      %dma_start3A_448 = arith.constant 1 : i32
      %dma_start3A_449 = arith.constant 1 : i32
      %dma_start3A_450 = arith.constant 0 : i32
      %dma_start3A_451 = arith.constant 0 : i32
      %dma_start3A_452 = tpu.memref_slice %arg8[%dma_start3A_448, %dma_start3A_449, %dma_start3A_450, %dma_start3A_451] : memref<2x4x128x64xf32, #tpu.memory_space<vmem>> -> memref<1x1x128x64xf32, #tpu.memory_space<vmem>>
      %dma_start3A_453 = tpu.memref_squeeze %dma_start3A_452 : memref<1x1x128x64xf32, #tpu.memory_space<vmem>> -> memref<128x64xf32, #tpu.memory_space<vmem>>
      %dma_start3A_454 = arith.constant 0 : i32
      %dma_start3A_455 = tpu.memref_slice %arg7[%add3A_447, %dma_start3A_454] : memref<80x128xi32, #tpu.memory_space<vmem>> -> memref<1x128xi32, #tpu.memory_space<vmem>>
      %dma_start3A_456 = tpu.memref_squeeze %dma_start3A_455 : memref<1x128xi32, #tpu.memory_space<vmem>> -> memref<128xi32, #tpu.memory_space<vmem>>
      %dma_start3A_457 = arith.constant 0 : i32
      %dma_start3A_458 = arith.constant 0 : i32
      %dma_start3A_459 = tpu.memref_slice %arg9[%dma_start3A_457, %dma_start3A_458] : memref<10240x64xf32, #tpu.memory_space<vmem_shared>> -> memref<10240x64xf32, #tpu.memory_space<vmem_shared>>
      tpu.enqueue_indirect_dma source(%dma_start3A_453 : memref<128x64xf32, #tpu.memory_space<vmem>>) target(%dma_start3A_459 : memref<10240x64xf32, #tpu.memory_space<vmem_shared>>) offsets(%dma_start3A_456 : memref<128xi32, #tpu.memory_space<vmem>>) semaphore(%arg13 : memref<!tpu.dma_semaphore, #tpu.memory_space<semaphore_mem>>) {add = true}
      %mul3A_460 = arith.constant 4 : i32
      %mul3A_461 = arith.muli %add3A_169, %mul3A_460 : i32
      %add3A_462 = arith.constant 2 : i32
      %add3A_463 = arith.addi %mul3A_461, %add3A_462 : i32
      %dma_start3A_464 = arith.constant 1 : i32
      %dma_start3A_465 = arith.constant 2 : i32
      %dma_start3A_466 = arith.constant 0 : i32
      %dma_start3A_467 = arith.constant 0 : i32
      %dma_start3A_468 = tpu.memref_slice %arg8[%dma_start3A_464, %dma_start3A_465, %dma_start3A_466, %dma_start3A_467] : memref<2x4x128x64xf32, #tpu.memory_space<vmem>> -> memref<1x1x128x64xf32, #tpu.memory_space<vmem>>
      %dma_start3A_469 = tpu.memref_squeeze %dma_start3A_468 : memref<1x1x128x64xf32, #tpu.memory_space<vmem>> -> memref<128x64xf32, #tpu.memory_space<vmem>>
      %dma_start3A_470 = arith.constant 0 : i32
      %dma_start3A_471 = tpu.memref_slice %arg7[%add3A_463, %dma_start3A_470] : memref<80x128xi32, #tpu.memory_space<vmem>> -> memref<1x128xi32, #tpu.memory_space<vmem>>
      %dma_start3A_472 = tpu.memref_squeeze %dma_start3A_471 : memref<1x128xi32, #tpu.memory_space<vmem>> -> memref<128xi32, #tpu.memory_space<vmem>>
      %dma_start3A_473 = arith.constant 0 : i32
      %dma_start3A_474 = arith.constant 0 : i32
      %dma_start3A_475 = tpu.memref_slice %arg9[%dma_start3A_473, %dma_start3A_474] : memref<10240x64xf32, #tpu.memory_space<vmem_shared>> -> memref<10240x64xf32, #tpu.memory_space<vmem_shared>>
      tpu.enqueue_indirect_dma source(%dma_start3A_469 : memref<128x64xf32, #tpu.memory_space<vmem>>) target(%dma_start3A_475 : memref<10240x64xf32, #tpu.memory_space<vmem_shared>>) offsets(%dma_start3A_472 : memref<128xi32, #tpu.memory_space<vmem>>) semaphore(%arg13 : memref<!tpu.dma_semaphore, #tpu.memory_space<semaphore_mem>>) {add = true}
      %mul3A_476 = arith.constant 4 : i32
      %mul3A_477 = arith.muli %add3A_169, %mul3A_476 : i32
      %add3A_478 = arith.constant 3 : i32
      %add3A_479 = arith.addi %mul3A_477, %add3A_478 : i32
      %dma_start3A_480 = arith.constant 1 : i32
      %dma_start3A_481 = arith.constant 3 : i32
      %dma_start3A_482 = arith.constant 0 : i32
      %dma_start3A_483 = arith.constant 0 : i32
      %dma_start3A_484 = tpu.memref_slice %arg8[%dma_start3A_480, %dma_start3A_481, %dma_start3A_482, %dma_start3A_483] : memref<2x4x128x64xf32, #tpu.memory_space<vmem>> -> memref<1x1x128x64xf32, #tpu.memory_space<vmem>>
      %dma_start3A_485 = tpu.memref_squeeze %dma_start3A_484 : memref<1x1x128x64xf32, #tpu.memory_space<vmem>> -> memref<128x64xf32, #tpu.memory_space<vmem>>
      %dma_start3A_486 = arith.constant 0 : i32
      %dma_start3A_487 = tpu.memref_slice %arg7[%add3A_479, %dma_start3A_486] : memref<80x128xi32, #tpu.memory_space<vmem>> -> memref<1x128xi32, #tpu.memory_space<vmem>>
      %dma_start3A_488 = tpu.memref_squeeze %dma_start3A_487 : memref<1x128xi32, #tpu.memory_space<vmem>> -> memref<128xi32, #tpu.memory_space<vmem>>
      %dma_start3A_489 = arith.constant 0 : i32
      %dma_start3A_490 = arith.constant 0 : i32
      %dma_start3A_491 = tpu.memref_slice %arg9[%dma_start3A_489, %dma_start3A_490] : memref<10240x64xf32, #tpu.memory_space<vmem_shared>> -> memref<10240x64xf32, #tpu.memory_space<vmem_shared>>
      tpu.enqueue_indirect_dma source(%dma_start3A_485 : memref<128x64xf32, #tpu.memory_space<vmem>>) target(%dma_start3A_491 : memref<10240x64xf32, #tpu.memory_space<vmem_shared>>) offsets(%dma_start3A_488 : memref<128xi32, #tpu.memory_space<vmem>>) semaphore(%arg13 : memref<!tpu.dma_semaphore, #tpu.memory_space<semaphore_mem>>) {add = true}
      %lt3A = arith.constant 9 : i32
      %lt3A_492 = arith.cmpi slt, %scan3A_163, %lt3A : i32
      %convert_element_type3A_493 = arith.extui %lt3A_492 : i1 to i32
      %cond3A_494 = arith.constant 0 : i32
      %cond3A_495 = arith.cmpi ne, %convert_element_type3A_493, %cond3A_494 : i32
      scf.if %cond3A_495 {
        %mul3A_496 = arith.constant 4 : i32
        %mul3A_497 = arith.muli %mul3A_165, %mul3A_496 : i32
        %add3A_498 = arith.constant 0 : i32
        %add3A_499 = arith.addi %mul3A_497, %add3A_498 : i32
        %dma_wait3A_500 = arith.constant 0 : i32
        %dma_wait3A_501 = arith.constant 0 : i32
        %dma_wait3A_502 = arith.constant 0 : i32
        %dma_wait3A_503 = arith.constant 0 : i32
        %dma_wait3A_504 = tpu.memref_slice %arg8[%dma_wait3A_500, %dma_wait3A_501, %dma_wait3A_502, %dma_wait3A_503] : memref<2x4x128x64xf32, #tpu.memory_space<vmem>> -> memref<1x1x128x64xf32, #tpu.memory_space<vmem>>
        %dma_wait3A_505 = tpu.memref_squeeze %dma_wait3A_504 : memref<1x1x128x64xf32, #tpu.memory_space<vmem>> -> memref<128x64xf32, #tpu.memory_space<vmem>>
        %dma_wait3A_506 = arith.constant 0 : i32
        %dma_wait3A_507 = tpu.memref_slice %arg7[%add3A_499, %dma_wait3A_506] : memref<80x128xi32, #tpu.memory_space<vmem>> -> memref<1x128xi32, #tpu.memory_space<vmem>>
        %dma_wait3A_508 = tpu.memref_squeeze %dma_wait3A_507 : memref<1x128xi32, #tpu.memory_space<vmem>> -> memref<128xi32, #tpu.memory_space<vmem>>
        %dma_wait3A_509 = arith.constant 0 : i32
        %dma_wait3A_510 = arith.constant 0 : i32
        %dma_wait3A_511 = tpu.memref_slice %arg9[%dma_wait3A_509, %dma_wait3A_510] : memref<10240x64xf32, #tpu.memory_space<vmem_shared>> -> memref<10240x64xf32, #tpu.memory_space<vmem_shared>>
        tpu.wait_indirect_dma semaphore(%arg12 : memref<!tpu.dma_semaphore, #tpu.memory_space<semaphore_mem>>) src(%dma_wait3A_505 : memref<128x64xf32, #tpu.memory_space<vmem>>) dst(%dma_wait3A_511 : memref<10240x64xf32, #tpu.memory_space<vmem_shared>>)
        %mul3A_512 = arith.constant 4 : i32
        %mul3A_513 = arith.muli %mul3A_165, %mul3A_512 : i32
        %add3A_514 = arith.constant 1 : i32
        %add3A_515 = arith.addi %mul3A_513, %add3A_514 : i32
        %dma_wait3A_516 = arith.constant 0 : i32
        %dma_wait3A_517 = arith.constant 1 : i32
        %dma_wait3A_518 = arith.constant 0 : i32
        %dma_wait3A_519 = arith.constant 0 : i32
        %dma_wait3A_520 = tpu.memref_slice %arg8[%dma_wait3A_516, %dma_wait3A_517, %dma_wait3A_518, %dma_wait3A_519] : memref<2x4x128x64xf32, #tpu.memory_space<vmem>> -> memref<1x1x128x64xf32, #tpu.memory_space<vmem>>
        %dma_wait3A_521 = tpu.memref_squeeze %dma_wait3A_520 : memref<1x1x128x64xf32, #tpu.memory_space<vmem>> -> memref<128x64xf32, #tpu.memory_space<vmem>>
        %dma_wait3A_522 = arith.constant 0 : i32
        %dma_wait3A_523 = tpu.memref_slice %arg7[%add3A_515, %dma_wait3A_522] : memref<80x128xi32, #tpu.memory_space<vmem>> -> memref<1x128xi32, #tpu.memory_space<vmem>>
        %dma_wait3A_524 = tpu.memref_squeeze %dma_wait3A_523 : memref<1x128xi32, #tpu.memory_space<vmem>> -> memref<128xi32, #tpu.memory_space<vmem>>
        %dma_wait3A_525 = arith.constant 0 : i32
        %dma_wait3A_526 = arith.constant 0 : i32
        %dma_wait3A_527 = tpu.memref_slice %arg9[%dma_wait3A_525, %dma_wait3A_526] : memref<10240x64xf32, #tpu.memory_space<vmem_shared>> -> memref<10240x64xf32, #tpu.memory_space<vmem_shared>>
        tpu.wait_indirect_dma semaphore(%arg12 : memref<!tpu.dma_semaphore, #tpu.memory_space<semaphore_mem>>) src(%dma_wait3A_521 : memref<128x64xf32, #tpu.memory_space<vmem>>) dst(%dma_wait3A_527 : memref<10240x64xf32, #tpu.memory_space<vmem_shared>>)
        %mul3A_528 = arith.constant 4 : i32
        %mul3A_529 = arith.muli %mul3A_165, %mul3A_528 : i32
        %add3A_530 = arith.constant 2 : i32
        %add3A_531 = arith.addi %mul3A_529, %add3A_530 : i32
        %dma_wait3A_532 = arith.constant 0 : i32
        %dma_wait3A_533 = arith.constant 2 : i32
        %dma_wait3A_534 = arith.constant 0 : i32
        %dma_wait3A_535 = arith.constant 0 : i32
        %dma_wait3A_536 = tpu.memref_slice %arg8[%dma_wait3A_532, %dma_wait3A_533, %dma_wait3A_534, %dma_wait3A_535] : memref<2x4x128x64xf32, #tpu.memory_space<vmem>> -> memref<1x1x128x64xf32, #tpu.memory_space<vmem>>
        %dma_wait3A_537 = tpu.memref_squeeze %dma_wait3A_536 : memref<1x1x128x64xf32, #tpu.memory_space<vmem>> -> memref<128x64xf32, #tpu.memory_space<vmem>>
        %dma_wait3A_538 = arith.constant 0 : i32
        %dma_wait3A_539 = tpu.memref_slice %arg7[%add3A_531, %dma_wait3A_538] : memref<80x128xi32, #tpu.memory_space<vmem>> -> memref<1x128xi32, #tpu.memory_space<vmem>>
        %dma_wait3A_540 = tpu.memref_squeeze %dma_wait3A_539 : memref<1x128xi32, #tpu.memory_space<vmem>> -> memref<128xi32, #tpu.memory_space<vmem>>
        %dma_wait3A_541 = arith.constant 0 : i32
        %dma_wait3A_542 = arith.constant 0 : i32
        %dma_wait3A_543 = tpu.memref_slice %arg9[%dma_wait3A_541, %dma_wait3A_542] : memref<10240x64xf32, #tpu.memory_space<vmem_shared>> -> memref<10240x64xf32, #tpu.memory_space<vmem_shared>>
        tpu.wait_indirect_dma semaphore(%arg12 : memref<!tpu.dma_semaphore, #tpu.memory_space<semaphore_mem>>) src(%dma_wait3A_537 : memref<128x64xf32, #tpu.memory_space<vmem>>) dst(%dma_wait3A_543 : memref<10240x64xf32, #tpu.memory_space<vmem_shared>>)
        %mul3A_544 = arith.constant 4 : i32
        %mul3A_545 = arith.muli %mul3A_165, %mul3A_544 : i32
        %add3A_546 = arith.constant 3 : i32
        %add3A_547 = arith.addi %mul3A_545, %add3A_546 : i32
        %dma_wait3A_548 = arith.constant 0 : i32
        %dma_wait3A_549 = arith.constant 3 : i32
        %dma_wait3A_550 = arith.constant 0 : i32
        %dma_wait3A_551 = arith.constant 0 : i32
        %dma_wait3A_552 = tpu.memref_slice %arg8[%dma_wait3A_548, %dma_wait3A_549, %dma_wait3A_550, %dma_wait3A_551] : memref<2x4x128x64xf32, #tpu.memory_space<vmem>> -> memref<1x1x128x64xf32, #tpu.memory_space<vmem>>
        %dma_wait3A_553 = tpu.memref_squeeze %dma_wait3A_552 : memref<1x1x128x64xf32, #tpu.memory_space<vmem>> -> memref<128x64xf32, #tpu.memory_space<vmem>>
        %dma_wait3A_554 = arith.constant 0 : i32
        %dma_wait3A_555 = tpu.memref_slice %arg7[%add3A_547, %dma_wait3A_554] : memref<80x128xi32, #tpu.memory_space<vmem>> -> memref<1x128xi32, #tpu.memory_space<vmem>>
        %dma_wait3A_556 = tpu.memref_squeeze %dma_wait3A_555 : memref<1x128xi32, #tpu.memory_space<vmem>> -> memref<128xi32, #tpu.memory_space<vmem>>
        %dma_wait3A_557 = arith.constant 0 : i32
        %dma_wait3A_558 = arith.constant 0 : i32
        %dma_wait3A_559 = tpu.memref_slice %arg9[%dma_wait3A_557, %dma_wait3A_558] : memref<10240x64xf32, #tpu.memory_space<vmem_shared>> -> memref<10240x64xf32, #tpu.memory_space<vmem_shared>>
        tpu.wait_indirect_dma semaphore(%arg12 : memref<!tpu.dma_semaphore, #tpu.memory_space<semaphore_mem>>) src(%dma_wait3A_553 : memref<128x64xf32, #tpu.memory_space<vmem>>) dst(%dma_wait3A_559 : memref<10240x64xf32, #tpu.memory_space<vmem_shared>>)
        %add3A_560 = arith.constant 2 : i32
        %add3A_561 = arith.addi %mul3A_165, %add3A_560 : i32
        %mul3A_562 = arith.constant 4 : i32
        %mul3A_563 = arith.muli %add3A_561, %mul3A_562 : i32
        %add3A_564 = arith.constant 0 : i32
        %add3A_565 = arith.addi %mul3A_563, %add3A_564 : i32
        %dma_start3A_566 = arith.constant 0 : i32
        %dma_start3A_567 = arith.constant 0 : i32
        %dma_start3A_568 = arith.constant 0 : i32
        %dma_start3A_569 = arith.constant 0 : i32
        %dma_start3A_570 = tpu.memref_slice %arg8[%dma_start3A_566, %dma_start3A_567, %dma_start3A_568, %dma_start3A_569] : memref<2x4x128x64xf32, #tpu.memory_space<vmem>> -> memref<1x1x128x64xf32, #tpu.memory_space<vmem>>
        %dma_start3A_571 = tpu.memref_squeeze %dma_start3A_570 : memref<1x1x128x64xf32, #tpu.memory_space<vmem>> -> memref<128x64xf32, #tpu.memory_space<vmem>>
        %dma_start3A_572 = arith.constant 0 : i32
        %dma_start3A_573 = tpu.memref_slice %arg6[%add3A_565, %dma_start3A_572] : memref<80x128xi32, #tpu.memory_space<vmem>> -> memref<1x128xi32, #tpu.memory_space<vmem>>
        %dma_start3A_574 = tpu.memref_squeeze %dma_start3A_573 : memref<1x128xi32, #tpu.memory_space<vmem>> -> memref<128xi32, #tpu.memory_space<vmem>>
        %dma_start3A_575 = arith.constant 0 : i32
        %dma_start3A_576 = arith.constant 0 : i32
        %dma_start3A_577 = tpu.memref_slice %arg2[%dma_start3A_575, %dma_start3A_576] : memref<10240x64xf32, #tpu.memory_space<hbm>> -> memref<10240x64xf32, #tpu.memory_space<hbm>>
        tpu.enqueue_indirect_dma source(%dma_start3A_577 : memref<10240x64xf32, #tpu.memory_space<hbm>>) target(%dma_start3A_571 : memref<128x64xf32, #tpu.memory_space<vmem>>) offsets(%dma_start3A_574 : memref<128xi32, #tpu.memory_space<vmem>>) semaphore(%arg10 : memref<!tpu.dma_semaphore, #tpu.memory_space<semaphore_mem>>)
        %mul3A_578 = arith.constant 4 : i32
        %mul3A_579 = arith.muli %add3A_561, %mul3A_578 : i32
        %add3A_580 = arith.constant 1 : i32
        %add3A_581 = arith.addi %mul3A_579, %add3A_580 : i32
        %dma_start3A_582 = arith.constant 0 : i32
        %dma_start3A_583 = arith.constant 1 : i32
        %dma_start3A_584 = arith.constant 0 : i32
        %dma_start3A_585 = arith.constant 0 : i32
        %dma_start3A_586 = tpu.memref_slice %arg8[%dma_start3A_582, %dma_start3A_583, %dma_start3A_584, %dma_start3A_585] : memref<2x4x128x64xf32, #tpu.memory_space<vmem>> -> memref<1x1x128x64xf32, #tpu.memory_space<vmem>>
        %dma_start3A_587 = tpu.memref_squeeze %dma_start3A_586 : memref<1x1x128x64xf32, #tpu.memory_space<vmem>> -> memref<128x64xf32, #tpu.memory_space<vmem>>
        %dma_start3A_588 = arith.constant 0 : i32
        %dma_start3A_589 = tpu.memref_slice %arg6[%add3A_581, %dma_start3A_588] : memref<80x128xi32, #tpu.memory_space<vmem>> -> memref<1x128xi32, #tpu.memory_space<vmem>>
        %dma_start3A_590 = tpu.memref_squeeze %dma_start3A_589 : memref<1x128xi32, #tpu.memory_space<vmem>> -> memref<128xi32, #tpu.memory_space<vmem>>
        %dma_start3A_591 = arith.constant 0 : i32
        %dma_start3A_592 = arith.constant 0 : i32
        %dma_start3A_593 = tpu.memref_slice %arg2[%dma_start3A_591, %dma_start3A_592] : memref<10240x64xf32, #tpu.memory_space<hbm>> -> memref<10240x64xf32, #tpu.memory_space<hbm>>
        tpu.enqueue_indirect_dma source(%dma_start3A_593 : memref<10240x64xf32, #tpu.memory_space<hbm>>) target(%dma_start3A_587 : memref<128x64xf32, #tpu.memory_space<vmem>>) offsets(%dma_start3A_590 : memref<128xi32, #tpu.memory_space<vmem>>) semaphore(%arg10 : memref<!tpu.dma_semaphore, #tpu.memory_space<semaphore_mem>>)
        %mul3A_594 = arith.constant 4 : i32
        %mul3A_595 = arith.muli %add3A_561, %mul3A_594 : i32
        %add3A_596 = arith.constant 2 : i32
        %add3A_597 = arith.addi %mul3A_595, %add3A_596 : i32
        %dma_start3A_598 = arith.constant 0 : i32
        %dma_start3A_599 = arith.constant 2 : i32
        %dma_start3A_600 = arith.constant 0 : i32
        %dma_start3A_601 = arith.constant 0 : i32
        %dma_start3A_602 = tpu.memref_slice %arg8[%dma_start3A_598, %dma_start3A_599, %dma_start3A_600, %dma_start3A_601] : memref<2x4x128x64xf32, #tpu.memory_space<vmem>> -> memref<1x1x128x64xf32, #tpu.memory_space<vmem>>
        %dma_start3A_603 = tpu.memref_squeeze %dma_start3A_602 : memref<1x1x128x64xf32, #tpu.memory_space<vmem>> -> memref<128x64xf32, #tpu.memory_space<vmem>>
        %dma_start3A_604 = arith.constant 0 : i32
        %dma_start3A_605 = tpu.memref_slice %arg6[%add3A_597, %dma_start3A_604] : memref<80x128xi32, #tpu.memory_space<vmem>> -> memref<1x128xi32, #tpu.memory_space<vmem>>
        %dma_start3A_606 = tpu.memref_squeeze %dma_start3A_605 : memref<1x128xi32, #tpu.memory_space<vmem>> -> memref<128xi32, #tpu.memory_space<vmem>>
        %dma_start3A_607 = arith.constant 0 : i32
        %dma_start3A_608 = arith.constant 0 : i32
        %dma_start3A_609 = tpu.memref_slice %arg2[%dma_start3A_607, %dma_start3A_608] : memref<10240x64xf32, #tpu.memory_space<hbm>> -> memref<10240x64xf32, #tpu.memory_space<hbm>>
        tpu.enqueue_indirect_dma source(%dma_start3A_609 : memref<10240x64xf32, #tpu.memory_space<hbm>>) target(%dma_start3A_603 : memref<128x64xf32, #tpu.memory_space<vmem>>) offsets(%dma_start3A_606 : memref<128xi32, #tpu.memory_space<vmem>>) semaphore(%arg10 : memref<!tpu.dma_semaphore, #tpu.memory_space<semaphore_mem>>)
        %mul3A_610 = arith.constant 4 : i32
        %mul3A_611 = arith.muli %add3A_561, %mul3A_610 : i32
        %add3A_612 = arith.constant 3 : i32
        %add3A_613 = arith.addi %mul3A_611, %add3A_612 : i32
        %dma_start3A_614 = arith.constant 0 : i32
        %dma_start3A_615 = arith.constant 3 : i32
        %dma_start3A_616 = arith.constant 0 : i32
        %dma_start3A_617 = arith.constant 0 : i32
        %dma_start3A_618 = tpu.memref_slice %arg8[%dma_start3A_614, %dma_start3A_615, %dma_start3A_616, %dma_start3A_617] : memref<2x4x128x64xf32, #tpu.memory_space<vmem>> -> memref<1x1x128x64xf32, #tpu.memory_space<vmem>>
        %dma_start3A_619 = tpu.memref_squeeze %dma_start3A_618 : memref<1x1x128x64xf32, #tpu.memory_space<vmem>> -> memref<128x64xf32, #tpu.memory_space<vmem>>
        %dma_start3A_620 = arith.constant 0 : i32
        %dma_start3A_621 = tpu.memref_slice %arg6[%add3A_613, %dma_start3A_620] : memref<80x128xi32, #tpu.memory_space<vmem>> -> memref<1x128xi32, #tpu.memory_space<vmem>>
        %dma_start3A_622 = tpu.memref_squeeze %dma_start3A_621 : memref<1x128xi32, #tpu.memory_space<vmem>> -> memref<128xi32, #tpu.memory_space<vmem>>
        %dma_start3A_623 = arith.constant 0 : i32
        %dma_start3A_624 = arith.constant 0 : i32
        %dma_start3A_625 = tpu.memref_slice %arg2[%dma_start3A_623, %dma_start3A_624] : memref<10240x64xf32, #tpu.memory_space<hbm>> -> memref<10240x64xf32, #tpu.memory_space<hbm>>
        tpu.enqueue_indirect_dma source(%dma_start3A_625 : memref<10240x64xf32, #tpu.memory_space<hbm>>) target(%dma_start3A_619 : memref<128x64xf32, #tpu.memory_space<vmem>>) offsets(%dma_start3A_622 : memref<128xi32, #tpu.memory_space<vmem>>) semaphore(%arg10 : memref<!tpu.dma_semaphore, #tpu.memory_space<semaphore_mem>>)
      } else {
      }
    }
    %scan3A_58 = arith.constant 10 : i32
    %dma_wait3A = arith.constant 0 : i32
    %dma_wait3A_59 = arith.constant 0 : i32
    %dma_wait3A_60 = arith.constant 72 : i32
    %dma_wait3A_61 = arith.constant 0 : i32
    %dma_wait3A_62 = arith.constant 0 : i32
    %dma_wait3A_63 = tpu.memref_slice %arg8[%dma_wait3A, %dma_wait3A_59, %dma_wait3A_61, %dma_wait3A_62] : memref<2x4x128x64xf32, #tpu.memory_space<vmem>> -> memref<1x1x128x64xf32, #tpu.memory_space<vmem>>
    %dma_wait3A_64 = tpu.memref_squeeze %dma_wait3A_63 : memref<1x1x128x64xf32, #tpu.memory_space<vmem>> -> memref<128x64xf32, #tpu.memory_space<vmem>>
    %dma_wait3A_65 = arith.constant 0 : i32
    %dma_wait3A_66 = tpu.memref_slice %arg7[%dma_wait3A_60, %dma_wait3A_65] : memref<80x128xi32, #tpu.memory_space<vmem>> -> memref<1x128xi32, #tpu.memory_space<vmem>>
    %dma_wait3A_67 = tpu.memref_squeeze %dma_wait3A_66 : memref<1x128xi32, #tpu.memory_space<vmem>> -> memref<128xi32, #tpu.memory_space<vmem>>
    %dma_wait3A_68 = arith.constant 0 : i32
    %dma_wait3A_69 = arith.constant 0 : i32
    %dma_wait3A_70 = tpu.memref_slice %arg9[%dma_wait3A_68, %dma_wait3A_69] : memref<10240x64xf32, #tpu.memory_space<vmem_shared>> -> memref<10240x64xf32, #tpu.memory_space<vmem_shared>>
    tpu.wait_indirect_dma semaphore(%arg12 : memref<!tpu.dma_semaphore, #tpu.memory_space<semaphore_mem>>) src(%dma_wait3A_64 : memref<128x64xf32, #tpu.memory_space<vmem>>) dst(%dma_wait3A_70 : memref<10240x64xf32, #tpu.memory_space<vmem_shared>>)
    %dma_wait3A_71 = arith.constant 0 : i32
    %dma_wait3A_72 = arith.constant 1 : i32
    %dma_wait3A_73 = arith.constant 73 : i32
    %dma_wait3A_74 = arith.constant 0 : i32
    %dma_wait3A_75 = arith.constant 0 : i32
    %dma_wait3A_76 = tpu.memref_slice %arg8[%dma_wait3A_71, %dma_wait3A_72, %dma_wait3A_74, %dma_wait3A_75] : memref<2x4x128x64xf32, #tpu.memory_space<vmem>> -> memref<1x1x128x64xf32, #tpu.memory_space<vmem>>
    %dma_wait3A_77 = tpu.memref_squeeze %dma_wait3A_76 : memref<1x1x128x64xf32, #tpu.memory_space<vmem>> -> memref<128x64xf32, #tpu.memory_space<vmem>>
    %dma_wait3A_78 = arith.constant 0 : i32
    %dma_wait3A_79 = tpu.memref_slice %arg7[%dma_wait3A_73, %dma_wait3A_78] : memref<80x128xi32, #tpu.memory_space<vmem>> -> memref<1x128xi32, #tpu.memory_space<vmem>>
    %dma_wait3A_80 = tpu.memref_squeeze %dma_wait3A_79 : memref<1x128xi32, #tpu.memory_space<vmem>> -> memref<128xi32, #tpu.memory_space<vmem>>
    %dma_wait3A_81 = arith.constant 0 : i32
    %dma_wait3A_82 = arith.constant 0 : i32
    %dma_wait3A_83 = tpu.memref_slice %arg9[%dma_wait3A_81, %dma_wait3A_82] : memref<10240x64xf32, #tpu.memory_space<vmem_shared>> -> memref<10240x64xf32, #tpu.memory_space<vmem_shared>>
    tpu.wait_indirect_dma semaphore(%arg12 : memref<!tpu.dma_semaphore, #tpu.memory_space<semaphore_mem>>) src(%dma_wait3A_77 : memref<128x64xf32, #tpu.memory_space<vmem>>) dst(%dma_wait3A_83 : memref<10240x64xf32, #tpu.memory_space<vmem_shared>>)
    %dma_wait3A_84 = arith.constant 0 : i32
    %dma_wait3A_85 = arith.constant 2 : i32
    %dma_wait3A_86 = arith.constant 74 : i32
    %dma_wait3A_87 = arith.constant 0 : i32
    %dma_wait3A_88 = arith.constant 0 : i32
    %dma_wait3A_89 = tpu.memref_slice %arg8[%dma_wait3A_84, %dma_wait3A_85, %dma_wait3A_87, %dma_wait3A_88] : memref<2x4x128x64xf32, #tpu.memory_space<vmem>> -> memref<1x1x128x64xf32, #tpu.memory_space<vmem>>
    %dma_wait3A_90 = tpu.memref_squeeze %dma_wait3A_89 : memref<1x1x128x64xf32, #tpu.memory_space<vmem>> -> memref<128x64xf32, #tpu.memory_space<vmem>>
    %dma_wait3A_91 = arith.constant 0 : i32
    %dma_wait3A_92 = tpu.memref_slice %arg7[%dma_wait3A_86, %dma_wait3A_91] : memref<80x128xi32, #tpu.memory_space<vmem>> -> memref<1x128xi32, #tpu.memory_space<vmem>>
    %dma_wait3A_93 = tpu.memref_squeeze %dma_wait3A_92 : memref<1x128xi32, #tpu.memory_space<vmem>> -> memref<128xi32, #tpu.memory_space<vmem>>
    %dma_wait3A_94 = arith.constant 0 : i32
    %dma_wait3A_95 = arith.constant 0 : i32
    %dma_wait3A_96 = tpu.memref_slice %arg9[%dma_wait3A_94, %dma_wait3A_95] : memref<10240x64xf32, #tpu.memory_space<vmem_shared>> -> memref<10240x64xf32, #tpu.memory_space<vmem_shared>>
    tpu.wait_indirect_dma semaphore(%arg12 : memref<!tpu.dma_semaphore, #tpu.memory_space<semaphore_mem>>) src(%dma_wait3A_90 : memref<128x64xf32, #tpu.memory_space<vmem>>) dst(%dma_wait3A_96 : memref<10240x64xf32, #tpu.memory_space<vmem_shared>>)
    %dma_wait3A_97 = arith.constant 0 : i32
    %dma_wait3A_98 = arith.constant 3 : i32
    %dma_wait3A_99 = arith.constant 75 : i32
    %dma_wait3A_100 = arith.constant 0 : i32
    %dma_wait3A_101 = arith.constant 0 : i32
    %dma_wait3A_102 = tpu.memref_slice %arg8[%dma_wait3A_97, %dma_wait3A_98, %dma_wait3A_100, %dma_wait3A_101] : memref<2x4x128x64xf32, #tpu.memory_space<vmem>> -> memref<1x1x128x64xf32, #tpu.memory_space<vmem>>
    %dma_wait3A_103 = tpu.memref_squeeze %dma_wait3A_102 : memref<1x1x128x64xf32, #tpu.memory_space<vmem>> -> memref<128x64xf32, #tpu.memory_space<vmem>>
    %dma_wait3A_104 = arith.constant 0 : i32
    %dma_wait3A_105 = tpu.memref_slice %arg7[%dma_wait3A_99, %dma_wait3A_104] : memref<80x128xi32, #tpu.memory_space<vmem>> -> memref<1x128xi32, #tpu.memory_space<vmem>>
    %dma_wait3A_106 = tpu.memref_squeeze %dma_wait3A_105 : memref<1x128xi32, #tpu.memory_space<vmem>> -> memref<128xi32, #tpu.memory_space<vmem>>
    %dma_wait3A_107 = arith.constant 0 : i32
    %dma_wait3A_108 = arith.constant 0 : i32
    %dma_wait3A_109 = tpu.memref_slice %arg9[%dma_wait3A_107, %dma_wait3A_108] : memref<10240x64xf32, #tpu.memory_space<vmem_shared>> -> memref<10240x64xf32, #tpu.memory_space<vmem_shared>>
    tpu.wait_indirect_dma semaphore(%arg12 : memref<!tpu.dma_semaphore, #tpu.memory_space<semaphore_mem>>) src(%dma_wait3A_103 : memref<128x64xf32, #tpu.memory_space<vmem>>) dst(%dma_wait3A_109 : memref<10240x64xf32, #tpu.memory_space<vmem_shared>>)
    %dma_wait3A_110 = arith.constant 1 : i32
    %dma_wait3A_111 = arith.constant 0 : i32
    %dma_wait3A_112 = arith.constant 76 : i32
    %dma_wait3A_113 = arith.constant 0 : i32
    %dma_wait3A_114 = arith.constant 0 : i32
    %dma_wait3A_115 = tpu.memref_slice %arg8[%dma_wait3A_110, %dma_wait3A_111, %dma_wait3A_113, %dma_wait3A_114] : memref<2x4x128x64xf32, #tpu.memory_space<vmem>> -> memref<1x1x128x64xf32, #tpu.memory_space<vmem>>
    %dma_wait3A_116 = tpu.memref_squeeze %dma_wait3A_115 : memref<1x1x128x64xf32, #tpu.memory_space<vmem>> -> memref<128x64xf32, #tpu.memory_space<vmem>>
    %dma_wait3A_117 = arith.constant 0 : i32
    %dma_wait3A_118 = tpu.memref_slice %arg7[%dma_wait3A_112, %dma_wait3A_117] : memref<80x128xi32, #tpu.memory_space<vmem>> -> memref<1x128xi32, #tpu.memory_space<vmem>>
    %dma_wait3A_119 = tpu.memref_squeeze %dma_wait3A_118 : memref<1x128xi32, #tpu.memory_space<vmem>> -> memref<128xi32, #tpu.memory_space<vmem>>
    %dma_wait3A_120 = arith.constant 0 : i32
    %dma_wait3A_121 = arith.constant 0 : i32
    %dma_wait3A_122 = tpu.memref_slice %arg9[%dma_wait3A_120, %dma_wait3A_121] : memref<10240x64xf32, #tpu.memory_space<vmem_shared>> -> memref<10240x64xf32, #tpu.memory_space<vmem_shared>>
    tpu.wait_indirect_dma semaphore(%arg13 : memref<!tpu.dma_semaphore, #tpu.memory_space<semaphore_mem>>) src(%dma_wait3A_116 : memref<128x64xf32, #tpu.memory_space<vmem>>) dst(%dma_wait3A_122 : memref<10240x64xf32, #tpu.memory_space<vmem_shared>>)
    %dma_wait3A_123 = arith.constant 1 : i32
    %dma_wait3A_124 = arith.constant 1 : i32
    %dma_wait3A_125 = arith.constant 77 : i32
    %dma_wait3A_126 = arith.constant 0 : i32
    %dma_wait3A_127 = arith.constant 0 : i32
    %dma_wait3A_128 = tpu.memref_slice %arg8[%dma_wait3A_123, %dma_wait3A_124, %dma_wait3A_126, %dma_wait3A_127] : memref<2x4x128x64xf32, #tpu.memory_space<vmem>> -> memref<1x1x128x64xf32, #tpu.memory_space<vmem>>
    %dma_wait3A_129 = tpu.memref_squeeze %dma_wait3A_128 : memref<1x1x128x64xf32, #tpu.memory_space<vmem>> -> memref<128x64xf32, #tpu.memory_space<vmem>>
    %dma_wait3A_130 = arith.constant 0 : i32
    %dma_wait3A_131 = tpu.memref_slice %arg7[%dma_wait3A_125, %dma_wait3A_130] : memref<80x128xi32, #tpu.memory_space<vmem>> -> memref<1x128xi32, #tpu.memory_space<vmem>>
    %dma_wait3A_132 = tpu.memref_squeeze %dma_wait3A_131 : memref<1x128xi32, #tpu.memory_space<vmem>> -> memref<128xi32, #tpu.memory_space<vmem>>
    %dma_wait3A_133 = arith.constant 0 : i32
    %dma_wait3A_134 = arith.constant 0 : i32
    %dma_wait3A_135 = tpu.memref_slice %arg9[%dma_wait3A_133, %dma_wait3A_134] : memref<10240x64xf32, #tpu.memory_space<vmem_shared>> -> memref<10240x64xf32, #tpu.memory_space<vmem_shared>>
    tpu.wait_indirect_dma semaphore(%arg13 : memref<!tpu.dma_semaphore, #tpu.memory_space<semaphore_mem>>) src(%dma_wait3A_129 : memref<128x64xf32, #tpu.memory_space<vmem>>) dst(%dma_wait3A_135 : memref<10240x64xf32, #tpu.memory_space<vmem_shared>>)
    %dma_wait3A_136 = arith.constant 1 : i32
    %dma_wait3A_137 = arith.constant 2 : i32
    %dma_wait3A_138 = arith.constant 78 : i32
    %dma_wait3A_139 = arith.constant 0 : i32
    %dma_wait3A_140 = arith.constant 0 : i32
    %dma_wait3A_141 = tpu.memref_slice %arg8[%dma_wait3A_136, %dma_wait3A_137, %dma_wait3A_139, %dma_wait3A_140] : memref<2x4x128x64xf32, #tpu.memory_space<vmem>> -> memref<1x1x128x64xf32, #tpu.memory_space<vmem>>
    %dma_wait3A_142 = tpu.memref_squeeze %dma_wait3A_141 : memref<1x1x128x64xf32, #tpu.memory_space<vmem>> -> memref<128x64xf32, #tpu.memory_space<vmem>>
    %dma_wait3A_143 = arith.constant 0 : i32
    %dma_wait3A_144 = tpu.memref_slice %arg7[%dma_wait3A_138, %dma_wait3A_143] : memref<80x128xi32, #tpu.memory_space<vmem>> -> memref<1x128xi32, #tpu.memory_space<vmem>>
    %dma_wait3A_145 = tpu.memref_squeeze %dma_wait3A_144 : memref<1x128xi32, #tpu.memory_space<vmem>> -> memref<128xi32, #tpu.memory_space<vmem>>
    %dma_wait3A_146 = arith.constant 0 : i32
    %dma_wait3A_147 = arith.constant 0 : i32
    %dma_wait3A_148 = tpu.memref_slice %arg9[%dma_wait3A_146, %dma_wait3A_147] : memref<10240x64xf32, #tpu.memory_space<vmem_shared>> -> memref<10240x64xf32, #tpu.memory_space<vmem_shared>>
    tpu.wait_indirect_dma semaphore(%arg13 : memref<!tpu.dma_semaphore, #tpu.memory_space<semaphore_mem>>) src(%dma_wait3A_142 : memref<128x64xf32, #tpu.memory_space<vmem>>) dst(%dma_wait3A_148 : memref<10240x64xf32, #tpu.memory_space<vmem_shared>>)
    %dma_wait3A_149 = arith.constant 1 : i32
    %dma_wait3A_150 = arith.constant 3 : i32
    %dma_wait3A_151 = arith.constant 79 : i32
    %dma_wait3A_152 = arith.constant 0 : i32
    %dma_wait3A_153 = arith.constant 0 : i32
    %dma_wait3A_154 = tpu.memref_slice %arg8[%dma_wait3A_149, %dma_wait3A_150, %dma_wait3A_152, %dma_wait3A_153] : memref<2x4x128x64xf32, #tpu.memory_space<vmem>> -> memref<1x1x128x64xf32, #tpu.memory_space<vmem>>
    %dma_wait3A_155 = tpu.memref_squeeze %dma_wait3A_154 : memref<1x1x128x64xf32, #tpu.memory_space<vmem>> -> memref<128x64xf32, #tpu.memory_space<vmem>>
    %dma_wait3A_156 = arith.constant 0 : i32
    %dma_wait3A_157 = tpu.memref_slice %arg7[%dma_wait3A_151, %dma_wait3A_156] : memref<80x128xi32, #tpu.memory_space<vmem>> -> memref<1x128xi32, #tpu.memory_space<vmem>>
    %dma_wait3A_158 = tpu.memref_squeeze %dma_wait3A_157 : memref<1x128xi32, #tpu.memory_space<vmem>> -> memref<128xi32, #tpu.memory_space<vmem>>
    %dma_wait3A_159 = arith.constant 0 : i32
    %dma_wait3A_160 = arith.constant 0 : i32
    %dma_wait3A_161 = tpu.memref_slice %arg9[%dma_wait3A_159, %dma_wait3A_160] : memref<10240x64xf32, #tpu.memory_space<vmem_shared>> -> memref<10240x64xf32, #tpu.memory_space<vmem_shared>>
    tpu.wait_indirect_dma semaphore(%arg13 : memref<!tpu.dma_semaphore, #tpu.memory_space<semaphore_mem>>) src(%dma_wait3A_155 : memref<128x64xf32, #tpu.memory_space<vmem>>) dst(%dma_wait3A_161 : memref<10240x64xf32, #tpu.memory_space<vmem_shared>>)
    %barrier3A_162 = arith.constant 0 : index
    tpu.barrier barrier_id(%barrier3A_162)
    "tpu.region"() ({
      %run_scoped3A = tpu.sem_alloc : memref<!tpu.dma_semaphore, #tpu.memory_space<semaphore_mem>>
      %dma_start3A_163 = arith.constant 0 : i32
      %dma_start3A_164 = arith.constant 0 : i32
      %dma_start3A_165 = tpu.memref_slice %arg5[%arg0, %dma_start3A_163, %dma_start3A_164] : memref<2x10240x128xf32, #tpu.memory_space<hbm>> -> memref<1x10240x128xf32, #tpu.memory_space<hbm>>
      %dma_start3A_166 = tpu.memref_squeeze %dma_start3A_165 : memref<1x10240x128xf32, #tpu.memory_space<hbm>> -> memref<10240x128xf32, #tpu.memory_space<hbm>>
      %dma_start3A_167 = arith.constant 0 : i32
      %dma_start3A_168 = tpu.memref_slice %dma_start3A_166[%mul3A_2, %dma_start3A_167] : memref<10240x128xf32, #tpu.memory_space<hbm>> -> memref<640x64xf32, #tpu.memory_space<hbm>>
      %dma_start3A_169 = arith.constant 0 : i32
      %dma_start3A_170 = tpu.memref_slice %arg9[%mul3A_2, %dma_start3A_169] : memref<10240x64xf32, #tpu.memory_space<vmem_shared>> -> memref<640x64xf32, #tpu.memory_space<vmem_shared>>
      tpu.enqueue_dma source(%dma_start3A_170 : memref<640x64xf32, #tpu.memory_space<vmem_shared>>) target(%dma_start3A_168 : memref<640x64xf32, #tpu.memory_space<hbm>>) target_semaphore(%run_scoped3A : memref<!tpu.dma_semaphore, #tpu.memory_space<semaphore_mem>>)
      %dma_wait3A_171 = arith.constant 0 : i32
      %dma_wait3A_172 = arith.constant 0 : i32
      %dma_wait3A_173 = tpu.memref_slice %arg5[%arg0, %dma_wait3A_171, %dma_wait3A_172] : memref<2x10240x128xf32, #tpu.memory_space<hbm>> -> memref<1x10240x128xf32, #tpu.memory_space<hbm>>
      %dma_wait3A_174 = tpu.memref_squeeze %dma_wait3A_173 : memref<1x10240x128xf32, #tpu.memory_space<hbm>> -> memref<10240x128xf32, #tpu.memory_space<hbm>>
      %dma_wait3A_175 = arith.constant 0 : i32
      %dma_wait3A_176 = tpu.memref_slice %dma_wait3A_174[%mul3A_2, %dma_wait3A_175] : memref<10240x128xf32, #tpu.memory_space<hbm>> -> memref<640x64xf32, #tpu.memory_space<hbm>>
      %dma_wait3A_177 = arith.constant 0 : i32
      %dma_wait3A_178 = tpu.memref_slice %arg9[%mul3A_2, %dma_wait3A_177] : memref<10240x64xf32, #tpu.memory_space<vmem_shared>> -> memref<640x64xf32, #tpu.memory_space<vmem_shared>>
      tpu.wait_dma2 semaphore(%run_scoped3A : memref<!tpu.dma_semaphore, #tpu.memory_space<semaphore_mem>>) src(%dma_wait3A_178 : memref<640x64xf32, #tpu.memory_space<vmem_shared>>) dst(%dma_wait3A_176 : memref<640x64xf32, #tpu.memory_space<hbm>>)
      tpu.yield
    }) : () -> ()
    return
  }
}

#map = affine_map<(d0, d1) -> (0, 0)>
#map1 = affine_map<(d0, d1) -> (0, 0, 0)>
module attributes {stable_mosaic.version = 14 : i64} {
  func.func @_sc_agg(%arg0: i32, %arg1: i32, %arg2: memref<10240x64xf32, #tpu.memory_space<hbm>>, %arg3: memref<32x80x128xi32, #tpu.memory_space<hbm>>, %arg4: memref<32x80x128xi32, #tpu.memory_space<hbm>>, %arg5: memref<2x10240x128xf32, #tpu.memory_space<hbm>>, %arg6: memref<80x128xi32, #tpu.memory_space<vmem>>, %arg7: memref<80x128xi32, #tpu.memory_space<vmem>>, %arg8: memref<2x4x128x64xf32, #tpu.memory_space<vmem>>, %arg9: memref<10240x64xf32, #tpu.memory_space<vmem_shared>>, %arg10: memref<!tpu.dma_semaphore, #tpu.memory_space<semaphore_mem>>, %arg11: memref<!tpu.dma_semaphore, #tpu.memory_space<semaphore_mem>>, %arg12: memref<!tpu.dma_semaphore, #tpu.memory_space<semaphore_mem>>, %arg13: memref<!tpu.dma_semaphore, #tpu.memory_space<semaphore_mem>>) attributes {dimension_semantics = [#tpu.dimension_semantics<core_parallel>, #tpu.dimension_semantics<subcore_parallel>], iteration_bounds = array<i64: 2, 16>, scalar_prefetch = 0 : i64, scratch_operands = 8 : i64, tpu.core_type = #tpu.core_type<sc_vector_subcore>, window_params = [{transform_indices = #map}, {transform_indices = #map1}, {transform_indices = #map1}, {transform_indices = #map1}]} {
    %mul3A = arith.constant 16 : i32
    %mul3A_0 = arith.muli %arg0, %mul3A : i32
    %add3A = arith.addi %mul3A_0, %arg1 : i32
    "tpu.region"() ({
      %run_scoped3A = tpu.sem_alloc : memref<!tpu.dma_semaphore, #tpu.memory_space<semaphore_mem>>
      %dma_start3A_163 = arith.constant 0 : i32
      %dma_start3A_164 = arith.constant 0 : i32
      %dma_start3A_165 = tpu.memref_slice %arg3[%add3A, %dma_start3A_163, %dma_start3A_164] : memref<32x80x128xi32, #tpu.memory_space<hbm>> -> memref<1x80x128xi32, #tpu.memory_space<hbm>>
      %dma_start3A_166 = tpu.memref_squeeze %dma_start3A_165 : memref<1x80x128xi32, #tpu.memory_space<hbm>> -> memref<80x128xi32, #tpu.memory_space<hbm>>
      %dma_start3A_167 = arith.constant 0 : i32
      %dma_start3A_168 = arith.constant 0 : i32
      %dma_start3A_169 = tpu.memref_slice %arg3[%add3A, %dma_start3A_167, %dma_start3A_168] : memref<32x80x128xi32, #tpu.memory_space<hbm>> -> memref<1x80x128xi32, #tpu.memory_space<hbm>>
      %dma_start3A_170 = tpu.memref_squeeze %dma_start3A_169 : memref<1x80x128xi32, #tpu.memory_space<hbm>> -> memref<80x128xi32, #tpu.memory_space<hbm>>
      tpu.enqueue_dma source(%dma_start3A_170 : memref<80x128xi32, #tpu.memory_space<hbm>>) target(%arg6 : memref<80x128xi32, #tpu.memory_space<vmem>>) target_semaphore(%run_scoped3A : memref<!tpu.dma_semaphore, #tpu.memory_space<semaphore_mem>>)
      %dma_wait3A_171 = arith.constant 0 : i32
      %dma_wait3A_172 = arith.constant 0 : i32
      %dma_wait3A_173 = tpu.memref_slice %arg3[%add3A, %dma_wait3A_171, %dma_wait3A_172] : memref<32x80x128xi32, #tpu.memory_space<hbm>> -> memref<1x80x128xi32, #tpu.memory_space<hbm>>
      %dma_wait3A_174 = tpu.memref_squeeze %dma_wait3A_173 : memref<1x80x128xi32, #tpu.memory_space<hbm>> -> memref<80x128xi32, #tpu.memory_space<hbm>>
      %dma_wait3A_175 = arith.constant 0 : i32
      %dma_wait3A_176 = arith.constant 0 : i32
      %dma_wait3A_177 = tpu.memref_slice %arg3[%add3A, %dma_wait3A_175, %dma_wait3A_176] : memref<32x80x128xi32, #tpu.memory_space<hbm>> -> memref<1x80x128xi32, #tpu.memory_space<hbm>>
      %dma_wait3A_178 = tpu.memref_squeeze %dma_wait3A_177 : memref<1x80x128xi32, #tpu.memory_space<hbm>> -> memref<80x128xi32, #tpu.memory_space<hbm>>
      tpu.wait_dma2 semaphore(%run_scoped3A : memref<!tpu.dma_semaphore, #tpu.memory_space<semaphore_mem>>) src(%dma_wait3A_178 : memref<80x128xi32, #tpu.memory_space<hbm>>) dst(%arg6 : memref<80x128xi32, #tpu.memory_space<vmem>>)
      tpu.yield
    }) : () -> ()
    "tpu.region"() ({
      %run_scoped3A = tpu.sem_alloc : memref<!tpu.dma_semaphore, #tpu.memory_space<semaphore_mem>>
      %dma_start3A_163 = arith.constant 0 : i32
      %dma_start3A_164 = arith.constant 0 : i32
      %dma_start3A_165 = tpu.memref_slice %arg4[%add3A, %dma_start3A_163, %dma_start3A_164] : memref<32x80x128xi32, #tpu.memory_space<hbm>> -> memref<1x80x128xi32, #tpu.memory_space<hbm>>
      %dma_start3A_166 = tpu.memref_squeeze %dma_start3A_165 : memref<1x80x128xi32, #tpu.memory_space<hbm>> -> memref<80x128xi32, #tpu.memory_space<hbm>>
      %dma_start3A_167 = arith.constant 0 : i32
      %dma_start3A_168 = arith.constant 0 : i32
      %dma_start3A_169 = tpu.memref_slice %arg4[%add3A, %dma_start3A_167, %dma_start3A_168] : memref<32x80x128xi32, #tpu.memory_space<hbm>> -> memref<1x80x128xi32, #tpu.memory_space<hbm>>
      %dma_start3A_170 = tpu.memref_squeeze %dma_start3A_169 : memref<1x80x128xi32, #tpu.memory_space<hbm>> -> memref<80x128xi32, #tpu.memory_space<hbm>>
      tpu.enqueue_dma source(%dma_start3A_170 : memref<80x128xi32, #tpu.memory_space<hbm>>) target(%arg7 : memref<80x128xi32, #tpu.memory_space<vmem>>) target_semaphore(%run_scoped3A : memref<!tpu.dma_semaphore, #tpu.memory_space<semaphore_mem>>)
      %dma_wait3A_171 = arith.constant 0 : i32
      %dma_wait3A_172 = arith.constant 0 : i32
      %dma_wait3A_173 = tpu.memref_slice %arg4[%add3A, %dma_wait3A_171, %dma_wait3A_172] : memref<32x80x128xi32, #tpu.memory_space<hbm>> -> memref<1x80x128xi32, #tpu.memory_space<hbm>>
      %dma_wait3A_174 = tpu.memref_squeeze %dma_wait3A_173 : memref<1x80x128xi32, #tpu.memory_space<hbm>> -> memref<80x128xi32, #tpu.memory_space<hbm>>
      %dma_wait3A_175 = arith.constant 0 : i32
      %dma_wait3A_176 = arith.constant 0 : i32
      %dma_wait3A_177 = tpu.memref_slice %arg4[%add3A, %dma_wait3A_175, %dma_wait3A_176] : memref<32x80x128xi32, #tpu.memory_space<hbm>> -> memref<1x80x128xi32, #tpu.memory_space<hbm>>
      %dma_wait3A_178 = tpu.memref_squeeze %dma_wait3A_177 : memref<1x80x128xi32, #tpu.memory_space<hbm>> -> memref<80x128xi32, #tpu.memory_space<hbm>>
      tpu.wait_dma2 semaphore(%run_scoped3A : memref<!tpu.dma_semaphore, #tpu.memory_space<semaphore_mem>>) src(%dma_wait3A_178 : memref<80x128xi32, #tpu.memory_space<hbm>>) dst(%arg7 : memref<80x128xi32, #tpu.memory_space<vmem>>)
      tpu.yield
    }) : () -> ()
    %mul3A_1 = arith.constant 640 : i32
    %mul3A_2 = arith.muli %arg1, %mul3A_1 : i32
    "tpu.region"() ({
      %run_scoped3A = tpu.sem_alloc : memref<!tpu.dma_semaphore, #tpu.memory_space<semaphore_mem>>
      %dma_start3A_163 = arith.constant 0 : i32
      %dma_start3A_164 = tpu.memref_slice %arg9[%mul3A_2, %dma_start3A_163] : memref<10240x64xf32, #tpu.memory_space<vmem_shared>> -> memref<640x64xf32, #tpu.memory_space<vmem_shared>>
      %dma_start3A_165 = arith.constant 0 : i32
      %dma_start3A_166 = tpu.memref_slice %arg2[%mul3A_2, %dma_start3A_165] : memref<10240x64xf32, #tpu.memory_space<hbm>> -> memref<640x64xf32, #tpu.memory_space<hbm>>
      tpu.enqueue_dma source(%dma_start3A_166 : memref<640x64xf32, #tpu.memory_space<hbm>>) target(%dma_start3A_164 : memref<640x64xf32, #tpu.memory_space<vmem_shared>>) target_semaphore(%run_scoped3A : memref<!tpu.dma_semaphore, #tpu.memory_space<semaphore_mem>>)
      %dma_wait3A_167 = arith.constant 0 : i32
      %dma_wait3A_168 = tpu.memref_slice %arg9[%mul3A_2, %dma_wait3A_167] : memref<10240x64xf32, #tpu.memory_space<vmem_shared>> -> memref<640x64xf32, #tpu.memory_space<vmem_shared>>
      %dma_wait3A_169 = arith.constant 0 : i32
      %dma_wait3A_170 = tpu.memref_slice %arg2[%mul3A_2, %dma_wait3A_169] : memref<10240x64xf32, #tpu.memory_space<hbm>> -> memref<640x64xf32, #tpu.memory_space<hbm>>
      tpu.wait_dma2 semaphore(%run_scoped3A : memref<!tpu.dma_semaphore, #tpu.memory_space<semaphore_mem>>) src(%dma_wait3A_170 : memref<640x64xf32, #tpu.memory_space<hbm>>) dst(%dma_wait3A_168 : memref<640x64xf32, #tpu.memory_space<vmem_shared>>)
      tpu.yield
    }) : () -> ()
    %barrier3A = arith.constant 0 : index
    tpu.barrier barrier_id(%barrier3A)
    %dma_start3A = arith.constant 0 : i32
    %dma_start3A_3 = arith.constant 0 : i32
    %dma_start3A_4 = arith.constant 0 : i32
    %dma_start3A_5 = arith.constant 0 : i32
    %dma_start3A_6 = arith.constant 0 : i32
    %dma_start3A_7 = tpu.memref_slice %arg8[%dma_start3A_3, %dma_start3A_4, %dma_start3A_5, %dma_start3A_6] : memref<2x4x128x64xf32, #tpu.memory_space<vmem>> -> memref<1x1x128x64xf32, #tpu.memory_space<vmem>>
    %dma_start3A_8 = tpu.memref_squeeze %dma_start3A_7 : memref<1x1x128x64xf32, #tpu.memory_space<vmem>> -> memref<128x64xf32, #tpu.memory_space<vmem>>
    %dma_start3A_9 = arith.constant 0 : i32
    %dma_start3A_10 = tpu.memref_slice %arg6[%dma_start3A, %dma_start3A_9] : memref<80x128xi32, #tpu.memory_space<vmem>> -> memref<1x128xi32, #tpu.memory_space<vmem>>
    %dma_start3A_11 = tpu.memref_squeeze %dma_start3A_10 : memref<1x128xi32, #tpu.memory_space<vmem>> -> memref<128xi32, #tpu.memory_space<vmem>>
    %dma_start3A_12 = arith.constant 0 : i32
    %dma_start3A_13 = arith.constant 0 : i32
    %dma_start3A_14 = tpu.memref_slice %arg2[%dma_start3A_12, %dma_start3A_13] : memref<10240x64xf32, #tpu.memory_space<hbm>> -> memref<10240x64xf32, #tpu.memory_space<hbm>>
    tpu.enqueue_indirect_dma source(%dma_start3A_14 : memref<10240x64xf32, #tpu.memory_space<hbm>>) target(%dma_start3A_8 : memref<128x64xf32, #tpu.memory_space<vmem>>) offsets(%dma_start3A_11 : memref<128xi32, #tpu.memory_space<vmem>>) semaphore(%arg10 : memref<!tpu.dma_semaphore, #tpu.memory_space<semaphore_mem>>)
    %dma_start3A_15 = arith.constant 1 : i32
    %dma_start3A_16 = arith.constant 0 : i32
    %dma_start3A_17 = arith.constant 1 : i32
    %dma_start3A_18 = arith.constant 0 : i32
    %dma_start3A_19 = arith.constant 0 : i32
    %dma_start3A_20 = tpu.memref_slice %arg8[%dma_start3A_16, %dma_start3A_17, %dma_start3A_18, %dma_start3A_19] : memref<2x4x128x64xf32, #tpu.memory_space<vmem>> -> memref<1x1x128x64xf32, #tpu.memory_space<vmem>>
    %dma_start3A_21 = tpu.memref_squeeze %dma_start3A_20 : memref<1x1x128x64xf32, #tpu.memory_space<vmem>> -> memref<128x64xf32, #tpu.memory_space<vmem>>
    %dma_start3A_22 = arith.constant 0 : i32
    %dma_start3A_23 = tpu.memref_slice %arg6[%dma_start3A_15, %dma_start3A_22] : memref<80x128xi32, #tpu.memory_space<vmem>> -> memref<1x128xi32, #tpu.memory_space<vmem>>
    %dma_start3A_24 = tpu.memref_squeeze %dma_start3A_23 : memref<1x128xi32, #tpu.memory_space<vmem>> -> memref<128xi32, #tpu.memory_space<vmem>>
    %dma_start3A_25 = arith.constant 0 : i32
    %dma_start3A_26 = arith.constant 0 : i32
    %dma_start3A_27 = tpu.memref_slice %arg2[%dma_start3A_25, %dma_start3A_26] : memref<10240x64xf32, #tpu.memory_space<hbm>> -> memref<10240x64xf32, #tpu.memory_space<hbm>>
    tpu.enqueue_indirect_dma source(%dma_start3A_27 : memref<10240x64xf32, #tpu.memory_space<hbm>>) target(%dma_start3A_21 : memref<128x64xf32, #tpu.memory_space<vmem>>) offsets(%dma_start3A_24 : memref<128xi32, #tpu.memory_space<vmem>>) semaphore(%arg10 : memref<!tpu.dma_semaphore, #tpu.memory_space<semaphore_mem>>)
    %dma_start3A_28 = arith.constant 2 : i32
    %dma_start3A_29 = arith.constant 0 : i32
    %dma_start3A_30 = arith.constant 2 : i32
    %dma_start3A_31 = arith.constant 0 : i32
    %dma_start3A_32 = arith.constant 0 : i32
    %dma_start3A_33 = tpu.memref_slice %arg8[%dma_start3A_29, %dma_start3A_30, %dma_start3A_31, %dma_start3A_32] : memref<2x4x128x64xf32, #tpu.memory_space<vmem>> -> memref<1x1x128x64xf32, #tpu.memory_space<vmem>>
    %dma_start3A_34 = tpu.memref_squeeze %dma_start3A_33 : memref<1x1x128x64xf32, #tpu.memory_space<vmem>> -> memref<128x64xf32, #tpu.memory_space<vmem>>
    %dma_start3A_35 = arith.constant 0 : i32
    %dma_start3A_36 = tpu.memref_slice %arg6[%dma_start3A_28, %dma_start3A_35] : memref<80x128xi32, #tpu.memory_space<vmem>> -> memref<1x128xi32, #tpu.memory_space<vmem>>
    %dma_start3A_37 = tpu.memref_squeeze %dma_start3A_36 : memref<1x128xi32, #tpu.memory_space<vmem>> -> memref<128xi32, #tpu.memory_space<vmem>>
    %dma_start3A_38 = arith.constant 0 : i32
    %dma_start3A_39 = arith.constant 0 : i32
    %dma_start3A_40 = tpu.memref_slice %arg2[%dma_start3A_38, %dma_start3A_39] : memref<10240x64xf32, #tpu.memory_space<hbm>> -> memref<10240x64xf32, #tpu.memory_space<hbm>>
    tpu.enqueue_indirect_dma source(%dma_start3A_40 : memref<10240x64xf32, #tpu.memory_space<hbm>>) target(%dma_start3A_34 : memref<128x64xf32, #tpu.memory_space<vmem>>) offsets(%dma_start3A_37 : memref<128xi32, #tpu.memory_space<vmem>>) semaphore(%arg10 : memref<!tpu.dma_semaphore, #tpu.memory_space<semaphore_mem>>)
    %dma_start3A_41 = arith.constant 3 : i32
    %dma_start3A_42 = arith.constant 0 : i32
    %dma_start3A_43 = arith.constant 3 : i32
    %dma_start3A_44 = arith.constant 0 : i32
    %dma_start3A_45 = arith.constant 0 : i32
    %dma_start3A_46 = tpu.memref_slice %arg8[%dma_start3A_42, %dma_start3A_43, %dma_start3A_44, %dma_start3A_45] : memref<2x4x128x64xf32, #tpu.memory_space<vmem>> -> memref<1x1x128x64xf32, #tpu.memory_space<vmem>>
    %dma_start3A_47 = tpu.memref_squeeze %dma_start3A_46 : memref<1x1x128x64xf32, #tpu.memory_space<vmem>> -> memref<128x64xf32, #tpu.memory_space<vmem>>
    %dma_start3A_48 = arith.constant 0 : i32
    %dma_start3A_49 = tpu.memref_slice %arg6[%dma_start3A_41, %dma_start3A_48] : memref<80x128xi32, #tpu.memory_space<vmem>> -> memref<1x128xi32, #tpu.memory_space<vmem>>
    %dma_start3A_50 = tpu.memref_squeeze %dma_start3A_49 : memref<1x128xi32, #tpu.memory_space<vmem>> -> memref<128xi32, #tpu.memory_space<vmem>>
    %dma_start3A_51 = arith.constant 0 : i32
    %dma_start3A_52 = arith.constant 0 : i32
    %dma_start3A_53 = tpu.memref_slice %arg2[%dma_start3A_51, %dma_start3A_52] : memref<10240x64xf32, #tpu.memory_space<hbm>> -> memref<10240x64xf32, #tpu.memory_space<hbm>>
    tpu.enqueue_indirect_dma source(%dma_start3A_53 : memref<10240x64xf32, #tpu.memory_space<hbm>>) target(%dma_start3A_47 : memref<128x64xf32, #tpu.memory_space<vmem>>) offsets(%dma_start3A_50 : memref<128xi32, #tpu.memory_space<vmem>>) semaphore(%arg10 : memref<!tpu.dma_semaphore, #tpu.memory_space<semaphore_mem>>)
    %scan3A = arith.constant 0 : i32
    %scan3A_54 = arith.constant 0 : i32
    %scan3A_55 = arith.constant 10 : i32
    %scan3A_56 = arith.addi %scan3A_54, %scan3A_55 : i32
    %scan3A_57 = arith.constant 1 : i32
    scf.for %scan3A_163 = %scan3A_54 to %scan3A_56 step %scan3A_57  : i32 {
      %mul3A_164 = arith.constant 2 : i32
      %mul3A_165 = arith.muli %mul3A_164, %scan3A_163 : i32
      %mul3A_166 = arith.constant 2 : i32
      %mul3A_167 = arith.muli %mul3A_166, %scan3A_163 : i32
      %add3A_168 = arith.constant 1 : i32
      %add3A_169 = arith.addi %mul3A_167, %add3A_168 : i32
      %mul3A_170 = arith.constant 4 : i32
      %mul3A_171 = arith.muli %mul3A_165, %mul3A_170 : i32
      %add3A_172 = arith.constant 0 : i32
      %add3A_173 = arith.addi %mul3A_171, %add3A_172 : i32
      %dma_wait3A_174 = arith.constant 0 : i32
      %dma_wait3A_175 = arith.constant 0 : i32
      %dma_wait3A_176 = arith.constant 0 : i32
      %dma_wait3A_177 = arith.constant 0 : i32
      %dma_wait3A_178 = tpu.memref_slice %arg8[%dma_wait3A_174, %dma_wait3A_175, %dma_wait3A_176, %dma_wait3A_177] : memref<2x4x128x64xf32, #tpu.memory_space<vmem>> -> memref<1x1x128x64xf32, #tpu.memory_space<vmem>>
      %dma_wait3A_179 = tpu.memref_squeeze %dma_wait3A_178 : memref<1x1x128x64xf32, #tpu.memory_space<vmem>> -> memref<128x64xf32, #tpu.memory_space<vmem>>
      %dma_wait3A_180 = arith.constant 0 : i32
      %dma_wait3A_181 = tpu.memref_slice %arg6[%add3A_173, %dma_wait3A_180] : memref<80x128xi32, #tpu.memory_space<vmem>> -> memref<1x128xi32, #tpu.memory_space<vmem>>
      %dma_wait3A_182 = tpu.memref_squeeze %dma_wait3A_181 : memref<1x128xi32, #tpu.memory_space<vmem>> -> memref<128xi32, #tpu.memory_space<vmem>>
      %dma_wait3A_183 = arith.constant 0 : i32
      %dma_wait3A_184 = arith.constant 0 : i32
      %dma_wait3A_185 = tpu.memref_slice %arg2[%dma_wait3A_183, %dma_wait3A_184] : memref<10240x64xf32, #tpu.memory_space<hbm>> -> memref<10240x64xf32, #tpu.memory_space<hbm>>
      tpu.wait_indirect_dma semaphore(%arg10 : memref<!tpu.dma_semaphore, #tpu.memory_space<semaphore_mem>>) src(%dma_wait3A_185 : memref<10240x64xf32, #tpu.memory_space<hbm>>) dst(%dma_wait3A_179 : memref<128x64xf32, #tpu.memory_space<vmem>>)
      %mul3A_186 = arith.constant 4 : i32
      %mul3A_187 = arith.muli %mul3A_165, %mul3A_186 : i32
      %add3A_188 = arith.constant 1 : i32
      %add3A_189 = arith.addi %mul3A_187, %add3A_188 : i32
      %dma_wait3A_190 = arith.constant 0 : i32
      %dma_wait3A_191 = arith.constant 1 : i32
      %dma_wait3A_192 = arith.constant 0 : i32
      %dma_wait3A_193 = arith.constant 0 : i32
      %dma_wait3A_194 = tpu.memref_slice %arg8[%dma_wait3A_190, %dma_wait3A_191, %dma_wait3A_192, %dma_wait3A_193] : memref<2x4x128x64xf32, #tpu.memory_space<vmem>> -> memref<1x1x128x64xf32, #tpu.memory_space<vmem>>
      %dma_wait3A_195 = tpu.memref_squeeze %dma_wait3A_194 : memref<1x1x128x64xf32, #tpu.memory_space<vmem>> -> memref<128x64xf32, #tpu.memory_space<vmem>>
      %dma_wait3A_196 = arith.constant 0 : i32
      %dma_wait3A_197 = tpu.memref_slice %arg6[%add3A_189, %dma_wait3A_196] : memref<80x128xi32, #tpu.memory_space<vmem>> -> memref<1x128xi32, #tpu.memory_space<vmem>>
      %dma_wait3A_198 = tpu.memref_squeeze %dma_wait3A_197 : memref<1x128xi32, #tpu.memory_space<vmem>> -> memref<128xi32, #tpu.memory_space<vmem>>
      %dma_wait3A_199 = arith.constant 0 : i32
      %dma_wait3A_200 = arith.constant 0 : i32
      %dma_wait3A_201 = tpu.memref_slice %arg2[%dma_wait3A_199, %dma_wait3A_200] : memref<10240x64xf32, #tpu.memory_space<hbm>> -> memref<10240x64xf32, #tpu.memory_space<hbm>>
      tpu.wait_indirect_dma semaphore(%arg10 : memref<!tpu.dma_semaphore, #tpu.memory_space<semaphore_mem>>) src(%dma_wait3A_201 : memref<10240x64xf32, #tpu.memory_space<hbm>>) dst(%dma_wait3A_195 : memref<128x64xf32, #tpu.memory_space<vmem>>)
      %mul3A_202 = arith.constant 4 : i32
      %mul3A_203 = arith.muli %mul3A_165, %mul3A_202 : i32
      %add3A_204 = arith.constant 2 : i32
      %add3A_205 = arith.addi %mul3A_203, %add3A_204 : i32
      %dma_wait3A_206 = arith.constant 0 : i32
      %dma_wait3A_207 = arith.constant 2 : i32
      %dma_wait3A_208 = arith.constant 0 : i32
      %dma_wait3A_209 = arith.constant 0 : i32
      %dma_wait3A_210 = tpu.memref_slice %arg8[%dma_wait3A_206, %dma_wait3A_207, %dma_wait3A_208, %dma_wait3A_209] : memref<2x4x128x64xf32, #tpu.memory_space<vmem>> -> memref<1x1x128x64xf32, #tpu.memory_space<vmem>>
      %dma_wait3A_211 = tpu.memref_squeeze %dma_wait3A_210 : memref<1x1x128x64xf32, #tpu.memory_space<vmem>> -> memref<128x64xf32, #tpu.memory_space<vmem>>
      %dma_wait3A_212 = arith.constant 0 : i32
      %dma_wait3A_213 = tpu.memref_slice %arg6[%add3A_205, %dma_wait3A_212] : memref<80x128xi32, #tpu.memory_space<vmem>> -> memref<1x128xi32, #tpu.memory_space<vmem>>
      %dma_wait3A_214 = tpu.memref_squeeze %dma_wait3A_213 : memref<1x128xi32, #tpu.memory_space<vmem>> -> memref<128xi32, #tpu.memory_space<vmem>>
      %dma_wait3A_215 = arith.constant 0 : i32
      %dma_wait3A_216 = arith.constant 0 : i32
      %dma_wait3A_217 = tpu.memref_slice %arg2[%dma_wait3A_215, %dma_wait3A_216] : memref<10240x64xf32, #tpu.memory_space<hbm>> -> memref<10240x64xf32, #tpu.memory_space<hbm>>
      tpu.wait_indirect_dma semaphore(%arg10 : memref<!tpu.dma_semaphore, #tpu.memory_space<semaphore_mem>>) src(%dma_wait3A_217 : memref<10240x64xf32, #tpu.memory_space<hbm>>) dst(%dma_wait3A_211 : memref<128x64xf32, #tpu.memory_space<vmem>>)
      %mul3A_218 = arith.constant 4 : i32
      %mul3A_219 = arith.muli %mul3A_165, %mul3A_218 : i32
      %add3A_220 = arith.constant 3 : i32
      %add3A_221 = arith.addi %mul3A_219, %add3A_220 : i32
      %dma_wait3A_222 = arith.constant 0 : i32
      %dma_wait3A_223 = arith.constant 3 : i32
      %dma_wait3A_224 = arith.constant 0 : i32
      %dma_wait3A_225 = arith.constant 0 : i32
      %dma_wait3A_226 = tpu.memref_slice %arg8[%dma_wait3A_222, %dma_wait3A_223, %dma_wait3A_224, %dma_wait3A_225] : memref<2x4x128x64xf32, #tpu.memory_space<vmem>> -> memref<1x1x128x64xf32, #tpu.memory_space<vmem>>
      %dma_wait3A_227 = tpu.memref_squeeze %dma_wait3A_226 : memref<1x1x128x64xf32, #tpu.memory_space<vmem>> -> memref<128x64xf32, #tpu.memory_space<vmem>>
      %dma_wait3A_228 = arith.constant 0 : i32
      %dma_wait3A_229 = tpu.memref_slice %arg6[%add3A_221, %dma_wait3A_228] : memref<80x128xi32, #tpu.memory_space<vmem>> -> memref<1x128xi32, #tpu.memory_space<vmem>>
      %dma_wait3A_230 = tpu.memref_squeeze %dma_wait3A_229 : memref<1x128xi32, #tpu.memory_space<vmem>> -> memref<128xi32, #tpu.memory_space<vmem>>
      %dma_wait3A_231 = arith.constant 0 : i32
      %dma_wait3A_232 = arith.constant 0 : i32
      %dma_wait3A_233 = tpu.memref_slice %arg2[%dma_wait3A_231, %dma_wait3A_232] : memref<10240x64xf32, #tpu.memory_space<hbm>> -> memref<10240x64xf32, #tpu.memory_space<hbm>>
      tpu.wait_indirect_dma semaphore(%arg10 : memref<!tpu.dma_semaphore, #tpu.memory_space<semaphore_mem>>) src(%dma_wait3A_233 : memref<10240x64xf32, #tpu.memory_space<hbm>>) dst(%dma_wait3A_227 : memref<128x64xf32, #tpu.memory_space<vmem>>)
      %mul3A_234 = arith.constant 4 : i32
      %mul3A_235 = arith.muli %mul3A_165, %mul3A_234 : i32
      %add3A_236 = arith.constant 0 : i32
      %add3A_237 = arith.addi %mul3A_235, %add3A_236 : i32
      %dma_start3A_238 = arith.constant 0 : i32
      %dma_start3A_239 = arith.constant 0 : i32
      %dma_start3A_240 = arith.constant 0 : i32
      %dma_start3A_241 = arith.constant 0 : i32
      %dma_start3A_242 = tpu.memref_slice %arg8[%dma_start3A_238, %dma_start3A_239, %dma_start3A_240, %dma_start3A_241] : memref<2x4x128x64xf32, #tpu.memory_space<vmem>> -> memref<1x1x128x64xf32, #tpu.memory_space<vmem>>
      %dma_start3A_243 = tpu.memref_squeeze %dma_start3A_242 : memref<1x1x128x64xf32, #tpu.memory_space<vmem>> -> memref<128x64xf32, #tpu.memory_space<vmem>>
      %dma_start3A_244 = arith.constant 0 : i32
      %dma_start3A_245 = tpu.memref_slice %arg7[%add3A_237, %dma_start3A_244] : memref<80x128xi32, #tpu.memory_space<vmem>> -> memref<1x128xi32, #tpu.memory_space<vmem>>
      %dma_start3A_246 = tpu.memref_squeeze %dma_start3A_245 : memref<1x128xi32, #tpu.memory_space<vmem>> -> memref<128xi32, #tpu.memory_space<vmem>>
      %dma_start3A_247 = arith.constant 0 : i32
      %dma_start3A_248 = arith.constant 0 : i32
      %dma_start3A_249 = tpu.memref_slice %arg9[%dma_start3A_247, %dma_start3A_248] : memref<10240x64xf32, #tpu.memory_space<vmem_shared>> -> memref<10240x64xf32, #tpu.memory_space<vmem_shared>>
      tpu.enqueue_indirect_dma source(%dma_start3A_243 : memref<128x64xf32, #tpu.memory_space<vmem>>) target(%dma_start3A_249 : memref<10240x64xf32, #tpu.memory_space<vmem_shared>>) offsets(%dma_start3A_246 : memref<128xi32, #tpu.memory_space<vmem>>) semaphore(%arg12 : memref<!tpu.dma_semaphore, #tpu.memory_space<semaphore_mem>>) {add = true}
      %mul3A_250 = arith.constant 4 : i32
      %mul3A_251 = arith.muli %mul3A_165, %mul3A_250 : i32
      %add3A_252 = arith.constant 1 : i32
      %add3A_253 = arith.addi %mul3A_251, %add3A_252 : i32
      %dma_start3A_254 = arith.constant 0 : i32
      %dma_start3A_255 = arith.constant 1 : i32
      %dma_start3A_256 = arith.constant 0 : i32
      %dma_start3A_257 = arith.constant 0 : i32
      %dma_start3A_258 = tpu.memref_slice %arg8[%dma_start3A_254, %dma_start3A_255, %dma_start3A_256, %dma_start3A_257] : memref<2x4x128x64xf32, #tpu.memory_space<vmem>> -> memref<1x1x128x64xf32, #tpu.memory_space<vmem>>
      %dma_start3A_259 = tpu.memref_squeeze %dma_start3A_258 : memref<1x1x128x64xf32, #tpu.memory_space<vmem>> -> memref<128x64xf32, #tpu.memory_space<vmem>>
      %dma_start3A_260 = arith.constant 0 : i32
      %dma_start3A_261 = tpu.memref_slice %arg7[%add3A_253, %dma_start3A_260] : memref<80x128xi32, #tpu.memory_space<vmem>> -> memref<1x128xi32, #tpu.memory_space<vmem>>
      %dma_start3A_262 = tpu.memref_squeeze %dma_start3A_261 : memref<1x128xi32, #tpu.memory_space<vmem>> -> memref<128xi32, #tpu.memory_space<vmem>>
      %dma_start3A_263 = arith.constant 0 : i32
      %dma_start3A_264 = arith.constant 0 : i32
      %dma_start3A_265 = tpu.memref_slice %arg9[%dma_start3A_263, %dma_start3A_264] : memref<10240x64xf32, #tpu.memory_space<vmem_shared>> -> memref<10240x64xf32, #tpu.memory_space<vmem_shared>>
      tpu.enqueue_indirect_dma source(%dma_start3A_259 : memref<128x64xf32, #tpu.memory_space<vmem>>) target(%dma_start3A_265 : memref<10240x64xf32, #tpu.memory_space<vmem_shared>>) offsets(%dma_start3A_262 : memref<128xi32, #tpu.memory_space<vmem>>) semaphore(%arg12 : memref<!tpu.dma_semaphore, #tpu.memory_space<semaphore_mem>>) {add = true}
      %mul3A_266 = arith.constant 4 : i32
      %mul3A_267 = arith.muli %mul3A_165, %mul3A_266 : i32
      %add3A_268 = arith.constant 2 : i32
      %add3A_269 = arith.addi %mul3A_267, %add3A_268 : i32
      %dma_start3A_270 = arith.constant 0 : i32
      %dma_start3A_271 = arith.constant 2 : i32
      %dma_start3A_272 = arith.constant 0 : i32
      %dma_start3A_273 = arith.constant 0 : i32
      %dma_start3A_274 = tpu.memref_slice %arg8[%dma_start3A_270, %dma_start3A_271, %dma_start3A_272, %dma_start3A_273] : memref<2x4x128x64xf32, #tpu.memory_space<vmem>> -> memref<1x1x128x64xf32, #tpu.memory_space<vmem>>
      %dma_start3A_275 = tpu.memref_squeeze %dma_start3A_274 : memref<1x1x128x64xf32, #tpu.memory_space<vmem>> -> memref<128x64xf32, #tpu.memory_space<vmem>>
      %dma_start3A_276 = arith.constant 0 : i32
      %dma_start3A_277 = tpu.memref_slice %arg7[%add3A_269, %dma_start3A_276] : memref<80x128xi32, #tpu.memory_space<vmem>> -> memref<1x128xi32, #tpu.memory_space<vmem>>
      %dma_start3A_278 = tpu.memref_squeeze %dma_start3A_277 : memref<1x128xi32, #tpu.memory_space<vmem>> -> memref<128xi32, #tpu.memory_space<vmem>>
      %dma_start3A_279 = arith.constant 0 : i32
      %dma_start3A_280 = arith.constant 0 : i32
      %dma_start3A_281 = tpu.memref_slice %arg9[%dma_start3A_279, %dma_start3A_280] : memref<10240x64xf32, #tpu.memory_space<vmem_shared>> -> memref<10240x64xf32, #tpu.memory_space<vmem_shared>>
      tpu.enqueue_indirect_dma source(%dma_start3A_275 : memref<128x64xf32, #tpu.memory_space<vmem>>) target(%dma_start3A_281 : memref<10240x64xf32, #tpu.memory_space<vmem_shared>>) offsets(%dma_start3A_278 : memref<128xi32, #tpu.memory_space<vmem>>) semaphore(%arg12 : memref<!tpu.dma_semaphore, #tpu.memory_space<semaphore_mem>>) {add = true}
      %mul3A_282 = arith.constant 4 : i32
      %mul3A_283 = arith.muli %mul3A_165, %mul3A_282 : i32
      %add3A_284 = arith.constant 3 : i32
      %add3A_285 = arith.addi %mul3A_283, %add3A_284 : i32
      %dma_start3A_286 = arith.constant 0 : i32
      %dma_start3A_287 = arith.constant 3 : i32
      %dma_start3A_288 = arith.constant 0 : i32
      %dma_start3A_289 = arith.constant 0 : i32
      %dma_start3A_290 = tpu.memref_slice %arg8[%dma_start3A_286, %dma_start3A_287, %dma_start3A_288, %dma_start3A_289] : memref<2x4x128x64xf32, #tpu.memory_space<vmem>> -> memref<1x1x128x64xf32, #tpu.memory_space<vmem>>
      %dma_start3A_291 = tpu.memref_squeeze %dma_start3A_290 : memref<1x1x128x64xf32, #tpu.memory_space<vmem>> -> memref<128x64xf32, #tpu.memory_space<vmem>>
      %dma_start3A_292 = arith.constant 0 : i32
      %dma_start3A_293 = tpu.memref_slice %arg7[%add3A_285, %dma_start3A_292] : memref<80x128xi32, #tpu.memory_space<vmem>> -> memref<1x128xi32, #tpu.memory_space<vmem>>
      %dma_start3A_294 = tpu.memref_squeeze %dma_start3A_293 : memref<1x128xi32, #tpu.memory_space<vmem>> -> memref<128xi32, #tpu.memory_space<vmem>>
      %dma_start3A_295 = arith.constant 0 : i32
      %dma_start3A_296 = arith.constant 0 : i32
      %dma_start3A_297 = tpu.memref_slice %arg9[%dma_start3A_295, %dma_start3A_296] : memref<10240x64xf32, #tpu.memory_space<vmem_shared>> -> memref<10240x64xf32, #tpu.memory_space<vmem_shared>>
      tpu.enqueue_indirect_dma source(%dma_start3A_291 : memref<128x64xf32, #tpu.memory_space<vmem>>) target(%dma_start3A_297 : memref<10240x64xf32, #tpu.memory_space<vmem_shared>>) offsets(%dma_start3A_294 : memref<128xi32, #tpu.memory_space<vmem>>) semaphore(%arg12 : memref<!tpu.dma_semaphore, #tpu.memory_space<semaphore_mem>>) {add = true}
      %gt3A = arith.constant 0 : i32
      %gt3A_298 = arith.cmpi sgt, %scan3A_163, %gt3A : i32
      %convert_element_type3A = arith.extui %gt3A_298 : i1 to i32
      %cond3A = arith.constant 0 : i32
      %cond3A_299 = arith.cmpi ne, %convert_element_type3A, %cond3A : i32
      scf.if %cond3A_299 {
        %sub3A = arith.constant 2 : i32
        %sub3A_496 = arith.subi %add3A_169, %sub3A : i32
        %mul3A_497 = arith.constant 4 : i32
        %mul3A_498 = arith.muli %sub3A_496, %mul3A_497 : i32
        %add3A_499 = arith.constant 0 : i32
        %add3A_500 = arith.addi %mul3A_498, %add3A_499 : i32
        %dma_wait3A_501 = arith.constant 1 : i32
        %dma_wait3A_502 = arith.constant 0 : i32
        %dma_wait3A_503 = arith.constant 0 : i32
        %dma_wait3A_504 = arith.constant 0 : i32
        %dma_wait3A_505 = tpu.memref_slice %arg8[%dma_wait3A_501, %dma_wait3A_502, %dma_wait3A_503, %dma_wait3A_504] : memref<2x4x128x64xf32, #tpu.memory_space<vmem>> -> memref<1x1x128x64xf32, #tpu.memory_space<vmem>>
        %dma_wait3A_506 = tpu.memref_squeeze %dma_wait3A_505 : memref<1x1x128x64xf32, #tpu.memory_space<vmem>> -> memref<128x64xf32, #tpu.memory_space<vmem>>
        %dma_wait3A_507 = arith.constant 0 : i32
        %dma_wait3A_508 = tpu.memref_slice %arg7[%add3A_500, %dma_wait3A_507] : memref<80x128xi32, #tpu.memory_space<vmem>> -> memref<1x128xi32, #tpu.memory_space<vmem>>
        %dma_wait3A_509 = tpu.memref_squeeze %dma_wait3A_508 : memref<1x128xi32, #tpu.memory_space<vmem>> -> memref<128xi32, #tpu.memory_space<vmem>>
        %dma_wait3A_510 = arith.constant 0 : i32
        %dma_wait3A_511 = arith.constant 0 : i32
        %dma_wait3A_512 = tpu.memref_slice %arg9[%dma_wait3A_510, %dma_wait3A_511] : memref<10240x64xf32, #tpu.memory_space<vmem_shared>> -> memref<10240x64xf32, #tpu.memory_space<vmem_shared>>
        tpu.wait_indirect_dma semaphore(%arg13 : memref<!tpu.dma_semaphore, #tpu.memory_space<semaphore_mem>>) src(%dma_wait3A_506 : memref<128x64xf32, #tpu.memory_space<vmem>>) dst(%dma_wait3A_512 : memref<10240x64xf32, #tpu.memory_space<vmem_shared>>)
        %mul3A_513 = arith.constant 4 : i32
        %mul3A_514 = arith.muli %sub3A_496, %mul3A_513 : i32
        %add3A_515 = arith.constant 1 : i32
        %add3A_516 = arith.addi %mul3A_514, %add3A_515 : i32
        %dma_wait3A_517 = arith.constant 1 : i32
        %dma_wait3A_518 = arith.constant 1 : i32
        %dma_wait3A_519 = arith.constant 0 : i32
        %dma_wait3A_520 = arith.constant 0 : i32
        %dma_wait3A_521 = tpu.memref_slice %arg8[%dma_wait3A_517, %dma_wait3A_518, %dma_wait3A_519, %dma_wait3A_520] : memref<2x4x128x64xf32, #tpu.memory_space<vmem>> -> memref<1x1x128x64xf32, #tpu.memory_space<vmem>>
        %dma_wait3A_522 = tpu.memref_squeeze %dma_wait3A_521 : memref<1x1x128x64xf32, #tpu.memory_space<vmem>> -> memref<128x64xf32, #tpu.memory_space<vmem>>
        %dma_wait3A_523 = arith.constant 0 : i32
        %dma_wait3A_524 = tpu.memref_slice %arg7[%add3A_516, %dma_wait3A_523] : memref<80x128xi32, #tpu.memory_space<vmem>> -> memref<1x128xi32, #tpu.memory_space<vmem>>
        %dma_wait3A_525 = tpu.memref_squeeze %dma_wait3A_524 : memref<1x128xi32, #tpu.memory_space<vmem>> -> memref<128xi32, #tpu.memory_space<vmem>>
        %dma_wait3A_526 = arith.constant 0 : i32
        %dma_wait3A_527 = arith.constant 0 : i32
        %dma_wait3A_528 = tpu.memref_slice %arg9[%dma_wait3A_526, %dma_wait3A_527] : memref<10240x64xf32, #tpu.memory_space<vmem_shared>> -> memref<10240x64xf32, #tpu.memory_space<vmem_shared>>
        tpu.wait_indirect_dma semaphore(%arg13 : memref<!tpu.dma_semaphore, #tpu.memory_space<semaphore_mem>>) src(%dma_wait3A_522 : memref<128x64xf32, #tpu.memory_space<vmem>>) dst(%dma_wait3A_528 : memref<10240x64xf32, #tpu.memory_space<vmem_shared>>)
        %mul3A_529 = arith.constant 4 : i32
        %mul3A_530 = arith.muli %sub3A_496, %mul3A_529 : i32
        %add3A_531 = arith.constant 2 : i32
        %add3A_532 = arith.addi %mul3A_530, %add3A_531 : i32
        %dma_wait3A_533 = arith.constant 1 : i32
        %dma_wait3A_534 = arith.constant 2 : i32
        %dma_wait3A_535 = arith.constant 0 : i32
        %dma_wait3A_536 = arith.constant 0 : i32
        %dma_wait3A_537 = tpu.memref_slice %arg8[%dma_wait3A_533, %dma_wait3A_534, %dma_wait3A_535, %dma_wait3A_536] : memref<2x4x128x64xf32, #tpu.memory_space<vmem>> -> memref<1x1x128x64xf32, #tpu.memory_space<vmem>>
        %dma_wait3A_538 = tpu.memref_squeeze %dma_wait3A_537 : memref<1x1x128x64xf32, #tpu.memory_space<vmem>> -> memref<128x64xf32, #tpu.memory_space<vmem>>
        %dma_wait3A_539 = arith.constant 0 : i32
        %dma_wait3A_540 = tpu.memref_slice %arg7[%add3A_532, %dma_wait3A_539] : memref<80x128xi32, #tpu.memory_space<vmem>> -> memref<1x128xi32, #tpu.memory_space<vmem>>
        %dma_wait3A_541 = tpu.memref_squeeze %dma_wait3A_540 : memref<1x128xi32, #tpu.memory_space<vmem>> -> memref<128xi32, #tpu.memory_space<vmem>>
        %dma_wait3A_542 = arith.constant 0 : i32
        %dma_wait3A_543 = arith.constant 0 : i32
        %dma_wait3A_544 = tpu.memref_slice %arg9[%dma_wait3A_542, %dma_wait3A_543] : memref<10240x64xf32, #tpu.memory_space<vmem_shared>> -> memref<10240x64xf32, #tpu.memory_space<vmem_shared>>
        tpu.wait_indirect_dma semaphore(%arg13 : memref<!tpu.dma_semaphore, #tpu.memory_space<semaphore_mem>>) src(%dma_wait3A_538 : memref<128x64xf32, #tpu.memory_space<vmem>>) dst(%dma_wait3A_544 : memref<10240x64xf32, #tpu.memory_space<vmem_shared>>)
        %mul3A_545 = arith.constant 4 : i32
        %mul3A_546 = arith.muli %sub3A_496, %mul3A_545 : i32
        %add3A_547 = arith.constant 3 : i32
        %add3A_548 = arith.addi %mul3A_546, %add3A_547 : i32
        %dma_wait3A_549 = arith.constant 1 : i32
        %dma_wait3A_550 = arith.constant 3 : i32
        %dma_wait3A_551 = arith.constant 0 : i32
        %dma_wait3A_552 = arith.constant 0 : i32
        %dma_wait3A_553 = tpu.memref_slice %arg8[%dma_wait3A_549, %dma_wait3A_550, %dma_wait3A_551, %dma_wait3A_552] : memref<2x4x128x64xf32, #tpu.memory_space<vmem>> -> memref<1x1x128x64xf32, #tpu.memory_space<vmem>>
        %dma_wait3A_554 = tpu.memref_squeeze %dma_wait3A_553 : memref<1x1x128x64xf32, #tpu.memory_space<vmem>> -> memref<128x64xf32, #tpu.memory_space<vmem>>
        %dma_wait3A_555 = arith.constant 0 : i32
        %dma_wait3A_556 = tpu.memref_slice %arg7[%add3A_548, %dma_wait3A_555] : memref<80x128xi32, #tpu.memory_space<vmem>> -> memref<1x128xi32, #tpu.memory_space<vmem>>
        %dma_wait3A_557 = tpu.memref_squeeze %dma_wait3A_556 : memref<1x128xi32, #tpu.memory_space<vmem>> -> memref<128xi32, #tpu.memory_space<vmem>>
        %dma_wait3A_558 = arith.constant 0 : i32
        %dma_wait3A_559 = arith.constant 0 : i32
        %dma_wait3A_560 = tpu.memref_slice %arg9[%dma_wait3A_558, %dma_wait3A_559] : memref<10240x64xf32, #tpu.memory_space<vmem_shared>> -> memref<10240x64xf32, #tpu.memory_space<vmem_shared>>
        tpu.wait_indirect_dma semaphore(%arg13 : memref<!tpu.dma_semaphore, #tpu.memory_space<semaphore_mem>>) src(%dma_wait3A_554 : memref<128x64xf32, #tpu.memory_space<vmem>>) dst(%dma_wait3A_560 : memref<10240x64xf32, #tpu.memory_space<vmem_shared>>)
      } else {
      }
      %mul3A_300 = arith.constant 4 : i32
      %mul3A_301 = arith.muli %add3A_169, %mul3A_300 : i32
      %add3A_302 = arith.constant 0 : i32
      %add3A_303 = arith.addi %mul3A_301, %add3A_302 : i32
      %dma_start3A_304 = arith.constant 1 : i32
      %dma_start3A_305 = arith.constant 0 : i32
      %dma_start3A_306 = arith.constant 0 : i32
      %dma_start3A_307 = arith.constant 0 : i32
      %dma_start3A_308 = tpu.memref_slice %arg8[%dma_start3A_304, %dma_start3A_305, %dma_start3A_306, %dma_start3A_307] : memref<2x4x128x64xf32, #tpu.memory_space<vmem>> -> memref<1x1x128x64xf32, #tpu.memory_space<vmem>>
      %dma_start3A_309 = tpu.memref_squeeze %dma_start3A_308 : memref<1x1x128x64xf32, #tpu.memory_space<vmem>> -> memref<128x64xf32, #tpu.memory_space<vmem>>
      %dma_start3A_310 = arith.constant 0 : i32
      %dma_start3A_311 = tpu.memref_slice %arg6[%add3A_303, %dma_start3A_310] : memref<80x128xi32, #tpu.memory_space<vmem>> -> memref<1x128xi32, #tpu.memory_space<vmem>>
      %dma_start3A_312 = tpu.memref_squeeze %dma_start3A_311 : memref<1x128xi32, #tpu.memory_space<vmem>> -> memref<128xi32, #tpu.memory_space<vmem>>
      %dma_start3A_313 = arith.constant 0 : i32
      %dma_start3A_314 = arith.constant 0 : i32
      %dma_start3A_315 = tpu.memref_slice %arg2[%dma_start3A_313, %dma_start3A_314] : memref<10240x64xf32, #tpu.memory_space<hbm>> -> memref<10240x64xf32, #tpu.memory_space<hbm>>
      tpu.enqueue_indirect_dma source(%dma_start3A_315 : memref<10240x64xf32, #tpu.memory_space<hbm>>) target(%dma_start3A_309 : memref<128x64xf32, #tpu.memory_space<vmem>>) offsets(%dma_start3A_312 : memref<128xi32, #tpu.memory_space<vmem>>) semaphore(%arg11 : memref<!tpu.dma_semaphore, #tpu.memory_space<semaphore_mem>>)
      %mul3A_316 = arith.constant 4 : i32
      %mul3A_317 = arith.muli %add3A_169, %mul3A_316 : i32
      %add3A_318 = arith.constant 1 : i32
      %add3A_319 = arith.addi %mul3A_317, %add3A_318 : i32
      %dma_start3A_320 = arith.constant 1 : i32
      %dma_start3A_321 = arith.constant 1 : i32
      %dma_start3A_322 = arith.constant 0 : i32
      %dma_start3A_323 = arith.constant 0 : i32
      %dma_start3A_324 = tpu.memref_slice %arg8[%dma_start3A_320, %dma_start3A_321, %dma_start3A_322, %dma_start3A_323] : memref<2x4x128x64xf32, #tpu.memory_space<vmem>> -> memref<1x1x128x64xf32, #tpu.memory_space<vmem>>
      %dma_start3A_325 = tpu.memref_squeeze %dma_start3A_324 : memref<1x1x128x64xf32, #tpu.memory_space<vmem>> -> memref<128x64xf32, #tpu.memory_space<vmem>>
      %dma_start3A_326 = arith.constant 0 : i32
      %dma_start3A_327 = tpu.memref_slice %arg6[%add3A_319, %dma_start3A_326] : memref<80x128xi32, #tpu.memory_space<vmem>> -> memref<1x128xi32, #tpu.memory_space<vmem>>
      %dma_start3A_328 = tpu.memref_squeeze %dma_start3A_327 : memref<1x128xi32, #tpu.memory_space<vmem>> -> memref<128xi32, #tpu.memory_space<vmem>>
      %dma_start3A_329 = arith.constant 0 : i32
      %dma_start3A_330 = arith.constant 0 : i32
      %dma_start3A_331 = tpu.memref_slice %arg2[%dma_start3A_329, %dma_start3A_330] : memref<10240x64xf32, #tpu.memory_space<hbm>> -> memref<10240x64xf32, #tpu.memory_space<hbm>>
      tpu.enqueue_indirect_dma source(%dma_start3A_331 : memref<10240x64xf32, #tpu.memory_space<hbm>>) target(%dma_start3A_325 : memref<128x64xf32, #tpu.memory_space<vmem>>) offsets(%dma_start3A_328 : memref<128xi32, #tpu.memory_space<vmem>>) semaphore(%arg11 : memref<!tpu.dma_semaphore, #tpu.memory_space<semaphore_mem>>)
      %mul3A_332 = arith.constant 4 : i32
      %mul3A_333 = arith.muli %add3A_169, %mul3A_332 : i32
      %add3A_334 = arith.constant 2 : i32
      %add3A_335 = arith.addi %mul3A_333, %add3A_334 : i32
      %dma_start3A_336 = arith.constant 1 : i32
      %dma_start3A_337 = arith.constant 2 : i32
      %dma_start3A_338 = arith.constant 0 : i32
      %dma_start3A_339 = arith.constant 0 : i32
      %dma_start3A_340 = tpu.memref_slice %arg8[%dma_start3A_336, %dma_start3A_337, %dma_start3A_338, %dma_start3A_339] : memref<2x4x128x64xf32, #tpu.memory_space<vmem>> -> memref<1x1x128x64xf32, #tpu.memory_space<vmem>>
      %dma_start3A_341 = tpu.memref_squeeze %dma_start3A_340 : memref<1x1x128x64xf32, #tpu.memory_space<vmem>> -> memref<128x64xf32, #tpu.memory_space<vmem>>
      %dma_start3A_342 = arith.constant 0 : i32
      %dma_start3A_343 = tpu.memref_slice %arg6[%add3A_335, %dma_start3A_342] : memref<80x128xi32, #tpu.memory_space<vmem>> -> memref<1x128xi32, #tpu.memory_space<vmem>>
      %dma_start3A_344 = tpu.memref_squeeze %dma_start3A_343 : memref<1x128xi32, #tpu.memory_space<vmem>> -> memref<128xi32, #tpu.memory_space<vmem>>
      %dma_start3A_345 = arith.constant 0 : i32
      %dma_start3A_346 = arith.constant 0 : i32
      %dma_start3A_347 = tpu.memref_slice %arg2[%dma_start3A_345, %dma_start3A_346] : memref<10240x64xf32, #tpu.memory_space<hbm>> -> memref<10240x64xf32, #tpu.memory_space<hbm>>
      tpu.enqueue_indirect_dma source(%dma_start3A_347 : memref<10240x64xf32, #tpu.memory_space<hbm>>) target(%dma_start3A_341 : memref<128x64xf32, #tpu.memory_space<vmem>>) offsets(%dma_start3A_344 : memref<128xi32, #tpu.memory_space<vmem>>) semaphore(%arg11 : memref<!tpu.dma_semaphore, #tpu.memory_space<semaphore_mem>>)
      %mul3A_348 = arith.constant 4 : i32
      %mul3A_349 = arith.muli %add3A_169, %mul3A_348 : i32
      %add3A_350 = arith.constant 3 : i32
      %add3A_351 = arith.addi %mul3A_349, %add3A_350 : i32
      %dma_start3A_352 = arith.constant 1 : i32
      %dma_start3A_353 = arith.constant 3 : i32
      %dma_start3A_354 = arith.constant 0 : i32
      %dma_start3A_355 = arith.constant 0 : i32
      %dma_start3A_356 = tpu.memref_slice %arg8[%dma_start3A_352, %dma_start3A_353, %dma_start3A_354, %dma_start3A_355] : memref<2x4x128x64xf32, #tpu.memory_space<vmem>> -> memref<1x1x128x64xf32, #tpu.memory_space<vmem>>
      %dma_start3A_357 = tpu.memref_squeeze %dma_start3A_356 : memref<1x1x128x64xf32, #tpu.memory_space<vmem>> -> memref<128x64xf32, #tpu.memory_space<vmem>>
      %dma_start3A_358 = arith.constant 0 : i32
      %dma_start3A_359 = tpu.memref_slice %arg6[%add3A_351, %dma_start3A_358] : memref<80x128xi32, #tpu.memory_space<vmem>> -> memref<1x128xi32, #tpu.memory_space<vmem>>
      %dma_start3A_360 = tpu.memref_squeeze %dma_start3A_359 : memref<1x128xi32, #tpu.memory_space<vmem>> -> memref<128xi32, #tpu.memory_space<vmem>>
      %dma_start3A_361 = arith.constant 0 : i32
      %dma_start3A_362 = arith.constant 0 : i32
      %dma_start3A_363 = tpu.memref_slice %arg2[%dma_start3A_361, %dma_start3A_362] : memref<10240x64xf32, #tpu.memory_space<hbm>> -> memref<10240x64xf32, #tpu.memory_space<hbm>>
      tpu.enqueue_indirect_dma source(%dma_start3A_363 : memref<10240x64xf32, #tpu.memory_space<hbm>>) target(%dma_start3A_357 : memref<128x64xf32, #tpu.memory_space<vmem>>) offsets(%dma_start3A_360 : memref<128xi32, #tpu.memory_space<vmem>>) semaphore(%arg11 : memref<!tpu.dma_semaphore, #tpu.memory_space<semaphore_mem>>)
      %mul3A_364 = arith.constant 4 : i32
      %mul3A_365 = arith.muli %add3A_169, %mul3A_364 : i32
      %add3A_366 = arith.constant 0 : i32
      %add3A_367 = arith.addi %mul3A_365, %add3A_366 : i32
      %dma_wait3A_368 = arith.constant 1 : i32
      %dma_wait3A_369 = arith.constant 0 : i32
      %dma_wait3A_370 = arith.constant 0 : i32
      %dma_wait3A_371 = arith.constant 0 : i32
      %dma_wait3A_372 = tpu.memref_slice %arg8[%dma_wait3A_368, %dma_wait3A_369, %dma_wait3A_370, %dma_wait3A_371] : memref<2x4x128x64xf32, #tpu.memory_space<vmem>> -> memref<1x1x128x64xf32, #tpu.memory_space<vmem>>
      %dma_wait3A_373 = tpu.memref_squeeze %dma_wait3A_372 : memref<1x1x128x64xf32, #tpu.memory_space<vmem>> -> memref<128x64xf32, #tpu.memory_space<vmem>>
      %dma_wait3A_374 = arith.constant 0 : i32
      %dma_wait3A_375 = tpu.memref_slice %arg6[%add3A_367, %dma_wait3A_374] : memref<80x128xi32, #tpu.memory_space<vmem>> -> memref<1x128xi32, #tpu.memory_space<vmem>>
      %dma_wait3A_376 = tpu.memref_squeeze %dma_wait3A_375 : memref<1x128xi32, #tpu.memory_space<vmem>> -> memref<128xi32, #tpu.memory_space<vmem>>
      %dma_wait3A_377 = arith.constant 0 : i32
      %dma_wait3A_378 = arith.constant 0 : i32
      %dma_wait3A_379 = tpu.memref_slice %arg2[%dma_wait3A_377, %dma_wait3A_378] : memref<10240x64xf32, #tpu.memory_space<hbm>> -> memref<10240x64xf32, #tpu.memory_space<hbm>>
      tpu.wait_indirect_dma semaphore(%arg11 : memref<!tpu.dma_semaphore, #tpu.memory_space<semaphore_mem>>) src(%dma_wait3A_379 : memref<10240x64xf32, #tpu.memory_space<hbm>>) dst(%dma_wait3A_373 : memref<128x64xf32, #tpu.memory_space<vmem>>)
      %mul3A_380 = arith.constant 4 : i32
      %mul3A_381 = arith.muli %add3A_169, %mul3A_380 : i32
      %add3A_382 = arith.constant 1 : i32
      %add3A_383 = arith.addi %mul3A_381, %add3A_382 : i32
      %dma_wait3A_384 = arith.constant 1 : i32
      %dma_wait3A_385 = arith.constant 1 : i32
      %dma_wait3A_386 = arith.constant 0 : i32
      %dma_wait3A_387 = arith.constant 0 : i32
      %dma_wait3A_388 = tpu.memref_slice %arg8[%dma_wait3A_384, %dma_wait3A_385, %dma_wait3A_386, %dma_wait3A_387] : memref<2x4x128x64xf32, #tpu.memory_space<vmem>> -> memref<1x1x128x64xf32, #tpu.memory_space<vmem>>
      %dma_wait3A_389 = tpu.memref_squeeze %dma_wait3A_388 : memref<1x1x128x64xf32, #tpu.memory_space<vmem>> -> memref<128x64xf32, #tpu.memory_space<vmem>>
      %dma_wait3A_390 = arith.constant 0 : i32
      %dma_wait3A_391 = tpu.memref_slice %arg6[%add3A_383, %dma_wait3A_390] : memref<80x128xi32, #tpu.memory_space<vmem>> -> memref<1x128xi32, #tpu.memory_space<vmem>>
      %dma_wait3A_392 = tpu.memref_squeeze %dma_wait3A_391 : memref<1x128xi32, #tpu.memory_space<vmem>> -> memref<128xi32, #tpu.memory_space<vmem>>
      %dma_wait3A_393 = arith.constant 0 : i32
      %dma_wait3A_394 = arith.constant 0 : i32
      %dma_wait3A_395 = tpu.memref_slice %arg2[%dma_wait3A_393, %dma_wait3A_394] : memref<10240x64xf32, #tpu.memory_space<hbm>> -> memref<10240x64xf32, #tpu.memory_space<hbm>>
      tpu.wait_indirect_dma semaphore(%arg11 : memref<!tpu.dma_semaphore, #tpu.memory_space<semaphore_mem>>) src(%dma_wait3A_395 : memref<10240x64xf32, #tpu.memory_space<hbm>>) dst(%dma_wait3A_389 : memref<128x64xf32, #tpu.memory_space<vmem>>)
      %mul3A_396 = arith.constant 4 : i32
      %mul3A_397 = arith.muli %add3A_169, %mul3A_396 : i32
      %add3A_398 = arith.constant 2 : i32
      %add3A_399 = arith.addi %mul3A_397, %add3A_398 : i32
      %dma_wait3A_400 = arith.constant 1 : i32
      %dma_wait3A_401 = arith.constant 2 : i32
      %dma_wait3A_402 = arith.constant 0 : i32
      %dma_wait3A_403 = arith.constant 0 : i32
      %dma_wait3A_404 = tpu.memref_slice %arg8[%dma_wait3A_400, %dma_wait3A_401, %dma_wait3A_402, %dma_wait3A_403] : memref<2x4x128x64xf32, #tpu.memory_space<vmem>> -> memref<1x1x128x64xf32, #tpu.memory_space<vmem>>
      %dma_wait3A_405 = tpu.memref_squeeze %dma_wait3A_404 : memref<1x1x128x64xf32, #tpu.memory_space<vmem>> -> memref<128x64xf32, #tpu.memory_space<vmem>>
      %dma_wait3A_406 = arith.constant 0 : i32
      %dma_wait3A_407 = tpu.memref_slice %arg6[%add3A_399, %dma_wait3A_406] : memref<80x128xi32, #tpu.memory_space<vmem>> -> memref<1x128xi32, #tpu.memory_space<vmem>>
      %dma_wait3A_408 = tpu.memref_squeeze %dma_wait3A_407 : memref<1x128xi32, #tpu.memory_space<vmem>> -> memref<128xi32, #tpu.memory_space<vmem>>
      %dma_wait3A_409 = arith.constant 0 : i32
      %dma_wait3A_410 = arith.constant 0 : i32
      %dma_wait3A_411 = tpu.memref_slice %arg2[%dma_wait3A_409, %dma_wait3A_410] : memref<10240x64xf32, #tpu.memory_space<hbm>> -> memref<10240x64xf32, #tpu.memory_space<hbm>>
      tpu.wait_indirect_dma semaphore(%arg11 : memref<!tpu.dma_semaphore, #tpu.memory_space<semaphore_mem>>) src(%dma_wait3A_411 : memref<10240x64xf32, #tpu.memory_space<hbm>>) dst(%dma_wait3A_405 : memref<128x64xf32, #tpu.memory_space<vmem>>)
      %mul3A_412 = arith.constant 4 : i32
      %mul3A_413 = arith.muli %add3A_169, %mul3A_412 : i32
      %add3A_414 = arith.constant 3 : i32
      %add3A_415 = arith.addi %mul3A_413, %add3A_414 : i32
      %dma_wait3A_416 = arith.constant 1 : i32
      %dma_wait3A_417 = arith.constant 3 : i32
      %dma_wait3A_418 = arith.constant 0 : i32
      %dma_wait3A_419 = arith.constant 0 : i32
      %dma_wait3A_420 = tpu.memref_slice %arg8[%dma_wait3A_416, %dma_wait3A_417, %dma_wait3A_418, %dma_wait3A_419] : memref<2x4x128x64xf32, #tpu.memory_space<vmem>> -> memref<1x1x128x64xf32, #tpu.memory_space<vmem>>
      %dma_wait3A_421 = tpu.memref_squeeze %dma_wait3A_420 : memref<1x1x128x64xf32, #tpu.memory_space<vmem>> -> memref<128x64xf32, #tpu.memory_space<vmem>>
      %dma_wait3A_422 = arith.constant 0 : i32
      %dma_wait3A_423 = tpu.memref_slice %arg6[%add3A_415, %dma_wait3A_422] : memref<80x128xi32, #tpu.memory_space<vmem>> -> memref<1x128xi32, #tpu.memory_space<vmem>>
      %dma_wait3A_424 = tpu.memref_squeeze %dma_wait3A_423 : memref<1x128xi32, #tpu.memory_space<vmem>> -> memref<128xi32, #tpu.memory_space<vmem>>
      %dma_wait3A_425 = arith.constant 0 : i32
      %dma_wait3A_426 = arith.constant 0 : i32
      %dma_wait3A_427 = tpu.memref_slice %arg2[%dma_wait3A_425, %dma_wait3A_426] : memref<10240x64xf32, #tpu.memory_space<hbm>> -> memref<10240x64xf32, #tpu.memory_space<hbm>>
      tpu.wait_indirect_dma semaphore(%arg11 : memref<!tpu.dma_semaphore, #tpu.memory_space<semaphore_mem>>) src(%dma_wait3A_427 : memref<10240x64xf32, #tpu.memory_space<hbm>>) dst(%dma_wait3A_421 : memref<128x64xf32, #tpu.memory_space<vmem>>)
      %mul3A_428 = arith.constant 4 : i32
      %mul3A_429 = arith.muli %add3A_169, %mul3A_428 : i32
      %add3A_430 = arith.constant 0 : i32
      %add3A_431 = arith.addi %mul3A_429, %add3A_430 : i32
      %dma_start3A_432 = arith.constant 1 : i32
      %dma_start3A_433 = arith.constant 0 : i32
      %dma_start3A_434 = arith.constant 0 : i32
      %dma_start3A_435 = arith.constant 0 : i32
      %dma_start3A_436 = tpu.memref_slice %arg8[%dma_start3A_432, %dma_start3A_433, %dma_start3A_434, %dma_start3A_435] : memref<2x4x128x64xf32, #tpu.memory_space<vmem>> -> memref<1x1x128x64xf32, #tpu.memory_space<vmem>>
      %dma_start3A_437 = tpu.memref_squeeze %dma_start3A_436 : memref<1x1x128x64xf32, #tpu.memory_space<vmem>> -> memref<128x64xf32, #tpu.memory_space<vmem>>
      %dma_start3A_438 = arith.constant 0 : i32
      %dma_start3A_439 = tpu.memref_slice %arg7[%add3A_431, %dma_start3A_438] : memref<80x128xi32, #tpu.memory_space<vmem>> -> memref<1x128xi32, #tpu.memory_space<vmem>>
      %dma_start3A_440 = tpu.memref_squeeze %dma_start3A_439 : memref<1x128xi32, #tpu.memory_space<vmem>> -> memref<128xi32, #tpu.memory_space<vmem>>
      %dma_start3A_441 = arith.constant 0 : i32
      %dma_start3A_442 = arith.constant 0 : i32
      %dma_start3A_443 = tpu.memref_slice %arg9[%dma_start3A_441, %dma_start3A_442] : memref<10240x64xf32, #tpu.memory_space<vmem_shared>> -> memref<10240x64xf32, #tpu.memory_space<vmem_shared>>
      tpu.enqueue_indirect_dma source(%dma_start3A_437 : memref<128x64xf32, #tpu.memory_space<vmem>>) target(%dma_start3A_443 : memref<10240x64xf32, #tpu.memory_space<vmem_shared>>) offsets(%dma_start3A_440 : memref<128xi32, #tpu.memory_space<vmem>>) semaphore(%arg13 : memref<!tpu.dma_semaphore, #tpu.memory_space<semaphore_mem>>) {add = true}
      %mul3A_444 = arith.constant 4 : i32
      %mul3A_445 = arith.muli %add3A_169, %mul3A_444 : i32
      %add3A_446 = arith.constant 1 : i32
      %add3A_447 = arith.addi %mul3A_445, %add3A_446 : i32
      %dma_start3A_448 = arith.constant 1 : i32
      %dma_start3A_449 = arith.constant 1 : i32
      %dma_start3A_450 = arith.constant 0 : i32
      %dma_start3A_451 = arith.constant 0 : i32
      %dma_start3A_452 = tpu.memref_slice %arg8[%dma_start3A_448, %dma_start3A_449, %dma_start3A_450, %dma_start3A_451] : memref<2x4x128x64xf32, #tpu.memory_space<vmem>> -> memref<1x1x128x64xf32, #tpu.memory_space<vmem>>
      %dma_start3A_453 = tpu.memref_squeeze %dma_start3A_452 : memref<1x1x128x64xf32, #tpu.memory_space<vmem>> -> memref<128x64xf32, #tpu.memory_space<vmem>>
      %dma_start3A_454 = arith.constant 0 : i32
      %dma_start3A_455 = tpu.memref_slice %arg7[%add3A_447, %dma_start3A_454] : memref<80x128xi32, #tpu.memory_space<vmem>> -> memref<1x128xi32, #tpu.memory_space<vmem>>
      %dma_start3A_456 = tpu.memref_squeeze %dma_start3A_455 : memref<1x128xi32, #tpu.memory_space<vmem>> -> memref<128xi32, #tpu.memory_space<vmem>>
      %dma_start3A_457 = arith.constant 0 : i32
      %dma_start3A_458 = arith.constant 0 : i32
      %dma_start3A_459 = tpu.memref_slice %arg9[%dma_start3A_457, %dma_start3A_458] : memref<10240x64xf32, #tpu.memory_space<vmem_shared>> -> memref<10240x64xf32, #tpu.memory_space<vmem_shared>>
      tpu.enqueue_indirect_dma source(%dma_start3A_453 : memref<128x64xf32, #tpu.memory_space<vmem>>) target(%dma_start3A_459 : memref<10240x64xf32, #tpu.memory_space<vmem_shared>>) offsets(%dma_start3A_456 : memref<128xi32, #tpu.memory_space<vmem>>) semaphore(%arg13 : memref<!tpu.dma_semaphore, #tpu.memory_space<semaphore_mem>>) {add = true}
      %mul3A_460 = arith.constant 4 : i32
      %mul3A_461 = arith.muli %add3A_169, %mul3A_460 : i32
      %add3A_462 = arith.constant 2 : i32
      %add3A_463 = arith.addi %mul3A_461, %add3A_462 : i32
      %dma_start3A_464 = arith.constant 1 : i32
      %dma_start3A_465 = arith.constant 2 : i32
      %dma_start3A_466 = arith.constant 0 : i32
      %dma_start3A_467 = arith.constant 0 : i32
      %dma_start3A_468 = tpu.memref_slice %arg8[%dma_start3A_464, %dma_start3A_465, %dma_start3A_466, %dma_start3A_467] : memref<2x4x128x64xf32, #tpu.memory_space<vmem>> -> memref<1x1x128x64xf32, #tpu.memory_space<vmem>>
      %dma_start3A_469 = tpu.memref_squeeze %dma_start3A_468 : memref<1x1x128x64xf32, #tpu.memory_space<vmem>> -> memref<128x64xf32, #tpu.memory_space<vmem>>
      %dma_start3A_470 = arith.constant 0 : i32
      %dma_start3A_471 = tpu.memref_slice %arg7[%add3A_463, %dma_start3A_470] : memref<80x128xi32, #tpu.memory_space<vmem>> -> memref<1x128xi32, #tpu.memory_space<vmem>>
      %dma_start3A_472 = tpu.memref_squeeze %dma_start3A_471 : memref<1x128xi32, #tpu.memory_space<vmem>> -> memref<128xi32, #tpu.memory_space<vmem>>
      %dma_start3A_473 = arith.constant 0 : i32
      %dma_start3A_474 = arith.constant 0 : i32
      %dma_start3A_475 = tpu.memref_slice %arg9[%dma_start3A_473, %dma_start3A_474] : memref<10240x64xf32, #tpu.memory_space<vmem_shared>> -> memref<10240x64xf32, #tpu.memory_space<vmem_shared>>
      tpu.enqueue_indirect_dma source(%dma_start3A_469 : memref<128x64xf32, #tpu.memory_space<vmem>>) target(%dma_start3A_475 : memref<10240x64xf32, #tpu.memory_space<vmem_shared>>) offsets(%dma_start3A_472 : memref<128xi32, #tpu.memory_space<vmem>>) semaphore(%arg13 : memref<!tpu.dma_semaphore, #tpu.memory_space<semaphore_mem>>) {add = true}
      %mul3A_476 = arith.constant 4 : i32
      %mul3A_477 = arith.muli %add3A_169, %mul3A_476 : i32
      %add3A_478 = arith.constant 3 : i32
      %add3A_479 = arith.addi %mul3A_477, %add3A_478 : i32
      %dma_start3A_480 = arith.constant 1 : i32
      %dma_start3A_481 = arith.constant 3 : i32
      %dma_start3A_482 = arith.constant 0 : i32
      %dma_start3A_483 = arith.constant 0 : i32
      %dma_start3A_484 = tpu.memref_slice %arg8[%dma_start3A_480, %dma_start3A_481, %dma_start3A_482, %dma_start3A_483] : memref<2x4x128x64xf32, #tpu.memory_space<vmem>> -> memref<1x1x128x64xf32, #tpu.memory_space<vmem>>
      %dma_start3A_485 = tpu.memref_squeeze %dma_start3A_484 : memref<1x1x128x64xf32, #tpu.memory_space<vmem>> -> memref<128x64xf32, #tpu.memory_space<vmem>>
      %dma_start3A_486 = arith.constant 0 : i32
      %dma_start3A_487 = tpu.memref_slice %arg7[%add3A_479, %dma_start3A_486] : memref<80x128xi32, #tpu.memory_space<vmem>> -> memref<1x128xi32, #tpu.memory_space<vmem>>
      %dma_start3A_488 = tpu.memref_squeeze %dma_start3A_487 : memref<1x128xi32, #tpu.memory_space<vmem>> -> memref<128xi32, #tpu.memory_space<vmem>>
      %dma_start3A_489 = arith.constant 0 : i32
      %dma_start3A_490 = arith.constant 0 : i32
      %dma_start3A_491 = tpu.memref_slice %arg9[%dma_start3A_489, %dma_start3A_490] : memref<10240x64xf32, #tpu.memory_space<vmem_shared>> -> memref<10240x64xf32, #tpu.memory_space<vmem_shared>>
      tpu.enqueue_indirect_dma source(%dma_start3A_485 : memref<128x64xf32, #tpu.memory_space<vmem>>) target(%dma_start3A_491 : memref<10240x64xf32, #tpu.memory_space<vmem_shared>>) offsets(%dma_start3A_488 : memref<128xi32, #tpu.memory_space<vmem>>) semaphore(%arg13 : memref<!tpu.dma_semaphore, #tpu.memory_space<semaphore_mem>>) {add = true}
      %lt3A = arith.constant 9 : i32
      %lt3A_492 = arith.cmpi slt, %scan3A_163, %lt3A : i32
      %convert_element_type3A_493 = arith.extui %lt3A_492 : i1 to i32
      %cond3A_494 = arith.constant 0 : i32
      %cond3A_495 = arith.cmpi ne, %convert_element_type3A_493, %cond3A_494 : i32
      scf.if %cond3A_495 {
        %mul3A_496 = arith.constant 4 : i32
        %mul3A_497 = arith.muli %mul3A_165, %mul3A_496 : i32
        %add3A_498 = arith.constant 0 : i32
        %add3A_499 = arith.addi %mul3A_497, %add3A_498 : i32
        %dma_wait3A_500 = arith.constant 0 : i32
        %dma_wait3A_501 = arith.constant 0 : i32
        %dma_wait3A_502 = arith.constant 0 : i32
        %dma_wait3A_503 = arith.constant 0 : i32
        %dma_wait3A_504 = tpu.memref_slice %arg8[%dma_wait3A_500, %dma_wait3A_501, %dma_wait3A_502, %dma_wait3A_503] : memref<2x4x128x64xf32, #tpu.memory_space<vmem>> -> memref<1x1x128x64xf32, #tpu.memory_space<vmem>>
        %dma_wait3A_505 = tpu.memref_squeeze %dma_wait3A_504 : memref<1x1x128x64xf32, #tpu.memory_space<vmem>> -> memref<128x64xf32, #tpu.memory_space<vmem>>
        %dma_wait3A_506 = arith.constant 0 : i32
        %dma_wait3A_507 = tpu.memref_slice %arg7[%add3A_499, %dma_wait3A_506] : memref<80x128xi32, #tpu.memory_space<vmem>> -> memref<1x128xi32, #tpu.memory_space<vmem>>
        %dma_wait3A_508 = tpu.memref_squeeze %dma_wait3A_507 : memref<1x128xi32, #tpu.memory_space<vmem>> -> memref<128xi32, #tpu.memory_space<vmem>>
        %dma_wait3A_509 = arith.constant 0 : i32
        %dma_wait3A_510 = arith.constant 0 : i32
        %dma_wait3A_511 = tpu.memref_slice %arg9[%dma_wait3A_509, %dma_wait3A_510] : memref<10240x64xf32, #tpu.memory_space<vmem_shared>> -> memref<10240x64xf32, #tpu.memory_space<vmem_shared>>
        tpu.wait_indirect_dma semaphore(%arg12 : memref<!tpu.dma_semaphore, #tpu.memory_space<semaphore_mem>>) src(%dma_wait3A_505 : memref<128x64xf32, #tpu.memory_space<vmem>>) dst(%dma_wait3A_511 : memref<10240x64xf32, #tpu.memory_space<vmem_shared>>)
        %mul3A_512 = arith.constant 4 : i32
        %mul3A_513 = arith.muli %mul3A_165, %mul3A_512 : i32
        %add3A_514 = arith.constant 1 : i32
        %add3A_515 = arith.addi %mul3A_513, %add3A_514 : i32
        %dma_wait3A_516 = arith.constant 0 : i32
        %dma_wait3A_517 = arith.constant 1 : i32
        %dma_wait3A_518 = arith.constant 0 : i32
        %dma_wait3A_519 = arith.constant 0 : i32
        %dma_wait3A_520 = tpu.memref_slice %arg8[%dma_wait3A_516, %dma_wait3A_517, %dma_wait3A_518, %dma_wait3A_519] : memref<2x4x128x64xf32, #tpu.memory_space<vmem>> -> memref<1x1x128x64xf32, #tpu.memory_space<vmem>>
        %dma_wait3A_521 = tpu.memref_squeeze %dma_wait3A_520 : memref<1x1x128x64xf32, #tpu.memory_space<vmem>> -> memref<128x64xf32, #tpu.memory_space<vmem>>
        %dma_wait3A_522 = arith.constant 0 : i32
        %dma_wait3A_523 = tpu.memref_slice %arg7[%add3A_515, %dma_wait3A_522] : memref<80x128xi32, #tpu.memory_space<vmem>> -> memref<1x128xi32, #tpu.memory_space<vmem>>
        %dma_wait3A_524 = tpu.memref_squeeze %dma_wait3A_523 : memref<1x128xi32, #tpu.memory_space<vmem>> -> memref<128xi32, #tpu.memory_space<vmem>>
        %dma_wait3A_525 = arith.constant 0 : i32
        %dma_wait3A_526 = arith.constant 0 : i32
        %dma_wait3A_527 = tpu.memref_slice %arg9[%dma_wait3A_525, %dma_wait3A_526] : memref<10240x64xf32, #tpu.memory_space<vmem_shared>> -> memref<10240x64xf32, #tpu.memory_space<vmem_shared>>
        tpu.wait_indirect_dma semaphore(%arg12 : memref<!tpu.dma_semaphore, #tpu.memory_space<semaphore_mem>>) src(%dma_wait3A_521 : memref<128x64xf32, #tpu.memory_space<vmem>>) dst(%dma_wait3A_527 : memref<10240x64xf32, #tpu.memory_space<vmem_shared>>)
        %mul3A_528 = arith.constant 4 : i32
        %mul3A_529 = arith.muli %mul3A_165, %mul3A_528 : i32
        %add3A_530 = arith.constant 2 : i32
        %add3A_531 = arith.addi %mul3A_529, %add3A_530 : i32
        %dma_wait3A_532 = arith.constant 0 : i32
        %dma_wait3A_533 = arith.constant 2 : i32
        %dma_wait3A_534 = arith.constant 0 : i32
        %dma_wait3A_535 = arith.constant 0 : i32
        %dma_wait3A_536 = tpu.memref_slice %arg8[%dma_wait3A_532, %dma_wait3A_533, %dma_wait3A_534, %dma_wait3A_535] : memref<2x4x128x64xf32, #tpu.memory_space<vmem>> -> memref<1x1x128x64xf32, #tpu.memory_space<vmem>>
        %dma_wait3A_537 = tpu.memref_squeeze %dma_wait3A_536 : memref<1x1x128x64xf32, #tpu.memory_space<vmem>> -> memref<128x64xf32, #tpu.memory_space<vmem>>
        %dma_wait3A_538 = arith.constant 0 : i32
        %dma_wait3A_539 = tpu.memref_slice %arg7[%add3A_531, %dma_wait3A_538] : memref<80x128xi32, #tpu.memory_space<vmem>> -> memref<1x128xi32, #tpu.memory_space<vmem>>
        %dma_wait3A_540 = tpu.memref_squeeze %dma_wait3A_539 : memref<1x128xi32, #tpu.memory_space<vmem>> -> memref<128xi32, #tpu.memory_space<vmem>>
        %dma_wait3A_541 = arith.constant 0 : i32
        %dma_wait3A_542 = arith.constant 0 : i32
        %dma_wait3A_543 = tpu.memref_slice %arg9[%dma_wait3A_541, %dma_wait3A_542] : memref<10240x64xf32, #tpu.memory_space<vmem_shared>> -> memref<10240x64xf32, #tpu.memory_space<vmem_shared>>
        tpu.wait_indirect_dma semaphore(%arg12 : memref<!tpu.dma_semaphore, #tpu.memory_space<semaphore_mem>>) src(%dma_wait3A_537 : memref<128x64xf32, #tpu.memory_space<vmem>>) dst(%dma_wait3A_543 : memref<10240x64xf32, #tpu.memory_space<vmem_shared>>)
        %mul3A_544 = arith.constant 4 : i32
        %mul3A_545 = arith.muli %mul3A_165, %mul3A_544 : i32
        %add3A_546 = arith.constant 3 : i32
        %add3A_547 = arith.addi %mul3A_545, %add3A_546 : i32
        %dma_wait3A_548 = arith.constant 0 : i32
        %dma_wait3A_549 = arith.constant 3 : i32
        %dma_wait3A_550 = arith.constant 0 : i32
        %dma_wait3A_551 = arith.constant 0 : i32
        %dma_wait3A_552 = tpu.memref_slice %arg8[%dma_wait3A_548, %dma_wait3A_549, %dma_wait3A_550, %dma_wait3A_551] : memref<2x4x128x64xf32, #tpu.memory_space<vmem>> -> memref<1x1x128x64xf32, #tpu.memory_space<vmem>>
        %dma_wait3A_553 = tpu.memref_squeeze %dma_wait3A_552 : memref<1x1x128x64xf32, #tpu.memory_space<vmem>> -> memref<128x64xf32, #tpu.memory_space<vmem>>
        %dma_wait3A_554 = arith.constant 0 : i32
        %dma_wait3A_555 = tpu.memref_slice %arg7[%add3A_547, %dma_wait3A_554] : memref<80x128xi32, #tpu.memory_space<vmem>> -> memref<1x128xi32, #tpu.memory_space<vmem>>
        %dma_wait3A_556 = tpu.memref_squeeze %dma_wait3A_555 : memref<1x128xi32, #tpu.memory_space<vmem>> -> memref<128xi32, #tpu.memory_space<vmem>>
        %dma_wait3A_557 = arith.constant 0 : i32
        %dma_wait3A_558 = arith.constant 0 : i32
        %dma_wait3A_559 = tpu.memref_slice %arg9[%dma_wait3A_557, %dma_wait3A_558] : memref<10240x64xf32, #tpu.memory_space<vmem_shared>> -> memref<10240x64xf32, #tpu.memory_space<vmem_shared>>
        tpu.wait_indirect_dma semaphore(%arg12 : memref<!tpu.dma_semaphore, #tpu.memory_space<semaphore_mem>>) src(%dma_wait3A_553 : memref<128x64xf32, #tpu.memory_space<vmem>>) dst(%dma_wait3A_559 : memref<10240x64xf32, #tpu.memory_space<vmem_shared>>)
        %add3A_560 = arith.constant 2 : i32
        %add3A_561 = arith.addi %mul3A_165, %add3A_560 : i32
        %mul3A_562 = arith.constant 4 : i32
        %mul3A_563 = arith.muli %add3A_561, %mul3A_562 : i32
        %add3A_564 = arith.constant 0 : i32
        %add3A_565 = arith.addi %mul3A_563, %add3A_564 : i32
        %dma_start3A_566 = arith.constant 0 : i32
        %dma_start3A_567 = arith.constant 0 : i32
        %dma_start3A_568 = arith.constant 0 : i32
        %dma_start3A_569 = arith.constant 0 : i32
        %dma_start3A_570 = tpu.memref_slice %arg8[%dma_start3A_566, %dma_start3A_567, %dma_start3A_568, %dma_start3A_569] : memref<2x4x128x64xf32, #tpu.memory_space<vmem>> -> memref<1x1x128x64xf32, #tpu.memory_space<vmem>>
        %dma_start3A_571 = tpu.memref_squeeze %dma_start3A_570 : memref<1x1x128x64xf32, #tpu.memory_space<vmem>> -> memref<128x64xf32, #tpu.memory_space<vmem>>
        %dma_start3A_572 = arith.constant 0 : i32
        %dma_start3A_573 = tpu.memref_slice %arg6[%add3A_565, %dma_start3A_572] : memref<80x128xi32, #tpu.memory_space<vmem>> -> memref<1x128xi32, #tpu.memory_space<vmem>>
        %dma_start3A_574 = tpu.memref_squeeze %dma_start3A_573 : memref<1x128xi32, #tpu.memory_space<vmem>> -> memref<128xi32, #tpu.memory_space<vmem>>
        %dma_start3A_575 = arith.constant 0 : i32
        %dma_start3A_576 = arith.constant 0 : i32
        %dma_start3A_577 = tpu.memref_slice %arg2[%dma_start3A_575, %dma_start3A_576] : memref<10240x64xf32, #tpu.memory_space<hbm>> -> memref<10240x64xf32, #tpu.memory_space<hbm>>
        tpu.enqueue_indirect_dma source(%dma_start3A_577 : memref<10240x64xf32, #tpu.memory_space<hbm>>) target(%dma_start3A_571 : memref<128x64xf32, #tpu.memory_space<vmem>>) offsets(%dma_start3A_574 : memref<128xi32, #tpu.memory_space<vmem>>) semaphore(%arg10 : memref<!tpu.dma_semaphore, #tpu.memory_space<semaphore_mem>>)
        %mul3A_578 = arith.constant 4 : i32
        %mul3A_579 = arith.muli %add3A_561, %mul3A_578 : i32
        %add3A_580 = arith.constant 1 : i32
        %add3A_581 = arith.addi %mul3A_579, %add3A_580 : i32
        %dma_start3A_582 = arith.constant 0 : i32
        %dma_start3A_583 = arith.constant 1 : i32
        %dma_start3A_584 = arith.constant 0 : i32
        %dma_start3A_585 = arith.constant 0 : i32
        %dma_start3A_586 = tpu.memref_slice %arg8[%dma_start3A_582, %dma_start3A_583, %dma_start3A_584, %dma_start3A_585] : memref<2x4x128x64xf32, #tpu.memory_space<vmem>> -> memref<1x1x128x64xf32, #tpu.memory_space<vmem>>
        %dma_start3A_587 = tpu.memref_squeeze %dma_start3A_586 : memref<1x1x128x64xf32, #tpu.memory_space<vmem>> -> memref<128x64xf32, #tpu.memory_space<vmem>>
        %dma_start3A_588 = arith.constant 0 : i32
        %dma_start3A_589 = tpu.memref_slice %arg6[%add3A_581, %dma_start3A_588] : memref<80x128xi32, #tpu.memory_space<vmem>> -> memref<1x128xi32, #tpu.memory_space<vmem>>
        %dma_start3A_590 = tpu.memref_squeeze %dma_start3A_589 : memref<1x128xi32, #tpu.memory_space<vmem>> -> memref<128xi32, #tpu.memory_space<vmem>>
        %dma_start3A_591 = arith.constant 0 : i32
        %dma_start3A_592 = arith.constant 0 : i32
        %dma_start3A_593 = tpu.memref_slice %arg2[%dma_start3A_591, %dma_start3A_592] : memref<10240x64xf32, #tpu.memory_space<hbm>> -> memref<10240x64xf32, #tpu.memory_space<hbm>>
        tpu.enqueue_indirect_dma source(%dma_start3A_593 : memref<10240x64xf32, #tpu.memory_space<hbm>>) target(%dma_start3A_587 : memref<128x64xf32, #tpu.memory_space<vmem>>) offsets(%dma_start3A_590 : memref<128xi32, #tpu.memory_space<vmem>>) semaphore(%arg10 : memref<!tpu.dma_semaphore, #tpu.memory_space<semaphore_mem>>)
        %mul3A_594 = arith.constant 4 : i32
        %mul3A_595 = arith.muli %add3A_561, %mul3A_594 : i32
        %add3A_596 = arith.constant 2 : i32
        %add3A_597 = arith.addi %mul3A_595, %add3A_596 : i32
        %dma_start3A_598 = arith.constant 0 : i32
        %dma_start3A_599 = arith.constant 2 : i32
        %dma_start3A_600 = arith.constant 0 : i32
        %dma_start3A_601 = arith.constant 0 : i32
        %dma_start3A_602 = tpu.memref_slice %arg8[%dma_start3A_598, %dma_start3A_599, %dma_start3A_600, %dma_start3A_601] : memref<2x4x128x64xf32, #tpu.memory_space<vmem>> -> memref<1x1x128x64xf32, #tpu.memory_space<vmem>>
        %dma_start3A_603 = tpu.memref_squeeze %dma_start3A_602 : memref<1x1x128x64xf32, #tpu.memory_space<vmem>> -> memref<128x64xf32, #tpu.memory_space<vmem>>
        %dma_start3A_604 = arith.constant 0 : i32
        %dma_start3A_605 = tpu.memref_slice %arg6[%add3A_597, %dma_start3A_604] : memref<80x128xi32, #tpu.memory_space<vmem>> -> memref<1x128xi32, #tpu.memory_space<vmem>>
        %dma_start3A_606 = tpu.memref_squeeze %dma_start3A_605 : memref<1x128xi32, #tpu.memory_space<vmem>> -> memref<128xi32, #tpu.memory_space<vmem>>
        %dma_start3A_607 = arith.constant 0 : i32
        %dma_start3A_608 = arith.constant 0 : i32
        %dma_start3A_609 = tpu.memref_slice %arg2[%dma_start3A_607, %dma_start3A_608] : memref<10240x64xf32, #tpu.memory_space<hbm>> -> memref<10240x64xf32, #tpu.memory_space<hbm>>
        tpu.enqueue_indirect_dma source(%dma_start3A_609 : memref<10240x64xf32, #tpu.memory_space<hbm>>) target(%dma_start3A_603 : memref<128x64xf32, #tpu.memory_space<vmem>>) offsets(%dma_start3A_606 : memref<128xi32, #tpu.memory_space<vmem>>) semaphore(%arg10 : memref<!tpu.dma_semaphore, #tpu.memory_space<semaphore_mem>>)
        %mul3A_610 = arith.constant 4 : i32
        %mul3A_611 = arith.muli %add3A_561, %mul3A_610 : i32
        %add3A_612 = arith.constant 3 : i32
        %add3A_613 = arith.addi %mul3A_611, %add3A_612 : i32
        %dma_start3A_614 = arith.constant 0 : i32
        %dma_start3A_615 = arith.constant 3 : i32
        %dma_start3A_616 = arith.constant 0 : i32
        %dma_start3A_617 = arith.constant 0 : i32
        %dma_start3A_618 = tpu.memref_slice %arg8[%dma_start3A_614, %dma_start3A_615, %dma_start3A_616, %dma_start3A_617] : memref<2x4x128x64xf32, #tpu.memory_space<vmem>> -> memref<1x1x128x64xf32, #tpu.memory_space<vmem>>
        %dma_start3A_619 = tpu.memref_squeeze %dma_start3A_618 : memref<1x1x128x64xf32, #tpu.memory_space<vmem>> -> memref<128x64xf32, #tpu.memory_space<vmem>>
        %dma_start3A_620 = arith.constant 0 : i32
        %dma_start3A_621 = tpu.memref_slice %arg6[%add3A_613, %dma_start3A_620] : memref<80x128xi32, #tpu.memory_space<vmem>> -> memref<1x128xi32, #tpu.memory_space<vmem>>
        %dma_start3A_622 = tpu.memref_squeeze %dma_start3A_621 : memref<1x128xi32, #tpu.memory_space<vmem>> -> memref<128xi32, #tpu.memory_space<vmem>>
        %dma_start3A_623 = arith.constant 0 : i32
        %dma_start3A_624 = arith.constant 0 : i32
        %dma_start3A_625 = tpu.memref_slice %arg2[%dma_start3A_623, %dma_start3A_624] : memref<10240x64xf32, #tpu.memory_space<hbm>> -> memref<10240x64xf32, #tpu.memory_space<hbm>>
        tpu.enqueue_indirect_dma source(%dma_start3A_625 : memref<10240x64xf32, #tpu.memory_space<hbm>>) target(%dma_start3A_619 : memref<128x64xf32, #tpu.memory_space<vmem>>) offsets(%dma_start3A_622 : memref<128xi32, #tpu.memory_space<vmem>>) semaphore(%arg10 : memref<!tpu.dma_semaphore, #tpu.memory_space<semaphore_mem>>)
      } else {
      }
    }
    %scan3A_58 = arith.constant 10 : i32
    %dma_wait3A = arith.constant 0 : i32
    %dma_wait3A_59 = arith.constant 0 : i32
    %dma_wait3A_60 = arith.constant 72 : i32
    %dma_wait3A_61 = arith.constant 0 : i32
    %dma_wait3A_62 = arith.constant 0 : i32
    %dma_wait3A_63 = tpu.memref_slice %arg8[%dma_wait3A, %dma_wait3A_59, %dma_wait3A_61, %dma_wait3A_62] : memref<2x4x128x64xf32, #tpu.memory_space<vmem>> -> memref<1x1x128x64xf32, #tpu.memory_space<vmem>>
    %dma_wait3A_64 = tpu.memref_squeeze %dma_wait3A_63 : memref<1x1x128x64xf32, #tpu.memory_space<vmem>> -> memref<128x64xf32, #tpu.memory_space<vmem>>
    %dma_wait3A_65 = arith.constant 0 : i32
    %dma_wait3A_66 = tpu.memref_slice %arg7[%dma_wait3A_60, %dma_wait3A_65] : memref<80x128xi32, #tpu.memory_space<vmem>> -> memref<1x128xi32, #tpu.memory_space<vmem>>
    %dma_wait3A_67 = tpu.memref_squeeze %dma_wait3A_66 : memref<1x128xi32, #tpu.memory_space<vmem>> -> memref<128xi32, #tpu.memory_space<vmem>>
    %dma_wait3A_68 = arith.constant 0 : i32
    %dma_wait3A_69 = arith.constant 0 : i32
    %dma_wait3A_70 = tpu.memref_slice %arg9[%dma_wait3A_68, %dma_wait3A_69] : memref<10240x64xf32, #tpu.memory_space<vmem_shared>> -> memref<10240x64xf32, #tpu.memory_space<vmem_shared>>
    tpu.wait_indirect_dma semaphore(%arg12 : memref<!tpu.dma_semaphore, #tpu.memory_space<semaphore_mem>>) src(%dma_wait3A_64 : memref<128x64xf32, #tpu.memory_space<vmem>>) dst(%dma_wait3A_70 : memref<10240x64xf32, #tpu.memory_space<vmem_shared>>)
    %dma_wait3A_71 = arith.constant 0 : i32
    %dma_wait3A_72 = arith.constant 1 : i32
    %dma_wait3A_73 = arith.constant 73 : i32
    %dma_wait3A_74 = arith.constant 0 : i32
    %dma_wait3A_75 = arith.constant 0 : i32
    %dma_wait3A_76 = tpu.memref_slice %arg8[%dma_wait3A_71, %dma_wait3A_72, %dma_wait3A_74, %dma_wait3A_75] : memref<2x4x128x64xf32, #tpu.memory_space<vmem>> -> memref<1x1x128x64xf32, #tpu.memory_space<vmem>>
    %dma_wait3A_77 = tpu.memref_squeeze %dma_wait3A_76 : memref<1x1x128x64xf32, #tpu.memory_space<vmem>> -> memref<128x64xf32, #tpu.memory_space<vmem>>
    %dma_wait3A_78 = arith.constant 0 : i32
    %dma_wait3A_79 = tpu.memref_slice %arg7[%dma_wait3A_73, %dma_wait3A_78] : memref<80x128xi32, #tpu.memory_space<vmem>> -> memref<1x128xi32, #tpu.memory_space<vmem>>
    %dma_wait3A_80 = tpu.memref_squeeze %dma_wait3A_79 : memref<1x128xi32, #tpu.memory_space<vmem>> -> memref<128xi32, #tpu.memory_space<vmem>>
    %dma_wait3A_81 = arith.constant 0 : i32
    %dma_wait3A_82 = arith.constant 0 : i32
    %dma_wait3A_83 = tpu.memref_slice %arg9[%dma_wait3A_81, %dma_wait3A_82] : memref<10240x64xf32, #tpu.memory_space<vmem_shared>> -> memref<10240x64xf32, #tpu.memory_space<vmem_shared>>
    tpu.wait_indirect_dma semaphore(%arg12 : memref<!tpu.dma_semaphore, #tpu.memory_space<semaphore_mem>>) src(%dma_wait3A_77 : memref<128x64xf32, #tpu.memory_space<vmem>>) dst(%dma_wait3A_83 : memref<10240x64xf32, #tpu.memory_space<vmem_shared>>)
    %dma_wait3A_84 = arith.constant 0 : i32
    %dma_wait3A_85 = arith.constant 2 : i32
    %dma_wait3A_86 = arith.constant 74 : i32
    %dma_wait3A_87 = arith.constant 0 : i32
    %dma_wait3A_88 = arith.constant 0 : i32
    %dma_wait3A_89 = tpu.memref_slice %arg8[%dma_wait3A_84, %dma_wait3A_85, %dma_wait3A_87, %dma_wait3A_88] : memref<2x4x128x64xf32, #tpu.memory_space<vmem>> -> memref<1x1x128x64xf32, #tpu.memory_space<vmem>>
    %dma_wait3A_90 = tpu.memref_squeeze %dma_wait3A_89 : memref<1x1x128x64xf32, #tpu.memory_space<vmem>> -> memref<128x64xf32, #tpu.memory_space<vmem>>
    %dma_wait3A_91 = arith.constant 0 : i32
    %dma_wait3A_92 = tpu.memref_slice %arg7[%dma_wait3A_86, %dma_wait3A_91] : memref<80x128xi32, #tpu.memory_space<vmem>> -> memref<1x128xi32, #tpu.memory_space<vmem>>
    %dma_wait3A_93 = tpu.memref_squeeze %dma_wait3A_92 : memref<1x128xi32, #tpu.memory_space<vmem>> -> memref<128xi32, #tpu.memory_space<vmem>>
    %dma_wait3A_94 = arith.constant 0 : i32
    %dma_wait3A_95 = arith.constant 0 : i32
    %dma_wait3A_96 = tpu.memref_slice %arg9[%dma_wait3A_94, %dma_wait3A_95] : memref<10240x64xf32, #tpu.memory_space<vmem_shared>> -> memref<10240x64xf32, #tpu.memory_space<vmem_shared>>
    tpu.wait_indirect_dma semaphore(%arg12 : memref<!tpu.dma_semaphore, #tpu.memory_space<semaphore_mem>>) src(%dma_wait3A_90 : memref<128x64xf32, #tpu.memory_space<vmem>>) dst(%dma_wait3A_96 : memref<10240x64xf32, #tpu.memory_space<vmem_shared>>)
    %dma_wait3A_97 = arith.constant 0 : i32
    %dma_wait3A_98 = arith.constant 3 : i32
    %dma_wait3A_99 = arith.constant 75 : i32
    %dma_wait3A_100 = arith.constant 0 : i32
    %dma_wait3A_101 = arith.constant 0 : i32
    %dma_wait3A_102 = tpu.memref_slice %arg8[%dma_wait3A_97, %dma_wait3A_98, %dma_wait3A_100, %dma_wait3A_101] : memref<2x4x128x64xf32, #tpu.memory_space<vmem>> -> memref<1x1x128x64xf32, #tpu.memory_space<vmem>>
    %dma_wait3A_103 = tpu.memref_squeeze %dma_wait3A_102 : memref<1x1x128x64xf32, #tpu.memory_space<vmem>> -> memref<128x64xf32, #tpu.memory_space<vmem>>
    %dma_wait3A_104 = arith.constant 0 : i32
    %dma_wait3A_105 = tpu.memref_slice %arg7[%dma_wait3A_99, %dma_wait3A_104] : memref<80x128xi32, #tpu.memory_space<vmem>> -> memref<1x128xi32, #tpu.memory_space<vmem>>
    %dma_wait3A_106 = tpu.memref_squeeze %dma_wait3A_105 : memref<1x128xi32, #tpu.memory_space<vmem>> -> memref<128xi32, #tpu.memory_space<vmem>>
    %dma_wait3A_107 = arith.constant 0 : i32
    %dma_wait3A_108 = arith.constant 0 : i32
    %dma_wait3A_109 = tpu.memref_slice %arg9[%dma_wait3A_107, %dma_wait3A_108] : memref<10240x64xf32, #tpu.memory_space<vmem_shared>> -> memref<10240x64xf32, #tpu.memory_space<vmem_shared>>
    tpu.wait_indirect_dma semaphore(%arg12 : memref<!tpu.dma_semaphore, #tpu.memory_space<semaphore_mem>>) src(%dma_wait3A_103 : memref<128x64xf32, #tpu.memory_space<vmem>>) dst(%dma_wait3A_109 : memref<10240x64xf32, #tpu.memory_space<vmem_shared>>)
    %dma_wait3A_110 = arith.constant 1 : i32
    %dma_wait3A_111 = arith.constant 0 : i32
    %dma_wait3A_112 = arith.constant 76 : i32
    %dma_wait3A_113 = arith.constant 0 : i32
    %dma_wait3A_114 = arith.constant 0 : i32
    %dma_wait3A_115 = tpu.memref_slice %arg8[%dma_wait3A_110, %dma_wait3A_111, %dma_wait3A_113, %dma_wait3A_114] : memref<2x4x128x64xf32, #tpu.memory_space<vmem>> -> memref<1x1x128x64xf32, #tpu.memory_space<vmem>>
    %dma_wait3A_116 = tpu.memref_squeeze %dma_wait3A_115 : memref<1x1x128x64xf32, #tpu.memory_space<vmem>> -> memref<128x64xf32, #tpu.memory_space<vmem>>
    %dma_wait3A_117 = arith.constant 0 : i32
    %dma_wait3A_118 = tpu.memref_slice %arg7[%dma_wait3A_112, %dma_wait3A_117] : memref<80x128xi32, #tpu.memory_space<vmem>> -> memref<1x128xi32, #tpu.memory_space<vmem>>
    %dma_wait3A_119 = tpu.memref_squeeze %dma_wait3A_118 : memref<1x128xi32, #tpu.memory_space<vmem>> -> memref<128xi32, #tpu.memory_space<vmem>>
    %dma_wait3A_120 = arith.constant 0 : i32
    %dma_wait3A_121 = arith.constant 0 : i32
    %dma_wait3A_122 = tpu.memref_slice %arg9[%dma_wait3A_120, %dma_wait3A_121] : memref<10240x64xf32, #tpu.memory_space<vmem_shared>> -> memref<10240x64xf32, #tpu.memory_space<vmem_shared>>
    tpu.wait_indirect_dma semaphore(%arg13 : memref<!tpu.dma_semaphore, #tpu.memory_space<semaphore_mem>>) src(%dma_wait3A_116 : memref<128x64xf32, #tpu.memory_space<vmem>>) dst(%dma_wait3A_122 : memref<10240x64xf32, #tpu.memory_space<vmem_shared>>)
    %dma_wait3A_123 = arith.constant 1 : i32
    %dma_wait3A_124 = arith.constant 1 : i32
    %dma_wait3A_125 = arith.constant 77 : i32
    %dma_wait3A_126 = arith.constant 0 : i32
    %dma_wait3A_127 = arith.constant 0 : i32
    %dma_wait3A_128 = tpu.memref_slice %arg8[%dma_wait3A_123, %dma_wait3A_124, %dma_wait3A_126, %dma_wait3A_127] : memref<2x4x128x64xf32, #tpu.memory_space<vmem>> -> memref<1x1x128x64xf32, #tpu.memory_space<vmem>>
    %dma_wait3A_129 = tpu.memref_squeeze %dma_wait3A_128 : memref<1x1x128x64xf32, #tpu.memory_space<vmem>> -> memref<128x64xf32, #tpu.memory_space<vmem>>
    %dma_wait3A_130 = arith.constant 0 : i32
    %dma_wait3A_131 = tpu.memref_slice %arg7[%dma_wait3A_125, %dma_wait3A_130] : memref<80x128xi32, #tpu.memory_space<vmem>> -> memref<1x128xi32, #tpu.memory_space<vmem>>
    %dma_wait3A_132 = tpu.memref_squeeze %dma_wait3A_131 : memref<1x128xi32, #tpu.memory_space<vmem>> -> memref<128xi32, #tpu.memory_space<vmem>>
    %dma_wait3A_133 = arith.constant 0 : i32
    %dma_wait3A_134 = arith.constant 0 : i32
    %dma_wait3A_135 = tpu.memref_slice %arg9[%dma_wait3A_133, %dma_wait3A_134] : memref<10240x64xf32, #tpu.memory_space<vmem_shared>> -> memref<10240x64xf32, #tpu.memory_space<vmem_shared>>
    tpu.wait_indirect_dma semaphore(%arg13 : memref<!tpu.dma_semaphore, #tpu.memory_space<semaphore_mem>>) src(%dma_wait3A_129 : memref<128x64xf32, #tpu.memory_space<vmem>>) dst(%dma_wait3A_135 : memref<10240x64xf32, #tpu.memory_space<vmem_shared>>)
    %dma_wait3A_136 = arith.constant 1 : i32
    %dma_wait3A_137 = arith.constant 2 : i32
    %dma_wait3A_138 = arith.constant 78 : i32
    %dma_wait3A_139 = arith.constant 0 : i32
    %dma_wait3A_140 = arith.constant 0 : i32
    %dma_wait3A_141 = tpu.memref_slice %arg8[%dma_wait3A_136, %dma_wait3A_137, %dma_wait3A_139, %dma_wait3A_140] : memref<2x4x128x64xf32, #tpu.memory_space<vmem>> -> memref<1x1x128x64xf32, #tpu.memory_space<vmem>>
    %dma_wait3A_142 = tpu.memref_squeeze %dma_wait3A_141 : memref<1x1x128x64xf32, #tpu.memory_space<vmem>> -> memref<128x64xf32, #tpu.memory_space<vmem>>
    %dma_wait3A_143 = arith.constant 0 : i32
    %dma_wait3A_144 = tpu.memref_slice %arg7[%dma_wait3A_138, %dma_wait3A_143] : memref<80x128xi32, #tpu.memory_space<vmem>> -> memref<1x128xi32, #tpu.memory_space<vmem>>
    %dma_wait3A_145 = tpu.memref_squeeze %dma_wait3A_144 : memref<1x128xi32, #tpu.memory_space<vmem>> -> memref<128xi32, #tpu.memory_space<vmem>>
    %dma_wait3A_146 = arith.constant 0 : i32
    %dma_wait3A_147 = arith.constant 0 : i32
    %dma_wait3A_148 = tpu.memref_slice %arg9[%dma_wait3A_146, %dma_wait3A_147] : memref<10240x64xf32, #tpu.memory_space<vmem_shared>> -> memref<10240x64xf32, #tpu.memory_space<vmem_shared>>
    tpu.wait_indirect_dma semaphore(%arg13 : memref<!tpu.dma_semaphore, #tpu.memory_space<semaphore_mem>>) src(%dma_wait3A_142 : memref<128x64xf32, #tpu.memory_space<vmem>>) dst(%dma_wait3A_148 : memref<10240x64xf32, #tpu.memory_space<vmem_shared>>)
    %dma_wait3A_149 = arith.constant 1 : i32
    %dma_wait3A_150 = arith.constant 3 : i32
    %dma_wait3A_151 = arith.constant 79 : i32
    %dma_wait3A_152 = arith.constant 0 : i32
    %dma_wait3A_153 = arith.constant 0 : i32
    %dma_wait3A_154 = tpu.memref_slice %arg8[%dma_wait3A_149, %dma_wait3A_150, %dma_wait3A_152, %dma_wait3A_153] : memref<2x4x128x64xf32, #tpu.memory_space<vmem>> -> memref<1x1x128x64xf32, #tpu.memory_space<vmem>>
    %dma_wait3A_155 = tpu.memref_squeeze %dma_wait3A_154 : memref<1x1x128x64xf32, #tpu.memory_space<vmem>> -> memref<128x64xf32, #tpu.memory_space<vmem>>
    %dma_wait3A_156 = arith.constant 0 : i32
    %dma_wait3A_157 = tpu.memref_slice %arg7[%dma_wait3A_151, %dma_wait3A_156] : memref<80x128xi32, #tpu.memory_space<vmem>> -> memref<1x128xi32, #tpu.memory_space<vmem>>
    %dma_wait3A_158 = tpu.memref_squeeze %dma_wait3A_157 : memref<1x128xi32, #tpu.memory_space<vmem>> -> memref<128xi32, #tpu.memory_space<vmem>>
    %dma_wait3A_159 = arith.constant 0 : i32
    %dma_wait3A_160 = arith.constant 0 : i32
    %dma_wait3A_161 = tpu.memref_slice %arg9[%dma_wait3A_159, %dma_wait3A_160] : memref<10240x64xf32, #tpu.memory_space<vmem_shared>> -> memref<10240x64xf32, #tpu.memory_space<vmem_shared>>
    tpu.wait_indirect_dma semaphore(%arg13 : memref<!tpu.dma_semaphore, #tpu.memory_space<semaphore_mem>>) src(%dma_wait3A_155 : memref<128x64xf32, #tpu.memory_space<vmem>>) dst(%dma_wait3A_161 : memref<10240x64xf32, #tpu.memory_space<vmem_shared>>)
    %barrier3A_162 = arith.constant 0 : index
    tpu.barrier barrier_id(%barrier3A_162)
    "tpu.region"() ({
      %run_scoped3A = tpu.sem_alloc : memref<!tpu.dma_semaphore, #tpu.memory_space<semaphore_mem>>
      %dma_start3A_163 = arith.constant 0 : i32
      %dma_start3A_164 = arith.constant 0 : i32
      %dma_start3A_165 = tpu.memref_slice %arg5[%arg0, %dma_start3A_163, %dma_start3A_164] : memref<2x10240x128xf32, #tpu.memory_space<hbm>> -> memref<1x10240x128xf32, #tpu.memory_space<hbm>>
      %dma_start3A_166 = tpu.memref_squeeze %dma_start3A_165 : memref<1x10240x128xf32, #tpu.memory_space<hbm>> -> memref<10240x128xf32, #tpu.memory_space<hbm>>
      %dma_start3A_167 = arith.constant 0 : i32
      %dma_start3A_168 = tpu.memref_slice %dma_start3A_166[%mul3A_2, %dma_start3A_167] : memref<10240x128xf32, #tpu.memory_space<hbm>> -> memref<640x64xf32, #tpu.memory_space<hbm>>
      %dma_start3A_169 = arith.constant 0 : i32
      %dma_start3A_170 = tpu.memref_slice %arg9[%mul3A_2, %dma_start3A_169] : memref<10240x64xf32, #tpu.memory_space<vmem_shared>> -> memref<640x64xf32, #tpu.memory_space<vmem_shared>>
      tpu.enqueue_dma source(%dma_start3A_170 : memref<640x64xf32, #tpu.memory_space<vmem_shared>>) target(%dma_start3A_168 : memref<640x64xf32, #tpu.memory_space<hbm>>) target_semaphore(%run_scoped3A : memref<!tpu.dma_semaphore, #tpu.memory_space<semaphore_mem>>)
      %dma_wait3A_171 = arith.constant 0 : i32
      %dma_wait3A_172 = arith.constant 0 : i32
      %dma_wait3A_173 = tpu.memref_slice %arg5[%arg0, %dma_wait3A_171, %dma_wait3A_172] : memref<2x10240x128xf32, #tpu.memory_space<hbm>> -> memref<1x10240x128xf32, #tpu.memory_space<hbm>>
      %dma_wait3A_174 = tpu.memref_squeeze %dma_wait3A_173 : memref<1x10240x128xf32, #tpu.memory_space<hbm>> -> memref<10240x128xf32, #tpu.memory_space<hbm>>
      %dma_wait3A_175 = arith.constant 0 : i32
      %dma_wait3A_176 = tpu.memref_slice %dma_wait3A_174[%mul3A_2, %dma_wait3A_175] : memref<10240x128xf32, #tpu.memory_space<hbm>> -> memref<640x64xf32, #tpu.memory_space<hbm>>
      %dma_wait3A_177 = arith.constant 0 : i32
      %dma_wait3A_178 = tpu.memref_slice %arg9[%mul3A_2, %dma_wait3A_177] : memref<10240x64xf32, #tpu.memory_space<vmem_shared>> -> memref<640x64xf32, #tpu.memory_space<vmem_shared>>
      tpu.wait_dma2 semaphore(%run_scoped3A : memref<!tpu.dma_semaphore, #tpu.memory_space<semaphore_mem>>) src(%dma_wait3A_178 : memref<640x64xf32, #tpu.memory_space<vmem_shared>>) dst(%dma_wait3A_176 : memref<640x64xf32, #tpu.memory_space<hbm>>)
      tpu.yield
    }) : () -> ()
    return
  }
}

module attributes {stable_mosaic.version = 14 : i64} {
  func.func @_tc_prologue_body(%arg0: i32, %arg1: memref<512x128xf32, #tpu.memory_space<vmem>>, %arg2: memref<128x64xf32, #tpu.memory_space<vmem>>, %arg3: memref<512x128xf32, #tpu.memory_space<vmem>>, %arg4: memref<512x128xf32, #tpu.memory_space<vmem>>, %arg5: memref<512x64xf32, #tpu.memory_space<vmem>>) attributes {dimension_semantics = [#tpu.dimension_semantics<arbitrary>], iteration_bounds = array<i64: 20>, scalar_prefetch = 0 : i64, scratch_operands = 0 : i64, tpu.core_type = #tpu.core_type<tc>, window_params = [{transform_indices = @transform_0, window_bounds = array<i64: 512, 128>}, {pipeline_mode = #tpu.pipeline_mode<synchronous>, transform_indices = @transform_1, window_bounds = array<i64: 128, 64>}, {transform_indices = @transform_2, window_bounds = array<i64: 512, 128>}, {transform_indices = @transform_3, window_bounds = array<i64: 512, 128>}, {transform_indices = @transform_4, window_bounds = array<i64: 512, 64>}]} {
    %get3A = arith.constant 0 : index
    %get3A_0 = arith.constant 0 : index
    %get3A_1 = vector.load %arg3[%get3A, %get3A_0] : memref<512x128xf32, #tpu.memory_space<vmem>>, vector<512x128xf32>
    %get3A_2 = arith.constant 0 : index
    %get3A_3 = arith.constant 0 : index
    %get3A_4 = vector.load %arg4[%get3A_2, %get3A_3] : memref<512x128xf32, #tpu.memory_space<vmem>>, vector<512x128xf32>
    %slice3A = vector.extract_strided_slice %get3A_1 {offsets = [0, 0], sizes = [512, 1], strides = [1, 1]} : vector<512x128xf32> to vector<512x1xf32>
    %slice3A_5 = vector.extract_strided_slice %get3A_4 {offsets = [0, 0], sizes = [512, 1], strides = [1, 1]} : vector<512x128xf32> to vector<512x1xf32>
    %add3A = arith.addf %slice3A, %slice3A_5 : vector<512x1xf32>
    %add3A_6 = arith.constant 1.000000e+00 : f32
    %add3A_7 = vector.broadcast %add3A_6 : f32 to vector<512x1xf32>
    %add3A_8 = arith.addf %add3A, %add3A_7 : vector<512x1xf32>
    %mul3A = arith.constant 512 : i32
    %mul3A_9 = arith.muli %arg0, %mul3A : i32
    %iota3A = tpu.iota {dimensions = array<i32: 0>} : vector<512x1xi32>
    %add3A_10 = vector.broadcast %mul3A_9 : i32 to vector<512x1xi32>
    %add3A_11 = arith.addi %add3A_10, %iota3A : vector<512x1xi32>
    %lt3A = arith.constant 10000 : i32
    %lt3A_12 = vector.broadcast %lt3A : i32 to vector<512x1xi32>
    %lt3A_13 = arith.cmpi slt, %add3A_11, %lt3A_12 : vector<512x1xi32>
    %rsqrt3A = math.rsqrt %add3A_8 : vector<512x1xf32>
    %jit3A = arith.constant 0.000000e+00 : f32
    %broadcast_in_dim3A = vector.broadcast %jit3A : f32 to vector<512x1xf32>
    %select_n3A = arith.select %lt3A_13, %rsqrt3A, %broadcast_in_dim3A : vector<512x1xi1>, vector<512x1xf32>
    %get3A_14 = arith.constant 0 : index
    %get3A_15 = arith.constant 0 : index
    %get3A_16 = vector.load %arg1[%get3A_14, %get3A_15] : memref<512x128xf32, #tpu.memory_space<vmem>>, vector<512x128xf32>
    %get3A_17 = arith.constant 0 : index
    %get3A_18 = arith.constant 0 : index
    %get3A_19 = vector.load %arg2[%get3A_17, %get3A_18] : memref<128x64xf32, #tpu.memory_space<vmem>>, vector<128x64xf32>
    %dot_general3A = arith.constant dense<0.000000e+00> : vector<512x64xf32>
    %dot_general3A_20 = tpu.matmul %get3A_16, %get3A_19, %dot_general3A {dimension_numbers = #tpu.dot_dimension_numbers<[1], [0], [0], [1], [0, 0, 1, 1], [], []>, transpose_lhs_hint = false} : vector<512x128xf32>, vector<128x64xf32>, vector<512x64xf32> -> vector<512x64xf32>
    %mul3A_21 = vector.broadcast %select_n3A : vector<512x1xf32> to vector<512x64xf32>
    %mul3A_22 = arith.mulf %mul3A_21, %dot_general3A_20 : vector<512x64xf32>
    %swap3A = arith.constant 0 : index
    %swap3A_23 = arith.constant 0 : index
    %swap3A_24 = vector.load %arg5[%swap3A, %swap3A_23] : memref<512x64xf32, #tpu.memory_space<vmem>>, vector<512x64xf32>
    tpu.vector_store %arg5[%swap3A, %swap3A_23], %mul3A_22 {strides = array<i32>} : memref<512x64xf32, #tpu.memory_space<vmem>>, vector<512x64xf32>,
    return
  }
  func.func @transform_0(%arg0: i32) -> (i32, i32) {
    %c0_i32 = arith.constant 0 : i32
    %c0_i32_0 = arith.constant 0 : i32
    return %arg0, %c0_i32 : i32, i32
  }
  func.func @transform_1(%arg0: i32) -> (i32, i32) {
    %c0_i32 = arith.constant 0 : i32
    %c0_i32_0 = arith.constant 0 : i32
    %c0_i32_1 = arith.constant 0 : i32
    return %c0_i32, %c0_i32_0 : i32, i32
  }
  func.func @transform_2(%arg0: i32) -> (i32, i32) {
    %c0_i32 = arith.constant 0 : i32
    %c0_i32_0 = arith.constant 0 : i32
    return %arg0, %c0_i32 : i32, i32
  }
  func.func @transform_3(%arg0: i32) -> (i32, i32) {
    %c0_i32 = arith.constant 0 : i32
    %c0_i32_0 = arith.constant 0 : i32
    return %arg0, %c0_i32 : i32, i32
  }
  func.func @transform_4(%arg0: i32) -> (i32, i32) {
    %c0_i32 = arith.constant 0 : i32
    %c0_i32_0 = arith.constant 0 : i32
    return %arg0, %c0_i32 : i32, i32
  }
}

module attributes {stable_mosaic.version = 14 : i64} {
  func.func @_tc_fuse_body(%arg0: i32, %arg1: memref<512x128xf32, #tpu.memory_space<vmem>>, %arg2: memref<512x128xf32, #tpu.memory_space<vmem>>, %arg3: memref<512x64xf32, #tpu.memory_space<vmem>>, %arg4: memref<512x128xf32, #tpu.memory_space<vmem>>, %arg5: memref<512x128xf32, #tpu.memory_space<vmem>>, %arg6: memref<1x64xf32, #tpu.memory_space<vmem>>, %arg7: memref<64x64xf32, #tpu.memory_space<vmem>>, %arg8: memref<512x64xf32, #tpu.memory_space<vmem>>) attributes {dimension_semantics = [#tpu.dimension_semantics<arbitrary>], iteration_bounds = array<i64: 20>, scalar_prefetch = 0 : i64, scratch_operands = 0 : i64, tpu.core_type = #tpu.core_type<tc>, window_params = [{transform_indices = @transform_0, window_bounds = array<i64: 512, 128>}, {transform_indices = @transform_1, window_bounds = array<i64: 512, 128>}, {transform_indices = @transform_2, window_bounds = array<i64: 512, 64>}, {transform_indices = @transform_3, window_bounds = array<i64: 512, 128>}, {transform_indices = @transform_4, window_bounds = array<i64: 512, 128>}, {pipeline_mode = #tpu.pipeline_mode<synchronous>, transform_indices = @transform_5, window_bounds = array<i64: 1, 64>}, {pipeline_mode = #tpu.pipeline_mode<synchronous>, transform_indices = @transform_6, window_bounds = array<i64: 64, 64>}, {transform_indices = @transform_7, window_bounds = array<i64: 512, 64>}]} {
    %get3A = arith.constant 0 : index
    %get3A_0 = arith.constant 0 : index
    %get3A_1 = vector.load %arg4[%get3A, %get3A_0] : memref<512x128xf32, #tpu.memory_space<vmem>>, vector<512x128xf32>
    %get3A_2 = arith.constant 0 : index
    %get3A_3 = arith.constant 0 : index
    %get3A_4 = vector.load %arg5[%get3A_2, %get3A_3] : memref<512x128xf32, #tpu.memory_space<vmem>>, vector<512x128xf32>
    %slice3A = vector.extract_strided_slice %get3A_1 {offsets = [0, 0], sizes = [512, 1], strides = [1, 1]} : vector<512x128xf32> to vector<512x1xf32>
    %slice3A_5 = vector.extract_strided_slice %get3A_4 {offsets = [0, 0], sizes = [512, 1], strides = [1, 1]} : vector<512x128xf32> to vector<512x1xf32>
    %add3A = arith.addf %slice3A, %slice3A_5 : vector<512x1xf32>
    %add3A_6 = arith.constant 1.000000e+00 : f32
    %add3A_7 = vector.broadcast %add3A_6 : f32 to vector<512x1xf32>
    %add3A_8 = arith.addf %add3A, %add3A_7 : vector<512x1xf32>
    %mul3A = arith.constant 512 : i32
    %mul3A_9 = arith.muli %arg0, %mul3A : i32
    %iota3A = tpu.iota {dimensions = array<i32: 0>} : vector<512x1xi32>
    %add3A_10 = vector.broadcast %mul3A_9 : i32 to vector<512x1xi32>
    %add3A_11 = arith.addi %add3A_10, %iota3A : vector<512x1xi32>
    %lt3A = arith.constant 10000 : i32
    %lt3A_12 = vector.broadcast %lt3A : i32 to vector<512x1xi32>
    %lt3A_13 = arith.cmpi slt, %add3A_11, %lt3A_12 : vector<512x1xi32>
    %rsqrt3A = math.rsqrt %add3A_8 : vector<512x1xf32>
    %jit3A = arith.constant 0.000000e+00 : f32
    %broadcast_in_dim3A = vector.broadcast %jit3A : f32 to vector<512x1xf32>
    %select_n3A = arith.select %lt3A_13, %rsqrt3A, %broadcast_in_dim3A : vector<512x1xi1>, vector<512x1xf32>
    %get3A_14 = arith.constant 0 : index
    %get3A_15 = arith.constant 0 : index
    %get3A_16 = vector.load %arg1[%get3A_14, %get3A_15] : memref<512x128xf32, #tpu.memory_space<vmem>>, vector<512x128xf32>
    %get3A_17 = arith.constant 0 : index
    %get3A_18 = arith.constant 0 : index
    %get3A_19 = vector.load %arg2[%get3A_17, %get3A_18] : memref<512x128xf32, #tpu.memory_space<vmem>>, vector<512x128xf32>
    %add3A_20 = arith.addf %get3A_16, %get3A_19 : vector<512x128xf32>
    %slice3A_21 = vector.extract_strided_slice %add3A_20 {offsets = [0, 0], sizes = [512, 64], strides = [1, 1]} : vector<512x128xf32> to vector<512x64xf32>
    %get3A_22 = arith.constant 0 : index
    %get3A_23 = arith.constant 0 : index
    %get3A_24 = vector.load %arg3[%get3A_22, %get3A_23] : memref<512x64xf32, #tpu.memory_space<vmem>>, vector<512x64xf32>
    %sub3A = arith.subf %slice3A_21, %get3A_24 : vector<512x64xf32>
    %mul3A_25 = vector.broadcast %select_n3A : vector<512x1xf32> to vector<512x64xf32>
    %mul3A_26 = arith.mulf %mul3A_25, %sub3A : vector<512x64xf32>
    %get3A_27 = arith.constant 0 : index
    %get3A_28 = arith.constant 0 : index
    %get3A_29 = vector.load %arg6[%get3A_27, %get3A_28] : memref<1x64xf32, #tpu.memory_space<vmem>>, vector<1x64xf32>
    %add3A_30 = vector.broadcast %get3A_29 : vector<1x64xf32> to vector<512x64xf32>
    %add3A_31 = arith.addf %mul3A_26, %add3A_30 : vector<512x64xf32>
    %max3A = arith.constant 0.000000e+00 : f32
    %max3A_32 = vector.broadcast %max3A : f32 to vector<512x64xf32>
    %max3A_33 = arith.maximumf %add3A_31, %max3A_32 : vector<512x64xf32>
    %get3A_34 = arith.constant 0 : index
    %get3A_35 = arith.constant 0 : index
    %get3A_36 = vector.load %arg7[%get3A_34, %get3A_35] : memref<64x64xf32, #tpu.memory_space<vmem>>, vector<64x64xf32>
    %dot_general3A = arith.constant dense<0.000000e+00> : vector<512x64xf32>
    %dot_general3A_37 = tpu.matmul %max3A_33, %get3A_36, %dot_general3A {dimension_numbers = #tpu.dot_dimension_numbers<[1], [0], [0], [1], [0, 0, 1, 1], [], []>, transpose_lhs_hint = false} : vector<512x64xf32>, vector<64x64xf32>, vector<512x64xf32> -> vector<512x64xf32>
    %mul3A_38 = vector.broadcast %select_n3A : vector<512x1xf32> to vector<512x64xf32>
    %mul3A_39 = arith.mulf %mul3A_38, %dot_general3A_37 : vector<512x64xf32>
    %swap3A = arith.constant 0 : index
    %swap3A_40 = arith.constant 0 : index
    %swap3A_41 = vector.load %arg8[%swap3A, %swap3A_40] : memref<512x64xf32, #tpu.memory_space<vmem>>, vector<512x64xf32>
    tpu.vector_store %arg8[%swap3A, %swap3A_40], %mul3A_39 {strides = array<i32>} : memref<512x64xf32, #tpu.memory_space<vmem>>, vector<512x64xf32>,
    return
  }
  func.func @transform_0(%arg0: i32) -> (i32, i32) {
    %c0_i32 = arith.constant 0 : i32
    %c0_i32_0 = arith.constant 0 : i32
    return %arg0, %c0_i32 : i32, i32
  }
  func.func @transform_1(%arg0: i32) -> (i32, i32) {
    %c0_i32 = arith.constant 0 : i32
    %c0_i32_0 = arith.constant 0 : i32
    return %arg0, %c0_i32 : i32, i32
  }
  func.func @transform_2(%arg0: i32) -> (i32, i32) {
    %c0_i32 = arith.constant 0 : i32
    %c0_i32_0 = arith.constant 0 : i32
    return %arg0, %c0_i32 : i32, i32
  }
  func.func @transform_3(%arg0: i32) -> (i32, i32) {
    %c0_i32 = arith.constant 0 : i32
    %c0_i32_0 = arith.constant 0 : i32
    return %arg0, %c0_i32 : i32, i32
  }
  func.func @transform_4(%arg0: i32) -> (i32, i32) {
    %c0_i32 = arith.constant 0 : i32
    %c0_i32_0 = arith.constant 0 : i32
    return %arg0, %c0_i32 : i32, i32
  }
  func.func @transform_5(%arg0: i32) -> (i32, i32) {
    %c0_i32 = arith.constant 0 : i32
    %c0_i32_0 = arith.constant 0 : i32
    %c0_i32_1 = arith.constant 0 : i32
    return %c0_i32, %c0_i32_0 : i32, i32
  }
  func.func @transform_6(%arg0: i32) -> (i32, i32) {
    %c0_i32 = arith.constant 0 : i32
    %c0_i32_0 = arith.constant 0 : i32
    %c0_i32_1 = arith.constant 0 : i32
    return %c0_i32, %c0_i32_0 : i32, i32
  }
  func.func @transform_7(%arg0: i32) -> (i32, i32) {
    %c0_i32 = arith.constant 0 : i32
    %c0_i32_0 = arith.constant 0 : i32
    return %arg0, %c0_i32 : i32, i32
  }
}

module attributes {stable_mosaic.version = 14 : i64} {
  func.func @_tc_final_body(%arg0: i32, %arg1: memref<512x128xf32, #tpu.memory_space<vmem>>, %arg2: memref<512x128xf32, #tpu.memory_space<vmem>>, %arg3: memref<512x64xf32, #tpu.memory_space<vmem>>, %arg4: memref<512x128xf32, #tpu.memory_space<vmem>>, %arg5: memref<512x128xf32, #tpu.memory_space<vmem>>, %arg6: memref<1x64xf32, #tpu.memory_space<vmem>>, %arg7: memref<64x128xf32, #tpu.memory_space<vmem>>, %arg8: memref<1x128xf32, #tpu.memory_space<vmem>>, %arg9: memref<512x128xf32, #tpu.memory_space<vmem>>) attributes {dimension_semantics = [#tpu.dimension_semantics<arbitrary>], iteration_bounds = array<i64: 20>, scalar_prefetch = 0 : i64, scratch_operands = 0 : i64, tpu.core_type = #tpu.core_type<tc>, window_params = [{transform_indices = @transform_0, window_bounds = array<i64: 512, 128>}, {transform_indices = @transform_1, window_bounds = array<i64: 512, 128>}, {transform_indices = @transform_2, window_bounds = array<i64: 512, 64>}, {transform_indices = @transform_3, window_bounds = array<i64: 512, 128>}, {transform_indices = @transform_4, window_bounds = array<i64: 512, 128>}, {pipeline_mode = #tpu.pipeline_mode<synchronous>, transform_indices = @transform_5, window_bounds = array<i64: 1, 64>}, {pipeline_mode = #tpu.pipeline_mode<synchronous>, transform_indices = @transform_6, window_bounds = array<i64: 64, 128>}, {pipeline_mode = #tpu.pipeline_mode<synchronous>, transform_indices = @transform_7, window_bounds = array<i64: 1, 128>}, {transform_indices = @transform_8, window_bounds = array<i64: 512, 128>}]} {
    %get3A = arith.constant 0 : index
    %get3A_0 = arith.constant 0 : index
    %get3A_1 = vector.load %arg4[%get3A, %get3A_0] : memref<512x128xf32, #tpu.memory_space<vmem>>, vector<512x128xf32>
    %get3A_2 = arith.constant 0 : index
    %get3A_3 = arith.constant 0 : index
    %get3A_4 = vector.load %arg5[%get3A_2, %get3A_3] : memref<512x128xf32, #tpu.memory_space<vmem>>, vector<512x128xf32>
    %slice3A = vector.extract_strided_slice %get3A_1 {offsets = [0, 0], sizes = [512, 1], strides = [1, 1]} : vector<512x128xf32> to vector<512x1xf32>
    %slice3A_5 = vector.extract_strided_slice %get3A_4 {offsets = [0, 0], sizes = [512, 1], strides = [1, 1]} : vector<512x128xf32> to vector<512x1xf32>
    %add3A = arith.addf %slice3A, %slice3A_5 : vector<512x1xf32>
    %add3A_6 = arith.constant 1.000000e+00 : f32
    %add3A_7 = vector.broadcast %add3A_6 : f32 to vector<512x1xf32>
    %add3A_8 = arith.addf %add3A, %add3A_7 : vector<512x1xf32>
    %mul3A = arith.constant 512 : i32
    %mul3A_9 = arith.muli %arg0, %mul3A : i32
    %iota3A = tpu.iota {dimensions = array<i32: 0>} : vector<512x1xi32>
    %add3A_10 = vector.broadcast %mul3A_9 : i32 to vector<512x1xi32>
    %add3A_11 = arith.addi %add3A_10, %iota3A : vector<512x1xi32>
    %lt3A = arith.constant 10000 : i32
    %lt3A_12 = vector.broadcast %lt3A : i32 to vector<512x1xi32>
    %lt3A_13 = arith.cmpi slt, %add3A_11, %lt3A_12 : vector<512x1xi32>
    %rsqrt3A = math.rsqrt %add3A_8 : vector<512x1xf32>
    %jit3A = arith.constant 0.000000e+00 : f32
    %broadcast_in_dim3A = vector.broadcast %jit3A : f32 to vector<512x1xf32>
    %select_n3A = arith.select %lt3A_13, %rsqrt3A, %broadcast_in_dim3A : vector<512x1xi1>, vector<512x1xf32>
    %get3A_14 = arith.constant 0 : index
    %get3A_15 = arith.constant 0 : index
    %get3A_16 = vector.load %arg1[%get3A_14, %get3A_15] : memref<512x128xf32, #tpu.memory_space<vmem>>, vector<512x128xf32>
    %get3A_17 = arith.constant 0 : index
    %get3A_18 = arith.constant 0 : index
    %get3A_19 = vector.load %arg2[%get3A_17, %get3A_18] : memref<512x128xf32, #tpu.memory_space<vmem>>, vector<512x128xf32>
    %add3A_20 = arith.addf %get3A_16, %get3A_19 : vector<512x128xf32>
    %slice3A_21 = vector.extract_strided_slice %add3A_20 {offsets = [0, 0], sizes = [512, 64], strides = [1, 1]} : vector<512x128xf32> to vector<512x64xf32>
    %get3A_22 = arith.constant 0 : index
    %get3A_23 = arith.constant 0 : index
    %get3A_24 = vector.load %arg3[%get3A_22, %get3A_23] : memref<512x64xf32, #tpu.memory_space<vmem>>, vector<512x64xf32>
    %sub3A = arith.subf %slice3A_21, %get3A_24 : vector<512x64xf32>
    %mul3A_25 = vector.broadcast %select_n3A : vector<512x1xf32> to vector<512x64xf32>
    %mul3A_26 = arith.mulf %mul3A_25, %sub3A : vector<512x64xf32>
    %get3A_27 = arith.constant 0 : index
    %get3A_28 = arith.constant 0 : index
    %get3A_29 = vector.load %arg6[%get3A_27, %get3A_28] : memref<1x64xf32, #tpu.memory_space<vmem>>, vector<1x64xf32>
    %add3A_30 = vector.broadcast %get3A_29 : vector<1x64xf32> to vector<512x64xf32>
    %add3A_31 = arith.addf %mul3A_26, %add3A_30 : vector<512x64xf32>
    %get3A_32 = arith.constant 0 : index
    %get3A_33 = arith.constant 0 : index
    %get3A_34 = vector.load %arg7[%get3A_32, %get3A_33] : memref<64x128xf32, #tpu.memory_space<vmem>>, vector<64x128xf32>
    %dot_general3A = arith.constant dense<0.000000e+00> : vector<512x128xf32>
    %dot_general3A_35 = tpu.matmul %add3A_31, %get3A_34, %dot_general3A {dimension_numbers = #tpu.dot_dimension_numbers<[1], [0], [0], [1], [0, 0, 1, 1], [], []>, transpose_lhs_hint = false} : vector<512x64xf32>, vector<64x128xf32>, vector<512x128xf32> -> vector<512x128xf32>
    %get3A_36 = arith.constant 0 : index
    %get3A_37 = arith.constant 0 : index
    %get3A_38 = vector.load %arg8[%get3A_36, %get3A_37] : memref<1x128xf32, #tpu.memory_space<vmem>>, vector<1x128xf32>
    %add3A_39 = vector.broadcast %get3A_38 : vector<1x128xf32> to vector<512x128xf32>
    %add3A_40 = arith.addf %dot_general3A_35, %add3A_39 : vector<512x128xf32>
    %swap3A = arith.constant 0 : index
    %swap3A_41 = arith.constant 0 : index
    %swap3A_42 = vector.load %arg9[%swap3A, %swap3A_41] : memref<512x128xf32, #tpu.memory_space<vmem>>, vector<512x128xf32>
    tpu.vector_store %arg9[%swap3A, %swap3A_41], %add3A_40 {strides = array<i32>} : memref<512x128xf32, #tpu.memory_space<vmem>>, vector<512x128xf32>,
    return
  }
  func.func @transform_0(%arg0: i32) -> (i32, i32) {
    %c0_i32 = arith.constant 0 : i32
    %c0_i32_0 = arith.constant 0 : i32
    return %arg0, %c0_i32 : i32, i32
  }
  func.func @transform_1(%arg0: i32) -> (i32, i32) {
    %c0_i32 = arith.constant 0 : i32
    %c0_i32_0 = arith.constant 0 : i32
    return %arg0, %c0_i32 : i32, i32
  }
  func.func @transform_2(%arg0: i32) -> (i32, i32) {
    %c0_i32 = arith.constant 0 : i32
    %c0_i32_0 = arith.constant 0 : i32
    return %arg0, %c0_i32 : i32, i32
  }
  func.func @transform_3(%arg0: i32) -> (i32, i32) {
    %c0_i32 = arith.constant 0 : i32
    %c0_i32_0 = arith.constant 0 : i32
    return %arg0, %c0_i32 : i32, i32
  }
  func.func @transform_4(%arg0: i32) -> (i32, i32) {
    %c0_i32 = arith.constant 0 : i32
    %c0_i32_0 = arith.constant 0 : i32
    return %arg0, %c0_i32 : i32, i32
  }
  func.func @transform_5(%arg0: i32) -> (i32, i32) {
    %c0_i32 = arith.constant 0 : i32
    %c0_i32_0 = arith.constant 0 : i32
    %c0_i32_1 = arith.constant 0 : i32
    return %c0_i32, %c0_i32_0 : i32, i32
  }
  func.func @transform_6(%arg0: i32) -> (i32, i32) {
    %c0_i32 = arith.constant 0 : i32
    %c0_i32_0 = arith.constant 0 : i32
    %c0_i32_1 = arith.constant 0 : i32
    return %c0_i32, %c0_i32_0 : i32, i32
  }
  func.func @transform_7(%arg0: i32) -> (i32, i32) {
    %c0_i32 = arith.constant 0 : i32
    %c0_i32_0 = arith.constant 0 : i32
    %c0_i32_1 = arith.constant 0 : i32
    return %c0_i32, %c0_i32_0 : i32, i32
  }
  func.func @transform_8(%arg0: i32) -> (i32, i32) {
    %c0_i32 = arith.constant 0 : i32
    %c0_i32_0 = arith.constant 0 : i32
    return %arg0, %c0_i32 : i32, i32
  }
}

</mosaic_0001>

<sc_bundles>
// kernel: kernel.12.cloned.1.call-start
scs
__scs_entry_jumppad:
0x0: {  	(pc) =	sbr.rel $0x88, $3  }
0x1: {  	(tag) =	ssettag $0x0;
	lr =	simm.s32 $0x1  }
0x2: {  	[smem:$0x3F95] =	sst lr;
	_ =	strace $0xD0000000  }
0x3: {  	_ = 	snop  }
0x4: {  	_ = 	snop  }
0x5: {  	_ = 	snop  }
0x6: {  	_ = 	snop  }
0x7: {  	_ = 	snop  }
__scs_overlays_trampoline_lowered:
0x8: {  	[smem:$0x3FA4] =	sst s0  }
0x9: {  	[smem:$0x3FA5] =	sst s1  }
0xa: {  	[smem:$0x3FA6] =	sst s2  }
0xb: {  	[smem:$0x3FA7] =	sst s3  }
0xc: {  	[smem:$0x3FA8] =	sst s4  }
0xd: {  	[smem:$0x3FA9] =	sst s5  }
0xe: {  	[smem:$0x3FAA] =	sst s6  }
0xf: {  	[smem:$0x3FAB] =	sst s7  }
0x10: {  	[smem:$0x3FAC] =	sst s8  }
0x11: {  	[smem:$0x3FAD] =	sst s9;
	s0 =	simm.s32 @!p0 $0x0  }
0x12: {  	s1 =	sld [smem:$0x3F93];
	s0 =	simm.s32 @p0 $0x1  }
0x13: {  	[smem:$0x3FAE] =	sst s0;
	s0 =	simm.s32 @!p1 $0x0  }
0x14: {  	s2 =	sld [smem:$0x3F92];
	s0 =	simm.s32 @p1 $0x1  }
0x15: {  	[smem:$0x3FAF] =	sst s0;
	s0 =	simm.s32 @!p2 $0x0  }
0x16: {  	s3 =	sld [smem:$0x3FDB];
	s0 =	simm.s32 @p2 $0x1  }
0x17: {  	s4 =	simm.s32 $0x1BF5;
	[smem:$0x3FB1] =	sst s0  }
0x18: {  	s0 =	sld [smem:$0x3F94];
	_ =	swait.ge [sflag:s4], $0x0  }
0x19: {  	s7 =	sld [smem:$0x3F95]  }
0x1a: {  	s8 =	sadd.s32 $0xFFFFE003, lr  }
0x1b: {  	s9 =	sadd.s32 $0xFFFFFEF7, lr;
	s5 =	simm.s32 $0xFFFFFFFF;
	p2 =	slt.u32 s8, $0xFFFFF086  }
0x1c: {  	p1 =	slt.u32 s9, $0xF7A;
	s5 =	simm.s32 @!p2 $0x0  }
0x1d: {  	s5 =	simm.s32 @p1 $0x1;
	p0 =	seq.s32 s7, s2  }
0x1e: {  	s7 =	smul.u32 @!p0 $0xF7A, s2;
	p2 =	seq.s32 @!p0 s5, $0x0  }
0x1f: {  	s9 =	smul.u32 $0xF7A, s1;
	s8 =	simm.s32 @!p0 $0x1BF5;
	p2 =	por !p2, p0  }
0x20: {  	[sflag:s8] =	ssyncset.s32 @!p0 $0xFFFFF086;
	s6 =	sadd.s32 @!p0 s3, s7;
	s7 =	simm.s32 @!p0 $0x108  }
0x21: {  	s3 =	sadd.s32 s3, s9;
	s6 =	sadd.s32 @!p0 $0x88, s6;
	s7 =	simm.s32 @p2 $0x1082  }
0x22: {  	[simem:s7], [sflag:s8] =	dma.local @!p0 [hbm:s6], $0xF7A  }
0x23: {  	s9 =	sor.u32 $0xD0000000, s2;
	s6 =	simm.s32 $0x108;
	_ =	swait.ge @!p0 [sflag:s8], $0x0  }
0x24: {  	s3 =	sadd.s32 $0x88, s3;
	s6 =	simm.s32 @!p1 $0x1082;
	[sflag:s4] =	ssyncset.s32 $0xFFFFF086  }
0x25: {  	[simem:s6], [sflag:s4] =	dma.local [hbm:s3], $0xF7A  }
0x26: {  	[smem:$0x3F95] =	sst s1;
	(tag) =	ssettag s2;
	_ =	strace s9  }
0x27: {  	s1 =	sld [smem:$0x3FA5]  }
0x28: {  	s2 =	sld [smem:$0x3FA6]  }
0x29: {  	s4 =	sld [smem:$0x3FA8]  }
0x2a: {  	p0 =	seq.s32 s5, $0x0;
	s5 =	sld [smem:$0x3FA9]  }
0x2b: {  	s6 =	sld [smem:$0x3FAA]  }
0x2c: {  	s7 =	sld [smem:$0x3FAB]  }
0x2d: {  	s3 =	simm.s32 $0x108;
	s8 =	sld [smem:$0x3FAC]  }
0x2e: {  	s3 =	simm.s32 @!p0 $0x1082;
	s9 =	sld [smem:$0x3FAD]  }
0x2f: {  	lr =	sadd.s32 s0, s3;
	s0 =	sld [smem:$0x3FA4]  }
0x30: {  	s3 =	sld [smem:$0x3FA7]  }
0x31: {  	[smem:$0x3FB0] =	sst s10  }
0x32: {  	s10 =	sld [smem:$0x3FAE];
	_ =	sdelay $0x3  }
0x33: {  	p0 =	seq.s32 s10, $0x1;
	s10 =	sld [smem:$0x3FB0];
	_ =	sdelay $0x3  }
0x34: {  	[smem:$0x3FB0] =	sst s10  }
0x35: {  	s10 =	sld [smem:$0x3FAF];
	_ =	sdelay $0x3  }
0x36: {  	p1 =	seq.s32 s10, $0x1;
	s10 =	sld [smem:$0x3FB0];
	_ =	sdelay $0x3  }
0x37: {  	[smem:$0x3FB0] =	sst s10  }
0x38: {  	s10 =	sld [smem:$0x3FB1]  }
0x39: {  	_ = 	snop;
	(pc) =	sbr.ind lr, $3  }
0x3a: {  	_ = 	snop  }
0x3b: {  	_ = 	snop  }
0x3c: {  	p2 =	seq.s32 s10, $0x1;
	s10 =	sld [smem:$0x3FB0]  }
0x3d: {  	_ =	shalt  }
0x3e: {  	_ =	shalt  }
0x3f: {  	_ =	shalt  }
0x40: {  	_ =	shalt  }
0x41: {  	_ =	shalt  }
0x42: {  	_ =	shalt  }
0x43: {  	_ =	shalt  }
0x44: {  	_ =	shalt  }
0x45: {  	_ =	shalt  }
0x46: {  	_ =	shalt  }
0x47: {  	_ =	shalt  }
0x48: {  	_ =	shalt  }
0x49: {  	_ =	shalt  }
0x4a: {  	_ =	shalt  }
0x4b: {  	_ =	shalt  }
0x4c: {  	_ =	shalt  }
0x4d: {  	_ =	shalt  }
0x4e: {  	_ =	shalt  }
0x4f: {  	_ =	shalt  }
0x50: {  	_ =	shalt  }
0x51: {  	_ =	shalt  }
0x52: {  	_ =	shalt  }
0x53: {  	_ =	shalt  }
0x54: {  	_ =	shalt  }
0x55: {  	_ =	shalt  }
0x56: {  	_ =	shalt  }
0x57: {  	_ =	shalt  }
0x58: {  	_ =	shalt  }
0x59: {  	_ =	shalt  }
0x5a: {  	_ =	shalt  }
0x5b: {  	_ =	shalt  }
0x5c: {  	_ =	shalt  }
0x5d: {  	_ =	shalt  }
0x5e: {  	_ =	shalt  }
0x5f: {  	_ =	shalt  }
0x60: {  	_ =	shalt  }
0x61: {  	_ =	shalt  }
0x62: {  	_ =	shalt  }
0x63: {  	_ =	shalt  }
0x64: {  	_ =	shalt  }
0x65: {  	_ =	shalt  }
0x66: {  	_ =	shalt  }
0x67: {  	_ =	shalt  }
0x68: {  	_ =	shalt  }
0x69: {  	_ =	shalt  }
0x6a: {  	_ =	shalt  }
0x6b: {  	_ =	shalt  }
0x6c: {  	_ =	shalt  }
0x6d: {  	_ =	shalt  }
0x6e: {  	_ =	shalt  }
0x6f: {  	_ =	shalt  }
0x70: {  	_ =	shalt  }
0x71: {  	_ =	shalt  }
0x72: {  	_ =	shalt  }
0x73: {  	_ =	shalt  }
0x74: {  	_ =	shalt  }
0x75: {  	_ =	shalt  }
0x76: {  	_ =	shalt  }
0x77: {  	_ =	shalt  }
0x78: {  	_ =	shalt  }
0x79: {  	_ =	shalt  }
0x7a: {  	_ =	shalt  }
0x7b: {  	_ =	shalt  }
0x7c: {  	_ =	shalt  }
0x7d: {  	_ =	shalt  }
0x7e: {  	_ =	shalt  }
0x7f: {  	_ =	shalt  }
0x80: {  	_ =	shalt  }
0x81: {  	_ =	shalt  }
0x82: {  	_ =	shalt  }
0x83: {  	_ =	shalt  }
0x84: {  	_ =	shalt  }
0x85: {  	_ =	shalt  }
0x86: {  	_ =	shalt  }
0x87: {  	_ =	shalt  }
.Lfunc_end0:
.L_simem_size_0:
called_computation_lowered:
.L_overlay_start_0:
0x88: {  	s2 =	sld [smem:$0x3FD9]  }
0x89: {  	s3 =	sld [smem:$0x3FFE];
	_ =	sdelay $0x1  }
0x8a: {  	s1 =	srdreg.scid  }
0x8b: {  	s0 =	sand.u32 $0x1, s1  }
0x8c: {  	s16 =	sshll.u32 s0, $0xA;
	s2 =	sadd.s32 s3, s2  }
0x8d: {  	s2 =	sadd.s32 s2, s16  }
0x8e: {  	[smem:$0x3FBC] =	sst s2  }
0x8f: {  	_ = 	snop  }
0x90: {  	(tm) =	ssettm $0x1  }
0x91: {  	s17 =	sld [smem:$0x3FFB];
	_ =	sdelay $0x3  }
0x92: {  	_ =	strace s17  }
0x93: {  	s2 =	sld [smem:$0x3FFC];
	_ =	sdelay $0x3  }
0x94: {  	_ =	strace s2  }
0x95: {  	s2 =	sld [smem:$0x3FFD];
	_ =	sdelay $0x3  }
0x96: {  	_ =	strace s2  }
0x97: {  	_ =	strace $0x8FFFFFFF  }
0x98: {  	s18 =	sld [smem:$0x3FDB];
	_ =	sdelay $0x1  }
0x99: {  	s19 =	simm.s32 $_scs_section_size  }
0x9a: {  	s4 =	simm.s32 $_size__tile_overlayer_lowered;
	s5 =	simm.s32 $_tile_overlayer_lowered  }
0x9b: {  	s22 =	simm.s32 $0x1BFF;
	s21 =	sshll.u32 s5, $0x1;
	s2 =	sadd.s32 s19, s18  }
0x9c: {  	s6 =	simm.s32 $0x0;
	s20 =	sshll.u32 s4, $0x1;
	s4 =	sadd.s32 s21, s2  }
0x9d: {  	[timem:s6], [sflag:s22] =	dma.local [hbm:s4], s20  }
0x9e: {  	_ =	swait.ge [sflag:s22], s20  }
0x9f: {  	s3 =	ssub.s32 $0x0, s20;
	[sflag:s22] =	ssyncset.done $0x0  }
0xa0: {  	[sflag:s22] =	ssyncadd.s32 s3;
	_ =	sdelay $0x1  }
0xa1: {  	s23 =	simm.s32 $0x1B8B  }
0xa2: {  	_ =	swait.ge [sflag:s23], $0x1  }
0xa3: {  	[sflag:s23] =	ssyncset.done $0x0  }
0xa4: {  	s25 =	simm.s32 $0x1B8E;
	s24 =	sld [smem:$0x3FFE];
	[sflag:s23] =	ssyncadd.s32 $0xFFFFFFFF  }
0xa5: {  	s26 =	simm.s32 $execute0_lowered;
	[smem:$0x3FD2] =	sst s25  }
0xa6: {  	s4 =	sshll.u32 s26, $0x1;
	_ =	strace $0x80000046;
	[dreg:$0x1] =	wrdreg $0xFFFFFFFF  }
0xa7: {  	s28 =	simm.s32 $_size_execute0_lowered;
	s2 =	sadd.s32 s2, s4;
	[dreg:$0x0] =	wrdreg $0x0  }
0xa8: {  	s4 =	sshll.u32 s28, $0x1;
	[dreg:$0x2] =	wrdreg s2  }
0xa9: {  	[dreg:$0x3] =	wrdreg s4  }
0xaa: {  	[dreg:$0x4] =	wrdreg $0xC0  }
0xab: {  	_ =	task [dreg:s6], $0x5FFFF  }
0xac: {  	[dreg:$0x1] =	wrdreg $0xFFFFFFFF  }
0xad: {  	[dreg:$0x0] =	wrdreg $0x60  }
0xae: {  	[dreg:$0x2] =	wrdreg s24  }
0xaf: {  	[dreg:$0x3] =	wrdreg $0x38000  }
0xb0: {  	[dreg:$0x4] =	wrdreg $0x9  }
0xb1: {  	_ =	task.clear_ibuf [dreg:s6], $0x5FFFF;
	_ =	strace $0x90000046  }
0xb2: {  	s29 =	simm.s32 $0x9;
	_ =	strace $0x80000048  }
0xb3: {  	_ =	swait.ge [sflag:s29], $0x1  }
0xb4: {  	[sflag:s29] =	ssyncadd.s32 $0xFFFFFFFF  }
0xb5: {  	_ =	strace $0x90000048  }
0xb6: {  	_ =	sfence  }
0xb7: {  	s30 =	sld [smem:$0x0];
	_ =	sdelay $0x2  }
0xb8: {  	s31 =	sshll.u32 s1, $0xD;
	s1 =	sshrl.u32 s1, $0x2  }
0xb9: {  	s3 =	sand.u32 $0x4000, s31;
	s1 =	sadd.s32 s1, s30  }
0xba: {  	s0 =	sor.u32 s3, s0;
	s1 =	sshll.u32 s1, $0x11  }
0xbb: {  	s0 =	sor.u32 s1, s0  }
0xbc: {  	s0 =	sadd.s32 $0x8F2B, s0  }
0xbd: {  	[sflag:s0] =	ssyncadd.remote.s32 $0x1  }
0xbe: {  	_ =	sfence.sel $0xFFFF  }
0xbf: {  	[dreg:$0x0] =	wrdreg $0xFFFFFFFF;
	(pc) =	sbr.abs _section_cstart, $3  }
0xc0: {  	[dreg:$0x1] =	wrdreg $0xFFFFFFFF  }
0xc1: {  	_ =	task.clear_ibuf [dreg:s6], $0x2FFFF;
	_ =	strace $0x9FFFFFFF  }
0xc2: {  	(tm) =	ssettm $0x7FFFFFFF  }
0xc3: {  	_ =	shalt  }
tec
execute0_lowered:
.L_overlay_start_1:
0x0: {  	(tag) =	ssettag $0x1  }
0x1: {  	s5 =	rddreg [dreg:$0x0]  }
0x2: {  	s0 =	srdreg.scid;
	s2 =	rddreg [dreg:$0x1];
	s3 =	simm.s32 $0x0  }
0x3: {  	s12 =	simm.s32 $0x3000;
	s13 =	simm.s32 $0x80;
	s14 =	simm.s32 $0x2800  }
0x4: {  	s18 =	simm.s32 $0x10;
	s19 =	simm.s32 $0x2;
	s4 =	sand.u32 $0x1, s0  }
0x5: {  	s20 =	simm.s32 $0x0;
	s0 =	stileid.u32;
	s7 =	smul.u32 $0x28000, s4  }
0x6: {  	[smem:$0x7FF] =	sst s3;
	s1 =	sshll.u32 s4, $0x4;
	s8 =	smul.u32 $0xA000, s0  }
0x7: {  	s4 =	ssub.s32 $0x2, s4;
	s16 =	smul.u32 $0x2800, s0;
	s1 =	sor.u32 s0, s1  }
0x8: {  	s17 =	sshll.u32 s0, $0x6;
	s30 =	sshrl.u32 s4, $0x1;
	s6 =	smul.u32 $0x500, s1  }
0x9: {  	s1 =	rddreg [dreg:$0x2];
	_ =	strace $0x80000047;
	s10 =	sadd.s32 s7, s5  }
0xa: {  	s31 =	sshrl.u32 s8, $0x2;
	s11 =	ssub.s32 s4, s30;
	s15 =	sadd.s32 $0xD600, s10  }
0xb: {  	s10 =	smax.u32 s11, $0x1;
	s11 =	simm.s32 $0x1;
	s6 =	sadd.s32 s6, s5  }
0xc: {  	s5 =	sadd.s32 s31, s2;
	s15 =	sadd.s32 s16, s15;
	s16 =	sor.u32 $0x1C01, s17  }
0xd: {  	s4 =	sadd.s32 $0x3600, s6;
	s6 =	sadd.s32 $0x800, s5;
	s7 =	sadd.s32 $0x1000, s5  }
0xe: {  	v0 =	vimm.f32 $1.000000000e+00;
	v1 =	vimm.f32 $0.0e+00;
	s8 =	sadd.s32 $0x1800, s5;
	s9 =	sadd.s32 $0x2000, s5;
	s17 =	sshrl.u32 s5, $0x3  }
.LBB2_1:
0xf: {  	[tilespmem:s3], [sflag:$0x1] =	stream.linear.gather [hbm4b:s4+s3], $0x2800, $0x38;
	[tilespmem:$0x6000] =	vst v63  }
0x10: {  	_ =	swait.ge [sflag:s11], $0x2800  }
0x11: {  	[sflag:s11] =	ssyncset.done $0x0  }
0x12: {  	s21 =	simm.s32 $0x40;
	s22 =	simm.s32 $0x0;
	[sflag:s11] =	ssyncadd.s32 $0xFFFFD800  }
.LBB2_2:
0x13: {  	p0 =	sne.s32 s21, $0x1FC0;
	[tilespmem:s22+$0x2800] =	vst v0;
	s23 =	smov.u32 s21;
	s21 =	sadd.s32 $0x40, s21  }
.Ltmp0:
0x14: {  	[tilespmem:s22+$0x3000] =	vst v1;
	(pc) =	sbr.rel @p0 .LBB2_2-.Ltmp0, $2  }
0x15: {  	_ =	sdelay $0x2  }
0x16: {  	s22 =	sshra.s32 s23, $0x2  }
0x17: {  	[tilespmem:s22+$0x2800] =	vst v0  }
0x18: {  	[tilespmem:s22+$0x3000] =	vst v1  }
0x19: {  	[spmem:s5] =	stream.linear.scatter [tilespmem:s12], [sflag:$0x1], $0x800, $0x38;
	[tilespmem:$0x6000] =	vst v63  }
0x1a: {  	_ =	swait.ge [sflag:s11], $0x800  }
0x1b: {  	[sflag:s11] =	ssyncset.done $0x0  }
0x1c: {  	[sflag:s11] =	ssyncadd.s32 $0xFFFFF800  }
0x1d: {  	[spmem:s6] =	stream.linear.scatter [tilespmem:s12], [sflag:$0x1], $0x800, $0x38;
	[tilespmem:$0x6000] =	vst v63  }
0x1e: {  	_ =	swait.ge [sflag:s11], $0x800  }
0x1f: {  	[sflag:s11] =	ssyncset.done $0x0  }
0x20: {  	[sflag:s11] =	ssyncadd.s32 $0xFFFFF800  }
0x21: {  	[spmem:s7] =	stream.linear.scatter [tilespmem:s12], [sflag:$0x1], $0x800, $0x38;
	[tilespmem:$0x6000] =	vst v63  }
0x22: {  	_ =	swait.ge [sflag:s11], $0x800  }
0x23: {  	[sflag:s11] =	ssyncset.done $0x0  }
0x24: {  	[sflag:s11] =	ssyncadd.s32 $0xFFFFF800  }
0x25: {  	[spmem:s8] =	stream.linear.scatter [tilespmem:s12], [sflag:$0x1], $0x800, $0x38;
	[tilespmem:$0x6000] =	vst v63  }
0x26: {  	_ =	swait.ge [sflag:s11], $0x800  }
0x27: {  	[sflag:s11] =	ssyncset.done $0x0  }
0x28: {  	[sflag:s11] =	ssyncadd.s32 $0xFFFFF800  }
0x29: {  	[spmem:s9] =	stream.linear.scatter [tilespmem:s12], [sflag:$0x1], $0x800, $0x38;
	[tilespmem:$0x6000] =	vst v63  }
0x2a: {  	_ =	swait.ge [sflag:s11], $0x800  }
0x2b: {  	[sflag:s11] =	ssyncset.done $0x0  }
0x2c: {  	[sflag:s11] =	ssyncadd.s32 $0xFFFFF800  }
0x2d: {  	s21 =	simm.s32 $0x0;
	[bflag:$0x0] =	sbarrier.arrive $0xFFFF  }
0x2e: {  	[spmem:s2] =	stream.indirect.scatter.add.f32 [tilespmem:s14], [sflag:$0x1], $0x10, s21, s13, $0xb8;
	[tilespmem:$0x6000] =	vst v63  }
0x2f: {  	_ =	swait.ge [sflag:s11], $0x800  }
0x30: {  	s21 =	simm.s32 $0x200;
	[sflag:s11] =	ssyncset.done $0x0  }
.LBB2_4:
0x31: {  	s22 =	sshra.s32 s21, $0x2;
	[sflag:s11] =	ssyncadd.s32 $0xFFFFF800;
	p0 =	sne.s32 s21, $0x9E00  }
0x32: {  	[spmem:s2] =	stream.indirect.scatter.add.f32 [tilespmem:s14], [sflag:$0x1], $0x10, s22, s13, $0xb8;
	[tilespmem:$0x6000] =	vst v63  }
.Ltmp1:
0x33: {  	_ = 	snop;
	(pc) =	sbr.rel @p0 .LBB2_4-.Ltmp1, $4  }
0x34: {  	_ = 	snop  }
0x35: {  	s21 =	sadd.s32 $0x200, s21  }
0x36: {  	_ =	swait.ge [sflag:s11], $0x800  }
0x37: {  	[sflag:s11] =	ssyncset.done $0x0  }
0x38: {  	s20 =	sadd.s32 $0x1, s20  }
0x39: {  	[sflag:s11] =	ssyncadd.s32 $0xFFFFF800;
	p0 =	sne.s32 s20, s10  }
.Ltmp2:
0x3a: {  	[bflag:$0x0] =	sbarrier.arrive $0xFFFF;
	(pc) =	sbr.rel @p0 .LBB2_1-.Ltmp2, $4  }
0x3b: {  	[hbm:s15@s18], [sflag:s16] =	dma.strided [spmem:s17@s19], $0x500, s11, $0x2   }
0x3c: {  	_ =	swait.ge [sflag:s11], $0x500  }
0x3d: {  	[sflag:s11] =	ssyncset.done $0x0  }
0x3e: {  	[sflag:s11] =	ssyncadd.s32 $0xFFFFFB00  }
0x3f: {  	_ =	sfence.sel $0x180000  }
0x40: {  	[bflag:$0x0] =	sbarrier.arrive $0xFFFF  }
0x41: {  	p0 =	sne.s32 s0, $0x0;
	_ =	strace $0x90000047  }
0x42: {  	s0 =	sadd.s32 @!p0 $0x100000, s1;
	[bflag:$0x2] =	sbarrier.arrive $0xFFFF  }
0x43: {  	[sflag:s0] =	ssyncadd.tile.s32 @!p0 $0x1;
	_ =	shalt  }
.Lfunc_end2:
_tile_overlayer_lowered:
.L_overlay_start_2:
0x44: {  	(tag) =	ssettag $0x2  }
0x45: {  	s0 =	rddreg [dreg:$0x0];
	s2 =	stileid.u32  }
0x46: {  	s1 =	rddreg [dreg:$0x1];
	p0 =	sne.s32 s2, $0x0  }
0x47: {  	s3 =	rddreg [dreg:$0x2];
	[bflag:$0x3] =	sbarrier.arrive $0xFFFF;
	s2 =	simm.s32 @!p0 $0x1C01  }
0x48: {  	[timem:s3], [sflag:s2] =	dma.local @!p0 [hbm:s0], s1  }
0x49: {  	s0 =	simm.s32 @!p0 $0x1  }
0x4a: {  	_ =	swait.ge @!p0 [sflag:s0], s1  }
0x4b: {  	s1 =	ssub.s32 @!p0 $0x0, s1;
	[sflag:s0] =	ssyncset.done @!p0 $0x0  }
0x4c: {  	[sflag:s0] =	ssyncadd.s32 @!p0 s1  }
0x4d: {  	[bflag:$0x3] =	sbarrier.arrive $0xFFFF  }
0x4e: {  	_ =	shalt  }

// kernel: kernel.15.cloned.1.call-start
scs
__scs_entry_jumppad:
0x0: {  	(pc) =	sbr.rel $0x88, $3  }
0x1: {  	(tag) =	ssettag $0x0;
	lr =	simm.s32 $0x1  }
0x2: {  	[smem:$0x3F95] =	sst lr;
	_ =	strace $0xD0000000  }
0x3: {  	_ = 	snop  }
0x4: {  	_ = 	snop  }
0x5: {  	_ = 	snop  }
0x6: {  	_ = 	snop  }
0x7: {  	_ = 	snop  }
__scs_overlays_trampoline_lowered:
0x8: {  	[smem:$0x3FA4] =	sst s0  }
0x9: {  	[smem:$0x3FA5] =	sst s1  }
0xa: {  	[smem:$0x3FA6] =	sst s2  }
0xb: {  	[smem:$0x3FA7] =	sst s3  }
0xc: {  	[smem:$0x3FA8] =	sst s4  }
0xd: {  	[smem:$0x3FA9] =	sst s5  }
0xe: {  	[smem:$0x3FAA] =	sst s6  }
0xf: {  	[smem:$0x3FAB] =	sst s7  }
0x10: {  	[smem:$0x3FAC] =	sst s8  }
0x11: {  	[smem:$0x3FAD] =	sst s9;
	s0 =	simm.s32 @!p0 $0x0  }
0x12: {  	s1 =	sld [smem:$0x3F93];
	s0 =	simm.s32 @p0 $0x1  }
0x13: {  	[smem:$0x3FAE] =	sst s0;
	s0 =	simm.s32 @!p1 $0x0  }
0x14: {  	s2 =	sld [smem:$0x3F92];
	s0 =	simm.s32 @p1 $0x1  }
0x15: {  	[smem:$0x3FAF] =	sst s0;
	s0 =	simm.s32 @!p2 $0x0  }
0x16: {  	s3 =	sld [smem:$0x3FDB];
	s0 =	simm.s32 @p2 $0x1  }
0x17: {  	s4 =	simm.s32 $0x1BF5;
	[smem:$0x3FB1] =	sst s0  }
0x18: {  	s0 =	sld [smem:$0x3F94];
	_ =	swait.ge [sflag:s4], $0x0  }
0x19: {  	s7 =	sld [smem:$0x3F95]  }
0x1a: {  	s8 =	sadd.s32 $0xFFFFE003, lr  }
0x1b: {  	s9 =	sadd.s32 $0xFFFFFEF7, lr;
	s5 =	simm.s32 $0xFFFFFFFF;
	p2 =	slt.u32 s8, $0xFFFFF086  }
0x1c: {  	p1 =	slt.u32 s9, $0xF7A;
	s5 =	simm.s32 @!p2 $0x0  }
0x1d: {  	s5 =	simm.s32 @p1 $0x1;
	p0 =	seq.s32 s7, s2  }
0x1e: {  	s7 =	smul.u32 @!p0 $0xF7A, s2;
	p2 =	seq.s32 @!p0 s5, $0x0  }
0x1f: {  	s9 =	smul.u32 $0xF7A, s1;
	s8 =	simm.s32 @!p0 $0x1BF5;
	p2 =	por !p2, p0  }
0x20: {  	[sflag:s8] =	ssyncset.s32 @!p0 $0xFFFFF086;
	s6 =	sadd.s32 @!p0 s3, s7;
	s7 =	simm.s32 @!p0 $0x108  }
0x21: {  	s3 =	sadd.s32 s3, s9;
	s6 =	sadd.s32 @!p0 $0x88, s6;
	s7 =	simm.s32 @p2 $0x1082  }
0x22: {  	[simem:s7], [sflag:s8] =	dma.local @!p0 [hbm:s6], $0xF7A  }
0x23: {  	s9 =	sor.u32 $0xD0000000, s2;
	s6 =	simm.s32 $0x108;
	_ =	swait.ge @!p0 [sflag:s8], $0x0  }
0x24: {  	s3 =	sadd.s32 $0x88, s3;
	s6 =	simm.s32 @!p1 $0x1082;
	[sflag:s4] =	ssyncset.s32 $0xFFFFF086  }
0x25: {  	[simem:s6], [sflag:s4] =	dma.local [hbm:s3], $0xF7A  }
0x26: {  	[smem:$0x3F95] =	sst s1;
	(tag) =	ssettag s2;
	_ =	strace s9  }
0x27: {  	s1 =	sld [smem:$0x3FA5]  }
0x28: {  	s2 =	sld [smem:$0x3FA6]  }
0x29: {  	s4 =	sld [smem:$0x3FA8]  }
0x2a: {  	p0 =	seq.s32 s5, $0x0;
	s5 =	sld [smem:$0x3FA9]  }
0x2b: {  	s6 =	sld [smem:$0x3FAA]  }
0x2c: {  	s7 =	sld [smem:$0x3FAB]  }
0x2d: {  	s3 =	simm.s32 $0x108;
	s8 =	sld [smem:$0x3FAC]  }
0x2e: {  	s3 =	simm.s32 @!p0 $0x1082;
	s9 =	sld [smem:$0x3FAD]  }
0x2f: {  	lr =	sadd.s32 s0, s3;
	s0 =	sld [smem:$0x3FA4]  }
0x30: {  	s3 =	sld [smem:$0x3FA7]  }
0x31: {  	[smem:$0x3FB0] =	sst s10  }
0x32: {  	s10 =	sld [smem:$0x3FAE];
	_ =	sdelay $0x3  }
0x33: {  	p0 =	seq.s32 s10, $0x1;
	s10 =	sld [smem:$0x3FB0];
	_ =	sdelay $0x3  }
0x34: {  	[smem:$0x3FB0] =	sst s10  }
0x35: {  	s10 =	sld [smem:$0x3FAF];
	_ =	sdelay $0x3  }
0x36: {  	p1 =	seq.s32 s10, $0x1;
	s10 =	sld [smem:$0x3FB0];
	_ =	sdelay $0x3  }
0x37: {  	[smem:$0x3FB0] =	sst s10  }
0x38: {  	s10 =	sld [smem:$0x3FB1]  }
0x39: {  	_ = 	snop;
	(pc) =	sbr.ind lr, $3  }
0x3a: {  	_ = 	snop  }
0x3b: {  	_ = 	snop  }
0x3c: {  	p2 =	seq.s32 s10, $0x1;
	s10 =	sld [smem:$0x3FB0]  }
0x3d: {  	_ =	shalt  }
0x3e: {  	_ =	shalt  }
0x3f: {  	_ =	shalt  }
0x40: {  	_ =	shalt  }
0x41: {  	_ =	shalt  }
0x42: {  	_ =	shalt  }
0x43: {  	_ =	shalt  }
0x44: {  	_ =	shalt  }
0x45: {  	_ =	shalt  }
0x46: {  	_ =	shalt  }
0x47: {  	_ =	shalt  }
0x48: {  	_ =	shalt  }
0x49: {  	_ =	shalt  }
0x4a: {  	_ =	shalt  }
0x4b: {  	_ =	shalt  }
0x4c: {  	_ =	shalt  }
0x4d: {  	_ =	shalt  }
0x4e: {  	_ =	shalt  }
0x4f: {  	_ =	shalt  }
0x50: {  	_ =	shalt  }
0x51: {  	_ =	shalt  }
0x52: {  	_ =	shalt  }
0x53: {  	_ =	shalt  }
0x54: {  	_ =	shalt  }
0x55: {  	_ =	shalt  }
0x56: {  	_ =	shalt  }
0x57: {  	_ =	shalt  }
0x58: {  	_ =	shalt  }
0x59: {  	_ =	shalt  }
0x5a: {  	_ =	shalt  }
0x5b: {  	_ =	shalt  }
0x5c: {  	_ =	shalt  }
0x5d: {  	_ =	shalt  }
0x5e: {  	_ =	shalt  }
0x5f: {  	_ =	shalt  }
0x60: {  	_ =	shalt  }
0x61: {  	_ =	shalt  }
0x62: {  	_ =	shalt  }
0x63: {  	_ =	shalt  }
0x64: {  	_ =	shalt  }
0x65: {  	_ =	shalt  }
0x66: {  	_ =	shalt  }
0x67: {  	_ =	shalt  }
0x68: {  	_ =	shalt  }
0x69: {  	_ =	shalt  }
0x6a: {  	_ =	shalt  }
0x6b: {  	_ =	shalt  }
0x6c: {  	_ =	shalt  }
0x6d: {  	_ =	shalt  }
0x6e: {  	_ =	shalt  }
0x6f: {  	_ =	shalt  }
0x70: {  	_ =	shalt  }
0x71: {  	_ =	shalt  }
0x72: {  	_ =	shalt  }
0x73: {  	_ =	shalt  }
0x74: {  	_ =	shalt  }
0x75: {  	_ =	shalt  }
0x76: {  	_ =	shalt  }
0x77: {  	_ =	shalt  }
0x78: {  	_ =	shalt  }
0x79: {  	_ =	shalt  }
0x7a: {  	_ =	shalt  }
0x7b: {  	_ =	shalt  }
0x7c: {  	_ =	shalt  }
0x7d: {  	_ =	shalt  }
0x7e: {  	_ =	shalt  }
0x7f: {  	_ =	shalt  }
0x80: {  	_ =	shalt  }
0x81: {  	_ =	shalt  }
0x82: {  	_ =	shalt  }
0x83: {  	_ =	shalt  }
0x84: {  	_ =	shalt  }
0x85: {  	_ =	shalt  }
0x86: {  	_ =	shalt  }
0x87: {  	_ =	shalt  }
.Lfunc_end0:
.L_simem_size_0:
called_computation.1_lowered:
.L_overlay_start_0:
0x88: {  	s2 =	sld [smem:$0x3FD9]  }
0x89: {  	s3 =	sld [smem:$0x3FFE];
	_ =	sdelay $0x1  }
0x8a: {  	s1 =	srdreg.scid  }
0x8b: {  	s0 =	sand.u32 $0x1, s1  }
0x8c: {  	s17 =	sshll.u32 s0, $0xA;
	s2 =	sadd.s32 s3, s2  }
0x8d: {  	s2 =	sadd.s32 s2, s17  }
0x8e: {  	[smem:$0x3FBC] =	sst s2  }
0x8f: {  	_ = 	snop  }
0x90: {  	s2 =	sld [smem:$0x3FD0];
	(tm) =	ssettm $0x1  }
0x91: {  	s18 =	sld [smem:$0x3FFB];
	_ =	sdelay $0x3  }
0x92: {  	_ =	strace s18  }
0x93: {  	s3 =	sld [smem:$0x3FFC];
	_ =	sdelay $0x3  }
0x94: {  	_ =	strace s3  }
0x95: {  	s3 =	sld [smem:$0x3FFD];
	_ =	sdelay $0x3  }
0x96: {  	_ =	strace s3  }
0x97: {  	_ =	strace $0x8FFFFFFF  }
0x98: {  	s19 =	sld [smem:$0x3FDB];
	_ =	sdelay $0x1  }
0x99: {  	s4 =	simm.s32 $_scs_section_size  }
0x9a: {  	s5 =	simm.s32 $_size__tile_overlayer_lowered;
	s6 =	simm.s32 $_tile_overlayer_lowered  }
0x9b: {  	s22 =	simm.s32 $0x1BFF;
	s21 =	sshll.u32 s6, $0x1;
	s3 =	sadd.s32 s4, s19  }
0x9c: {  	s7 =	simm.s32 $0x0;
	s20 =	sshll.u32 s5, $0x1;
	s5 =	sadd.s32 s21, s3  }
0x9d: {  	[timem:s7], [sflag:s22] =	dma.local [hbm:s5], s20  }
0x9e: {  	_ =	swait.ge [sflag:s22], s20  }
0x9f: {  	s4 =	ssub.s32 $0x0, s20;
	[sflag:s22] =	ssyncset.done $0x0  }
0xa0: {  	[sflag:s22] =	ssyncadd.s32 s4;
	_ =	sdelay $0x1  }
0xa1: {  	s23 =	simm.s32 $0x1B8B  }
0xa2: {  	_ =	swait.ge [sflag:s23], $0x1  }
0xa3: {  	[sflag:s23] =	ssyncset.done $0x0  }
0xa4: {  	s25 =	simm.s32 $0x1B8E;
	s24 =	sld [smem:$0x3FFE];
	[sflag:s23] =	ssyncadd.s32 $0xFFFFFFFF  }
0xa5: {  	s26 =	simm.s32 $execute0_lowered;
	[smem:$0x3FD2] =	sst s25  }
0xa6: {  	s5 =	sshll.u32 s26, $0x1;
	_ =	strace $0x80000049;
	[dreg:$0x1] =	wrdreg $0xFFFFFFFF  }
0xa7: {  	s28 =	simm.s32 $_size_execute0_lowered;
	s3 =	sadd.s32 s3, s5;
	[dreg:$0x0] =	wrdreg $0x0  }
0xa8: {  	s5 =	sshll.u32 s28, $0x1;
	[dreg:$0x2] =	wrdreg s3  }
0xa9: {  	[dreg:$0x3] =	wrdreg s5  }
0xaa: {  	[dreg:$0x4] =	wrdreg $0xC0  }
0xab: {  	_ =	task [dreg:s7], $0x5FFFF  }
0xac: {  	[dreg:$0x1] =	wrdreg $0xFFFFFFFF  }
0xad: {  	[dreg:$0x0] =	wrdreg $0x60  }
0xae: {  	[dreg:$0x2] =	wrdreg s2  }
0xaf: {  	[dreg:$0x3] =	wrdreg s24  }
0xb0: {  	[dreg:$0x4] =	wrdreg $0x150000  }
0xb1: {  	[dreg:$0x5] =	wrdreg $0x9  }
0xb2: {  	_ =	task.clear_ibuf [dreg:s7], $0x6FFFF;
	_ =	strace $0x90000049  }
0xb3: {  	s29 =	simm.s32 $0x9;
	_ =	strace $0x8000004B  }
0xb4: {  	_ =	swait.ge [sflag:s29], $0x1  }
0xb5: {  	[sflag:s29] =	ssyncadd.s32 $0xFFFFFFFF  }
0xb6: {  	_ =	strace $0x9000004B  }
0xb7: {  	_ =	sfence  }
0xb8: {  	s30 =	sld [smem:$0x0];
	_ =	sdelay $0x2  }
0xb9: {  	s31 =	sshll.u32 s1, $0xD;
	s1 =	sshrl.u32 s1, $0x2  }
0xba: {  	s3 =	sand.u32 $0x4000, s31;
	s1 =	sadd.s32 s1, s30  }
0xbb: {  	s0 =	sor.u32 s3, s0;
	s1 =	sshll.u32 s1, $0x11  }
0xbc: {  	s0 =	sor.u32 s1, s0  }
0xbd: {  	s0 =	sadd.s32 $0x8F2B, s0  }
0xbe: {  	[sflag:s0] =	ssyncadd.remote.s32 $0x1  }
0xbf: {  	_ =	sfence.sel $0xFFFF  }
0xc0: {  	[dreg:$0x0] =	wrdreg $0xFFFFFFFF;
	(pc) =	sbr.abs _section_cstart, $3  }
0xc1: {  	[dreg:$0x1] =	wrdreg $0xFFFFFFFF  }
0xc2: {  	_ =	task.clear_ibuf [dreg:s7], $0x2FFFF;
	_ =	strace $0x9FFFFFFF  }
0xc3: {  	(tm) =	ssettm $0x7FFFFFFF  }
tec
execute0_lowered:
.L_overlay_start_1:
0x0: {  	(tag) =	ssettag $0x1  }
0x1: {  	s1 =	rddreg [dreg:$0x0]  }
0x2: {  	s0 =	srdreg.scid;
	s2 =	rddreg [dreg:$0x1]  }
0x3: {  	s11 =	stileid.u32;
	s3 =	rddreg [dreg:$0x2]  }
0x4: {  	s13 =	simm.s32 $0x80;
	s14 =	simm.s32 $0x5000;
	s15 =	simm.s32 $0x7000  }
0x5: {  	s17 =	simm.s32 $0x9000;
	s18 =	simm.s32 $0x180;
	s19 =	simm.s32 $0xB000  }
0x6: {  	s20 =	simm.s32 $0x1;
	s21 =	simm.s32 $0xD000;
	s22 =	simm.s32 $0xF000  }
0x7: {  	s23 =	simm.s32 $0x11000;
	s28 =	simm.s32 $0x3;
	s29 =	simm.s32 $0x4  }
0x8: {  	s30 =	simm.s32 $0x10;
	s31 =	simm.s32 $0x8;
	s7 =	smul.u32 $0xA000, s11  }
0x9: {  	s0 =	sand.u32 $0x1, s0;
	s24 =	smul.u32 $0x2800, s11;
	s26 =	sshll.u32 s11, $0x6  }
0xa: {  	s4 =	sshll.u32 s0, $0x4;
	s6 =	smul.u32 $0x28000, s0;
	s0 =	ssub.s32 $0x2, s0  }
0xb: {  	s5 =	sor.u32 s11, s4;
	s4 =	simm.s32 $0x0;
	s25 =	sshrl.u32 s0, $0x1  }
0xc: {  	s9 =	sshrl.u32 s7, $0x3;
	s10 =	sadd.s32 s7, s3;
	s11 =	sor.u32 $0x1C05, s26  }
0xd: {  	s26 =	simm.s32 $0x2;
	s5 =	smul.u32 $0x500, s5;
	[smem:$0x7FF] =	sst s4  }
.Ltmp0:
0xe: {  	s0 =	ssub.s32 s0, s25;
	s7 =	sadd.s32 s1, s9;
	(pc) =	sbr.rel .LBB2_1-.Ltmp0, $4  }
0xf: {  	s9 =	simm.s32 $0x5;
	s12 =	sshrl.u32 s10, $0x3;
	s25 =	simm.s32 $0x13000  }
0x10: {  	_ =	strace $0x8000004A;
	s8 =	sadd.s32 s5, s2;
	s2 =	sadd.s32 s6, s2  }
0x11: {  	s5 =	sadd.s32 $0x5D600, s8;
	s6 =	sadd.s32 $0x3600, s8;
	s2 =	sadd.s32 $0x67600, s2  }
0x12: {  	s8 =	smax.u32 s0, $0x1;
	s24 =	sadd.s32 s24, s2;
	s2 =	simm.s32 $0x0  }
.LBB2_4:
0x13: {  	_ =	swait.ge [sflag:s29], $0x2000  }
0x14: {  	[sflag:s29] =	ssyncset.done $0x0  }
0x15: {  	[sflag:s29] =	ssyncadd.s32 $0xFFFFE000  }
0x16: {  	_ =	swait.ge [sflag:s29], $0x2000  }
0x17: {  	[sflag:s29] =	ssyncset.done $0x0  }
0x18: {  	[sflag:s29] =	ssyncadd.s32 $0xFFFFE000  }
0x19: {  	_ =	swait.ge [sflag:s29], $0x2000  }
0x1a: {  	[sflag:s29] =	ssyncset.done $0x0  }
0x1b: {  	[sflag:s29] =	ssyncadd.s32 $0xFFFFE000  }
0x1c: {  	_ =	swait.ge [sflag:s29], $0x2000  }
0x1d: {  	s2 =	sadd.s32 $0x1, s2;
	[sflag:s29] =	ssyncset.done $0x0  }
0x1e: {  	p0 =	sne.s32 s2, s8;
	[sflag:s29] =	ssyncadd.s32 $0xFFFFE000  }
.Ltmp1:
0x1f: {  	[bflag:$0x0] =	sbarrier.arrive $0xFFFF;
	(pc) =	sbr.rel @!p0 .LBB2_5-.Ltmp1, $4  }
0x20: {  	[hbm:s24@s30], [sflag:s11] =	dma.strided [spmem:s12@s31], $0x1400, s20, $0x8   }
0x21: {  	_ =	swait.ge [sflag:s9], $0x1400  }
0x22: {  	[sflag:s9] =	ssyncset.done $0x0  }
0x23: {  	[sflag:s9] =	ssyncadd.s32 $0xFFFFEC00  }
.LBB2_1:
0x24: {  	[tilespmem:s4], [sflag:$0x5] =	stream.linear.gather [hbm4b:s5+s4], $0x2800, $0x38;
	[tilespmem:$0x1F000] =	vst v63  }
0x25: {  	_ =	swait.ge [sflag:s9], $0x2800  }
0x26: {  	[sflag:s9] =	ssyncset.done $0x0  }
0x27: {  	s0 =	simm.s32 $0x2800;
	[sflag:s9] =	ssyncadd.s32 $0xFFFFD800  }
0x28: {  	[tilespmem:s0], [sflag:$0x5] =	stream.linear.gather [hbm4b:s6+s4], $0x2800, $0x38;
	[tilespmem:$0x1F000] =	vst v63  }
0x29: {  	_ =	swait.ge [sflag:s9], $0x2800  }
0x2a: {  	[sflag:s9] =	ssyncset.done $0x0  }
0x2b: {  	[sflag:s9] =	ssyncadd.s32 $0xFFFFD800  }
0x2c: {  	[spmem:s12], [sflag:s11] =	dma.local [hbm:s7], $0x1400  }
0x2d: {  	_ =	swait.ge [sflag:s9], $0x1400  }
0x2e: {  	[sflag:s9] =	ssyncset.done $0x0  }
0x2f: {  	[sflag:s9] =	ssyncadd.s32 $0xFFFFEC00  }
0x30: {  	[bflag:$0x0] =	sbarrier.arrive $0xFFFF  }
0x31: {  	[tilespmem:s14], [sflag:$0x1] =	stream.indirect.gather [hbm4b:s1+s13], $0x40, s4, s13, $0xb8;
	[tilespmem:$0x1F000] =	vst v63  }
0x32: {  	_ = 	snop  }
0x33: {  	[tilespmem:s15], [sflag:$0x1] =	stream.indirect.gather [hbm4b:s1+s13], $0x40, s13, s13, $0xb8;
	[tilespmem:$0x1F000] =	vst v63  }
0x34: {  	s16 =	simm.s32 $0x100  }
0x35: {  	[tilespmem:s17], [sflag:$0x1] =	stream.indirect.gather [hbm4b:s1+s13], $0x40, s16, s13, $0xb8;
	[tilespmem:$0x1F000] =	vst v63  }
0x36: {  	s0 =	simm.s32 $0x0  }
0x37: {  	[tilespmem:s19], [sflag:$0x1] =	stream.indirect.gather [hbm4b:s1+s13], $0x40, s18, s13, $0xb8;
	[tilespmem:$0x1F000] =	vst v63  }
.LBB2_2:
0x38: {  	_ =	swait.ge [sflag:s20], $0x2000  }
0x39: {  	[sflag:s20] =	ssyncset.done $0x0  }
0x3a: {  	[sflag:s20] =	ssyncadd.s32 $0xFFFFE000  }
0x3b: {  	_ =	swait.ge [sflag:s20], $0x2000  }
0x3c: {  	[sflag:s20] =	ssyncset.done $0x0  }
0x3d: {  	[sflag:s20] =	ssyncadd.s32 $0xFFFFE000  }
0x3e: {  	_ =	swait.ge [sflag:s20], $0x2000  }
0x3f: {  	[sflag:s20] =	ssyncset.done $0x0  }
0x40: {  	[sflag:s20] =	ssyncadd.s32 $0xFFFFE000  }
0x41: {  	_ =	swait.ge [sflag:s20], $0x2000  }
0x42: {  	s10 =	sshra.s32 s0, $0x2;
	[sflag:s20] =	ssyncset.done $0x0  }
0x43: {  	s16 =	sadd.s32 $0x2800, s10;
	[sflag:s20] =	ssyncadd.s32 $0xFFFFE000  }
0x44: {  	[spmem:s3] =	stream.indirect.scatter.add.f32 [tilespmem:s14], [sflag:$0x3], $0x40, s16, s13, $0xb8;
	[tilespmem:$0x1F000] =	vst v63  }
0x45: {  	s16 =	sadd.s32 $0x2880, s10  }
0x46: {  	[spmem:s3] =	stream.indirect.scatter.add.f32 [tilespmem:s15], [sflag:$0x3], $0x40, s16, s13, $0xb8;
	[tilespmem:$0x1F000] =	vst v63  }
0x47: {  	s16 =	sadd.s32 $0x2900, s10  }
0x48: {  	[spmem:s3] =	stream.indirect.scatter.add.f32 [tilespmem:s17], [sflag:$0x3], $0x40, s16, s13, $0xb8;
	[tilespmem:$0x1F000] =	vst v63  }
0x49: {  	p0 =	seq.s32 s0, $0x0;
	s16 =	sadd.s32 $0x2980, s10  }
0x4a: {  	[spmem:s3] =	stream.indirect.scatter.add.f32 [tilespmem:s19], [sflag:$0x3], $0x40, s16, s13, $0xb8;
	[tilespmem:$0x1F000] =	vst v63  }
0x4b: {  	s16 =	simm.s32 @!p0 $0x4  }
0x4c: {  	_ =	swait.ge @!p0 [sflag:s16], $0x2000  }
0x4d: {  	[sflag:s16] =	ssyncset.done @!p0 $0x0  }
0x4e: {  	[sflag:s16] =	ssyncadd.s32 @!p0 $0xFFFFE000  }
0x4f: {  	_ =	swait.ge @!p0 [sflag:s16], $0x2000  }
0x50: {  	[sflag:s16] =	ssyncset.done @!p0 $0x0  }
0x51: {  	[sflag:s16] =	ssyncadd.s32 @!p0 $0xFFFFE000  }
0x52: {  	_ =	swait.ge @!p0 [sflag:s16], $0x2000  }
0x53: {  	[sflag:s16] =	ssyncset.done @!p0 $0x0  }
0x54: {  	[sflag:s16] =	ssyncadd.s32 @!p0 $0xFFFFE000  }
0x55: {  	_ =	swait.ge @!p0 [sflag:s16], $0x2000  }
0x56: {  	[sflag:s16] =	ssyncset.done @!p0 $0x0  }
0x57: {  	[sflag:s16] =	ssyncadd.s32 @!p0 $0xFFFFE000;
	s16 =	sadd.s32 $0x200, s10  }
0x58: {  	[tilespmem:s21], [sflag:$0x2] =	stream.indirect.gather [hbm4b:s1+s13], $0x40, s16, s13, $0xb8;
	[tilespmem:$0x1F000] =	vst v63  }
0x59: {  	s16 =	sadd.s32 $0x280, s10  }
0x5a: {  	[tilespmem:s22], [sflag:$0x2] =	stream.indirect.gather [hbm4b:s1+s13], $0x40, s16, s13, $0xb8;
	[tilespmem:$0x1F000] =	vst v63  }
0x5b: {  	s16 =	sadd.s32 $0x300, s10  }
0x5c: {  	[tilespmem:s23], [sflag:$0x2] =	stream.indirect.gather [hbm4b:s1+s13], $0x40, s16, s13, $0xb8;
	[tilespmem:$0x1F000] =	vst v63  }
0x5d: {  	s16 =	sadd.s32 $0x380, s10  }
0x5e: {  	[tilespmem:s25], [sflag:$0x2] =	stream.indirect.gather [hbm4b:s1+s13], $0x40, s16, s13, $0xb8;
	[tilespmem:$0x1F000] =	vst v63  }
0x5f: {  	_ =	swait.ge [sflag:s26], $0x2000  }
0x60: {  	[sflag:s26] =	ssyncset.done $0x0  }
0x61: {  	[sflag:s26] =	ssyncadd.s32 $0xFFFFE000  }
0x62: {  	_ =	swait.ge [sflag:s26], $0x2000  }
0x63: {  	[sflag:s26] =	ssyncset.done $0x0  }
0x64: {  	[sflag:s26] =	ssyncadd.s32 $0xFFFFE000  }
0x65: {  	_ =	swait.ge [sflag:s26], $0x2000  }
0x66: {  	[sflag:s26] =	ssyncset.done $0x0  }
0x67: {  	[sflag:s26] =	ssyncadd.s32 $0xFFFFE000  }
0x68: {  	_ =	swait.ge [sflag:s26], $0x2000  }
0x69: {  	[sflag:s26] =	ssyncset.done $0x0  }
0x6a: {  	s16 =	sadd.s32 $0x2A00, s10;
	[sflag:s26] =	ssyncadd.s32 $0xFFFFE000  }
0x6b: {  	[spmem:s3] =	stream.indirect.scatter.add.f32 [tilespmem:s21], [sflag:$0x4], $0x40, s16, s13, $0xb8;
	[tilespmem:$0x1F000] =	vst v63  }
0x6c: {  	s16 =	sadd.s32 $0x2A80, s10  }
0x6d: {  	[spmem:s3] =	stream.indirect.scatter.add.f32 [tilespmem:s22], [sflag:$0x4], $0x40, s16, s13, $0xb8;
	[tilespmem:$0x1F000] =	vst v63  }
0x6e: {  	s16 =	sadd.s32 $0x2B00, s10  }
0x6f: {  	[spmem:s3] =	stream.indirect.scatter.add.f32 [tilespmem:s23], [sflag:$0x4], $0x40, s16, s13, $0xb8;
	[tilespmem:$0x1F000] =	vst v63  }
0x70: {  	s16 =	sadd.s32 $0x2B80, s10  }
0x71: {  	[spmem:s3] =	stream.indirect.scatter.add.f32 [tilespmem:s25], [sflag:$0x4], $0x40, s16, s13, $0xb8;
	[tilespmem:$0x1F000] =	vst v63  }
0x72: {  	_ =	swait.ge [sflag:s28], $0x2000  }
0x73: {  	[sflag:s28] =	ssyncset.done $0x0  }
0x74: {  	[sflag:s28] =	ssyncadd.s32 $0xFFFFE000  }
0x75: {  	_ =	swait.ge [sflag:s28], $0x2000  }
0x76: {  	[sflag:s28] =	ssyncset.done $0x0  }
0x77: {  	[sflag:s28] =	ssyncadd.s32 $0xFFFFE000  }
0x78: {  	p0 =	seq.s32 s0, $0x9000;
	_ =	swait.ge [sflag:s28], $0x2000  }
.Ltmp2:
0x79: {  	[sflag:s28] =	ssyncset.done $0x0;
	(pc) =	sbr.rel @p0 .LBB2_4-.Ltmp2, $4  }
0x7a: {  	[sflag:s28] =	ssyncadd.s32 $0xFFFFE000  }
0x7b: {  	_ =	swait.ge [sflag:s28], $0x2000  }
0x7c: {  	[sflag:s28] =	ssyncset.done $0x0  }
0x7d: {  	[sflag:s28] =	ssyncadd.s32 $0xFFFFE000  }
0x7e: {  	s16 =	sadd.s32 $0x400, s10  }
0x7f: {  	[tilespmem:s14], [sflag:$0x1] =	stream.indirect.gather [hbm4b:s1+s13], $0x40, s16, s13, $0xb8;
	[tilespmem:$0x1F000] =	vst v63  }
0x80: {  	s16 =	sadd.s32 $0x480, s10  }
0x81: {  	[tilespmem:s15], [sflag:$0x1] =	stream.indirect.gather [hbm4b:s1+s13], $0x40, s16, s13, $0xb8;
	[tilespmem:$0x1F000] =	vst v63  }
.Ltmp3:
0x82: {  	_ = 	snop;
	(pc) =	sbr.rel .LBB2_2-.Ltmp3, $4  }
0x83: {  	s16 =	sadd.s32 $0x500, s10  }
0x84: {  	[tilespmem:s17], [sflag:$0x1] =	stream.indirect.gather [hbm4b:s1+s13], $0x40, s16, s13, $0xb8;
	[tilespmem:$0x1F000] =	vst v63  }
0x85: {  	s0 =	sadd.s32 $0x1000, s0;
	s16 =	sadd.s32 $0x580, s10  }
0x86: {  	[tilespmem:s19], [sflag:$0x1] =	stream.indirect.gather [hbm4b:s1+s13], $0x40, s16, s13, $0xb8;
	[tilespmem:$0x1F000] =	vst v63  }
.LBB2_5:
0x87: {  	_ =	sfence.sel $0x180000  }
0x88: {  	[bflag:$0x0] =	sbarrier.arrive $0xFFFF  }
0x89: {  	_ =	strace $0x9000004A  }
0x8a: {  	s0 =	stileid.u32;
	[bflag:$0x2] =	sbarrier.arrive $0xFFFF  }
0x8b: {  	p0 =	sne.s32 s0, $0x0;
	s0 =	rddreg [dreg:$0x3]  }
0x8c: {  	s0 =	sadd.s32 @!p0 $0x100000, s0  }
0x8d: {  	[sflag:s0] =	ssyncadd.tile.s32 @!p0 $0x1;
	_ =	shalt  }
.Lfunc_end2:
_tile_overlayer_lowered:
.L_overlay_start_2:
0x8e: {  	(tag) =	ssettag $0x2  }
0x8f: {  	s0 =	rddreg [dreg:$0x0];
	s2 =	stileid.u32  }
0x90: {  	s1 =	rddreg [dreg:$0x1];
	p0 =	sne.s32 s2, $0x0  }
0x91: {  	s3 =	rddreg [dreg:$0x2];
	[bflag:$0x3] =	sbarrier.arrive $0xFFFF;
	s2 =	simm.s32 @!p0 $0x1C05  }
0x92: {  	[timem:s3], [sflag:s2] =	dma.local @!p0 [hbm:s0], s1  }
0x93: {  	s0 =	simm.s32 @!p0 $0x5  }
0x94: {  	_ =	swait.ge @!p0 [sflag:s0], s1  }
0x95: {  	s1 =	ssub.s32 @!p0 $0x0, s1;
	[sflag:s0] =	ssyncset.done @!p0 $0x0  }
0x96: {  	[sflag:s0] =	ssyncadd.s32 @!p0 s1  }
0x97: {  	[bflag:$0x3] =	sbarrier.arrive $0xFFFF  }
0x98: {  	_ =	shalt  }

// kernel: kernel.18.cloned.1.call-start
scs
__scs_entry_jumppad:
0x0: {  	(pc) =	sbr.rel $0x88, $3  }
0x1: {  	(tag) =	ssettag $0x0;
	lr =	simm.s32 $0x1  }
0x2: {  	[smem:$0x3F95] =	sst lr;
	_ =	strace $0xD0000000  }
0x3: {  	_ = 	snop  }
0x4: {  	_ = 	snop  }
0x5: {  	_ = 	snop  }
0x6: {  	_ = 	snop  }
0x7: {  	_ = 	snop  }
__scs_overlays_trampoline_lowered:
0x8: {  	[smem:$0x3FA4] =	sst s0  }
0x9: {  	[smem:$0x3FA5] =	sst s1  }
0xa: {  	[smem:$0x3FA6] =	sst s2  }
0xb: {  	[smem:$0x3FA7] =	sst s3  }
0xc: {  	[smem:$0x3FA8] =	sst s4  }
0xd: {  	[smem:$0x3FA9] =	sst s5  }
0xe: {  	[smem:$0x3FAA] =	sst s6  }
0xf: {  	[smem:$0x3FAB] =	sst s7  }
0x10: {  	[smem:$0x3FAC] =	sst s8  }
0x11: {  	[smem:$0x3FAD] =	sst s9;
	s0 =	simm.s32 @!p0 $0x0  }
0x12: {  	s1 =	sld [smem:$0x3F93];
	s0 =	simm.s32 @p0 $0x1  }
0x13: {  	[smem:$0x3FAE] =	sst s0;
	s0 =	simm.s32 @!p1 $0x0  }
0x14: {  	s2 =	sld [smem:$0x3F92];
	s0 =	simm.s32 @p1 $0x1  }
0x15: {  	[smem:$0x3FAF] =	sst s0;
	s0 =	simm.s32 @!p2 $0x0  }
0x16: {  	s3 =	sld [smem:$0x3FDB];
	s0 =	simm.s32 @p2 $0x1  }
0x17: {  	s4 =	simm.s32 $0x1BF5;
	[smem:$0x3FB1] =	sst s0  }
0x18: {  	s0 =	sld [smem:$0x3F94];
	_ =	swait.ge [sflag:s4], $0x0  }
0x19: {  	s7 =	sld [smem:$0x3F95]  }
0x1a: {  	s8 =	sadd.s32 $0xFFFFE003, lr  }
0x1b: {  	s9 =	sadd.s32 $0xFFFFFEF7, lr;
	s5 =	simm.s32 $0xFFFFFFFF;
	p2 =	slt.u32 s8, $0xFFFFF086  }
0x1c: {  	p1 =	slt.u32 s9, $0xF7A;
	s5 =	simm.s32 @!p2 $0x0  }
0x1d: {  	s5 =	simm.s32 @p1 $0x1;
	p0 =	seq.s32 s7, s2  }
0x1e: {  	s7 =	smul.u32 @!p0 $0xF7A, s2;
	p2 =	seq.s32 @!p0 s5, $0x0  }
0x1f: {  	s9 =	smul.u32 $0xF7A, s1;
	s8 =	simm.s32 @!p0 $0x1BF5;
	p2 =	por !p2, p0  }
0x20: {  	[sflag:s8] =	ssyncset.s32 @!p0 $0xFFFFF086;
	s6 =	sadd.s32 @!p0 s3, s7;
	s7 =	simm.s32 @!p0 $0x108  }
0x21: {  	s3 =	sadd.s32 s3, s9;
	s6 =	sadd.s32 @!p0 $0x88, s6;
	s7 =	simm.s32 @p2 $0x1082  }
0x22: {  	[simem:s7], [sflag:s8] =	dma.local @!p0 [hbm:s6], $0xF7A  }
0x23: {  	s9 =	sor.u32 $0xD0000000, s2;
	s6 =	simm.s32 $0x108;
	_ =	swait.ge @!p0 [sflag:s8], $0x0  }
0x24: {  	s3 =	sadd.s32 $0x88, s3;
	s6 =	simm.s32 @!p1 $0x1082;
	[sflag:s4] =	ssyncset.s32 $0xFFFFF086  }
0x25: {  	[simem:s6], [sflag:s4] =	dma.local [hbm:s3], $0xF7A  }
0x26: {  	[smem:$0x3F95] =	sst s1;
	(tag) =	ssettag s2;
	_ =	strace s9  }
0x27: {  	s1 =	sld [smem:$0x3FA5]  }
0x28: {  	s2 =	sld [smem:$0x3FA6]  }
0x29: {  	s4 =	sld [smem:$0x3FA8]  }
0x2a: {  	p0 =	seq.s32 s5, $0x0;
	s5 =	sld [smem:$0x3FA9]  }
0x2b: {  	s6 =	sld [smem:$0x3FAA]  }
0x2c: {  	s7 =	sld [smem:$0x3FAB]  }
0x2d: {  	s3 =	simm.s32 $0x108;
	s8 =	sld [smem:$0x3FAC]  }
0x2e: {  	s3 =	simm.s32 @!p0 $0x1082;
	s9 =	sld [smem:$0x3FAD]  }
0x2f: {  	lr =	sadd.s32 s0, s3;
	s0 =	sld [smem:$0x3FA4]  }
0x30: {  	s3 =	sld [smem:$0x3FA7]  }
0x31: {  	[smem:$0x3FB0] =	sst s10  }
0x32: {  	s10 =	sld [smem:$0x3FAE];
	_ =	sdelay $0x3  }
0x33: {  	p0 =	seq.s32 s10, $0x1;
	s10 =	sld [smem:$0x3FB0];
	_ =	sdelay $0x3  }
0x34: {  	[smem:$0x3FB0] =	sst s10  }
0x35: {  	s10 =	sld [smem:$0x3FAF];
	_ =	sdelay $0x3  }
0x36: {  	p1 =	seq.s32 s10, $0x1;
	s10 =	sld [smem:$0x3FB0];
	_ =	sdelay $0x3  }
0x37: {  	[smem:$0x3FB0] =	sst s10  }
0x38: {  	s10 =	sld [smem:$0x3FB1]  }
0x39: {  	_ = 	snop;
	(pc) =	sbr.ind lr, $3  }
0x3a: {  	_ = 	snop  }
0x3b: {  	_ = 	snop  }
0x3c: {  	p2 =	seq.s32 s10, $0x1;
	s10 =	sld [smem:$0x3FB0]  }
0x3d: {  	_ =	shalt  }
0x3e: {  	_ =	shalt  }
0x3f: {  	_ =	shalt  }
0x40: {  	_ =	shalt  }
0x41: {  	_ =	shalt  }
0x42: {  	_ =	shalt  }
0x43: {  	_ =	shalt  }
0x44: {  	_ =	shalt  }
0x45: {  	_ =	shalt  }
0x46: {  	_ =	shalt  }
0x47: {  	_ =	shalt  }
0x48: {  	_ =	shalt  }
0x49: {  	_ =	shalt  }
0x4a: {  	_ =	shalt  }
0x4b: {  	_ =	shalt  }
0x4c: {  	_ =	shalt  }
0x4d: {  	_ =	shalt  }
0x4e: {  	_ =	shalt  }
0x4f: {  	_ =	shalt  }
0x50: {  	_ =	shalt  }
0x51: {  	_ =	shalt  }
0x52: {  	_ =	shalt  }
0x53: {  	_ =	shalt  }
0x54: {  	_ =	shalt  }
0x55: {  	_ =	shalt  }
0x56: {  	_ =	shalt  }
0x57: {  	_ =	shalt  }
0x58: {  	_ =	shalt  }
0x59: {  	_ =	shalt  }
0x5a: {  	_ =	shalt  }
0x5b: {  	_ =	shalt  }
0x5c: {  	_ =	shalt  }
0x5d: {  	_ =	shalt  }
0x5e: {  	_ =	shalt  }
0x5f: {  	_ =	shalt  }
0x60: {  	_ =	shalt  }
0x61: {  	_ =	shalt  }
0x62: {  	_ =	shalt  }
0x63: {  	_ =	shalt  }
0x64: {  	_ =	shalt  }
0x65: {  	_ =	shalt  }
0x66: {  	_ =	shalt  }
0x67: {  	_ =	shalt  }
0x68: {  	_ =	shalt  }
0x69: {  	_ =	shalt  }
0x6a: {  	_ =	shalt  }
0x6b: {  	_ =	shalt  }
0x6c: {  	_ =	shalt  }
0x6d: {  	_ =	shalt  }
0x6e: {  	_ =	shalt  }
0x6f: {  	_ =	shalt  }
0x70: {  	_ =	shalt  }
0x71: {  	_ =	shalt  }
0x72: {  	_ =	shalt  }
0x73: {  	_ =	shalt  }
0x74: {  	_ =	shalt  }
0x75: {  	_ =	shalt  }
0x76: {  	_ =	shalt  }
0x77: {  	_ =	shalt  }
0x78: {  	_ =	shalt  }
0x79: {  	_ =	shalt  }
0x7a: {  	_ =	shalt  }
0x7b: {  	_ =	shalt  }
0x7c: {  	_ =	shalt  }
0x7d: {  	_ =	shalt  }
0x7e: {  	_ =	shalt  }
0x7f: {  	_ =	shalt  }
0x80: {  	_ =	shalt  }
0x81: {  	_ =	shalt  }
0x82: {  	_ =	shalt  }
0x83: {  	_ =	shalt  }
0x84: {  	_ =	shalt  }
0x85: {  	_ =	shalt  }
0x86: {  	_ =	shalt  }
0x87: {  	_ =	shalt  }
.Lfunc_end0:
.L_simem_size_0:
called_computation.2_lowered:
.L_overlay_start_0:
0x88: {  	s2 =	sld [smem:$0x3FD9]  }
0x89: {  	s3 =	sld [smem:$0x3FFE];
	_ =	sdelay $0x1  }
0x8a: {  	s1 =	srdreg.scid  }
0x8b: {  	s0 =	sand.u32 $0x1, s1  }
0x8c: {  	s17 =	sshll.u32 s0, $0xA;
	s2 =	sadd.s32 s3, s2  }
0x8d: {  	s2 =	sadd.s32 s2, s17  }
0x8e: {  	[smem:$0x3FBC] =	sst s2  }
0x8f: {  	_ = 	snop  }
0x90: {  	s2 =	sld [smem:$0x3FD0];
	(tm) =	ssettm $0x1  }
0x91: {  	s18 =	sld [smem:$0x3FFB];
	_ =	sdelay $0x3  }
0x92: {  	_ =	strace s18  }
0x93: {  	s3 =	sld [smem:$0x3FFC];
	_ =	sdelay $0x3  }
0x94: {  	_ =	strace s3  }
0x95: {  	s3 =	sld [smem:$0x3FFD];
	_ =	sdelay $0x3  }
0x96: {  	_ =	strace s3  }
0x97: {  	_ =	strace $0x8FFFFFFF  }
0x98: {  	s19 =	sld [smem:$0x3FDB];
	_ =	sdelay $0x1  }
0x99: {  	s4 =	simm.s32 $_scs_section_size  }
0x9a: {  	s5 =	simm.s32 $_size__tile_overlayer_lowered;
	s6 =	simm.s32 $_tile_overlayer_lowered  }
0x9b: {  	s22 =	simm.s32 $0x1BFF;
	s21 =	sshll.u32 s6, $0x1;
	s3 =	sadd.s32 s4, s19  }
0x9c: {  	s7 =	simm.s32 $0x0;
	s20 =	sshll.u32 s5, $0x1;
	s5 =	sadd.s32 s21, s3  }
0x9d: {  	[timem:s7], [sflag:s22] =	dma.local [hbm:s5], s20  }
0x9e: {  	_ =	swait.ge [sflag:s22], s20  }
0x9f: {  	s4 =	ssub.s32 $0x0, s20;
	[sflag:s22] =	ssyncset.done $0x0  }
0xa0: {  	[sflag:s22] =	ssyncadd.s32 s4;
	_ =	sdelay $0x1  }
0xa1: {  	s23 =	simm.s32 $0x1B8B  }
0xa2: {  	_ =	swait.ge [sflag:s23], $0x1  }
0xa3: {  	[sflag:s23] =	ssyncset.done $0x0  }
0xa4: {  	s25 =	simm.s32 $0x1B8E;
	s24 =	sld [smem:$0x3FFE];
	[sflag:s23] =	ssyncadd.s32 $0xFFFFFFFF  }
0xa5: {  	s26 =	simm.s32 $execute0_lowered;
	[smem:$0x3FD2] =	sst s25  }
0xa6: {  	s5 =	sshll.u32 s26, $0x1;
	_ =	strace $0x8000004C;
	[dreg:$0x1] =	wrdreg $0xFFFFFFFF  }
0xa7: {  	s28 =	simm.s32 $_size_execute0_lowered;
	s3 =	sadd.s32 s3, s5;
	[dreg:$0x0] =	wrdreg $0x0  }
0xa8: {  	s5 =	sshll.u32 s28, $0x1;
	[dreg:$0x2] =	wrdreg s3  }
0xa9: {  	[dreg:$0x3] =	wrdreg s5  }
0xaa: {  	[dreg:$0x4] =	wrdreg $0xC0  }
0xab: {  	_ =	task [dreg:s7], $0x5FFFF  }
0xac: {  	[dreg:$0x1] =	wrdreg $0xFFFFFFFF  }
0xad: {  	[dreg:$0x0] =	wrdreg $0x60  }
0xae: {  	[dreg:$0x2] =	wrdreg s2  }
0xaf: {  	[dreg:$0x3] =	wrdreg s24  }
0xb0: {  	[dreg:$0x4] =	wrdreg $0x150000  }
0xb1: {  	[dreg:$0x5] =	wrdreg $0x9  }
0xb2: {  	_ =	task.clear_ibuf [dreg:s7], $0x6FFFF;
	_ =	strace $0x9000004C  }
0xb3: {  	s29 =	simm.s32 $0x9;
	_ =	strace $0x8000004E  }
0xb4: {  	_ =	swait.ge [sflag:s29], $0x1  }
0xb5: {  	[sflag:s29] =	ssyncadd.s32 $0xFFFFFFFF  }
0xb6: {  	_ =	strace $0x9000004E  }
0xb7: {  	_ =	sfence  }
0xb8: {  	s30 =	sld [smem:$0x0];
	_ =	sdelay $0x2  }
0xb9: {  	s31 =	sshll.u32 s1, $0xD;
	s1 =	sshrl.u32 s1, $0x2  }
0xba: {  	s3 =	sand.u32 $0x4000, s31;
	s1 =	sadd.s32 s1, s30  }
0xbb: {  	s0 =	sor.u32 s3, s0;
	s1 =	sshll.u32 s1, $0x11  }
0xbc: {  	s0 =	sor.u32 s1, s0  }
0xbd: {  	s0 =	sadd.s32 $0x8F2B, s0  }
0xbe: {  	[sflag:s0] =	ssyncadd.remote.s32 $0x1  }
0xbf: {  	_ =	sfence.sel $0xFFFF  }
0xc0: {  	[dreg:$0x0] =	wrdreg $0xFFFFFFFF;
	(pc) =	sbr.abs _section_cstart, $3  }
0xc1: {  	[dreg:$0x1] =	wrdreg $0xFFFFFFFF  }
0xc2: {  	_ =	task.clear_ibuf [dreg:s7], $0x2FFFF;
	_ =	strace $0x9FFFFFFF  }
0xc3: {  	(tm) =	ssettm $0x7FFFFFFF  }
tec
execute0_lowered:
.L_overlay_start_1:
0x0: {  	(tag) =	ssettag $0x1  }
0x1: {  	s1 =	rddreg [dreg:$0x0]  }
0x2: {  	s0 =	srdreg.scid;
	s2 =	rddreg [dreg:$0x1]  }
0x3: {  	s11 =	stileid.u32;
	s3 =	rddreg [dreg:$0x2]  }
0x4: {  	s13 =	simm.s32 $0x80;
	s14 =	simm.s32 $0x5000;
	s15 =	simm.s32 $0x7000  }
0x5: {  	s17 =	simm.s32 $0x9000;
	s18 =	simm.s32 $0x180;
	s19 =	simm.s32 $0xB000  }
0x6: {  	s20 =	simm.s32 $0x1;
	s21 =	simm.s32 $0xD000;
	s22 =	simm.s32 $0xF000  }
0x7: {  	s23 =	simm.s32 $0x11000;
	s28 =	simm.s32 $0x3;
	s29 =	simm.s32 $0x4  }
0x8: {  	s30 =	simm.s32 $0x10;
	s31 =	simm.s32 $0x8;
	s7 =	smul.u32 $0xA000, s11  }
0x9: {  	s0 =	sand.u32 $0x1, s0;
	s24 =	smul.u32 $0x2800, s11;
	s26 =	sshll.u32 s11, $0x6  }
0xa: {  	s4 =	sshll.u32 s0, $0x4;
	s6 =	smul.u32 $0x28000, s0;
	s0 =	ssub.s32 $0x2, s0  }
0xb: {  	s5 =	sor.u32 s11, s4;
	s4 =	simm.s32 $0x0;
	s25 =	sshrl.u32 s0, $0x1  }
0xc: {  	s9 =	sshrl.u32 s7, $0x3;
	s10 =	sadd.s32 s7, s3;
	s11 =	sor.u32 $0x1C05, s26  }
0xd: {  	s26 =	simm.s32 $0x2;
	s5 =	smul.u32 $0x500, s5;
	[smem:$0x7FF] =	sst s4  }
.Ltmp0:
0xe: {  	s0 =	ssub.s32 s0, s25;
	s7 =	sadd.s32 s1, s9;
	(pc) =	sbr.rel .LBB2_1-.Ltmp0, $4  }
0xf: {  	s9 =	simm.s32 $0x5;
	s12 =	sshrl.u32 s10, $0x3;
	s25 =	simm.s32 $0x13000  }
0x10: {  	_ =	strace $0x8000004D;
	s8 =	sadd.s32 s5, s2;
	s2 =	sadd.s32 s6, s2  }
0x11: {  	s5 =	sadd.s32 $0x5D600, s8;
	s6 =	sadd.s32 $0x3600, s8;
	s2 =	sadd.s32 $0x67600, s2  }
0x12: {  	s8 =	smax.u32 s0, $0x1;
	s24 =	sadd.s32 s24, s2;
	s2 =	simm.s32 $0x0  }
.LBB2_4:
0x13: {  	_ =	swait.ge [sflag:s29], $0x2000  }
0x14: {  	[sflag:s29] =	ssyncset.done $0x0  }
0x15: {  	[sflag:s29] =	ssyncadd.s32 $0xFFFFE000  }
0x16: {  	_ =	swait.ge [sflag:s29], $0x2000  }
0x17: {  	[sflag:s29] =	ssyncset.done $0x0  }
0x18: {  	[sflag:s29] =	ssyncadd.s32 $0xFFFFE000  }
0x19: {  	_ =	swait.ge [sflag:s29], $0x2000  }
0x1a: {  	[sflag:s29] =	ssyncset.done $0x0  }
0x1b: {  	[sflag:s29] =	ssyncadd.s32 $0xFFFFE000  }
0x1c: {  	_ =	swait.ge [sflag:s29], $0x2000  }
0x1d: {  	s2 =	sadd.s32 $0x1, s2;
	[sflag:s29] =	ssyncset.done $0x0  }
0x1e: {  	p0 =	sne.s32 s2, s8;
	[sflag:s29] =	ssyncadd.s32 $0xFFFFE000  }
.Ltmp1:
0x1f: {  	[bflag:$0x0] =	sbarrier.arrive $0xFFFF;
	(pc) =	sbr.rel @!p0 .LBB2_5-.Ltmp1, $4  }
0x20: {  	[hbm:s24@s30], [sflag:s11] =	dma.strided [spmem:s12@s31], $0x1400, s20, $0x8   }
0x21: {  	_ =	swait.ge [sflag:s9], $0x1400  }
0x22: {  	[sflag:s9] =	ssyncset.done $0x0  }
0x23: {  	[sflag:s9] =	ssyncadd.s32 $0xFFFFEC00  }
.LBB2_1:
0x24: {  	[tilespmem:s4], [sflag:$0x5] =	stream.linear.gather [hbm4b:s5+s4], $0x2800, $0x38;
	[tilespmem:$0x1F000] =	vst v63  }
0x25: {  	_ =	swait.ge [sflag:s9], $0x2800  }
0x26: {  	[sflag:s9] =	ssyncset.done $0x0  }
0x27: {  	s0 =	simm.s32 $0x2800;
	[sflag:s9] =	ssyncadd.s32 $0xFFFFD800  }
0x28: {  	[tilespmem:s0], [sflag:$0x5] =	stream.linear.gather [hbm4b:s6+s4], $0x2800, $0x38;
	[tilespmem:$0x1F000] =	vst v63  }
0x29: {  	_ =	swait.ge [sflag:s9], $0x2800  }
0x2a: {  	[sflag:s9] =	ssyncset.done $0x0  }
0x2b: {  	[sflag:s9] =	ssyncadd.s32 $0xFFFFD800  }
0x2c: {  	[spmem:s12], [sflag:s11] =	dma.local [hbm:s7], $0x1400  }
0x2d: {  	_ =	swait.ge [sflag:s9], $0x1400  }
0x2e: {  	[sflag:s9] =	ssyncset.done $0x0  }
0x2f: {  	[sflag:s9] =	ssyncadd.s32 $0xFFFFEC00  }
0x30: {  	[bflag:$0x0] =	sbarrier.arrive $0xFFFF  }
0x31: {  	[tilespmem:s14], [sflag:$0x1] =	stream.indirect.gather [hbm4b:s1+s13], $0x40, s4, s13, $0xb8;
	[tilespmem:$0x1F000] =	vst v63  }
0x32: {  	_ = 	snop  }
0x33: {  	[tilespmem:s15], [sflag:$0x1] =	stream.indirect.gather [hbm4b:s1+s13], $0x40, s13, s13, $0xb8;
	[tilespmem:$0x1F000] =	vst v63  }
0x34: {  	s16 =	simm.s32 $0x100  }
0x35: {  	[tilespmem:s17], [sflag:$0x1] =	stream.indirect.gather [hbm4b:s1+s13], $0x40, s16, s13, $0xb8;
	[tilespmem:$0x1F000] =	vst v63  }
0x36: {  	s0 =	simm.s32 $0x0  }
0x37: {  	[tilespmem:s19], [sflag:$0x1] =	stream.indirect.gather [hbm4b:s1+s13], $0x40, s18, s13, $0xb8;
	[tilespmem:$0x1F000] =	vst v63  }
.LBB2_2:
0x38: {  	_ =	swait.ge [sflag:s20], $0x2000  }
0x39: {  	[sflag:s20] =	ssyncset.done $0x0  }
0x3a: {  	[sflag:s20] =	ssyncadd.s32 $0xFFFFE000  }
0x3b: {  	_ =	swait.ge [sflag:s20], $0x2000  }
0x3c: {  	[sflag:s20] =	ssyncset.done $0x0  }
0x3d: {  	[sflag:s20] =	ssyncadd.s32 $0xFFFFE000  }
0x3e: {  	_ =	swait.ge [sflag:s20], $0x2000  }
0x3f: {  	[sflag:s20] =	ssyncset.done $0x0  }
0x40: {  	[sflag:s20] =	ssyncadd.s32 $0xFFFFE000  }
0x41: {  	_ =	swait.ge [sflag:s20], $0x2000  }
0x42: {  	s10 =	sshra.s32 s0, $0x2;
	[sflag:s20] =	ssyncset.done $0x0  }
0x43: {  	s16 =	sadd.s32 $0x2800, s10;
	[sflag:s20] =	ssyncadd.s32 $0xFFFFE000  }
0x44: {  	[spmem:s3] =	stream.indirect.scatter.add.f32 [tilespmem:s14], [sflag:$0x3], $0x40, s16, s13, $0xb8;
	[tilespmem:$0x1F000] =	vst v63  }
0x45: {  	s16 =	sadd.s32 $0x2880, s10  }
0x46: {  	[spmem:s3] =	stream.indirect.scatter.add.f32 [tilespmem:s15], [sflag:$0x3], $0x40, s16, s13, $0xb8;
	[tilespmem:$0x1F000] =	vst v63  }
0x47: {  	s16 =	sadd.s32 $0x2900, s10  }
0x48: {  	[spmem:s3] =	stream.indirect.scatter.add.f32 [tilespmem:s17], [sflag:$0x3], $0x40, s16, s13, $0xb8;
	[tilespmem:$0x1F000] =	vst v63  }
0x49: {  	p0 =	seq.s32 s0, $0x0;
	s16 =	sadd.s32 $0x2980, s10  }
0x4a: {  	[spmem:s3] =	stream.indirect.scatter.add.f32 [tilespmem:s19], [sflag:$0x3], $0x40, s16, s13, $0xb8;
	[tilespmem:$0x1F000] =	vst v63  }
0x4b: {  	s16 =	simm.s32 @!p0 $0x4  }
0x4c: {  	_ =	swait.ge @!p0 [sflag:s16], $0x2000  }
0x4d: {  	[sflag:s16] =	ssyncset.done @!p0 $0x0  }
0x4e: {  	[sflag:s16] =	ssyncadd.s32 @!p0 $0xFFFFE000  }
0x4f: {  	_ =	swait.ge @!p0 [sflag:s16], $0x2000  }
0x50: {  	[sflag:s16] =	ssyncset.done @!p0 $0x0  }
0x51: {  	[sflag:s16] =	ssyncadd.s32 @!p0 $0xFFFFE000  }
0x52: {  	_ =	swait.ge @!p0 [sflag:s16], $0x2000  }
0x53: {  	[sflag:s16] =	ssyncset.done @!p0 $0x0  }
0x54: {  	[sflag:s16] =	ssyncadd.s32 @!p0 $0xFFFFE000  }
0x55: {  	_ =	swait.ge @!p0 [sflag:s16], $0x2000  }
0x56: {  	[sflag:s16] =	ssyncset.done @!p0 $0x0  }
0x57: {  	[sflag:s16] =	ssyncadd.s32 @!p0 $0xFFFFE000;
	s16 =	sadd.s32 $0x200, s10  }
0x58: {  	[tilespmem:s21], [sflag:$0x2] =	stream.indirect.gather [hbm4b:s1+s13], $0x40, s16, s13, $0xb8;
	[tilespmem:$0x1F000] =	vst v63  }
0x59: {  	s16 =	sadd.s32 $0x280, s10  }
0x5a: {  	[tilespmem:s22], [sflag:$0x2] =	stream.indirect.gather [hbm4b:s1+s13], $0x40, s16, s13, $0xb8;
	[tilespmem:$0x1F000] =	vst v63  }
0x5b: {  	s16 =	sadd.s32 $0x300, s10  }
0x5c: {  	[tilespmem:s23], [sflag:$0x2] =	stream.indirect.gather [hbm4b:s1+s13], $0x40, s16, s13, $0xb8;
	[tilespmem:$0x1F000] =	vst v63  }
0x5d: {  	s16 =	sadd.s32 $0x380, s10  }
0x5e: {  	[tilespmem:s25], [sflag:$0x2] =	stream.indirect.gather [hbm4b:s1+s13], $0x40, s16, s13, $0xb8;
	[tilespmem:$0x1F000] =	vst v63  }
0x5f: {  	_ =	swait.ge [sflag:s26], $0x2000  }
0x60: {  	[sflag:s26] =	ssyncset.done $0x0  }
0x61: {  	[sflag:s26] =	ssyncadd.s32 $0xFFFFE000  }
0x62: {  	_ =	swait.ge [sflag:s26], $0x2000  }
0x63: {  	[sflag:s26] =	ssyncset.done $0x0  }
0x64: {  	[sflag:s26] =	ssyncadd.s32 $0xFFFFE000  }
0x65: {  	_ =	swait.ge [sflag:s26], $0x2000  }
0x66: {  	[sflag:s26] =	ssyncset.done $0x0  }
0x67: {  	[sflag:s26] =	ssyncadd.s32 $0xFFFFE000  }
0x68: {  	_ =	swait.ge [sflag:s26], $0x2000  }
0x69: {  	[sflag:s26] =	ssyncset.done $0x0  }
0x6a: {  	s16 =	sadd.s32 $0x2A00, s10;
	[sflag:s26] =	ssyncadd.s32 $0xFFFFE000  }
0x6b: {  	[spmem:s3] =	stream.indirect.scatter.add.f32 [tilespmem:s21], [sflag:$0x4], $0x40, s16, s13, $0xb8;
	[tilespmem:$0x1F000] =	vst v63  }
0x6c: {  	s16 =	sadd.s32 $0x2A80, s10  }
0x6d: {  	[spmem:s3] =	stream.indirect.scatter.add.f32 [tilespmem:s22], [sflag:$0x4], $0x40, s16, s13, $0xb8;
	[tilespmem:$0x1F000] =	vst v63  }
0x6e: {  	s16 =	sadd.s32 $0x2B00, s10  }
0x6f: {  	[spmem:s3] =	stream.indirect.scatter.add.f32 [tilespmem:s23], [sflag:$0x4], $0x40, s16, s13, $0xb8;
	[tilespmem:$0x1F000] =	vst v63  }
0x70: {  	s16 =	sadd.s32 $0x2B80, s10  }
0x71: {  	[spmem:s3] =	stream.indirect.scatter.add.f32 [tilespmem:s25], [sflag:$0x4], $0x40, s16, s13, $0xb8;
	[tilespmem:$0x1F000] =	vst v63  }
0x72: {  	_ =	swait.ge [sflag:s28], $0x2000  }
0x73: {  	[sflag:s28] =	ssyncset.done $0x0  }
0x74: {  	[sflag:s28] =	ssyncadd.s32 $0xFFFFE000  }
0x75: {  	_ =	swait.ge [sflag:s28], $0x2000  }
0x76: {  	[sflag:s28] =	ssyncset.done $0x0  }
0x77: {  	[sflag:s28] =	ssyncadd.s32 $0xFFFFE000  }
0x78: {  	p0 =	seq.s32 s0, $0x9000;
	_ =	swait.ge [sflag:s28], $0x2000  }
.Ltmp2:
0x79: {  	[sflag:s28] =	ssyncset.done $0x0;
	(pc) =	sbr.rel @p0 .LBB2_4-.Ltmp2, $4  }
0x7a: {  	[sflag:s28] =	ssyncadd.s32 $0xFFFFE000  }
0x7b: {  	_ =	swait.ge [sflag:s28], $0x2000  }
0x7c: {  	[sflag:s28] =	ssyncset.done $0x0  }
0x7d: {  	[sflag:s28] =	ssyncadd.s32 $0xFFFFE000  }
0x7e: {  	s16 =	sadd.s32 $0x400, s10  }
0x7f: {  	[tilespmem:s14], [sflag:$0x1] =	stream.indirect.gather [hbm4b:s1+s13], $0x40, s16, s13, $0xb8;
	[tilespmem:$0x1F000] =	vst v63  }
0x80: {  	s16 =	sadd.s32 $0x480, s10  }
0x81: {  	[tilespmem:s15], [sflag:$0x1] =	stream.indirect.gather [hbm4b:s1+s13], $0x40, s16, s13, $0xb8;
	[tilespmem:$0x1F000] =	vst v63  }
.Ltmp3:
0x82: {  	_ = 	snop;
	(pc) =	sbr.rel .LBB2_2-.Ltmp3, $4  }
0x83: {  	s16 =	sadd.s32 $0x500, s10  }
0x84: {  	[tilespmem:s17], [sflag:$0x1] =	stream.indirect.gather [hbm4b:s1+s13], $0x40, s16, s13, $0xb8;
	[tilespmem:$0x1F000] =	vst v63  }
0x85: {  	s0 =	sadd.s32 $0x1000, s0;
	s16 =	sadd.s32 $0x580, s10  }
0x86: {  	[tilespmem:s19], [sflag:$0x1] =	stream.indirect.gather [hbm4b:s1+s13], $0x40, s16, s13, $0xb8;
	[tilespmem:$0x1F000] =	vst v63  }
.LBB2_5:
0x87: {  	_ =	sfence.sel $0x180000  }
0x88: {  	[bflag:$0x0] =	sbarrier.arrive $0xFFFF  }
0x89: {  	_ =	strace $0x9000004D  }
0x8a: {  	s0 =	stileid.u32;
	[bflag:$0x2] =	sbarrier.arrive $0xFFFF  }
0x8b: {  	p0 =	sne.s32 s0, $0x0;
	s0 =	rddreg [dreg:$0x3]  }
0x8c: {  	s0 =	sadd.s32 @!p0 $0x100000, s0  }
0x8d: {  	[sflag:s0] =	ssyncadd.tile.s32 @!p0 $0x1;
	_ =	shalt  }
.Lfunc_end2:
_tile_overlayer_lowered:
.L_overlay_start_2:
0x8e: {  	(tag) =	ssettag $0x2  }
0x8f: {  	s0 =	rddreg [dreg:$0x0];
	s2 =	stileid.u32  }
0x90: {  	s1 =	rddreg [dreg:$0x1];
	p0 =	sne.s32 s2, $0x0  }
0x91: {  	s3 =	rddreg [dreg:$0x2];
	[bflag:$0x3] =	sbarrier.arrive $0xFFFF;
	s2 =	simm.s32 @!p0 $0x1C05  }
0x92: {  	[timem:s3], [sflag:s2] =	dma.local @!p0 [hbm:s0], s1  }
0x93: {  	s0 =	simm.s32 @!p0 $0x5  }
0x94: {  	_ =	swait.ge @!p0 [sflag:s0], s1  }
0x95: {  	s1 =	ssub.s32 @!p0 $0x0, s1;
	[sflag:s0] =	ssyncset.done @!p0 $0x0  }
0x96: {  	[sflag:s0] =	ssyncadd.s32 @!p0 s1  }
0x97: {  	[bflag:$0x3] =	sbarrier.arrive $0xFFFF  }
0x98: {  	_ =	shalt  }

// kernel: kernel.21.cloned.1.call-start
scs
__scs_entry_jumppad:
0x0: {  	(pc) =	sbr.rel $0x88, $3  }
0x1: {  	(tag) =	ssettag $0x0;
	lr =	simm.s32 $0x1  }
0x2: {  	[smem:$0x3F95] =	sst lr;
	_ =	strace $0xD0000000  }
0x3: {  	_ = 	snop  }
0x4: {  	_ = 	snop  }
0x5: {  	_ = 	snop  }
0x6: {  	_ = 	snop  }
0x7: {  	_ = 	snop  }
__scs_overlays_trampoline_lowered:
0x8: {  	[smem:$0x3FA4] =	sst s0  }
0x9: {  	[smem:$0x3FA5] =	sst s1  }
0xa: {  	[smem:$0x3FA6] =	sst s2  }
0xb: {  	[smem:$0x3FA7] =	sst s3  }
0xc: {  	[smem:$0x3FA8] =	sst s4  }
0xd: {  	[smem:$0x3FA9] =	sst s5  }
0xe: {  	[smem:$0x3FAA] =	sst s6  }
0xf: {  	[smem:$0x3FAB] =	sst s7  }
0x10: {  	[smem:$0x3FAC] =	sst s8  }
0x11: {  	[smem:$0x3FAD] =	sst s9;
	s0 =	simm.s32 @!p0 $0x0  }
0x12: {  	s1 =	sld [smem:$0x3F93];
	s0 =	simm.s32 @p0 $0x1  }
0x13: {  	[smem:$0x3FAE] =	sst s0;
	s0 =	simm.s32 @!p1 $0x0  }
0x14: {  	s2 =	sld [smem:$0x3F92];
	s0 =	simm.s32 @p1 $0x1  }
0x15: {  	[smem:$0x3FAF] =	sst s0;
	s0 =	simm.s32 @!p2 $0x0  }
0x16: {  	s3 =	sld [smem:$0x3FDB];
	s0 =	simm.s32 @p2 $0x1  }
0x17: {  	s4 =	simm.s32 $0x1BF5;
	[smem:$0x3FB1] =	sst s0  }
0x18: {  	s0 =	sld [smem:$0x3F94];
	_ =	swait.ge [sflag:s4], $0x0  }
0x19: {  	s7 =	sld [smem:$0x3F95]  }
0x1a: {  	s8 =	sadd.s32 $0xFFFFE003, lr  }
0x1b: {  	s9 =	sadd.s32 $0xFFFFFEF7, lr;
	s5 =	simm.s32 $0xFFFFFFFF;
	p2 =	slt.u32 s8, $0xFFFFF086  }
0x1c: {  	p1 =	slt.u32 s9, $0xF7A;
	s5 =	simm.s32 @!p2 $0x0  }
0x1d: {  	s5 =	simm.s32 @p1 $0x1;
	p0 =	seq.s32 s7, s2  }
0x1e: {  	s7 =	smul.u32 @!p0 $0xF7A, s2;
	p2 =	seq.s32 @!p0 s5, $0x0  }
0x1f: {  	s9 =	smul.u32 $0xF7A, s1;
	s8 =	simm.s32 @!p0 $0x1BF5;
	p2 =	por !p2, p0  }
0x20: {  	[sflag:s8] =	ssyncset.s32 @!p0 $0xFFFFF086;
	s6 =	sadd.s32 @!p0 s3, s7;
	s7 =	simm.s32 @!p0 $0x108  }
0x21: {  	s3 =	sadd.s32 s3, s9;
	s6 =	sadd.s32 @!p0 $0x88, s6;
	s7 =	simm.s32 @p2 $0x1082  }
0x22: {  	[simem:s7], [sflag:s8] =	dma.local @!p0 [hbm:s6], $0xF7A  }
0x23: {  	s9 =	sor.u32 $0xD0000000, s2;
	s6 =	simm.s32 $0x108;
	_ =	swait.ge @!p0 [sflag:s8], $0x0  }
0x24: {  	s3 =	sadd.s32 $0x88, s3;
	s6 =	simm.s32 @!p1 $0x1082;
	[sflag:s4] =	ssyncset.s32 $0xFFFFF086  }
0x25: {  	[simem:s6], [sflag:s4] =	dma.local [hbm:s3], $0xF7A  }
0x26: {  	[smem:$0x3F95] =	sst s1;
	(tag) =	ssettag s2;
	_ =	strace s9  }
0x27: {  	s1 =	sld [smem:$0x3FA5]  }
0x28: {  	s2 =	sld [smem:$0x3FA6]  }
0x29: {  	s4 =	sld [smem:$0x3FA8]  }
0x2a: {  	p0 =	seq.s32 s5, $0x0;
	s5 =	sld [smem:$0x3FA9]  }
0x2b: {  	s6 =	sld [smem:$0x3FAA]  }
0x2c: {  	s7 =	sld [smem:$0x3FAB]  }
0x2d: {  	s3 =	simm.s32 $0x108;
	s8 =	sld [smem:$0x3FAC]  }
0x2e: {  	s3 =	simm.s32 @!p0 $0x1082;
	s9 =	sld [smem:$0x3FAD]  }
0x2f: {  	lr =	sadd.s32 s0, s3;
	s0 =	sld [smem:$0x3FA4]  }
0x30: {  	s3 =	sld [smem:$0x3FA7]  }
0x31: {  	[smem:$0x3FB0] =	sst s10  }
0x32: {  	s10 =	sld [smem:$0x3FAE];
	_ =	sdelay $0x3  }
0x33: {  	p0 =	seq.s32 s10, $0x1;
	s10 =	sld [smem:$0x3FB0];
	_ =	sdelay $0x3  }
0x34: {  	[smem:$0x3FB0] =	sst s10  }
0x35: {  	s10 =	sld [smem:$0x3FAF];
	_ =	sdelay $0x3  }
0x36: {  	p1 =	seq.s32 s10, $0x1;
	s10 =	sld [smem:$0x3FB0];
	_ =	sdelay $0x3  }
0x37: {  	[smem:$0x3FB0] =	sst s10  }
0x38: {  	s10 =	sld [smem:$0x3FB1]  }
0x39: {  	_ = 	snop;
	(pc) =	sbr.ind lr, $3  }
0x3a: {  	_ = 	snop  }
0x3b: {  	_ = 	snop  }
0x3c: {  	p2 =	seq.s32 s10, $0x1;
	s10 =	sld [smem:$0x3FB0]  }
0x3d: {  	_ =	shalt  }
0x3e: {  	_ =	shalt  }
0x3f: {  	_ =	shalt  }
0x40: {  	_ =	shalt  }
0x41: {  	_ =	shalt  }
0x42: {  	_ =	shalt  }
0x43: {  	_ =	shalt  }
0x44: {  	_ =	shalt  }
0x45: {  	_ =	shalt  }
0x46: {  	_ =	shalt  }
0x47: {  	_ =	shalt  }
0x48: {  	_ =	shalt  }
0x49: {  	_ =	shalt  }
0x4a: {  	_ =	shalt  }
0x4b: {  	_ =	shalt  }
0x4c: {  	_ =	shalt  }
0x4d: {  	_ =	shalt  }
0x4e: {  	_ =	shalt  }
0x4f: {  	_ =	shalt  }
0x50: {  	_ =	shalt  }
0x51: {  	_ =	shalt  }
0x52: {  	_ =	shalt  }
0x53: {  	_ =	shalt  }
0x54: {  	_ =	shalt  }
0x55: {  	_ =	shalt  }
0x56: {  	_ =	shalt  }
0x57: {  	_ =	shalt  }
0x58: {  	_ =	shalt  }
0x59: {  	_ =	shalt  }
0x5a: {  	_ =	shalt  }
0x5b: {  	_ =	shalt  }
0x5c: {  	_ =	shalt  }
0x5d: {  	_ =	shalt  }
0x5e: {  	_ =	shalt  }
0x5f: {  	_ =	shalt  }
0x60: {  	_ =	shalt  }
0x61: {  	_ =	shalt  }
0x62: {  	_ =	shalt  }
0x63: {  	_ =	shalt  }
0x64: {  	_ =	shalt  }
0x65: {  	_ =	shalt  }
0x66: {  	_ =	shalt  }
0x67: {  	_ =	shalt  }
0x68: {  	_ =	shalt  }
0x69: {  	_ =	shalt  }
0x6a: {  	_ =	shalt  }
0x6b: {  	_ =	shalt  }
0x6c: {  	_ =	shalt  }
0x6d: {  	_ =	shalt  }
0x6e: {  	_ =	shalt  }
0x6f: {  	_ =	shalt  }
0x70: {  	_ =	shalt  }
0x71: {  	_ =	shalt  }
0x72: {  	_ =	shalt  }
0x73: {  	_ =	shalt  }
0x74: {  	_ =	shalt  }
0x75: {  	_ =	shalt  }
0x76: {  	_ =	shalt  }
0x77: {  	_ =	shalt  }
0x78: {  	_ =	shalt  }
0x79: {  	_ =	shalt  }
0x7a: {  	_ =	shalt  }
0x7b: {  	_ =	shalt  }
0x7c: {  	_ =	shalt  }
0x7d: {  	_ =	shalt  }
0x7e: {  	_ =	shalt  }
0x7f: {  	_ =	shalt  }
0x80: {  	_ =	shalt  }
0x81: {  	_ =	shalt  }
0x82: {  	_ =	shalt  }
0x83: {  	_ =	shalt  }
0x84: {  	_ =	shalt  }
0x85: {  	_ =	shalt  }
0x86: {  	_ =	shalt  }
0x87: {  	_ =	shalt  }
.Lfunc_end0:
.L_simem_size_0:
called_computation.3_lowered:
.L_overlay_start_0:
0x88: {  	s2 =	sld [smem:$0x3FD9]  }
0x89: {  	s3 =	sld [smem:$0x3FFE];
	_ =	sdelay $0x1  }
0x8a: {  	s1 =	srdreg.scid  }
0x8b: {  	s0 =	sand.u32 $0x1, s1  }
0x8c: {  	s17 =	sshll.u32 s0, $0xA;
	s2 =	sadd.s32 s3, s2  }
0x8d: {  	s2 =	sadd.s32 s2, s17  }
0x8e: {  	[smem:$0x3FBC] =	sst s2  }
0x8f: {  	_ = 	snop  }
0x90: {  	s2 =	sld [smem:$0x3FD0];
	(tm) =	ssettm $0x1  }
0x91: {  	s18 =	sld [smem:$0x3FFB];
	_ =	sdelay $0x3  }
0x92: {  	_ =	strace s18  }
0x93: {  	s3 =	sld [smem:$0x3FFC];
	_ =	sdelay $0x3  }
0x94: {  	_ =	strace s3  }
0x95: {  	s3 =	sld [smem:$0x3FFD];
	_ =	sdelay $0x3  }
0x96: {  	_ =	strace s3  }
0x97: {  	_ =	strace $0x8FFFFFFF  }
0x98: {  	s19 =	sld [smem:$0x3FDB];
	_ =	sdelay $0x1  }
0x99: {  	s4 =	simm.s32 $_scs_section_size  }
0x9a: {  	s5 =	simm.s32 $_size__tile_overlayer_lowered;
	s6 =	simm.s32 $_tile_overlayer_lowered  }
0x9b: {  	s22 =	simm.s32 $0x1BFF;
	s21 =	sshll.u32 s6, $0x1;
	s3 =	sadd.s32 s4, s19  }
0x9c: {  	s7 =	simm.s32 $0x0;
	s20 =	sshll.u32 s5, $0x1;
	s5 =	sadd.s32 s21, s3  }
0x9d: {  	[timem:s7], [sflag:s22] =	dma.local [hbm:s5], s20  }
0x9e: {  	_ =	swait.ge [sflag:s22], s20  }
0x9f: {  	s4 =	ssub.s32 $0x0, s20;
	[sflag:s22] =	ssyncset.done $0x0  }
0xa0: {  	[sflag:s22] =	ssyncadd.s32 s4;
	_ =	sdelay $0x1  }
0xa1: {  	s23 =	simm.s32 $0x1B8B  }
0xa2: {  	_ =	swait.ge [sflag:s23], $0x1  }
0xa3: {  	[sflag:s23] =	ssyncset.done $0x0  }
0xa4: {  	s25 =	simm.s32 $0x1B8E;
	s24 =	sld [smem:$0x3FFE];
	[sflag:s23] =	ssyncadd.s32 $0xFFFFFFFF  }
0xa5: {  	s26 =	simm.s32 $execute0_lowered;
	[smem:$0x3FD2] =	sst s25  }
0xa6: {  	s5 =	sshll.u32 s26, $0x1;
	_ =	strace $0x8000004F;
	[dreg:$0x1] =	wrdreg $0xFFFFFFFF  }
0xa7: {  	s28 =	simm.s32 $_size_execute0_lowered;
	s3 =	sadd.s32 s3, s5;
	[dreg:$0x0] =	wrdreg $0x0  }
0xa8: {  	s5 =	sshll.u32 s28, $0x1;
	[dreg:$0x2] =	wrdreg s3  }
0xa9: {  	[dreg:$0x3] =	wrdreg s5  }
0xaa: {  	[dreg:$0x4] =	wrdreg $0xC0  }
0xab: {  	_ =	task [dreg:s7], $0x5FFFF  }
0xac: {  	[dreg:$0x1] =	wrdreg $0xFFFFFFFF  }
0xad: {  	[dreg:$0x0] =	wrdreg $0x60  }
0xae: {  	[dreg:$0x2] =	wrdreg s2  }
0xaf: {  	[dreg:$0x3] =	wrdreg s24  }
0xb0: {  	[dreg:$0x4] =	wrdreg $0x150000  }
0xb1: {  	[dreg:$0x5] =	wrdreg $0x9  }
0xb2: {  	_ =	task.clear_ibuf [dreg:s7], $0x6FFFF;
	_ =	strace $0x9000004F  }
0xb3: {  	s29 =	simm.s32 $0x9;
	_ =	strace $0x80000051  }
0xb4: {  	_ =	swait.ge [sflag:s29], $0x1  }
0xb5: {  	[sflag:s29] =	ssyncadd.s32 $0xFFFFFFFF  }
0xb6: {  	_ =	strace $0x90000051  }
0xb7: {  	_ =	sfence  }
0xb8: {  	s30 =	sld [smem:$0x0];
	_ =	sdelay $0x2  }
0xb9: {  	s31 =	sshll.u32 s1, $0xD;
	s1 =	sshrl.u32 s1, $0x2  }
0xba: {  	s3 =	sand.u32 $0x4000, s31;
	s1 =	sadd.s32 s1, s30  }
0xbb: {  	s0 =	sor.u32 s3, s0;
	s1 =	sshll.u32 s1, $0x11  }
0xbc: {  	s0 =	sor.u32 s1, s0  }
0xbd: {  	s0 =	sadd.s32 $0x8F2B, s0  }
0xbe: {  	[sflag:s0] =	ssyncadd.remote.s32 $0x1  }
0xbf: {  	_ =	sfence.sel $0xFFFF  }
0xc0: {  	[dreg:$0x0] =	wrdreg $0xFFFFFFFF;
	(pc) =	sbr.abs _section_cstart, $3  }
0xc1: {  	[dreg:$0x1] =	wrdreg $0xFFFFFFFF  }
0xc2: {  	_ =	task.clear_ibuf [dreg:s7], $0x2FFFF;
	_ =	strace $0x9FFFFFFF  }
0xc3: {  	(tm) =	ssettm $0x7FFFFFFF  }
tec
execute0_lowered:
.L_overlay_start_1:
0x0: {  	(tag) =	ssettag $0x1  }
0x1: {  	s1 =	rddreg [dreg:$0x0]  }
0x2: {  	s0 =	srdreg.scid;
	s2 =	rddreg [dreg:$0x1]  }
0x3: {  	s11 =	stileid.u32;
	s3 =	rddreg [dreg:$0x2]  }
0x4: {  	s13 =	simm.s32 $0x80;
	s14 =	simm.s32 $0x5000;
	s15 =	simm.s32 $0x7000  }
0x5: {  	s17 =	simm.s32 $0x9000;
	s18 =	simm.s32 $0x180;
	s19 =	simm.s32 $0xB000  }
0x6: {  	s20 =	simm.s32 $0x1;
	s21 =	simm.s32 $0xD000;
	s22 =	simm.s32 $0xF000  }
0x7: {  	s23 =	simm.s32 $0x11000;
	s28 =	simm.s32 $0x3;
	s29 =	simm.s32 $0x4  }
0x8: {  	s30 =	simm.s32 $0x10;
	s31 =	simm.s32 $0x8;
	s7 =	smul.u32 $0xA000, s11  }
0x9: {  	s0 =	sand.u32 $0x1, s0;
	s24 =	smul.u32 $0x2800, s11;
	s26 =	sshll.u32 s11, $0x6  }
0xa: {  	s4 =	sshll.u32 s0, $0x4;
	s6 =	smul.u32 $0x28000, s0;
	s0 =	ssub.s32 $0x2, s0  }
0xb: {  	s5 =	sor.u32 s11, s4;
	s4 =	simm.s32 $0x0;
	s25 =	sshrl.u32 s0, $0x1  }
0xc: {  	s9 =	sshrl.u32 s7, $0x3;
	s10 =	sadd.s32 s7, s3;
	s11 =	sor.u32 $0x1C05, s26  }
0xd: {  	s26 =	simm.s32 $0x2;
	s5 =	smul.u32 $0x500, s5;
	[smem:$0x7FF] =	sst s4  }
.Ltmp0:
0xe: {  	s0 =	ssub.s32 s0, s25;
	s7 =	sadd.s32 s1, s9;
	(pc) =	sbr.rel .LBB2_1-.Ltmp0, $4  }
0xf: {  	s9 =	simm.s32 $0x5;
	s12 =	sshrl.u32 s10, $0x3;
	s25 =	simm.s32 $0x13000  }
0x10: {  	_ =	strace $0x80000050;
	s8 =	sadd.s32 s5, s2;
	s2 =	sadd.s32 s6, s2  }
0x11: {  	s5 =	sadd.s32 $0x5D600, s8;
	s6 =	sadd.s32 $0x3600, s8;
	s2 =	sadd.s32 $0x67600, s2  }
0x12: {  	s8 =	smax.u32 s0, $0x1;
	s24 =	sadd.s32 s24, s2;
	s2 =	simm.s32 $0x0  }
.LBB2_4:
0x13: {  	_ =	swait.ge [sflag:s29], $0x2000  }
0x14: {  	[sflag:s29] =	ssyncset.done $0x0  }
0x15: {  	[sflag:s29] =	ssyncadd.s32 $0xFFFFE000  }
0x16: {  	_ =	swait.ge [sflag:s29], $0x2000  }
0x17: {  	[sflag:s29] =	ssyncset.done $0x0  }
0x18: {  	[sflag:s29] =	ssyncadd.s32 $0xFFFFE000  }
0x19: {  	_ =	swait.ge [sflag:s29], $0x2000  }
0x1a: {  	[sflag:s29] =	ssyncset.done $0x0  }
0x1b: {  	[sflag:s29] =	ssyncadd.s32 $0xFFFFE000  }
0x1c: {  	_ =	swait.ge [sflag:s29], $0x2000  }
0x1d: {  	s2 =	sadd.s32 $0x1, s2;
	[sflag:s29] =	ssyncset.done $0x0  }
0x1e: {  	p0 =	sne.s32 s2, s8;
	[sflag:s29] =	ssyncadd.s32 $0xFFFFE000  }
.Ltmp1:
0x1f: {  	[bflag:$0x0] =	sbarrier.arrive $0xFFFF;
	(pc) =	sbr.rel @!p0 .LBB2_5-.Ltmp1, $4  }
0x20: {  	[hbm:s24@s30], [sflag:s11] =	dma.strided [spmem:s12@s31], $0x1400, s20, $0x8   }
0x21: {  	_ =	swait.ge [sflag:s9], $0x1400  }
0x22: {  	[sflag:s9] =	ssyncset.done $0x0  }
0x23: {  	[sflag:s9] =	ssyncadd.s32 $0xFFFFEC00  }
.LBB2_1:
0x24: {  	[tilespmem:s4], [sflag:$0x5] =	stream.linear.gather [hbm4b:s5+s4], $0x2800, $0x38;
	[tilespmem:$0x1F000] =	vst v63  }
0x25: {  	_ =	swait.ge [sflag:s9], $0x2800  }
0x26: {  	[sflag:s9] =	ssyncset.done $0x0  }
0x27: {  	s0 =	simm.s32 $0x2800;
	[sflag:s9] =	ssyncadd.s32 $0xFFFFD800  }
0x28: {  	[tilespmem:s0], [sflag:$0x5] =	stream.linear.gather [hbm4b:s6+s4], $0x2800, $0x38;
	[tilespmem:$0x1F000] =	vst v63  }
0x29: {  	_ =	swait.ge [sflag:s9], $0x2800  }
0x2a: {  	[sflag:s9] =	ssyncset.done $0x0  }
0x2b: {  	[sflag:s9] =	ssyncadd.s32 $0xFFFFD800  }
0x2c: {  	[spmem:s12], [sflag:s11] =	dma.local [hbm:s7], $0x1400  }
0x2d: {  	_ =	swait.ge [sflag:s9], $0x1400  }
0x2e: {  	[sflag:s9] =	ssyncset.done $0x0  }
0x2f: {  	[sflag:s9] =	ssyncadd.s32 $0xFFFFEC00  }
0x30: {  	[bflag:$0x0] =	sbarrier.arrive $0xFFFF  }
0x31: {  	[tilespmem:s14], [sflag:$0x1] =	stream.indirect.gather [hbm4b:s1+s13], $0x40, s4, s13, $0xb8;
	[tilespmem:$0x1F000] =	vst v63  }
0x32: {  	_ = 	snop  }
0x33: {  	[tilespmem:s15], [sflag:$0x1] =	stream.indirect.gather [hbm4b:s1+s13], $0x40, s13, s13, $0xb8;
	[tilespmem:$0x1F000] =	vst v63  }
0x34: {  	s16 =	simm.s32 $0x100  }
0x35: {  	[tilespmem:s17], [sflag:$0x1] =	stream.indirect.gather [hbm4b:s1+s13], $0x40, s16, s13, $0xb8;
	[tilespmem:$0x1F000] =	vst v63  }
0x36: {  	s0 =	simm.s32 $0x0  }
0x37: {  	[tilespmem:s19], [sflag:$0x1] =	stream.indirect.gather [hbm4b:s1+s13], $0x40, s18, s13, $0xb8;
	[tilespmem:$0x1F000] =	vst v63  }
.LBB2_2:
0x38: {  	_ =	swait.ge [sflag:s20], $0x2000  }
0x39: {  	[sflag:s20] =	ssyncset.done $0x0  }
0x3a: {  	[sflag:s20] =	ssyncadd.s32 $0xFFFFE000  }
0x3b: {  	_ =	swait.ge [sflag:s20], $0x2000  }
0x3c: {  	[sflag:s20] =	ssyncset.done $0x0  }
0x3d: {  	[sflag:s20] =	ssyncadd.s32 $0xFFFFE000  }
0x3e: {  	_ =	swait.ge [sflag:s20], $0x2000  }
0x3f: {  	[sflag:s20] =	ssyncset.done $0x0  }
0x40: {  	[sflag:s20] =	ssyncadd.s32 $0xFFFFE000  }
0x41: {  	_ =	swait.ge [sflag:s20], $0x2000  }
0x42: {  	s10 =	sshra.s32 s0, $0x2;
	[sflag:s20] =	ssyncset.done $0x0  }
0x43: {  	s16 =	sadd.s32 $0x2800, s10;
	[sflag:s20] =	ssyncadd.s32 $0xFFFFE000  }
0x44: {  	[spmem:s3] =	stream.indirect.scatter.add.f32 [tilespmem:s14], [sflag:$0x3], $0x40, s16, s13, $0xb8;
	[tilespmem:$0x1F000] =	vst v63  }
0x45: {  	s16 =	sadd.s32 $0x2880, s10  }
0x46: {  	[spmem:s3] =	stream.indirect.scatter.add.f32 [tilespmem:s15], [sflag:$0x3], $0x40, s16, s13, $0xb8;
	[tilespmem:$0x1F000] =	vst v63  }
0x47: {  	s16 =	sadd.s32 $0x2900, s10  }
0x48: {  	[spmem:s3] =	stream.indirect.scatter.add.f32 [tilespmem:s17], [sflag:$0x3], $0x40, s16, s13, $0xb8;
	[tilespmem:$0x1F000] =	vst v63  }
0x49: {  	p0 =	seq.s32 s0, $0x0;
	s16 =	sadd.s32 $0x2980, s10  }
0x4a: {  	[spmem:s3] =	stream.indirect.scatter.add.f32 [tilespmem:s19], [sflag:$0x3], $0x40, s16, s13, $0xb8;
	[tilespmem:$0x1F000] =	vst v63  }
0x4b: {  	s16 =	simm.s32 @!p0 $0x4  }
0x4c: {  	_ =	swait.ge @!p0 [sflag:s16], $0x2000  }
0x4d: {  	[sflag:s16] =	ssyncset.done @!p0 $0x0  }
0x4e: {  	[sflag:s16] =	ssyncadd.s32 @!p0 $0xFFFFE000  }
0x4f: {  	_ =	swait.ge @!p0 [sflag:s16], $0x2000  }
0x50: {  	[sflag:s16] =	ssyncset.done @!p0 $0x0  }
0x51: {  	[sflag:s16] =	ssyncadd.s32 @!p0 $0xFFFFE000  }
0x52: {  	_ =	swait.ge @!p0 [sflag:s16], $0x2000  }
0x53: {  	[sflag:s16] =	ssyncset.done @!p0 $0x0  }
0x54: {  	[sflag:s16] =	ssyncadd.s32 @!p0 $0xFFFFE000  }
0x55: {  	_ =	swait.ge @!p0 [sflag:s16], $0x2000  }
0x56: {  	[sflag:s16] =	ssyncset.done @!p0 $0x0  }
0x57: {  	[sflag:s16] =	ssyncadd.s32 @!p0 $0xFFFFE000;
	s16 =	sadd.s32 $0x200, s10  }
0x58: {  	[tilespmem:s21], [sflag:$0x2] =	stream.indirect.gather [hbm4b:s1+s13], $0x40, s16, s13, $0xb8;
	[tilespmem:$0x1F000] =	vst v63  }
0x59: {  	s16 =	sadd.s32 $0x280, s10  }
0x5a: {  	[tilespmem:s22], [sflag:$0x2] =	stream.indirect.gather [hbm4b:s1+s13], $0x40, s16, s13, $0xb8;
	[tilespmem:$0x1F000] =	vst v63  }
0x5b: {  	s16 =	sadd.s32 $0x300, s10  }
0x5c: {  	[tilespmem:s23], [sflag:$0x2] =	stream.indirect.gather [hbm4b:s1+s13], $0x40, s16, s13, $0xb8;
	[tilespmem:$0x1F000] =	vst v63  }
0x5d: {  	s16 =	sadd.s32 $0x380, s10  }
0x5e: {  	[tilespmem:s25], [sflag:$0x2] =	stream.indirect.gather [hbm4b:s1+s13], $0x40, s16, s13, $0xb8;
	[tilespmem:$0x1F000] =	vst v63  }
0x5f: {  	_ =	swait.ge [sflag:s26], $0x2000  }
0x60: {  	[sflag:s26] =	ssyncset.done $0x0  }
0x61: {  	[sflag:s26] =	ssyncadd.s32 $0xFFFFE000  }
0x62: {  	_ =	swait.ge [sflag:s26], $0x2000  }
0x63: {  	[sflag:s26] =	ssyncset.done $0x0  }
0x64: {  	[sflag:s26] =	ssyncadd.s32 $0xFFFFE000  }
0x65: {  	_ =	swait.ge [sflag:s26], $0x2000  }
0x66: {  	[sflag:s26] =	ssyncset.done $0x0  }
0x67: {  	[sflag:s26] =	ssyncadd.s32 $0xFFFFE000  }
0x68: {  	_ =	swait.ge [sflag:s26], $0x2000  }
0x69: {  	[sflag:s26] =	ssyncset.done $0x0  }
0x6a: {  	s16 =	sadd.s32 $0x2A00, s10;
	[sflag:s26] =	ssyncadd.s32 $0xFFFFE000  }
0x6b: {  	[spmem:s3] =	stream.indirect.scatter.add.f32 [tilespmem:s21], [sflag:$0x4], $0x40, s16, s13, $0xb8;
	[tilespmem:$0x1F000] =	vst v63  }
0x6c: {  	s16 =	sadd.s32 $0x2A80, s10  }
0x6d: {  	[spmem:s3] =	stream.indirect.scatter.add.f32 [tilespmem:s22], [sflag:$0x4], $0x40, s16, s13, $0xb8;
	[tilespmem:$0x1F000] =	vst v63  }
0x6e: {  	s16 =	sadd.s32 $0x2B00, s10  }
0x6f: {  	[spmem:s3] =	stream.indirect.scatter.add.f32 [tilespmem:s23], [sflag:$0x4], $0x40, s16, s13, $0xb8;
	[tilespmem:$0x1F000] =	vst v63  }
0x70: {  	s16 =	sadd.s32 $0x2B80, s10  }
0x71: {  	[spmem:s3] =	stream.indirect.scatter.add.f32 [tilespmem:s25], [sflag:$0x4], $0x40, s16, s13, $0xb8;
	[tilespmem:$0x1F000] =	vst v63  }
0x72: {  	_ =	swait.ge [sflag:s28], $0x2000  }
0x73: {  	[sflag:s28] =	ssyncset.done $0x0  }
0x74: {  	[sflag:s28] =	ssyncadd.s32 $0xFFFFE000  }
0x75: {  	_ =	swait.ge [sflag:s28], $0x2000  }
0x76: {  	[sflag:s28] =	ssyncset.done $0x0  }
0x77: {  	[sflag:s28] =	ssyncadd.s32 $0xFFFFE000  }
0x78: {  	p0 =	seq.s32 s0, $0x9000;
	_ =	swait.ge [sflag:s28], $0x2000  }
.Ltmp2:
0x79: {  	[sflag:s28] =	ssyncset.done $0x0;
	(pc) =	sbr.rel @p0 .LBB2_4-.Ltmp2, $4  }
0x7a: {  	[sflag:s28] =	ssyncadd.s32 $0xFFFFE000  }
0x7b: {  	_ =	swait.ge [sflag:s28], $0x2000  }
0x7c: {  	[sflag:s28] =	ssyncset.done $0x0  }
0x7d: {  	[sflag:s28] =	ssyncadd.s32 $0xFFFFE000  }
0x7e: {  	s16 =	sadd.s32 $0x400, s10  }
0x7f: {  	[tilespmem:s14], [sflag:$0x1] =	stream.indirect.gather [hbm4b:s1+s13], $0x40, s16, s13, $0xb8;
	[tilespmem:$0x1F000] =	vst v63  }
0x80: {  	s16 =	sadd.s32 $0x480, s10  }
0x81: {  	[tilespmem:s15], [sflag:$0x1] =	stream.indirect.gather [hbm4b:s1+s13], $0x40, s16, s13, $0xb8;
	[tilespmem:$0x1F000] =	vst v63  }
.Ltmp3:
0x82: {  	_ = 	snop;
	(pc) =	sbr.rel .LBB2_2-.Ltmp3, $4  }
0x83: {  	s16 =	sadd.s32 $0x500, s10  }
0x84: {  	[tilespmem:s17], [sflag:$0x1] =	stream.indirect.gather [hbm4b:s1+s13], $0x40, s16, s13, $0xb8;
	[tilespmem:$0x1F000] =	vst v63  }
0x85: {  	s0 =	sadd.s32 $0x1000, s0;
	s16 =	sadd.s32 $0x580, s10  }
0x86: {  	[tilespmem:s19], [sflag:$0x1] =	stream.indirect.gather [hbm4b:s1+s13], $0x40, s16, s13, $0xb8;
	[tilespmem:$0x1F000] =	vst v63  }
.LBB2_5:
0x87: {  	_ =	sfence.sel $0x180000  }
0x88: {  	[bflag:$0x0] =	sbarrier.arrive $0xFFFF  }
0x89: {  	_ =	strace $0x90000050  }
0x8a: {  	s0 =	stileid.u32;
	[bflag:$0x2] =	sbarrier.arrive $0xFFFF  }
0x8b: {  	p0 =	sne.s32 s0, $0x0;
	s0 =	rddreg [dreg:$0x3]  }
0x8c: {  	s0 =	sadd.s32 @!p0 $0x100000, s0  }
0x8d: {  	[sflag:s0] =	ssyncadd.tile.s32 @!p0 $0x1;
	_ =	shalt  }
.Lfunc_end2:
_tile_overlayer_lowered:
.L_overlay_start_2:
0x8e: {  	(tag) =	ssettag $0x2  }
0x8f: {  	s0 =	rddreg [dreg:$0x0];
	s2 =	stileid.u32  }
0x90: {  	s1 =	rddreg [dreg:$0x1];
	p0 =	sne.s32 s2, $0x0  }
0x91: {  	s3 =	rddreg [dreg:$0x2];
	[bflag:$0x3] =	sbarrier.arrive $0xFFFF;
	s2 =	simm.s32 @!p0 $0x1C05  }
0x92: {  	[timem:s3], [sflag:s2] =	dma.local @!p0 [hbm:s0], s1  }
0x93: {  	s0 =	simm.s32 @!p0 $0x5  }
0x94: {  	_ =	swait.ge @!p0 [sflag:s0], s1  }
0x95: {  	s1 =	ssub.s32 @!p0 $0x0, s1;
	[sflag:s0] =	ssyncset.done @!p0 $0x0  }
0x96: {  	[sflag:s0] =	ssyncadd.s32 @!p0 s1  }
0x97: {  	[bflag:$0x3] =	sbarrier.arrive $0xFFFF  }
0x98: {  	_ =	shalt  }

// kernel: kernel.24.cloned.1.call-start
scs
__scs_entry_jumppad:
0x0: {  	(pc) =	sbr.rel $0x88, $3  }
0x1: {  	(tag) =	ssettag $0x0;
	lr =	simm.s32 $0x1  }
0x2: {  	[smem:$0x3F95] =	sst lr;
	_ =	strace $0xD0000000  }
0x3: {  	_ = 	snop  }
0x4: {  	_ = 	snop  }
0x5: {  	_ = 	snop  }
0x6: {  	_ = 	snop  }
0x7: {  	_ = 	snop  }
__scs_overlays_trampoline_lowered:
0x8: {  	[smem:$0x3FA4] =	sst s0  }
0x9: {  	[smem:$0x3FA5] =	sst s1  }
0xa: {  	[smem:$0x3FA6] =	sst s2  }
0xb: {  	[smem:$0x3FA7] =	sst s3  }
0xc: {  	[smem:$0x3FA8] =	sst s4  }
0xd: {  	[smem:$0x3FA9] =	sst s5  }
0xe: {  	[smem:$0x3FAA] =	sst s6  }
0xf: {  	[smem:$0x3FAB] =	sst s7  }
0x10: {  	[smem:$0x3FAC] =	sst s8  }
0x11: {  	[smem:$0x3FAD] =	sst s9;
	s0 =	simm.s32 @!p0 $0x0  }
0x12: {  	s1 =	sld [smem:$0x3F93];
	s0 =	simm.s32 @p0 $0x1  }
0x13: {  	[smem:$0x3FAE] =	sst s0;
	s0 =	simm.s32 @!p1 $0x0  }
0x14: {  	s2 =	sld [smem:$0x3F92];
	s0 =	simm.s32 @p1 $0x1  }
0x15: {  	[smem:$0x3FAF] =	sst s0;
	s0 =	simm.s32 @!p2 $0x0  }
0x16: {  	s3 =	sld [smem:$0x3FDB];
	s0 =	simm.s32 @p2 $0x1  }
0x17: {  	s4 =	simm.s32 $0x1BF5;
	[smem:$0x3FB1] =	sst s0  }
0x18: {  	s0 =	sld [smem:$0x3F94];
	_ =	swait.ge [sflag:s4], $0x0  }
0x19: {  	s7 =	sld [smem:$0x3F95]  }
0x1a: {  	s8 =	sadd.s32 $0xFFFFE003, lr  }
0x1b: {  	s9 =	sadd.s32 $0xFFFFFEF7, lr;
	s5 =	simm.s32 $0xFFFFFFFF;
	p2 =	slt.u32 s8, $0xFFFFF086  }
0x1c: {  	p1 =	slt.u32 s9, $0xF7A;
	s5 =	simm.s32 @!p2 $0x0  }
0x1d: {  	s5 =	simm.s32 @p1 $0x1;
	p0 =	seq.s32 s7, s2  }
0x1e: {  	s7 =	smul.u32 @!p0 $0xF7A, s2;
	p2 =	seq.s32 @!p0 s5, $0x0  }
0x1f: {  	s9 =	smul.u32 $0xF7A, s1;
	s8 =	simm.s32 @!p0 $0x1BF5;
	p2 =	por !p2, p0  }
0x20: {  	[sflag:s8] =	ssyncset.s32 @!p0 $0xFFFFF086;
	s6 =	sadd.s32 @!p0 s3, s7;
	s7 =	simm.s32 @!p0 $0x108  }
0x21: {  	s3 =	sadd.s32 s3, s9;
	s6 =	sadd.s32 @!p0 $0x88, s6;
	s7 =	simm.s32 @p2 $0x1082  }
0x22: {  	[simem:s7], [sflag:s8] =	dma.local @!p0 [hbm:s6], $0xF7A  }
0x23: {  	s9 =	sor.u32 $0xD0000000, s2;
	s6 =	simm.s32 $0x108;
	_ =	swait.ge @!p0 [sflag:s8], $0x0  }
0x24: {  	s3 =	sadd.s32 $0x88, s3;
	s6 =	simm.s32 @!p1 $0x1082;
	[sflag:s4] =	ssyncset.s32 $0xFFFFF086  }
0x25: {  	[simem:s6], [sflag:s4] =	dma.local [hbm:s3], $0xF7A  }
0x26: {  	[smem:$0x3F95] =	sst s1;
	(tag) =	ssettag s2;
	_ =	strace s9  }
0x27: {  	s1 =	sld [smem:$0x3FA5]  }
0x28: {  	s2 =	sld [smem:$0x3FA6]  }
0x29: {  	s4 =	sld [smem:$0x3FA8]  }
0x2a: {  	p0 =	seq.s32 s5, $0x0;
	s5 =	sld [smem:$0x3FA9]  }
0x2b: {  	s6 =	sld [smem:$0x3FAA]  }
0x2c: {  	s7 =	sld [smem:$0x3FAB]  }
0x2d: {  	s3 =	simm.s32 $0x108;
	s8 =	sld [smem:$0x3FAC]  }
0x2e: {  	s3 =	simm.s32 @!p0 $0x1082;
	s9 =	sld [smem:$0x3FAD]  }
0x2f: {  	lr =	sadd.s32 s0, s3;
	s0 =	sld [smem:$0x3FA4]  }
0x30: {  	s3 =	sld [smem:$0x3FA7]  }
0x31: {  	[smem:$0x3FB0] =	sst s10  }
0x32: {  	s10 =	sld [smem:$0x3FAE];
	_ =	sdelay $0x3  }
0x33: {  	p0 =	seq.s32 s10, $0x1;
	s10 =	sld [smem:$0x3FB0];
	_ =	sdelay $0x3  }
0x34: {  	[smem:$0x3FB0] =	sst s10  }
0x35: {  	s10 =	sld [smem:$0x3FAF];
	_ =	sdelay $0x3  }
0x36: {  	p1 =	seq.s32 s10, $0x1;
	s10 =	sld [smem:$0x3FB0];
	_ =	sdelay $0x3  }
0x37: {  	[smem:$0x3FB0] =	sst s10  }
0x38: {  	s10 =	sld [smem:$0x3FB1]  }
0x39: {  	_ = 	snop;
	(pc) =	sbr.ind lr, $3  }
0x3a: {  	_ = 	snop  }
0x3b: {  	_ = 	snop  }
0x3c: {  	p2 =	seq.s32 s10, $0x1;
	s10 =	sld [smem:$0x3FB0]  }
0x3d: {  	_ =	shalt  }
0x3e: {  	_ =	shalt  }
0x3f: {  	_ =	shalt  }
0x40: {  	_ =	shalt  }
0x41: {  	_ =	shalt  }
0x42: {  	_ =	shalt  }
0x43: {  	_ =	shalt  }
0x44: {  	_ =	shalt  }
0x45: {  	_ =	shalt  }
0x46: {  	_ =	shalt  }
0x47: {  	_ =	shalt  }
0x48: {  	_ =	shalt  }
0x49: {  	_ =	shalt  }
0x4a: {  	_ =	shalt  }
0x4b: {  	_ =	shalt  }
0x4c: {  	_ =	shalt  }
0x4d: {  	_ =	shalt  }
0x4e: {  	_ =	shalt  }
0x4f: {  	_ =	shalt  }
0x50: {  	_ =	shalt  }
0x51: {  	_ =	shalt  }
0x52: {  	_ =	shalt  }
0x53: {  	_ =	shalt  }
0x54: {  	_ =	shalt  }
0x55: {  	_ =	shalt  }
0x56: {  	_ =	shalt  }
0x57: {  	_ =	shalt  }
0x58: {  	_ =	shalt  }
0x59: {  	_ =	shalt  }
0x5a: {  	_ =	shalt  }
0x5b: {  	_ =	shalt  }
0x5c: {  	_ =	shalt  }
0x5d: {  	_ =	shalt  }
0x5e: {  	_ =	shalt  }
0x5f: {  	_ =	shalt  }
0x60: {  	_ =	shalt  }
0x61: {  	_ =	shalt  }
0x62: {  	_ =	shalt  }
0x63: {  	_ =	shalt  }
0x64: {  	_ =	shalt  }
0x65: {  	_ =	shalt  }
0x66: {  	_ =	shalt  }
0x67: {  	_ =	shalt  }
0x68: {  	_ =	shalt  }
0x69: {  	_ =	shalt  }
0x6a: {  	_ =	shalt  }
0x6b: {  	_ =	shalt  }
0x6c: {  	_ =	shalt  }
0x6d: {  	_ =	shalt  }
0x6e: {  	_ =	shalt  }
0x6f: {  	_ =	shalt  }
0x70: {  	_ =	shalt  }
0x71: {  	_ =	shalt  }
0x72: {  	_ =	shalt  }
0x73: {  	_ =	shalt  }
0x74: {  	_ =	shalt  }
0x75: {  	_ =	shalt  }
0x76: {  	_ =	shalt  }
0x77: {  	_ =	shalt  }
0x78: {  	_ =	shalt  }
0x79: {  	_ =	shalt  }
0x7a: {  	_ =	shalt  }
0x7b: {  	_ =	shalt  }
0x7c: {  	_ =	shalt  }
0x7d: {  	_ =	shalt  }
0x7e: {  	_ =	shalt  }
0x7f: {  	_ =	shalt  }
0x80: {  	_ =	shalt  }
0x81: {  	_ =	shalt  }
0x82: {  	_ =	shalt  }
0x83: {  	_ =	shalt  }
0x84: {  	_ =	shalt  }
0x85: {  	_ =	shalt  }
0x86: {  	_ =	shalt  }
0x87: {  	_ =	shalt  }
.Lfunc_end0:
.L_simem_size_0:
called_computation.4_lowered:
.L_overlay_start_0:
0x88: {  	s2 =	sld [smem:$0x3FD9]  }
0x89: {  	s3 =	sld [smem:$0x3FFE];
	_ =	sdelay $0x1  }
0x8a: {  	s1 =	srdreg.scid  }
0x8b: {  	s0 =	sand.u32 $0x1, s1  }
0x8c: {  	s17 =	sshll.u32 s0, $0xA;
	s2 =	sadd.s32 s3, s2  }
0x8d: {  	s2 =	sadd.s32 s2, s17  }
0x8e: {  	[smem:$0x3FBC] =	sst s2  }
0x8f: {  	_ = 	snop  }
0x90: {  	s2 =	sld [smem:$0x3FD0];
	(tm) =	ssettm $0x1  }
0x91: {  	s18 =	sld [smem:$0x3FFB];
	_ =	sdelay $0x3  }
0x92: {  	_ =	strace s18  }
0x93: {  	s3 =	sld [smem:$0x3FFC];
	_ =	sdelay $0x3  }
0x94: {  	_ =	strace s3  }
0x95: {  	s3 =	sld [smem:$0x3FFD];
	_ =	sdelay $0x3  }
0x96: {  	_ =	strace s3  }
0x97: {  	_ =	strace $0x8FFFFFFF  }
0x98: {  	s19 =	sld [smem:$0x3FDB];
	_ =	sdelay $0x1  }
0x99: {  	s4 =	simm.s32 $_scs_section_size  }
0x9a: {  	s5 =	simm.s32 $_size__tile_overlayer_lowered;
	s6 =	simm.s32 $_tile_overlayer_lowered  }
0x9b: {  	s22 =	simm.s32 $0x1BFF;
	s21 =	sshll.u32 s6, $0x1;
	s3 =	sadd.s32 s4, s19  }
0x9c: {  	s7 =	simm.s32 $0x0;
	s20 =	sshll.u32 s5, $0x1;
	s5 =	sadd.s32 s21, s3  }
0x9d: {  	[timem:s7], [sflag:s22] =	dma.local [hbm:s5], s20  }
0x9e: {  	_ =	swait.ge [sflag:s22], s20  }
0x9f: {  	s4 =	ssub.s32 $0x0, s20;
	[sflag:s22] =	ssyncset.done $0x0  }
0xa0: {  	[sflag:s22] =	ssyncadd.s32 s4;
	_ =	sdelay $0x1  }
0xa1: {  	s23 =	simm.s32 $0x1B8B  }
0xa2: {  	_ =	swait.ge [sflag:s23], $0x1  }
0xa3: {  	[sflag:s23] =	ssyncset.done $0x0  }
0xa4: {  	s25 =	simm.s32 $0x1B8E;
	s24 =	sld [smem:$0x3FFE];
	[sflag:s23] =	ssyncadd.s32 $0xFFFFFFFF  }
0xa5: {  	s26 =	simm.s32 $execute0_lowered;
	[smem:$0x3FD2] =	sst s25  }
0xa6: {  	s5 =	sshll.u32 s26, $0x1;
	_ =	strace $0x80000052;
	[dreg:$0x1] =	wrdreg $0xFFFFFFFF  }
0xa7: {  	s28 =	simm.s32 $_size_execute0_lowered;
	s3 =	sadd.s32 s3, s5;
	[dreg:$0x0] =	wrdreg $0x0  }
0xa8: {  	s5 =	sshll.u32 s28, $0x1;
	[dreg:$0x2] =	wrdreg s3  }
0xa9: {  	[dreg:$0x3] =	wrdreg s5  }
0xaa: {  	[dreg:$0x4] =	wrdreg $0xC0  }
0xab: {  	_ =	task [dreg:s7], $0x5FFFF  }
0xac: {  	[dreg:$0x1] =	wrdreg $0xFFFFFFFF  }
0xad: {  	[dreg:$0x0] =	wrdreg $0x60  }
0xae: {  	[dreg:$0x2] =	wrdreg s2  }
0xaf: {  	[dreg:$0x3] =	wrdreg s24  }
0xb0: {  	[dreg:$0x4] =	wrdreg $0x150000  }
0xb1: {  	[dreg:$0x5] =	wrdreg $0x9  }
0xb2: {  	_ =	task.clear_ibuf [dreg:s7], $0x6FFFF;
	_ =	strace $0x90000052  }
0xb3: {  	s29 =	simm.s32 $0x9;
	_ =	strace $0x80000054  }
0xb4: {  	_ =	swait.ge [sflag:s29], $0x1  }
0xb5: {  	[sflag:s29] =	ssyncadd.s32 $0xFFFFFFFF  }
0xb6: {  	_ =	strace $0x90000054  }
0xb7: {  	_ =	sfence  }
0xb8: {  	s30 =	sld [smem:$0x0];
	_ =	sdelay $0x2  }
0xb9: {  	s31 =	sshll.u32 s1, $0xD;
	s1 =	sshrl.u32 s1, $0x2  }
0xba: {  	s3 =	sand.u32 $0x4000, s31;
	s1 =	sadd.s32 s1, s30  }
0xbb: {  	s0 =	sor.u32 s3, s0;
	s1 =	sshll.u32 s1, $0x11  }
0xbc: {  	s0 =	sor.u32 s1, s0  }
0xbd: {  	s0 =	sadd.s32 $0x8F2B, s0  }
0xbe: {  	[sflag:s0] =	ssyncadd.remote.s32 $0x1  }
0xbf: {  	_ =	sfence.sel $0xFFFF  }
0xc0: {  	[dreg:$0x0] =	wrdreg $0xFFFFFFFF;
	(pc) =	sbr.abs _section_cstart, $3  }
0xc1: {  	[dreg:$0x1] =	wrdreg $0xFFFFFFFF  }
0xc2: {  	_ =	task.clear_ibuf [dreg:s7], $0x2FFFF;
	_ =	strace $0x9FFFFFFF  }
0xc3: {  	(tm) =	ssettm $0x7FFFFFFF  }
tec
execute0_lowered:
.L_overlay_start_1:
0x0: {  	(tag) =	ssettag $0x1  }
0x1: {  	s1 =	rddreg [dreg:$0x0]  }
0x2: {  	s0 =	srdreg.scid;
	s2 =	rddreg [dreg:$0x1]  }
0x3: {  	s11 =	stileid.u32;
	s3 =	rddreg [dreg:$0x2]  }
0x4: {  	s13 =	simm.s32 $0x80;
	s14 =	simm.s32 $0x5000;
	s15 =	simm.s32 $0x7000  }
0x5: {  	s17 =	simm.s32 $0x9000;
	s18 =	simm.s32 $0x180;
	s19 =	simm.s32 $0xB000  }
0x6: {  	s20 =	simm.s32 $0x1;
	s21 =	simm.s32 $0xD000;
	s22 =	simm.s32 $0xF000  }
0x7: {  	s23 =	simm.s32 $0x11000;
	s28 =	simm.s32 $0x3;
	s29 =	simm.s32 $0x4  }
0x8: {  	s30 =	simm.s32 $0x10;
	s31 =	simm.s32 $0x8;
	s7 =	smul.u32 $0xA000, s11  }
0x9: {  	s0 =	sand.u32 $0x1, s0;
	s24 =	smul.u32 $0x2800, s11;
	s26 =	sshll.u32 s11, $0x6  }
0xa: {  	s4 =	sshll.u32 s0, $0x4;
	s6 =	smul.u32 $0x28000, s0;
	s0 =	ssub.s32 $0x2, s0  }
0xb: {  	s5 =	sor.u32 s11, s4;
	s4 =	simm.s32 $0x0;
	s25 =	sshrl.u32 s0, $0x1  }
0xc: {  	s9 =	sshrl.u32 s7, $0x3;
	s10 =	sadd.s32 s7, s3;
	s11 =	sor.u32 $0x1C05, s26  }
0xd: {  	s26 =	simm.s32 $0x2;
	s5 =	smul.u32 $0x500, s5;
	[smem:$0x7FF] =	sst s4  }
.Ltmp0:
0xe: {  	s0 =	ssub.s32 s0, s25;
	s7 =	sadd.s32 s1, s9;
	(pc) =	sbr.rel .LBB2_1-.Ltmp0, $4  }
0xf: {  	s9 =	simm.s32 $0x5;
	s12 =	sshrl.u32 s10, $0x3;
	s25 =	simm.s32 $0x13000  }
0x10: {  	_ =	strace $0x80000053;
	s8 =	sadd.s32 s5, s2;
	s2 =	sadd.s32 s6, s2  }
0x11: {  	s5 =	sadd.s32 $0x5D600, s8;
	s6 =	sadd.s32 $0x3600, s8;
	s2 =	sadd.s32 $0x67600, s2  }
0x12: {  	s8 =	smax.u32 s0, $0x1;
	s24 =	sadd.s32 s24, s2;
	s2 =	simm.s32 $0x0  }
.LBB2_4:
0x13: {  	_ =	swait.ge [sflag:s29], $0x2000  }
0x14: {  	[sflag:s29] =	ssyncset.done $0x0  }
0x15: {  	[sflag:s29] =	ssyncadd.s32 $0xFFFFE000  }
0x16: {  	_ =	swait.ge [sflag:s29], $0x2000  }
0x17: {  	[sflag:s29] =	ssyncset.done $0x0  }
0x18: {  	[sflag:s29] =	ssyncadd.s32 $0xFFFFE000  }
0x19: {  	_ =	swait.ge [sflag:s29], $0x2000  }
0x1a: {  	[sflag:s29] =	ssyncset.done $0x0  }
0x1b: {  	[sflag:s29] =	ssyncadd.s32 $0xFFFFE000  }
0x1c: {  	_ =	swait.ge [sflag:s29], $0x2000  }
0x1d: {  	s2 =	sadd.s32 $0x1, s2;
	[sflag:s29] =	ssyncset.done $0x0  }
0x1e: {  	p0 =	sne.s32 s2, s8;
	[sflag:s29] =	ssyncadd.s32 $0xFFFFE000  }
.Ltmp1:
0x1f: {  	[bflag:$0x0] =	sbarrier.arrive $0xFFFF;
	(pc) =	sbr.rel @!p0 .LBB2_5-.Ltmp1, $4  }
0x20: {  	[hbm:s24@s30], [sflag:s11] =	dma.strided [spmem:s12@s31], $0x1400, s20, $0x8   }
0x21: {  	_ =	swait.ge [sflag:s9], $0x1400  }
0x22: {  	[sflag:s9] =	ssyncset.done $0x0  }
0x23: {  	[sflag:s9] =	ssyncadd.s32 $0xFFFFEC00  }
.LBB2_1:
0x24: {  	[tilespmem:s4], [sflag:$0x5] =	stream.linear.gather [hbm4b:s5+s4], $0x2800, $0x38;
	[tilespmem:$0x1F000] =	vst v63  }
0x25: {  	_ =	swait.ge [sflag:s9], $0x2800  }
0x26: {  	[sflag:s9] =	ssyncset.done $0x0  }
0x27: {  	s0 =	simm.s32 $0x2800;
	[sflag:s9] =	ssyncadd.s32 $0xFFFFD800  }
0x28: {  	[tilespmem:s0], [sflag:$0x5] =	stream.linear.gather [hbm4b:s6+s4], $0x2800, $0x38;
	[tilespmem:$0x1F000] =	vst v63  }
0x29: {  	_ =	swait.ge [sflag:s9], $0x2800  }
0x2a: {  	[sflag:s9] =	ssyncset.done $0x0  }
0x2b: {  	[sflag:s9] =	ssyncadd.s32 $0xFFFFD800  }
0x2c: {  	[spmem:s12], [sflag:s11] =	dma.local [hbm:s7], $0x1400  }
0x2d: {  	_ =	swait.ge [sflag:s9], $0x1400  }
0x2e: {  	[sflag:s9] =	ssyncset.done $0x0  }
0x2f: {  	[sflag:s9] =	ssyncadd.s32 $0xFFFFEC00  }
0x30: {  	[bflag:$0x0] =	sbarrier.arrive $0xFFFF  }
0x31: {  	[tilespmem:s14], [sflag:$0x1] =	stream.indirect.gather [hbm4b:s1+s13], $0x40, s4, s13, $0xb8;
	[tilespmem:$0x1F000] =	vst v63  }
0x32: {  	_ = 	snop  }
0x33: {  	[tilespmem:s15], [sflag:$0x1] =	stream.indirect.gather [hbm4b:s1+s13], $0x40, s13, s13, $0xb8;
	[tilespmem:$0x1F000] =	vst v63  }
0x34: {  	s16 =	simm.s32 $0x100  }
0x35: {  	[tilespmem:s17], [sflag:$0x1] =	stream.indirect.gather [hbm4b:s1+s13], $0x40, s16, s13, $0xb8;
	[tilespmem:$0x1F000] =	vst v63  }
0x36: {  	s0 =	simm.s32 $0x0  }
0x37: {  	[tilespmem:s19], [sflag:$0x1] =	stream.indirect.gather [hbm4b:s1+s13], $0x40, s18, s13, $0xb8;
	[tilespmem:$0x1F000] =	vst v63  }
.LBB2_2:
0x38: {  	_ =	swait.ge [sflag:s20], $0x2000  }
0x39: {  	[sflag:s20] =	ssyncset.done $0x0  }
0x3a: {  	[sflag:s20] =	ssyncadd.s32 $0xFFFFE000  }
0x3b: {  	_ =	swait.ge [sflag:s20], $0x2000  }
0x3c: {  	[sflag:s20] =	ssyncset.done $0x0  }
0x3d: {  	[sflag:s20] =	ssyncadd.s32 $0xFFFFE000  }
0x3e: {  	_ =	swait.ge [sflag:s20], $0x2000  }
0x3f: {  	[sflag:s20] =	ssyncset.done $0x0  }
0x40: {  	[sflag:s20] =	ssyncadd.s32 $0xFFFFE000  }
0x41: {  	_ =	swait.ge [sflag:s20], $0x2000  }
0x42: {  	s10 =	sshra.s32 s0, $0x2;
	[sflag:s20] =	ssyncset.done $0x0  }
0x43: {  	s16 =	sadd.s32 $0x2800, s10;
	[sflag:s20] =	ssyncadd.s32 $0xFFFFE000  }
0x44: {  	[spmem:s3] =	stream.indirect.scatter.add.f32 [tilespmem:s14], [sflag:$0x3], $0x40, s16, s13, $0xb8;
	[tilespmem:$0x1F000] =	vst v63  }
0x45: {  	s16 =	sadd.s32 $0x2880, s10  }
0x46: {  	[spmem:s3] =	stream.indirect.scatter.add.f32 [tilespmem:s15], [sflag:$0x3], $0x40, s16, s13, $0xb8;
	[tilespmem:$0x1F000] =	vst v63  }
0x47: {  	s16 =	sadd.s32 $0x2900, s10  }
0x48: {  	[spmem:s3] =	stream.indirect.scatter.add.f32 [tilespmem:s17], [sflag:$0x3], $0x40, s16, s13, $0xb8;
	[tilespmem:$0x1F000] =	vst v63  }
0x49: {  	p0 =	seq.s32 s0, $0x0;
	s16 =	sadd.s32 $0x2980, s10  }
0x4a: {  	[spmem:s3] =	stream.indirect.scatter.add.f32 [tilespmem:s19], [sflag:$0x3], $0x40, s16, s13, $0xb8;
	[tilespmem:$0x1F000] =	vst v63  }
0x4b: {  	s16 =	simm.s32 @!p0 $0x4  }
0x4c: {  	_ =	swait.ge @!p0 [sflag:s16], $0x2000  }
0x4d: {  	[sflag:s16] =	ssyncset.done @!p0 $0x0  }
0x4e: {  	[sflag:s16] =	ssyncadd.s32 @!p0 $0xFFFFE000  }
0x4f: {  	_ =	swait.ge @!p0 [sflag:s16], $0x2000  }
0x50: {  	[sflag:s16] =	ssyncset.done @!p0 $0x0  }
0x51: {  	[sflag:s16] =	ssyncadd.s32 @!p0 $0xFFFFE000  }
0x52: {  	_ =	swait.ge @!p0 [sflag:s16], $0x2000  }
0x53: {  	[sflag:s16] =	ssyncset.done @!p0 $0x0  }
0x54: {  	[sflag:s16] =	ssyncadd.s32 @!p0 $0xFFFFE000  }
0x55: {  	_ =	swait.ge @!p0 [sflag:s16], $0x2000  }
0x56: {  	[sflag:s16] =	ssyncset.done @!p0 $0x0  }
0x57: {  	[sflag:s16] =	ssyncadd.s32 @!p0 $0xFFFFE000;
	s16 =	sadd.s32 $0x200, s10  }
0x58: {  	[tilespmem:s21], [sflag:$0x2] =	stream.indirect.gather [hbm4b:s1+s13], $0x40, s16, s13, $0xb8;
	[tilespmem:$0x1F000] =	vst v63  }
0x59: {  	s16 =	sadd.s32 $0x280, s10  }
0x5a: {  	[tilespmem:s22], [sflag:$0x2] =	stream.indirect.gather [hbm4b:s1+s13], $0x40, s16, s13, $0xb8;
	[tilespmem:$0x1F000] =	vst v63  }
0x5b: {  	s16 =	sadd.s32 $0x300, s10  }
0x5c: {  	[tilespmem:s23], [sflag:$0x2] =	stream.indirect.gather [hbm4b:s1+s13], $0x40, s16, s13, $0xb8;
	[tilespmem:$0x1F000] =	vst v63  }
0x5d: {  	s16 =	sadd.s32 $0x380, s10  }
0x5e: {  	[tilespmem:s25], [sflag:$0x2] =	stream.indirect.gather [hbm4b:s1+s13], $0x40, s16, s13, $0xb8;
	[tilespmem:$0x1F000] =	vst v63  }
0x5f: {  	_ =	swait.ge [sflag:s26], $0x2000  }
0x60: {  	[sflag:s26] =	ssyncset.done $0x0  }
0x61: {  	[sflag:s26] =	ssyncadd.s32 $0xFFFFE000  }
0x62: {  	_ =	swait.ge [sflag:s26], $0x2000  }
0x63: {  	[sflag:s26] =	ssyncset.done $0x0  }
0x64: {  	[sflag:s26] =	ssyncadd.s32 $0xFFFFE000  }
0x65: {  	_ =	swait.ge [sflag:s26], $0x2000  }
0x66: {  	[sflag:s26] =	ssyncset.done $0x0  }
0x67: {  	[sflag:s26] =	ssyncadd.s32 $0xFFFFE000  }
0x68: {  	_ =	swait.ge [sflag:s26], $0x2000  }
0x69: {  	[sflag:s26] =	ssyncset.done $0x0  }
0x6a: {  	s16 =	sadd.s32 $0x2A00, s10;
	[sflag:s26] =	ssyncadd.s32 $0xFFFFE000  }
0x6b: {  	[spmem:s3] =	stream.indirect.scatter.add.f32 [tilespmem:s21], [sflag:$0x4], $0x40, s16, s13, $0xb8;
	[tilespmem:$0x1F000] =	vst v63  }
0x6c: {  	s16 =	sadd.s32 $0x2A80, s10  }
0x6d: {  	[spmem:s3] =	stream.indirect.scatter.add.f32 [tilespmem:s22], [sflag:$0x4], $0x40, s16, s13, $0xb8;
	[tilespmem:$0x1F000] =	vst v63  }
0x6e: {  	s16 =	sadd.s32 $0x2B00, s10  }
0x6f: {  	[spmem:s3] =	stream.indirect.scatter.add.f32 [tilespmem:s23], [sflag:$0x4], $0x40, s16, s13, $0xb8;
	[tilespmem:$0x1F000] =	vst v63  }
0x70: {  	s16 =	sadd.s32 $0x2B80, s10  }
0x71: {  	[spmem:s3] =	stream.indirect.scatter.add.f32 [tilespmem:s25], [sflag:$0x4], $0x40, s16, s13, $0xb8;
	[tilespmem:$0x1F000] =	vst v63  }
0x72: {  	_ =	swait.ge [sflag:s28], $0x2000  }
0x73: {  	[sflag:s28] =	ssyncset.done $0x0  }
0x74: {  	[sflag:s28] =	ssyncadd.s32 $0xFFFFE000  }
0x75: {  	_ =	swait.ge [sflag:s28], $0x2000  }
0x76: {  	[sflag:s28] =	ssyncset.done $0x0  }
0x77: {  	[sflag:s28] =	ssyncadd.s32 $0xFFFFE000  }
0x78: {  	p0 =	seq.s32 s0, $0x9000;
	_ =	swait.ge [sflag:s28], $0x2000  }
.Ltmp2:
0x79: {  	[sflag:s28] =	ssyncset.done $0x0;
	(pc) =	sbr.rel @p0 .LBB2_4-.Ltmp2, $4  }
0x7a: {  	[sflag:s28] =	ssyncadd.s32 $0xFFFFE000  }
0x7b: {  	_ =	swait.ge [sflag:s28], $0x2000  }
0x7c: {  	[sflag:s28] =	ssyncset.done $0x0  }
0x7d: {  	[sflag:s28] =	ssyncadd.s32 $0xFFFFE000  }
0x7e: {  	s16 =	sadd.s32 $0x400, s10  }
0x7f: {  	[tilespmem:s14], [sflag:$0x1] =	stream.indirect.gather [hbm4b:s1+s13], $0x40, s16, s13, $0xb8;
	[tilespmem:$0x1F000] =	vst v63  }
0x80: {  	s16 =	sadd.s32 $0x480, s10  }
0x81: {  	[tilespmem:s15], [sflag:$0x1] =	stream.indirect.gather [hbm4b:s1+s13], $0x40, s16, s13, $0xb8;
	[tilespmem:$0x1F000] =	vst v63  }
.Ltmp3:
0x82: {  	_ = 	snop;
	(pc) =	sbr.rel .LBB2_2-.Ltmp3, $4  }
0x83: {  	s16 =	sadd.s32 $0x500, s10  }
0x84: {  	[tilespmem:s17], [sflag:$0x1] =	stream.indirect.gather [hbm4b:s1+s13], $0x40, s16, s13, $0xb8;
	[tilespmem:$0x1F000] =	vst v63  }
0x85: {  	s0 =	sadd.s32 $0x1000, s0;
	s16 =	sadd.s32 $0x580, s10  }
0x86: {  	[tilespmem:s19], [sflag:$0x1] =	stream.indirect.gather [hbm4b:s1+s13], $0x40, s16, s13, $0xb8;
	[tilespmem:$0x1F000] =	vst v63  }
.LBB2_5:
0x87: {  	_ =	sfence.sel $0x180000  }
0x88: {  	[bflag:$0x0] =	sbarrier.arrive $0xFFFF  }
0x89: {  	_ =	strace $0x90000053  }
0x8a: {  	s0 =	stileid.u32;
	[bflag:$0x2] =	sbarrier.arrive $0xFFFF  }
0x8b: {  	p0 =	sne.s32 s0, $0x0;
	s0 =	rddreg [dreg:$0x3]  }
0x8c: {  	s0 =	sadd.s32 @!p0 $0x100000, s0  }
0x8d: {  	[sflag:s0] =	ssyncadd.tile.s32 @!p0 $0x1;
	_ =	shalt  }
.Lfunc_end2:
_tile_overlayer_lowered:
.L_overlay_start_2:
0x8e: {  	(tag) =	ssettag $0x2  }
0x8f: {  	s0 =	rddreg [dreg:$0x0];
	s2 =	stileid.u32  }
0x90: {  	s1 =	rddreg [dreg:$0x1];
	p0 =	sne.s32 s2, $0x0  }
0x91: {  	s3 =	rddreg [dreg:$0x2];
	[bflag:$0x3] =	sbarrier.arrive $0xFFFF;
	s2 =	simm.s32 @!p0 $0x1C05  }
0x92: {  	[timem:s3], [sflag:s2] =	dma.local @!p0 [hbm:s0], s1  }
0x93: {  	s0 =	simm.s32 @!p0 $0x5  }
0x94: {  	_ =	swait.ge @!p0 [sflag:s0], s1  }
0x95: {  	s1 =	ssub.s32 @!p0 $0x0, s1;
	[sflag:s0] =	ssyncset.done @!p0 $0x0  }
0x96: {  	[sflag:s0] =	ssyncadd.s32 @!p0 s1  }
0x97: {  	[bflag:$0x3] =	sbarrier.arrive $0xFFFF  }
0x98: {  	_ =	shalt  }

</sc_bundles>
